<compile_context>
chip_gen: v7x
topology: tpu7x:2x2x1
jax: 0.10.2.dev20260603
libtpu: 0.0.44.dev20260713+nightly
codegen_flags: <defaults>
</compile_context>

<pallas_src>
import functools
import math

import jax
import jax.numpy as jnp
from jax import lax
from jax.experimental import pallas as pl
from jax.experimental.pallas import tpu as pltpu
from jax.experimental.pallas import tpu_sc as plsc

D_MODEL = 64
SCALE = math.sqrt(D_MODEL)

_info = plsc.get_sparse_core_info()
NC, NS, L = _info.num_cores, _info.num_subcores, _info.num_lanes
NW = NC * NS

BBLK = 128
NK = BBLK // L
GBUF = 4
WBUF = 2


def _make_kernel(S, NB, D):
    CB = D // 8

    mesh = plsc.VectorSubcoreMesh(core_axis_name="c", subcore_axis_name="s")

    @functools.partial(
        pl.kernel,
        mesh=mesh,
        out_type=jax.ShapeDtypeStruct((S, CB, NB, 8, BBLK), jnp.float32),
        scratch_types=[
            pltpu.VMEM((S, BBLK), jnp.int32),
            [pltpu.VMEM((BBLK,), jnp.int32) for _ in range(GBUF)],
            [pltpu.VMEM((BBLK, 2 * D), jnp.float32) for _ in range(GBUF)],
            [pltpu.VMEM((CB, 8, BBLK), jnp.float32) for _ in range(WBUF)],
            [pltpu.SemaphoreType.DMA for _ in range(GBUF)],
            [pltpu.SemaphoreType.DMA for _ in range(WBUF)],
        ],
        compiler_params=pltpu.CompilerParams(
            use_tc_tiling_on_sc=True, needs_layout_passes=False),
    )
    def k(xt_hbm, t2_hbm, out_hbm, xbuf, gidx, gbufs, tbufs, gsems, wsems):
        w = lax.axis_index("s") * NC + lax.axis_index("c")

        pltpu.sync_copy(xt_hbm.at[:, pl.ds(w * BBLK, BBLK)], xbuf)

        def fill_gidx(s, g):
            for j in range(NK):
                sl = pl.ds(j * L, L)
                gidx[g][sl] = xbuf[s, sl] >> 1

        def start_gather(s, g):
            pltpu.async_copy(t2_hbm.at[gidx[g]], gbufs[g], gsems[g])

        for g in range(GBUF):
            fill_gidx(g, g)
            start_gather(g, g)

        iota = lax.iota(jnp.int32, L)
        mvecs = [(iota + d) & (L - 1) for d in range(L)]

        def step(s, g, p):
            pltpu.make_async_copy(t2_hbm.at[gidx[g]], gbufs[g],
                                  gsems[g]).wait()

            @pl.when(s >= WBUF)
            def _():
                pltpu.make_async_copy(tbufs[p], out_hbm.at[s - WBUF, :, w],
                                      wsems[p]).wait()

            def blk(jj):
                c0 = (jj >> 3) * L
                kk = jj & (NK - 1)
                rvec = iota + kk * L
                ovec = (xbuf[s, pl.ds(kk * L, L)] & 1) * D
                for d in range(L):
                    cvec = mvecs[d] + c0
                    vals = plsc.load_gather(gbufs[g], [rvec, ovec + cvec])
                    plsc.store_scatter(
                        tbufs[p], [cvec >> 3, cvec & 7, rvec], vals * SCALE)

            plsc.parallel_loop(0, (D // L) * NK, 1, unroll=2,
                               carry=None)(blk)

            @pl.when(s + GBUF < S)
            def _():
                fill_gidx(s + GBUF, g)
                start_gather(s + GBUF, g)

            pltpu.async_copy(tbufs[p], out_hbm.at[s, :, w], wsems[p])

        def quad(q, _):
            for i in range(GBUF):
                s = q * GBUF + i
                step(s, i, i % WBUF)
            return 0

        lax.fori_loop(0, S // GBUF, quad, 0)
        for p in range(WBUF):
            pltpu.make_async_copy(tbufs[p], out_hbm.at[S - WBUF + p, :, w],
                                  wsems[p]).wait()

    return k


def kernel(x, table):
    BT, S = x.shape
    V, D = table.shape
    NB = BT // BBLK
    t2 = table.reshape(V // 2, 2 * D)
    xt = x.astype(jnp.int32).T
    out5 = _make_kernel(S, NB, D)(xt, t2)
    return out5.transpose(2, 4, 0, 1, 3).reshape(BT, S, D)

# --- scband reference (transcript-rebuilt; emitter-appended) ---
"""Pipeline reference for scband-word-embedding-25091198943489 (READ-ONLY COPY).

The authoritative reference and input builder live on the scoring server;
editing this copy changes nothing except your own understanding.
"""

import jax, jax.numpy as jnp
import numpy as np
import math

D_MODEL = 64
VOCAB = 1000000

def setup_inputs(seed: int = 0) -> dict:
    key = jax.random.key(seed)
    k1, k2 = jax.random.split(key)
    x = jax.random.randint(k1, (4096, 200), 0, VOCAB, dtype=jnp.int64 if jax.config.jax_enable_x64 else jnp.int32)
    table = jax.random.normal(k2, (VOCAB, D_MODEL), dtype=jnp.float32)
    return {"x": x, "table": table}

def reference(x, table):
    # nn.Embedding lookup followed by scaling by sqrt(d_model)
    emb = jnp.take(table, x, axis=0)
    return emb * math.sqrt(D_MODEL)

if __name__ == "__main__":
    import jax
    _d = setup_inputs()
    print(jax.jit(kernel)(*tuple(_d.values())))

</pallas_src>

<mosaic_0001>
#map = affine_map<(d0, d1) -> (0, 0)>
#map1 = affine_map<(d0, d1) -> (0, 0, 0, 0, 0)>
module attributes {stable_mosaic.version = 14 : i64} {
  func.func @k(%arg0: i32, %arg1: i32, %arg2: memref<200x4096xi32, #tpu.memory_space<hbm>>, %arg3: memref<500000x128xf32, #tpu.memory_space<hbm>>, %arg4: memref<200x8x32x8x128xf32, #tpu.memory_space<hbm>>, %arg5: memref<200x128xi32, #tpu.memory_space<vmem>>, %arg6: memref<128xi32, #tpu.memory_space<vmem>>, %arg7: memref<128xi32, #tpu.memory_space<vmem>>, %arg8: memref<128xi32, #tpu.memory_space<vmem>>, %arg9: memref<128xi32, #tpu.memory_space<vmem>>, %arg10: memref<128x128xf32, #tpu.memory_space<vmem>>, %arg11: memref<128x128xf32, #tpu.memory_space<vmem>>, %arg12: memref<128x128xf32, #tpu.memory_space<vmem>>, %arg13: memref<128x128xf32, #tpu.memory_space<vmem>>, %arg14: memref<8x8x128xf32, #tpu.memory_space<vmem>>, %arg15: memref<8x8x128xf32, #tpu.memory_space<vmem>>, %arg16: memref<!tpu.dma_semaphore, #tpu.memory_space<semaphore_mem>>, %arg17: memref<!tpu.dma_semaphore, #tpu.memory_space<semaphore_mem>>, %arg18: memref<!tpu.dma_semaphore, #tpu.memory_space<semaphore_mem>>, %arg19: memref<!tpu.dma_semaphore, #tpu.memory_space<semaphore_mem>>, %arg20: memref<!tpu.dma_semaphore, #tpu.memory_space<semaphore_mem>>, %arg21: memref<!tpu.dma_semaphore, #tpu.memory_space<semaphore_mem>>) attributes {dimension_semantics = [#tpu.dimension_semantics<core_parallel>, #tpu.dimension_semantics<subcore_parallel>], iteration_bounds = array<i64: 2, 16>, scalar_prefetch = 0 : i64, scratch_operands = 17 : i64, tpu.core_type = #tpu.core_type<sc_vector_subcore>, window_params = [{transform_indices = #map}, {transform_indices = #map}, {transform_indices = #map1}]} {
    %mul3A = arith.constant 2 : i32
    %mul3A_0 = arith.muli %arg1, %mul3A : i32
    %add3A = arith.addi %mul3A_0, %arg0 : i32
    %mul3A_1 = arith.constant 128 : i32
    %mul3A_2 = arith.muli %add3A, %mul3A_1 : i32
    "tpu.region"() ({
      %run_scoped3A = tpu.sem_alloc : memref<!tpu.dma_semaphore, #tpu.memory_space<semaphore_mem>>
      %dma_start3A_421 = arith.constant 0 : i32
      %dma_start3A_422 = tpu.memref_slice %arg2[%dma_start3A_421, %mul3A_2] : memref<200x4096xi32, #tpu.memory_space<hbm>> -> memref<200x128xi32, #tpu.memory_space<hbm>>
      %dma_start3A_423 = arith.constant 0 : i32
      %dma_start3A_424 = tpu.memref_slice %arg2[%dma_start3A_423, %mul3A_2] : memref<200x4096xi32, #tpu.memory_space<hbm>> -> memref<200x128xi32, #tpu.memory_space<hbm>>
      tpu.enqueue_dma source(%dma_start3A_424 : memref<200x128xi32, #tpu.memory_space<hbm>>) target(%arg5 : memref<200x128xi32, #tpu.memory_space<vmem>>) target_semaphore(%run_scoped3A : memref<!tpu.dma_semaphore, #tpu.memory_space<semaphore_mem>>)
      %dma_wait3A_425 = arith.constant 0 : i32
      %dma_wait3A_426 = tpu.memref_slice %arg2[%dma_wait3A_425, %mul3A_2] : memref<200x4096xi32, #tpu.memory_space<hbm>> -> memref<200x128xi32, #tpu.memory_space<hbm>>
      %dma_wait3A_427 = arith.constant 0 : i32
      %dma_wait3A_428 = tpu.memref_slice %arg2[%dma_wait3A_427, %mul3A_2] : memref<200x4096xi32, #tpu.memory_space<hbm>> -> memref<200x128xi32, #tpu.memory_space<hbm>>
      tpu.wait_dma2 semaphore(%run_scoped3A : memref<!tpu.dma_semaphore, #tpu.memory_space<semaphore_mem>>) src(%dma_wait3A_428 : memref<200x128xi32, #tpu.memory_space<hbm>>) dst(%arg5 : memref<200x128xi32, #tpu.memory_space<vmem>>)
      tpu.yield
    }) : () -> ()
    %get3A = arith.constant 0 : i32
    %get3A_3 = arith.index_cast %get3A : i32 to index
    %get3A_4 = arith.constant 0 : index
    %get3A_5 = tpu.vector_load %arg5[%get3A_3, %get3A_4] {strides = array<i32>} : memref<200x128xi32, #tpu.memory_space<vmem>>, vector<16xi32>,
    %shift_right_arithmetic3A = arith.constant 1 : i32
    %shift_right_arithmetic3A_6 = vector.broadcast %shift_right_arithmetic3A : i32 to vector<16xi32>
    %shift_right_arithmetic3A_7 = arith.shrsi %get3A_5, %shift_right_arithmetic3A_6 : vector<16xi32>
    %swap3A = arith.constant 0 : index
    %swap3A_8 = tpu.vector_load %arg6[%swap3A] {strides = array<i32>} : memref<128xi32, #tpu.memory_space<vmem>>, vector<16xi32>,
    tpu.vector_store %arg6[%swap3A], %shift_right_arithmetic3A_7 {strides = array<i32>} : memref<128xi32, #tpu.memory_space<vmem>>, vector<16xi32>,
    %get3A_9 = arith.constant 0 : i32
    %get3A_10 = arith.index_cast %get3A_9 : i32 to index
    %get3A_11 = arith.constant 16 : index
    %get3A_12 = tpu.vector_load %arg5[%get3A_10, %get3A_11] {strides = array<i32>} : memref<200x128xi32, #tpu.memory_space<vmem>>, vector<16xi32>,
    %shift_right_arithmetic3A_13 = arith.constant 1 : i32
    %shift_right_arithmetic3A_14 = vector.broadcast %shift_right_arithmetic3A_13 : i32 to vector<16xi32>
    %shift_right_arithmetic3A_15 = arith.shrsi %get3A_12, %shift_right_arithmetic3A_14 : vector<16xi32>
    %swap3A_16 = arith.constant 16 : index
    %swap3A_17 = tpu.vector_load %arg6[%swap3A_16] {strides = array<i32>} : memref<128xi32, #tpu.memory_space<vmem>>, vector<16xi32>,
    tpu.vector_store %arg6[%swap3A_16], %shift_right_arithmetic3A_15 {strides = array<i32>} : memref<128xi32, #tpu.memory_space<vmem>>, vector<16xi32>,
    %get3A_18 = arith.constant 0 : i32
    %get3A_19 = arith.index_cast %get3A_18 : i32 to index
    %get3A_20 = arith.constant 32 : index
    %get3A_21 = tpu.vector_load %arg5[%get3A_19, %get3A_20] {strides = array<i32>} : memref<200x128xi32, #tpu.memory_space<vmem>>, vector<16xi32>,
    %shift_right_arithmetic3A_22 = arith.constant 1 : i32
    %shift_right_arithmetic3A_23 = vector.broadcast %shift_right_arithmetic3A_22 : i32 to vector<16xi32>
    %shift_right_arithmetic3A_24 = arith.shrsi %get3A_21, %shift_right_arithmetic3A_23 : vector<16xi32>
    %swap3A_25 = arith.constant 32 : index
    %swap3A_26 = tpu.vector_load %arg6[%swap3A_25] {strides = array<i32>} : memref<128xi32, #tpu.memory_space<vmem>>, vector<16xi32>,
    tpu.vector_store %arg6[%swap3A_25], %shift_right_arithmetic3A_24 {strides = array<i32>} : memref<128xi32, #tpu.memory_space<vmem>>, vector<16xi32>,
    %get3A_27 = arith.constant 0 : i32
    %get3A_28 = arith.index_cast %get3A_27 : i32 to index
    %get3A_29 = arith.constant 48 : index
    %get3A_30 = tpu.vector_load %arg5[%get3A_28, %get3A_29] {strides = array<i32>} : memref<200x128xi32, #tpu.memory_space<vmem>>, vector<16xi32>,
    %shift_right_arithmetic3A_31 = arith.constant 1 : i32
    %shift_right_arithmetic3A_32 = vector.broadcast %shift_right_arithmetic3A_31 : i32 to vector<16xi32>
    %shift_right_arithmetic3A_33 = arith.shrsi %get3A_30, %shift_right_arithmetic3A_32 : vector<16xi32>
    %swap3A_34 = arith.constant 48 : index
    %swap3A_35 = tpu.vector_load %arg6[%swap3A_34] {strides = array<i32>} : memref<128xi32, #tpu.memory_space<vmem>>, vector<16xi32>,
    tpu.vector_store %arg6[%swap3A_34], %shift_right_arithmetic3A_33 {strides = array<i32>} : memref<128xi32, #tpu.memory_space<vmem>>, vector<16xi32>,
    %get3A_36 = arith.constant 0 : i32
    %get3A_37 = arith.index_cast %get3A_36 : i32 to index
    %get3A_38 = arith.constant 64 : index
    %get3A_39 = tpu.vector_load %arg5[%get3A_37, %get3A_38] {strides = array<i32>} : memref<200x128xi32, #tpu.memory_space<vmem>>, vector<16xi32>,
    %shift_right_arithmetic3A_40 = arith.constant 1 : i32
    %shift_right_arithmetic3A_41 = vector.broadcast %shift_right_arithmetic3A_40 : i32 to vector<16xi32>
    %shift_right_arithmetic3A_42 = arith.shrsi %get3A_39, %shift_right_arithmetic3A_41 : vector<16xi32>
    %swap3A_43 = arith.constant 64 : index
    %swap3A_44 = tpu.vector_load %arg6[%swap3A_43] {strides = array<i32>} : memref<128xi32, #tpu.memory_space<vmem>>, vector<16xi32>,
    tpu.vector_store %arg6[%swap3A_43], %shift_right_arithmetic3A_42 {strides = array<i32>} : memref<128xi32, #tpu.memory_space<vmem>>, vector<16xi32>,
    %get3A_45 = arith.constant 0 : i32
    %get3A_46 = arith.index_cast %get3A_45 : i32 to index
    %get3A_47 = arith.constant 80 : index
    %get3A_48 = tpu.vector_load %arg5[%get3A_46, %get3A_47] {strides = array<i32>} : memref<200x128xi32, #tpu.memory_space<vmem>>, vector<16xi32>,
    %shift_right_arithmetic3A_49 = arith.constant 1 : i32
    %shift_right_arithmetic3A_50 = vector.broadcast %shift_right_arithmetic3A_49 : i32 to vector<16xi32>
    %shift_right_arithmetic3A_51 = arith.shrsi %get3A_48, %shift_right_arithmetic3A_50 : vector<16xi32>
    %swap3A_52 = arith.constant 80 : index
    %swap3A_53 = tpu.vector_load %arg6[%swap3A_52] {strides = array<i32>} : memref<128xi32, #tpu.memory_space<vmem>>, vector<16xi32>,
    tpu.vector_store %arg6[%swap3A_52], %shift_right_arithmetic3A_51 {strides = array<i32>} : memref<128xi32, #tpu.memory_space<vmem>>, vector<16xi32>,
    %get3A_54 = arith.constant 0 : i32
    %get3A_55 = arith.index_cast %get3A_54 : i32 to index
    %get3A_56 = arith.constant 96 : index
    %get3A_57 = tpu.vector_load %arg5[%get3A_55, %get3A_56] {strides = array<i32>} : memref<200x128xi32, #tpu.memory_space<vmem>>, vector<16xi32>,
    %shift_right_arithmetic3A_58 = arith.constant 1 : i32
    %shift_right_arithmetic3A_59 = vector.broadcast %shift_right_arithmetic3A_58 : i32 to vector<16xi32>
    %shift_right_arithmetic3A_60 = arith.shrsi %get3A_57, %shift_right_arithmetic3A_59 : vector<16xi32>
    %swap3A_61 = arith.constant 96 : index
    %swap3A_62 = tpu.vector_load %arg6[%swap3A_61] {strides = array<i32>} : memref<128xi32, #tpu.memory_space<vmem>>, vector<16xi32>,
    tpu.vector_store %arg6[%swap3A_61], %shift_right_arithmetic3A_60 {strides = array<i32>} : memref<128xi32, #tpu.memory_space<vmem>>, vector<16xi32>,
    %get3A_63 = arith.constant 0 : i32
    %get3A_64 = arith.index_cast %get3A_63 : i32 to index
    %get3A_65 = arith.constant 112 : index
    %get3A_66 = tpu.vector_load %arg5[%get3A_64, %get3A_65] {strides = array<i32>} : memref<200x128xi32, #tpu.memory_space<vmem>>, vector<16xi32>,
    %shift_right_arithmetic3A_67 = arith.constant 1 : i32
    %shift_right_arithmetic3A_68 = vector.broadcast %shift_right_arithmetic3A_67 : i32 to vector<16xi32>
    %shift_right_arithmetic3A_69 = arith.shrsi %get3A_66, %shift_right_arithmetic3A_68 : vector<16xi32>
    %swap3A_70 = arith.constant 112 : index
    %swap3A_71 = tpu.vector_load %arg6[%swap3A_70] {strides = array<i32>} : memref<128xi32, #tpu.memory_space<vmem>>, vector<16xi32>,
    tpu.vector_store %arg6[%swap3A_70], %shift_right_arithmetic3A_69 {strides = array<i32>} : memref<128xi32, #tpu.memory_space<vmem>>, vector<16xi32>,
    %dma_start3A = arith.constant 0 : i32
    %dma_start3A_72 = arith.constant 0 : i32
    %dma_start3A_73 = tpu.memref_slice %arg3[%dma_start3A, %dma_start3A_72] : memref<500000x128xf32, #tpu.memory_space<hbm>> -> memref<500000x128xf32, #tpu.memory_space<hbm>>
    tpu.enqueue_indirect_dma source(%dma_start3A_73 : memref<500000x128xf32, #tpu.memory_space<hbm>>) target(%arg10 : memref<128x128xf32, #tpu.memory_space<vmem>>) offsets(%arg6 : memref<128xi32, #tpu.memory_space<vmem>>) semaphore(%arg16 : memref<!tpu.dma_semaphore, #tpu.memory_space<semaphore_mem>>)
    %get3A_74 = arith.constant 1 : i32
    %get3A_75 = arith.index_cast %get3A_74 : i32 to index
    %get3A_76 = arith.constant 0 : index
    %get3A_77 = tpu.vector_load %arg5[%get3A_75, %get3A_76] {strides = array<i32>} : memref<200x128xi32, #tpu.memory_space<vmem>>, vector<16xi32>,
    %shift_right_arithmetic3A_78 = arith.constant 1 : i32
    %shift_right_arithmetic3A_79 = vector.broadcast %shift_right_arithmetic3A_78 : i32 to vector<16xi32>
    %shift_right_arithmetic3A_80 = arith.shrsi %get3A_77, %shift_right_arithmetic3A_79 : vector<16xi32>
    %swap3A_81 = arith.constant 0 : index
    %swap3A_82 = tpu.vector_load %arg7[%swap3A_81] {strides = array<i32>} : memref<128xi32, #tpu.memory_space<vmem>>, vector<16xi32>,
    tpu.vector_store %arg7[%swap3A_81], %shift_right_arithmetic3A_80 {strides = array<i32>} : memref<128xi32, #tpu.memory_space<vmem>>, vector<16xi32>,
    %get3A_83 = arith.constant 1 : i32
    %get3A_84 = arith.index_cast %get3A_83 : i32 to index
    %get3A_85 = arith.constant 16 : index
    %get3A_86 = tpu.vector_load %arg5[%get3A_84, %get3A_85] {strides = array<i32>} : memref<200x128xi32, #tpu.memory_space<vmem>>, vector<16xi32>,
    %shift_right_arithmetic3A_87 = arith.constant 1 : i32
    %shift_right_arithmetic3A_88 = vector.broadcast %shift_right_arithmetic3A_87 : i32 to vector<16xi32>
    %shift_right_arithmetic3A_89 = arith.shrsi %get3A_86, %shift_right_arithmetic3A_88 : vector<16xi32>
    %swap3A_90 = arith.constant 16 : index
    %swap3A_91 = tpu.vector_load %arg7[%swap3A_90] {strides = array<i32>} : memref<128xi32, #tpu.memory_space<vmem>>, vector<16xi32>,
    tpu.vector_store %arg7[%swap3A_90], %shift_right_arithmetic3A_89 {strides = array<i32>} : memref<128xi32, #tpu.memory_space<vmem>>, vector<16xi32>,
    %get3A_92 = arith.constant 1 : i32
    %get3A_93 = arith.index_cast %get3A_92 : i32 to index
    %get3A_94 = arith.constant 32 : index
    %get3A_95 = tpu.vector_load %arg5[%get3A_93, %get3A_94] {strides = array<i32>} : memref<200x128xi32, #tpu.memory_space<vmem>>, vector<16xi32>,
    %shift_right_arithmetic3A_96 = arith.constant 1 : i32
    %shift_right_arithmetic3A_97 = vector.broadcast %shift_right_arithmetic3A_96 : i32 to vector<16xi32>
    %shift_right_arithmetic3A_98 = arith.shrsi %get3A_95, %shift_right_arithmetic3A_97 : vector<16xi32>
    %swap3A_99 = arith.constant 32 : index
    %swap3A_100 = tpu.vector_load %arg7[%swap3A_99] {strides = array<i32>} : memref<128xi32, #tpu.memory_space<vmem>>, vector<16xi32>,
    tpu.vector_store %arg7[%swap3A_99], %shift_right_arithmetic3A_98 {strides = array<i32>} : memref<128xi32, #tpu.memory_space<vmem>>, vector<16xi32>,
    %get3A_101 = arith.constant 1 : i32
    %get3A_102 = arith.index_cast %get3A_101 : i32 to index
    %get3A_103 = arith.constant 48 : index
    %get3A_104 = tpu.vector_load %arg5[%get3A_102, %get3A_103] {strides = array<i32>} : memref<200x128xi32, #tpu.memory_space<vmem>>, vector<16xi32>,
    %shift_right_arithmetic3A_105 = arith.constant 1 : i32
    %shift_right_arithmetic3A_106 = vector.broadcast %shift_right_arithmetic3A_105 : i32 to vector<16xi32>
    %shift_right_arithmetic3A_107 = arith.shrsi %get3A_104, %shift_right_arithmetic3A_106 : vector<16xi32>
    %swap3A_108 = arith.constant 48 : index
    %swap3A_109 = tpu.vector_load %arg7[%swap3A_108] {strides = array<i32>} : memref<128xi32, #tpu.memory_space<vmem>>, vector<16xi32>,
    tpu.vector_store %arg7[%swap3A_108], %shift_right_arithmetic3A_107 {strides = array<i32>} : memref<128xi32, #tpu.memory_space<vmem>>, vector<16xi32>,
    %get3A_110 = arith.constant 1 : i32
    %get3A_111 = arith.index_cast %get3A_110 : i32 to index
    %get3A_112 = arith.constant 64 : index
    %get3A_113 = tpu.vector_load %arg5[%get3A_111, %get3A_112] {strides = array<i32>} : memref<200x128xi32, #tpu.memory_space<vmem>>, vector<16xi32>,
    %shift_right_arithmetic3A_114 = arith.constant 1 : i32
    %shift_right_arithmetic3A_115 = vector.broadcast %shift_right_arithmetic3A_114 : i32 to vector<16xi32>
    %shift_right_arithmetic3A_116 = arith.shrsi %get3A_113, %shift_right_arithmetic3A_115 : vector<16xi32>
    %swap3A_117 = arith.constant 64 : index
    %swap3A_118 = tpu.vector_load %arg7[%swap3A_117] {strides = array<i32>} : memref<128xi32, #tpu.memory_space<vmem>>, vector<16xi32>,
    tpu.vector_store %arg7[%swap3A_117], %shift_right_arithmetic3A_116 {strides = array<i32>} : memref<128xi32, #tpu.memory_space<vmem>>, vector<16xi32>,
    %get3A_119 = arith.constant 1 : i32
    %get3A_120 = arith.index_cast %get3A_119 : i32 to index
    %get3A_121 = arith.constant 80 : index
    %get3A_122 = tpu.vector_load %arg5[%get3A_120, %get3A_121] {strides = array<i32>} : memref<200x128xi32, #tpu.memory_space<vmem>>, vector<16xi32>,
    %shift_right_arithmetic3A_123 = arith.constant 1 : i32
    %shift_right_arithmetic3A_124 = vector.broadcast %shift_right_arithmetic3A_123 : i32 to vector<16xi32>
    %shift_right_arithmetic3A_125 = arith.shrsi %get3A_122, %shift_right_arithmetic3A_124 : vector<16xi32>
    %swap3A_126 = arith.constant 80 : index
    %swap3A_127 = tpu.vector_load %arg7[%swap3A_126] {strides = array<i32>} : memref<128xi32, #tpu.memory_space<vmem>>, vector<16xi32>,
    tpu.vector_store %arg7[%swap3A_126], %shift_right_arithmetic3A_125 {strides = array<i32>} : memref<128xi32, #tpu.memory_space<vmem>>, vector<16xi32>,
    %get3A_128 = arith.constant 1 : i32
    %get3A_129 = arith.index_cast %get3A_128 : i32 to index
    %get3A_130 = arith.constant 96 : index
    %get3A_131 = tpu.vector_load %arg5[%get3A_129, %get3A_130] {strides = array<i32>} : memref<200x128xi32, #tpu.memory_space<vmem>>, vector<16xi32>,
    %shift_right_arithmetic3A_132 = arith.constant 1 : i32
    %shift_right_arithmetic3A_133 = vector.broadcast %shift_right_arithmetic3A_132 : i32 to vector<16xi32>
    %shift_right_arithmetic3A_134 = arith.shrsi %get3A_131, %shift_right_arithmetic3A_133 : vector<16xi32>
    %swap3A_135 = arith.constant 96 : index
    %swap3A_136 = tpu.vector_load %arg7[%swap3A_135] {strides = array<i32>} : memref<128xi32, #tpu.memory_space<vmem>>, vector<16xi32>,
    tpu.vector_store %arg7[%swap3A_135], %shift_right_arithmetic3A_134 {strides = array<i32>} : memref<128xi32, #tpu.memory_space<vmem>>, vector<16xi32>,
    %get3A_137 = arith.constant 1 : i32
    %get3A_138 = arith.index_cast %get3A_137 : i32 to index
    %get3A_139 = arith.constant 112 : index
    %get3A_140 = tpu.vector_load %arg5[%get3A_138, %get3A_139] {strides = array<i32>} : memref<200x128xi32, #tpu.memory_space<vmem>>, vector<16xi32>,
    %shift_right_arithmetic3A_141 = arith.constant 1 : i32
    %shift_right_arithmetic3A_142 = vector.broadcast %shift_right_arithmetic3A_141 : i32 to vector<16xi32>
    %shift_right_arithmetic3A_143 = arith.shrsi %get3A_140, %shift_right_arithmetic3A_142 : vector<16xi32>
    %swap3A_144 = arith.constant 112 : index
    %swap3A_145 = tpu.vector_load %arg7[%swap3A_144] {strides = array<i32>} : memref<128xi32, #tpu.memory_space<vmem>>, vector<16xi32>,
    tpu.vector_store %arg7[%swap3A_144], %shift_right_arithmetic3A_143 {strides = array<i32>} : memref<128xi32, #tpu.memory_space<vmem>>, vector<16xi32>,
    %dma_start3A_146 = arith.constant 0 : i32
    %dma_start3A_147 = arith.constant 0 : i32
    %dma_start3A_148 = tpu.memref_slice %arg3[%dma_start3A_146, %dma_start3A_147] : memref<500000x128xf32, #tpu.memory_space<hbm>> -> memref<500000x128xf32, #tpu.memory_space<hbm>>
    tpu.enqueue_indirect_dma source(%dma_start3A_148 : memref<500000x128xf32, #tpu.memory_space<hbm>>) target(%arg11 : memref<128x128xf32, #tpu.memory_space<vmem>>) offsets(%arg7 : memref<128xi32, #tpu.memory_space<vmem>>) semaphore(%arg17 : memref<!tpu.dma_semaphore, #tpu.memory_space<semaphore_mem>>)
    %get3A_149 = arith.constant 2 : i32
    %get3A_150 = arith.index_cast %get3A_149 : i32 to index
    %get3A_151 = arith.constant 0 : index
    %get3A_152 = tpu.vector_load %arg5[%get3A_150, %get3A_151] {strides = array<i32>} : memref<200x128xi32, #tpu.memory_space<vmem>>, vector<16xi32>,
    %shift_right_arithmetic3A_153 = arith.constant 1 : i32
    %shift_right_arithmetic3A_154 = vector.broadcast %shift_right_arithmetic3A_153 : i32 to vector<16xi32>
    %shift_right_arithmetic3A_155 = arith.shrsi %get3A_152, %shift_right_arithmetic3A_154 : vector<16xi32>
    %swap3A_156 = arith.constant 0 : index
    %swap3A_157 = tpu.vector_load %arg8[%swap3A_156] {strides = array<i32>} : memref<128xi32, #tpu.memory_space<vmem>>, vector<16xi32>,
    tpu.vector_store %arg8[%swap3A_156], %shift_right_arithmetic3A_155 {strides = array<i32>} : memref<128xi32, #tpu.memory_space<vmem>>, vector<16xi32>,
    %get3A_158 = arith.constant 2 : i32
    %get3A_159 = arith.index_cast %get3A_158 : i32 to index
    %get3A_160 = arith.constant 16 : index
    %get3A_161 = tpu.vector_load %arg5[%get3A_159, %get3A_160] {strides = array<i32>} : memref<200x128xi32, #tpu.memory_space<vmem>>, vector<16xi32>,
    %shift_right_arithmetic3A_162 = arith.constant 1 : i32
    %shift_right_arithmetic3A_163 = vector.broadcast %shift_right_arithmetic3A_162 : i32 to vector<16xi32>
    %shift_right_arithmetic3A_164 = arith.shrsi %get3A_161, %shift_right_arithmetic3A_163 : vector<16xi32>
    %swap3A_165 = arith.constant 16 : index
    %swap3A_166 = tpu.vector_load %arg8[%swap3A_165] {strides = array<i32>} : memref<128xi32, #tpu.memory_space<vmem>>, vector<16xi32>,
    tpu.vector_store %arg8[%swap3A_165], %shift_right_arithmetic3A_164 {strides = array<i32>} : memref<128xi32, #tpu.memory_space<vmem>>, vector<16xi32>,
    %get3A_167 = arith.constant 2 : i32
    %get3A_168 = arith.index_cast %get3A_167 : i32 to index
    %get3A_169 = arith.constant 32 : index
    %get3A_170 = tpu.vector_load %arg5[%get3A_168, %get3A_169] {strides = array<i32>} : memref<200x128xi32, #tpu.memory_space<vmem>>, vector<16xi32>,
    %shift_right_arithmetic3A_171 = arith.constant 1 : i32
    %shift_right_arithmetic3A_172 = vector.broadcast %shift_right_arithmetic3A_171 : i32 to vector<16xi32>
    %shift_right_arithmetic3A_173 = arith.shrsi %get3A_170, %shift_right_arithmetic3A_172 : vector<16xi32>
    %swap3A_174 = arith.constant 32 : index
    %swap3A_175 = tpu.vector_load %arg8[%swap3A_174] {strides = array<i32>} : memref<128xi32, #tpu.memory_space<vmem>>, vector<16xi32>,
    tpu.vector_store %arg8[%swap3A_174], %shift_right_arithmetic3A_173 {strides = array<i32>} : memref<128xi32, #tpu.memory_space<vmem>>, vector<16xi32>,
    %get3A_176 = arith.constant 2 : i32
    %get3A_177 = arith.index_cast %get3A_176 : i32 to index
    %get3A_178 = arith.constant 48 : index
    %get3A_179 = tpu.vector_load %arg5[%get3A_177, %get3A_178] {strides = array<i32>} : memref<200x128xi32, #tpu.memory_space<vmem>>, vector<16xi32>,
    %shift_right_arithmetic3A_180 = arith.constant 1 : i32
    %shift_right_arithmetic3A_181 = vector.broadcast %shift_right_arithmetic3A_180 : i32 to vector<16xi32>
    %shift_right_arithmetic3A_182 = arith.shrsi %get3A_179, %shift_right_arithmetic3A_181 : vector<16xi32>
    %swap3A_183 = arith.constant 48 : index
    %swap3A_184 = tpu.vector_load %arg8[%swap3A_183] {strides = array<i32>} : memref<128xi32, #tpu.memory_space<vmem>>, vector<16xi32>,
    tpu.vector_store %arg8[%swap3A_183], %shift_right_arithmetic3A_182 {strides = array<i32>} : memref<128xi32, #tpu.memory_space<vmem>>, vector<16xi32>,
    %get3A_185 = arith.constant 2 : i32
    %get3A_186 = arith.index_cast %get3A_185 : i32 to index
    %get3A_187 = arith.constant 64 : index
    %get3A_188 = tpu.vector_load %arg5[%get3A_186, %get3A_187] {strides = array<i32>} : memref<200x128xi32, #tpu.memory_space<vmem>>, vector<16xi32>,
    %shift_right_arithmetic3A_189 = arith.constant 1 : i32
    %shift_right_arithmetic3A_190 = vector.broadcast %shift_right_arithmetic3A_189 : i32 to vector<16xi32>
    %shift_right_arithmetic3A_191 = arith.shrsi %get3A_188, %shift_right_arithmetic3A_190 : vector<16xi32>
    %swap3A_192 = arith.constant 64 : index
    %swap3A_193 = tpu.vector_load %arg8[%swap3A_192] {strides = array<i32>} : memref<128xi32, #tpu.memory_space<vmem>>, vector<16xi32>,
    tpu.vector_store %arg8[%swap3A_192], %shift_right_arithmetic3A_191 {strides = array<i32>} : memref<128xi32, #tpu.memory_space<vmem>>, vector<16xi32>,
    %get3A_194 = arith.constant 2 : i32
    %get3A_195 = arith.index_cast %get3A_194 : i32 to index
    %get3A_196 = arith.constant 80 : index
    %get3A_197 = tpu.vector_load %arg5[%get3A_195, %get3A_196] {strides = array<i32>} : memref<200x128xi32, #tpu.memory_space<vmem>>, vector<16xi32>,
    %shift_right_arithmetic3A_198 = arith.constant 1 : i32
    %shift_right_arithmetic3A_199 = vector.broadcast %shift_right_arithmetic3A_198 : i32 to vector<16xi32>
    %shift_right_arithmetic3A_200 = arith.shrsi %get3A_197, %shift_right_arithmetic3A_199 : vector<16xi32>
    %swap3A_201 = arith.constant 80 : index
    %swap3A_202 = tpu.vector_load %arg8[%swap3A_201] {strides = array<i32>} : memref<128xi32, #tpu.memory_space<vmem>>, vector<16xi32>,
    tpu.vector_store %arg8[%swap3A_201], %shift_right_arithmetic3A_200 {strides = array<i32>} : memref<128xi32, #tpu.memory_space<vmem>>, vector<16xi32>,
    %get3A_203 = arith.constant 2 : i32
    %get3A_204 = arith.index_cast %get3A_203 : i32 to index
    %get3A_205 = arith.constant 96 : index
    %get3A_206 = tpu.vector_load %arg5[%get3A_204, %get3A_205] {strides = array<i32>} : memref<200x128xi32, #tpu.memory_space<vmem>>, vector<16xi32>,
    %shift_right_arithmetic3A_207 = arith.constant 1 : i32
    %shift_right_arithmetic3A_208 = vector.broadcast %shift_right_arithmetic3A_207 : i32 to vector<16xi32>
    %shift_right_arithmetic3A_209 = arith.shrsi %get3A_206, %shift_right_arithmetic3A_208 : vector<16xi32>
    %swap3A_210 = arith.constant 96 : index
    %swap3A_211 = tpu.vector_load %arg8[%swap3A_210] {strides = array<i32>} : memref<128xi32, #tpu.memory_space<vmem>>, vector<16xi32>,
    tpu.vector_store %arg8[%swap3A_210], %shift_right_arithmetic3A_209 {strides = array<i32>} : memref<128xi32, #tpu.memory_space<vmem>>, vector<16xi32>,
    %get3A_212 = arith.constant 2 : i32
    %get3A_213 = arith.index_cast %get3A_212 : i32 to index
    %get3A_214 = arith.constant 112 : index
    %get3A_215 = tpu.vector_load %arg5[%get3A_213, %get3A_214] {strides = array<i32>} : memref<200x128xi32, #tpu.memory_space<vmem>>, vector<16xi32>,
    %shift_right_arithmetic3A_216 = arith.constant 1 : i32
    %shift_right_arithmetic3A_217 = vector.broadcast %shift_right_arithmetic3A_216 : i32 to vector<16xi32>
    %shift_right_arithmetic3A_218 = arith.shrsi %get3A_215, %shift_right_arithmetic3A_217 : vector<16xi32>
    %swap3A_219 = arith.constant 112 : index
    %swap3A_220 = tpu.vector_load %arg8[%swap3A_219] {strides = array<i32>} : memref<128xi32, #tpu.memory_space<vmem>>, vector<16xi32>,
    tpu.vector_store %arg8[%swap3A_219], %shift_right_arithmetic3A_218 {strides = array<i32>} : memref<128xi32, #tpu.memory_space<vmem>>, vector<16xi32>,
    %dma_start3A_221 = arith.constant 0 : i32
    %dma_start3A_222 = arith.constant 0 : i32
    %dma_start3A_223 = tpu.memref_slice %arg3[%dma_start3A_221, %dma_start3A_222] : memref<500000x128xf32, #tpu.memory_space<hbm>> -> memref<500000x128xf32, #tpu.memory_space<hbm>>
    tpu.enqueue_indirect_dma source(%dma_start3A_223 : memref<500000x128xf32, #tpu.memory_space<hbm>>) target(%arg12 : memref<128x128xf32, #tpu.memory_space<vmem>>) offsets(%arg8 : memref<128xi32, #tpu.memory_space<vmem>>) semaphore(%arg18 : memref<!tpu.dma_semaphore, #tpu.memory_space<semaphore_mem>>)
    %get3A_224 = arith.constant 3 : i32
    %get3A_225 = arith.index_cast %get3A_224 : i32 to index
    %get3A_226 = arith.constant 0 : index
    %get3A_227 = tpu.vector_load %arg5[%get3A_225, %get3A_226] {strides = array<i32>} : memref<200x128xi32, #tpu.memory_space<vmem>>, vector<16xi32>,
    %shift_right_arithmetic3A_228 = arith.constant 1 : i32
    %shift_right_arithmetic3A_229 = vector.broadcast %shift_right_arithmetic3A_228 : i32 to vector<16xi32>
    %shift_right_arithmetic3A_230 = arith.shrsi %get3A_227, %shift_right_arithmetic3A_229 : vector<16xi32>
    %swap3A_231 = arith.constant 0 : index
    %swap3A_232 = tpu.vector_load %arg9[%swap3A_231] {strides = array<i32>} : memref<128xi32, #tpu.memory_space<vmem>>, vector<16xi32>,
    tpu.vector_store %arg9[%swap3A_231], %shift_right_arithmetic3A_230 {strides = array<i32>} : memref<128xi32, #tpu.memory_space<vmem>>, vector<16xi32>,
    %get3A_233 = arith.constant 3 : i32
    %get3A_234 = arith.index_cast %get3A_233 : i32 to index
    %get3A_235 = arith.constant 16 : index
    %get3A_236 = tpu.vector_load %arg5[%get3A_234, %get3A_235] {strides = array<i32>} : memref<200x128xi32, #tpu.memory_space<vmem>>, vector<16xi32>,
    %shift_right_arithmetic3A_237 = arith.constant 1 : i32
    %shift_right_arithmetic3A_238 = vector.broadcast %shift_right_arithmetic3A_237 : i32 to vector<16xi32>
    %shift_right_arithmetic3A_239 = arith.shrsi %get3A_236, %shift_right_arithmetic3A_238 : vector<16xi32>
    %swap3A_240 = arith.constant 16 : index
    %swap3A_241 = tpu.vector_load %arg9[%swap3A_240] {strides = array<i32>} : memref<128xi32, #tpu.memory_space<vmem>>, vector<16xi32>,
    tpu.vector_store %arg9[%swap3A_240], %shift_right_arithmetic3A_239 {strides = array<i32>} : memref<128xi32, #tpu.memory_space<vmem>>, vector<16xi32>,
    %get3A_242 = arith.constant 3 : i32
    %get3A_243 = arith.index_cast %get3A_242 : i32 to index
    %get3A_244 = arith.constant 32 : index
    %get3A_245 = tpu.vector_load %arg5[%get3A_243, %get3A_244] {strides = array<i32>} : memref<200x128xi32, #tpu.memory_space<vmem>>, vector<16xi32>,
    %shift_right_arithmetic3A_246 = arith.constant 1 : i32
    %shift_right_arithmetic3A_247 = vector.broadcast %shift_right_arithmetic3A_246 : i32 to vector<16xi32>
    %shift_right_arithmetic3A_248 = arith.shrsi %get3A_245, %shift_right_arithmetic3A_247 : vector<16xi32>
    %swap3A_249 = arith.constant 32 : index
    %swap3A_250 = tpu.vector_load %arg9[%swap3A_249] {strides = array<i32>} : memref<128xi32, #tpu.memory_space<vmem>>, vector<16xi32>,
    tpu.vector_store %arg9[%swap3A_249], %shift_right_arithmetic3A_248 {strides = array<i32>} : memref<128xi32, #tpu.memory_space<vmem>>, vector<16xi32>,
    %get3A_251 = arith.constant 3 : i32
    %get3A_252 = arith.index_cast %get3A_251 : i32 to index
    %get3A_253 = arith.constant 48 : index
    %get3A_254 = tpu.vector_load %arg5[%get3A_252, %get3A_253] {strides = array<i32>} : memref<200x128xi32, #tpu.memory_space<vmem>>, vector<16xi32>,
    %shift_right_arithmetic3A_255 = arith.constant 1 : i32
    %shift_right_arithmetic3A_256 = vector.broadcast %shift_right_arithmetic3A_255 : i32 to vector<16xi32>
    %shift_right_arithmetic3A_257 = arith.shrsi %get3A_254, %shift_right_arithmetic3A_256 : vector<16xi32>
    %swap3A_258 = arith.constant 48 : index
    %swap3A_259 = tpu.vector_load %arg9[%swap3A_258] {strides = array<i32>} : memref<128xi32, #tpu.memory_space<vmem>>, vector<16xi32>,
    tpu.vector_store %arg9[%swap3A_258], %shift_right_arithmetic3A_257 {strides = array<i32>} : memref<128xi32, #tpu.memory_space<vmem>>, vector<16xi32>,
    %get3A_260 = arith.constant 3 : i32
    %get3A_261 = arith.index_cast %get3A_260 : i32 to index
    %get3A_262 = arith.constant 64 : index
    %get3A_263 = tpu.vector_load %arg5[%get3A_261, %get3A_262] {strides = array<i32>} : memref<200x128xi32, #tpu.memory_space<vmem>>, vector<16xi32>,
    %shift_right_arithmetic3A_264 = arith.constant 1 : i32
    %shift_right_arithmetic3A_265 = vector.broadcast %shift_right_arithmetic3A_264 : i32 to vector<16xi32>
    %shift_right_arithmetic3A_266 = arith.shrsi %get3A_263, %shift_right_arithmetic3A_265 : vector<16xi32>
    %swap3A_267 = arith.constant 64 : index
    %swap3A_268 = tpu.vector_load %arg9[%swap3A_267] {strides = array<i32>} : memref<128xi32, #tpu.memory_space<vmem>>, vector<16xi32>,
    tpu.vector_store %arg9[%swap3A_267], %shift_right_arithmetic3A_266 {strides = array<i32>} : memref<128xi32, #tpu.memory_space<vmem>>, vector<16xi32>,
    %get3A_269 = arith.constant 3 : i32
    %get3A_270 = arith.index_cast %get3A_269 : i32 to index
    %get3A_271 = arith.constant 80 : index
    %get3A_272 = tpu.vector_load %arg5[%get3A_270, %get3A_271] {strides = array<i32>} : memref<200x128xi32, #tpu.memory_space<vmem>>, vector<16xi32>,
    %shift_right_arithmetic3A_273 = arith.constant 1 : i32
    %shift_right_arithmetic3A_274 = vector.broadcast %shift_right_arithmetic3A_273 : i32 to vector<16xi32>
    %shift_right_arithmetic3A_275 = arith.shrsi %get3A_272, %shift_right_arithmetic3A_274 : vector<16xi32>
    %swap3A_276 = arith.constant 80 : index
    %swap3A_277 = tpu.vector_load %arg9[%swap3A_276] {strides = array<i32>} : memref<128xi32, #tpu.memory_space<vmem>>, vector<16xi32>,
    tpu.vector_store %arg9[%swap3A_276], %shift_right_arithmetic3A_275 {strides = array<i32>} : memref<128xi32, #tpu.memory_space<vmem>>, vector<16xi32>,
    %get3A_278 = arith.constant 3 : i32
    %get3A_279 = arith.index_cast %get3A_278 : i32 to index
    %get3A_280 = arith.constant 96 : index
    %get3A_281 = tpu.vector_load %arg5[%get3A_279, %get3A_280] {strides = array<i32>} : memref<200x128xi32, #tpu.memory_space<vmem>>, vector<16xi32>,
    %shift_right_arithmetic3A_282 = arith.constant 1 : i32
    %shift_right_arithmetic3A_283 = vector.broadcast %shift_right_arithmetic3A_282 : i32 to vector<16xi32>
    %shift_right_arithmetic3A_284 = arith.shrsi %get3A_281, %shift_right_arithmetic3A_283 : vector<16xi32>
    %swap3A_285 = arith.constant 96 : index
    %swap3A_286 = tpu.vector_load %arg9[%swap3A_285] {strides = array<i32>} : memref<128xi32, #tpu.memory_space<vmem>>, vector<16xi32>,
    tpu.vector_store %arg9[%swap3A_285], %shift_right_arithmetic3A_284 {strides = array<i32>} : memref<128xi32, #tpu.memory_space<vmem>>, vector<16xi32>,
    %get3A_287 = arith.constant 3 : i32
    %get3A_288 = arith.index_cast %get3A_287 : i32 to index
    %get3A_289 = arith.constant 112 : index
    %get3A_290 = tpu.vector_load %arg5[%get3A_288, %get3A_289] {strides = array<i32>} : memref<200x128xi32, #tpu.memory_space<vmem>>, vector<16xi32>,
    %shift_right_arithmetic3A_291 = arith.constant 1 : i32
    %shift_right_arithmetic3A_292 = vector.broadcast %shift_right_arithmetic3A_291 : i32 to vector<16xi32>
    %shift_right_arithmetic3A_293 = arith.shrsi %get3A_290, %shift_right_arithmetic3A_292 : vector<16xi32>
    %swap3A_294 = arith.constant 112 : index
    %swap3A_295 = tpu.vector_load %arg9[%swap3A_294] {strides = array<i32>} : memref<128xi32, #tpu.memory_space<vmem>>, vector<16xi32>,
    tpu.vector_store %arg9[%swap3A_294], %shift_right_arithmetic3A_293 {strides = array<i32>} : memref<128xi32, #tpu.memory_space<vmem>>, vector<16xi32>,
    %dma_start3A_296 = arith.constant 0 : i32
    %dma_start3A_297 = arith.constant 0 : i32
    %dma_start3A_298 = tpu.memref_slice %arg3[%dma_start3A_296, %dma_start3A_297] : memref<500000x128xf32, #tpu.memory_space<hbm>> -> memref<500000x128xf32, #tpu.memory_space<hbm>>
    tpu.enqueue_indirect_dma source(%dma_start3A_298 : memref<500000x128xf32, #tpu.memory_space<hbm>>) target(%arg13 : memref<128x128xf32, #tpu.memory_space<vmem>>) offsets(%arg9 : memref<128xi32, #tpu.memory_space<vmem>>) semaphore(%arg19 : memref<!tpu.dma_semaphore, #tpu.memory_space<semaphore_mem>>)
    %iota3A = tpu.iota {dimensions = array<i32: 0>} : vector<16xi32>
    %add3A_299 = arith.constant 0 : i32
    %add3A_300 = vector.broadcast %add3A_299 : i32 to vector<16xi32>
    %add3A_301 = arith.addi %iota3A, %add3A_300 : vector<16xi32>
    %and3A = arith.constant 15 : i32
    %and3A_302 = vector.broadcast %and3A : i32 to vector<16xi32>
    %and3A_303 = arith.andi %add3A_301, %and3A_302 : vector<16xi32>
    %add3A_304 = arith.constant 1 : i32
    %add3A_305 = vector.broadcast %add3A_304 : i32 to vector<16xi32>
    %add3A_306 = arith.addi %iota3A, %add3A_305 : vector<16xi32>
    %and3A_307 = arith.constant 15 : i32
    %and3A_308 = vector.broadcast %and3A_307 : i32 to vector<16xi32>
    %and3A_309 = arith.andi %add3A_306, %and3A_308 : vector<16xi32>
    %add3A_310 = arith.constant 2 : i32
    %add3A_311 = vector.broadcast %add3A_310 : i32 to vector<16xi32>
    %add3A_312 = arith.addi %iota3A, %add3A_311 : vector<16xi32>
    %and3A_313 = arith.constant 15 : i32
    %and3A_314 = vector.broadcast %and3A_313 : i32 to vector<16xi32>
    %and3A_315 = arith.andi %add3A_312, %and3A_314 : vector<16xi32>
    %add3A_316 = arith.constant 3 : i32
    %add3A_317 = vector.broadcast %add3A_316 : i32 to vector<16xi32>
    %add3A_318 = arith.addi %iota3A, %add3A_317 : vector<16xi32>
    %and3A_319 = arith.constant 15 : i32
    %and3A_320 = vector.broadcast %and3A_319 : i32 to vector<16xi32>
    %and3A_321 = arith.andi %add3A_318, %and3A_320 : vector<16xi32>
    %add3A_322 = arith.constant 4 : i32
    %add3A_323 = vector.broadcast %add3A_322 : i32 to vector<16xi32>
    %add3A_324 = arith.addi %iota3A, %add3A_323 : vector<16xi32>
    %and3A_325 = arith.constant 15 : i32
    %and3A_326 = vector.broadcast %and3A_325 : i32 to vector<16xi32>
    %and3A_327 = arith.andi %add3A_324, %and3A_326 : vector<16xi32>
    %add3A_328 = arith.constant 5 : i32
    %add3A_329 = vector.broadcast %add3A_328 : i32 to vector<16xi32>
    %add3A_330 = arith.addi %iota3A, %add3A_329 : vector<16xi32>
    %and3A_331 = arith.constant 15 : i32
    %and3A_332 = vector.broadcast %and3A_331 : i32 to vector<16xi32>
    %and3A_333 = arith.andi %add3A_330, %and3A_332 : vector<16xi32>
    %add3A_334 = arith.constant 6 : i32
    %add3A_335 = vector.broadcast %add3A_334 : i32 to vector<16xi32>
    %add3A_336 = arith.addi %iota3A, %add3A_335 : vector<16xi32>
    %and3A_337 = arith.constant 15 : i32
    %and3A_338 = vector.broadcast %and3A_337 : i32 to vector<16xi32>
    %and3A_339 = arith.andi %add3A_336, %and3A_338 : vector<16xi32>
    %add3A_340 = arith.constant 7 : i32
    %add3A_341 = vector.broadcast %add3A_340 : i32 to vector<16xi32>
    %add3A_342 = arith.addi %iota3A, %add3A_341 : vector<16xi32>
    %and3A_343 = arith.constant 15 : i32
    %and3A_344 = vector.broadcast %and3A_343 : i32 to vector<16xi32>
    %and3A_345 = arith.andi %add3A_342, %and3A_344 : vector<16xi32>
    %add3A_346 = arith.constant 8 : i32
    %add3A_347 = vector.broadcast %add3A_346 : i32 to vector<16xi32>
    %add3A_348 = arith.addi %iota3A, %add3A_347 : vector<16xi32>
    %and3A_349 = arith.constant 15 : i32
    %and3A_350 = vector.broadcast %and3A_349 : i32 to vector<16xi32>
    %and3A_351 = arith.andi %add3A_348, %and3A_350 : vector<16xi32>
    %add3A_352 = arith.constant 9 : i32
    %add3A_353 = vector.broadcast %add3A_352 : i32 to vector<16xi32>
    %add3A_354 = arith.addi %iota3A, %add3A_353 : vector<16xi32>
    %and3A_355 = arith.constant 15 : i32
    %and3A_356 = vector.broadcast %and3A_355 : i32 to vector<16xi32>
    %and3A_357 = arith.andi %add3A_354, %and3A_356 : vector<16xi32>
    %add3A_358 = arith.constant 10 : i32
    %add3A_359 = vector.broadcast %add3A_358 : i32 to vector<16xi32>
    %add3A_360 = arith.addi %iota3A, %add3A_359 : vector<16xi32>
    %and3A_361 = arith.constant 15 : i32
    %and3A_362 = vector.broadcast %and3A_361 : i32 to vector<16xi32>
    %and3A_363 = arith.andi %add3A_360, %and3A_362 : vector<16xi32>
    %add3A_364 = arith.constant 11 : i32
    %add3A_365 = vector.broadcast %add3A_364 : i32 to vector<16xi32>
    %add3A_366 = arith.addi %iota3A, %add3A_365 : vector<16xi32>
    %and3A_367 = arith.constant 15 : i32
    %and3A_368 = vector.broadcast %and3A_367 : i32 to vector<16xi32>
    %and3A_369 = arith.andi %add3A_366, %and3A_368 : vector<16xi32>
    %add3A_370 = arith.constant 12 : i32
    %add3A_371 = vector.broadcast %add3A_370 : i32 to vector<16xi32>
    %add3A_372 = arith.addi %iota3A, %add3A_371 : vector<16xi32>
    %and3A_373 = arith.constant 15 : i32
    %and3A_374 = vector.broadcast %and3A_373 : i32 to vector<16xi32>
    %and3A_375 = arith.andi %add3A_372, %and3A_374 : vector<16xi32>
    %add3A_376 = arith.constant 13 : i32
    %add3A_377 = vector.broadcast %add3A_376 : i32 to vector<16xi32>
    %add3A_378 = arith.addi %iota3A, %add3A_377 : vector<16xi32>
    %and3A_379 = arith.constant 15 : i32
    %and3A_380 = vector.broadcast %and3A_379 : i32 to vector<16xi32>
    %and3A_381 = arith.andi %add3A_378, %and3A_380 : vector<16xi32>
    %add3A_382 = arith.constant 14 : i32
    %add3A_383 = vector.broadcast %add3A_382 : i32 to vector<16xi32>
    %add3A_384 = arith.addi %iota3A, %add3A_383 : vector<16xi32>
    %and3A_385 = arith.constant 15 : i32
    %and3A_386 = vector.broadcast %and3A_385 : i32 to vector<16xi32>
    %and3A_387 = arith.andi %add3A_384, %and3A_386 : vector<16xi32>
    %add3A_388 = arith.constant 15 : i32
    %add3A_389 = vector.broadcast %add3A_388 : i32 to vector<16xi32>
    %add3A_390 = arith.addi %iota3A, %add3A_389 : vector<16xi32>
    %and3A_391 = arith.constant 15 : i32
    %and3A_392 = vector.broadcast %and3A_391 : i32 to vector<16xi32>
    %and3A_393 = arith.andi %add3A_390, %and3A_392 : vector<16xi32>
    %scan3A = arith.constant 0 : i32
    %scan3A_394 = arith.constant 0 : i32
    %scan3A_395 = arith.constant 50 : i32
    %scan3A_396 = arith.addi %scan3A_394, %scan3A_395 : i32
    %scan3A_397 = arith.constant 1 : i32
    %scan3A_398 = scf.for %scan3A_421 = %scan3A_394 to %scan3A_396 step %scan3A_397 iter_args(%scan3A_422 = %scan3A) -> (i32)  : i32 {
      %mul3A_423 = arith.constant 4 : i32
      %mul3A_424 = arith.muli %scan3A_421, %mul3A_423 : i32
      %add3A_425 = arith.constant 0 : i32
      %add3A_426 = arith.addi %mul3A_424, %add3A_425 : i32
      %dma_wait3A_427 = arith.constant 0 : i32
      %dma_wait3A_428 = arith.constant 0 : i32
      %dma_wait3A_429 = tpu.memref_slice %arg3[%dma_wait3A_427, %dma_wait3A_428] : memref<500000x128xf32, #tpu.memory_space<hbm>> -> memref<500000x128xf32, #tpu.memory_space<hbm>>
      tpu.wait_indirect_dma semaphore(%arg16 : memref<!tpu.dma_semaphore, #tpu.memory_space<semaphore_mem>>) src(%dma_wait3A_429 : memref<500000x128xf32, #tpu.memory_space<hbm>>) dst(%arg10 : memref<128x128xf32, #tpu.memory_space<vmem>>)
      %ge3A = arith.constant 2 : i32
      %ge3A_430 = arith.cmpi sge, %add3A_426, %ge3A : i32
      %convert_element_type3A = arith.extui %ge3A_430 : i1 to i32
      %cond3A = arith.constant 0 : i32
      %cond3A_431 = arith.cmpi ne, %convert_element_type3A, %cond3A : i32
      scf.if %cond3A_431 {
        %sub3A = arith.constant 2 : i32
        %sub3A_547 = arith.subi %add3A_426, %sub3A : i32
        %dma_wait3A_548 = arith.constant 0 : i32
        %dma_wait3A_549 = arith.constant 0 : i32
        %dma_wait3A_550 = arith.constant 0 : i32
        %dma_wait3A_551 = tpu.memref_slice %arg4[%sub3A_547, %dma_wait3A_548, %add3A, %dma_wait3A_549, %dma_wait3A_550] : memref<200x8x32x8x128xf32, #tpu.memory_space<hbm>> -> memref<1x8x1x8x128xf32, #tpu.memory_space<hbm>>
        %dma_wait3A_552 = tpu.memref_squeeze %dma_wait3A_551 : memref<1x8x1x8x128xf32, #tpu.memory_space<hbm>> -> memref<8x8x128xf32, #tpu.memory_space<hbm>>
        %dma_wait3A_553 = arith.constant 0 : i32
        %dma_wait3A_554 = arith.constant 0 : i32
        %dma_wait3A_555 = arith.constant 0 : i32
        %dma_wait3A_556 = tpu.memref_slice %arg4[%sub3A_547, %dma_wait3A_553, %add3A, %dma_wait3A_554, %dma_wait3A_555] : memref<200x8x32x8x128xf32, #tpu.memory_space<hbm>> -> memref<1x8x1x8x128xf32, #tpu.memory_space<hbm>>
        %dma_wait3A_557 = tpu.memref_squeeze %dma_wait3A_556 : memref<1x8x1x8x128xf32, #tpu.memory_space<hbm>> -> memref<8x8x128xf32, #tpu.memory_space<hbm>>
        tpu.wait_dma2 semaphore(%arg20 : memref<!tpu.dma_semaphore, #tpu.memory_space<semaphore_mem>>) src(%arg14 : memref<8x8x128xf32, #tpu.memory_space<vmem>>) dst(%dma_wait3A_557 : memref<8x8x128xf32, #tpu.memory_space<hbm>>)
      } else {
      }
      %parallel_loop3A = arith.constant 0 : i32
      %parallel_loop3A_432 = arith.constant 32 : i32
      %parallel_loop3A_433 = arith.constant 1 : i32
      scf.for %parallel_loop3A_547 = %parallel_loop3A to %parallel_loop3A_432 step %parallel_loop3A_433  : i32 {
        %parallel_loop3A_548 = arith.constant 3 : i32
        %parallel_loop3A_549 = arith.shrsi %parallel_loop3A_547, %parallel_loop3A_548 : i32
        %parallel_loop3A_550 = arith.constant 16 : i32
        %parallel_loop3A_551 = arith.muli %parallel_loop3A_549, %parallel_loop3A_550 : i32
        %parallel_loop3A_552 = arith.constant 7 : i32
        %parallel_loop3A_553 = arith.andi %parallel_loop3A_547, %parallel_loop3A_552 : i32
        %parallel_loop3A_554 = arith.constant 16 : i32
        %parallel_loop3A_555 = arith.muli %parallel_loop3A_553, %parallel_loop3A_554 : i32
        %parallel_loop3A_556 = vector.broadcast %parallel_loop3A_555 : i32 to vector<16xi32>
        %parallel_loop3A_557 = arith.addi %iota3A, %parallel_loop3A_556 : vector<16xi32>
        %parallel_loop3A_558 = arith.constant 16 : i32
        %parallel_loop3A_559 = arith.muli %parallel_loop3A_553, %parallel_loop3A_558 : i32
        %parallel_loop3A_560 = arith.index_cast %add3A_426 : i32 to index
        %parallel_loop3A_561 = arith.index_cast %parallel_loop3A_559 : i32 to index
        %parallel_loop3A_562 = tpu.vector_load %arg5[%parallel_loop3A_560, %parallel_loop3A_561] {strides = array<i32>} : memref<200x128xi32, #tpu.memory_space<vmem>>, vector<16xi32>,
        %parallel_loop3A_563 = arith.constant 1 : i32
        %parallel_loop3A_564 = vector.broadcast %parallel_loop3A_563 : i32 to vector<16xi32>
        %parallel_loop3A_565 = arith.andi %parallel_loop3A_562, %parallel_loop3A_564 : vector<16xi32>
        %parallel_loop3A_566 = arith.constant 64 : i32
        %parallel_loop3A_567 = vector.broadcast %parallel_loop3A_566 : i32 to vector<16xi32>
        %parallel_loop3A_568 = arith.muli %parallel_loop3A_565, %parallel_loop3A_567 : vector<16xi32>
        %parallel_loop3A_569 = vector.broadcast %parallel_loop3A_551 : i32 to vector<16xi32>
        %parallel_loop3A_570 = arith.addi %and3A_303, %parallel_loop3A_569 : vector<16xi32>
        %parallel_loop3A_571 = arith.addi %parallel_loop3A_568, %parallel_loop3A_570 : vector<16xi32>
        %parallel_loop3A_572 = tpu.vector_load_idx %arg10[%parallel_loop3A_557, %parallel_loop3A_571] : memref<128x128xf32, #tpu.memory_space<vmem>>[vector<16xi32>, vector<16xi32>], vector<16xf32>,
        %parallel_loop3A_573 = arith.constant 3 : i32
        %parallel_loop3A_574 = vector.broadcast %parallel_loop3A_573 : i32 to vector<16xi32>
        %parallel_loop3A_575 = arith.shrsi %parallel_loop3A_570, %parallel_loop3A_574 : vector<16xi32>
        %parallel_loop3A_576 = arith.constant 7 : i32
        %parallel_loop3A_577 = vector.broadcast %parallel_loop3A_576 : i32 to vector<16xi32>
        %parallel_loop3A_578 = arith.andi %parallel_loop3A_570, %parallel_loop3A_577 : vector<16xi32>
        %parallel_loop3A_579 = arith.constant 8.000000e+00 : f32
        %parallel_loop3A_580 = vector.broadcast %parallel_loop3A_579 : f32 to vector<16xf32>
        %parallel_loop3A_581 = arith.mulf %parallel_loop3A_572, %parallel_loop3A_580 : vector<16xf32>
        tpu.vector_store_idx %arg14[%parallel_loop3A_575, %parallel_loop3A_578, %parallel_loop3A_557], %parallel_loop3A_581 : memref<8x8x128xf32, #tpu.memory_space<vmem>>[vector<16xi32>, vector<16xi32>, vector<16xi32>], vector<16xf32>,
        %parallel_loop3A_582 = vector.broadcast %parallel_loop3A_551 : i32 to vector<16xi32>
        %parallel_loop3A_583 = arith.addi %and3A_309, %parallel_loop3A_582 : vector<16xi32>
        %parallel_loop3A_584 = arith.addi %parallel_loop3A_568, %parallel_loop3A_583 : vector<16xi32>
        %parallel_loop3A_585 = tpu.vector_load_idx %arg10[%parallel_loop3A_557, %parallel_loop3A_584] : memref<128x128xf32, #tpu.memory_space<vmem>>[vector<16xi32>, vector<16xi32>], vector<16xf32>,
        %parallel_loop3A_586 = arith.constant 3 : i32
        %parallel_loop3A_587 = vector.broadcast %parallel_loop3A_586 : i32 to vector<16xi32>
        %parallel_loop3A_588 = arith.shrsi %parallel_loop3A_583, %parallel_loop3A_587 : vector<16xi32>
        %parallel_loop3A_589 = arith.constant 7 : i32
        %parallel_loop3A_590 = vector.broadcast %parallel_loop3A_589 : i32 to vector<16xi32>
        %parallel_loop3A_591 = arith.andi %parallel_loop3A_583, %parallel_loop3A_590 : vector<16xi32>
        %parallel_loop3A_592 = arith.constant 8.000000e+00 : f32
        %parallel_loop3A_593 = vector.broadcast %parallel_loop3A_592 : f32 to vector<16xf32>
        %parallel_loop3A_594 = arith.mulf %parallel_loop3A_585, %parallel_loop3A_593 : vector<16xf32>
        tpu.vector_store_idx %arg14[%parallel_loop3A_588, %parallel_loop3A_591, %parallel_loop3A_557], %parallel_loop3A_594 : memref<8x8x128xf32, #tpu.memory_space<vmem>>[vector<16xi32>, vector<16xi32>, vector<16xi32>], vector<16xf32>,
        %parallel_loop3A_595 = vector.broadcast %parallel_loop3A_551 : i32 to vector<16xi32>
        %parallel_loop3A_596 = arith.addi %and3A_315, %parallel_loop3A_595 : vector<16xi32>
        %parallel_loop3A_597 = arith.addi %parallel_loop3A_568, %parallel_loop3A_596 : vector<16xi32>
        %parallel_loop3A_598 = tpu.vector_load_idx %arg10[%parallel_loop3A_557, %parallel_loop3A_597] : memref<128x128xf32, #tpu.memory_space<vmem>>[vector<16xi32>, vector<16xi32>], vector<16xf32>,
        %parallel_loop3A_599 = arith.constant 3 : i32
        %parallel_loop3A_600 = vector.broadcast %parallel_loop3A_599 : i32 to vector<16xi32>
        %parallel_loop3A_601 = arith.shrsi %parallel_loop3A_596, %parallel_loop3A_600 : vector<16xi32>
        %parallel_loop3A_602 = arith.constant 7 : i32
        %parallel_loop3A_603 = vector.broadcast %parallel_loop3A_602 : i32 to vector<16xi32>
        %parallel_loop3A_604 = arith.andi %parallel_loop3A_596, %parallel_loop3A_603 : vector<16xi32>
        %parallel_loop3A_605 = arith.constant 8.000000e+00 : f32
        %parallel_loop3A_606 = vector.broadcast %parallel_loop3A_605 : f32 to vector<16xf32>
        %parallel_loop3A_607 = arith.mulf %parallel_loop3A_598, %parallel_loop3A_606 : vector<16xf32>
        tpu.vector_store_idx %arg14[%parallel_loop3A_601, %parallel_loop3A_604, %parallel_loop3A_557], %parallel_loop3A_607 : memref<8x8x128xf32, #tpu.memory_space<vmem>>[vector<16xi32>, vector<16xi32>, vector<16xi32>], vector<16xf32>,
        %parallel_loop3A_608 = vector.broadcast %parallel_loop3A_551 : i32 to vector<16xi32>
        %parallel_loop3A_609 = arith.addi %and3A_321, %parallel_loop3A_608 : vector<16xi32>
        %parallel_loop3A_610 = arith.addi %parallel_loop3A_568, %parallel_loop3A_609 : vector<16xi32>
        %parallel_loop3A_611 = tpu.vector_load_idx %arg10[%parallel_loop3A_557, %parallel_loop3A_610] : memref<128x128xf32, #tpu.memory_space<vmem>>[vector<16xi32>, vector<16xi32>], vector<16xf32>,
        %parallel_loop3A_612 = arith.constant 3 : i32
        %parallel_loop3A_613 = vector.broadcast %parallel_loop3A_612 : i32 to vector<16xi32>
        %parallel_loop3A_614 = arith.shrsi %parallel_loop3A_609, %parallel_loop3A_613 : vector<16xi32>
        %parallel_loop3A_615 = arith.constant 7 : i32
        %parallel_loop3A_616 = vector.broadcast %parallel_loop3A_615 : i32 to vector<16xi32>
        %parallel_loop3A_617 = arith.andi %parallel_loop3A_609, %parallel_loop3A_616 : vector<16xi32>
        %parallel_loop3A_618 = arith.constant 8.000000e+00 : f32
        %parallel_loop3A_619 = vector.broadcast %parallel_loop3A_618 : f32 to vector<16xf32>
        %parallel_loop3A_620 = arith.mulf %parallel_loop3A_611, %parallel_loop3A_619 : vector<16xf32>
        tpu.vector_store_idx %arg14[%parallel_loop3A_614, %parallel_loop3A_617, %parallel_loop3A_557], %parallel_loop3A_620 : memref<8x8x128xf32, #tpu.memory_space<vmem>>[vector<16xi32>, vector<16xi32>, vector<16xi32>], vector<16xf32>,
        %parallel_loop3A_621 = vector.broadcast %parallel_loop3A_551 : i32 to vector<16xi32>
        %parallel_loop3A_622 = arith.addi %and3A_327, %parallel_loop3A_621 : vector<16xi32>
        %parallel_loop3A_623 = arith.addi %parallel_loop3A_568, %parallel_loop3A_622 : vector<16xi32>
        %parallel_loop3A_624 = tpu.vector_load_idx %arg10[%parallel_loop3A_557, %parallel_loop3A_623] : memref<128x128xf32, #tpu.memory_space<vmem>>[vector<16xi32>, vector<16xi32>], vector<16xf32>,
        %parallel_loop3A_625 = arith.constant 3 : i32
        %parallel_loop3A_626 = vector.broadcast %parallel_loop3A_625 : i32 to vector<16xi32>
        %parallel_loop3A_627 = arith.shrsi %parallel_loop3A_622, %parallel_loop3A_626 : vector<16xi32>
        %parallel_loop3A_628 = arith.constant 7 : i32
        %parallel_loop3A_629 = vector.broadcast %parallel_loop3A_628 : i32 to vector<16xi32>
        %parallel_loop3A_630 = arith.andi %parallel_loop3A_622, %parallel_loop3A_629 : vector<16xi32>
        %parallel_loop3A_631 = arith.constant 8.000000e+00 : f32
        %parallel_loop3A_632 = vector.broadcast %parallel_loop3A_631 : f32 to vector<16xf32>
        %parallel_loop3A_633 = arith.mulf %parallel_loop3A_624, %parallel_loop3A_632 : vector<16xf32>
        tpu.vector_store_idx %arg14[%parallel_loop3A_627, %parallel_loop3A_630, %parallel_loop3A_557], %parallel_loop3A_633 : memref<8x8x128xf32, #tpu.memory_space<vmem>>[vector<16xi32>, vector<16xi32>, vector<16xi32>], vector<16xf32>,
        %parallel_loop3A_634 = vector.broadcast %parallel_loop3A_551 : i32 to vector<16xi32>
        %parallel_loop3A_635 = arith.addi %and3A_333, %parallel_loop3A_634 : vector<16xi32>
        %parallel_loop3A_636 = arith.addi %parallel_loop3A_568, %parallel_loop3A_635 : vector<16xi32>
        %parallel_loop3A_637 = tpu.vector_load_idx %arg10[%parallel_loop3A_557, %parallel_loop3A_636] : memref<128x128xf32, #tpu.memory_space<vmem>>[vector<16xi32>, vector<16xi32>], vector<16xf32>,
        %parallel_loop3A_638 = arith.constant 3 : i32
        %parallel_loop3A_639 = vector.broadcast %parallel_loop3A_638 : i32 to vector<16xi32>
        %parallel_loop3A_640 = arith.shrsi %parallel_loop3A_635, %parallel_loop3A_639 : vector<16xi32>
        %parallel_loop3A_641 = arith.constant 7 : i32
        %parallel_loop3A_642 = vector.broadcast %parallel_loop3A_641 : i32 to vector<16xi32>
        %parallel_loop3A_643 = arith.andi %parallel_loop3A_635, %parallel_loop3A_642 : vector<16xi32>
        %parallel_loop3A_644 = arith.constant 8.000000e+00 : f32
        %parallel_loop3A_645 = vector.broadcast %parallel_loop3A_644 : f32 to vector<16xf32>
        %parallel_loop3A_646 = arith.mulf %parallel_loop3A_637, %parallel_loop3A_645 : vector<16xf32>
        tpu.vector_store_idx %arg14[%parallel_loop3A_640, %parallel_loop3A_643, %parallel_loop3A_557], %parallel_loop3A_646 : memref<8x8x128xf32, #tpu.memory_space<vmem>>[vector<16xi32>, vector<16xi32>, vector<16xi32>], vector<16xf32>,
        %parallel_loop3A_647 = vector.broadcast %parallel_loop3A_551 : i32 to vector<16xi32>
        %parallel_loop3A_648 = arith.addi %and3A_339, %parallel_loop3A_647 : vector<16xi32>
        %parallel_loop3A_649 = arith.addi %parallel_loop3A_568, %parallel_loop3A_648 : vector<16xi32>
        %parallel_loop3A_650 = tpu.vector_load_idx %arg10[%parallel_loop3A_557, %parallel_loop3A_649] : memref<128x128xf32, #tpu.memory_space<vmem>>[vector<16xi32>, vector<16xi32>], vector<16xf32>,
        %parallel_loop3A_651 = arith.constant 3 : i32
        %parallel_loop3A_652 = vector.broadcast %parallel_loop3A_651 : i32 to vector<16xi32>
        %parallel_loop3A_653 = arith.shrsi %parallel_loop3A_648, %parallel_loop3A_652 : vector<16xi32>
        %parallel_loop3A_654 = arith.constant 7 : i32
        %parallel_loop3A_655 = vector.broadcast %parallel_loop3A_654 : i32 to vector<16xi32>
        %parallel_loop3A_656 = arith.andi %parallel_loop3A_648, %parallel_loop3A_655 : vector<16xi32>
        %parallel_loop3A_657 = arith.constant 8.000000e+00 : f32
        %parallel_loop3A_658 = vector.broadcast %parallel_loop3A_657 : f32 to vector<16xf32>
        %parallel_loop3A_659 = arith.mulf %parallel_loop3A_650, %parallel_loop3A_658 : vector<16xf32>
        tpu.vector_store_idx %arg14[%parallel_loop3A_653, %parallel_loop3A_656, %parallel_loop3A_557], %parallel_loop3A_659 : memref<8x8x128xf32, #tpu.memory_space<vmem>>[vector<16xi32>, vector<16xi32>, vector<16xi32>], vector<16xf32>,
        %parallel_loop3A_660 = vector.broadcast %parallel_loop3A_551 : i32 to vector<16xi32>
        %parallel_loop3A_661 = arith.addi %and3A_345, %parallel_loop3A_660 : vector<16xi32>
        %parallel_loop3A_662 = arith.addi %parallel_loop3A_568, %parallel_loop3A_661 : vector<16xi32>
        %parallel_loop3A_663 = tpu.vector_load_idx %arg10[%parallel_loop3A_557, %parallel_loop3A_662] : memref<128x128xf32, #tpu.memory_space<vmem>>[vector<16xi32>, vector<16xi32>], vector<16xf32>,
        %parallel_loop3A_664 = arith.constant 3 : i32
        %parallel_loop3A_665 = vector.broadcast %parallel_loop3A_664 : i32 to vector<16xi32>
        %parallel_loop3A_666 = arith.shrsi %parallel_loop3A_661, %parallel_loop3A_665 : vector<16xi32>
        %parallel_loop3A_667 = arith.constant 7 : i32
        %parallel_loop3A_668 = vector.broadcast %parallel_loop3A_667 : i32 to vector<16xi32>
        %parallel_loop3A_669 = arith.andi %parallel_loop3A_661, %parallel_loop3A_668 : vector<16xi32>
        %parallel_loop3A_670 = arith.constant 8.000000e+00 : f32
        %parallel_loop3A_671 = vector.broadcast %parallel_loop3A_670 : f32 to vector<16xf32>
        %parallel_loop3A_672 = arith.mulf %parallel_loop3A_663, %parallel_loop3A_671 : vector<16xf32>
        tpu.vector_store_idx %arg14[%parallel_loop3A_666, %parallel_loop3A_669, %parallel_loop3A_557], %parallel_loop3A_672 : memref<8x8x128xf32, #tpu.memory_space<vmem>>[vector<16xi32>, vector<16xi32>, vector<16xi32>], vector<16xf32>,
        %parallel_loop3A_673 = vector.broadcast %parallel_loop3A_551 : i32 to vector<16xi32>
        %parallel_loop3A_674 = arith.addi %and3A_351, %parallel_loop3A_673 : vector<16xi32>
        %parallel_loop3A_675 = arith.addi %parallel_loop3A_568, %parallel_loop3A_674 : vector<16xi32>
        %parallel_loop3A_676 = tpu.vector_load_idx %arg10[%parallel_loop3A_557, %parallel_loop3A_675] : memref<128x128xf32, #tpu.memory_space<vmem>>[vector<16xi32>, vector<16xi32>], vector<16xf32>,
        %parallel_loop3A_677 = arith.constant 3 : i32
        %parallel_loop3A_678 = vector.broadcast %parallel_loop3A_677 : i32 to vector<16xi32>
        %parallel_loop3A_679 = arith.shrsi %parallel_loop3A_674, %parallel_loop3A_678 : vector<16xi32>
        %parallel_loop3A_680 = arith.constant 7 : i32
        %parallel_loop3A_681 = vector.broadcast %parallel_loop3A_680 : i32 to vector<16xi32>
        %parallel_loop3A_682 = arith.andi %parallel_loop3A_674, %parallel_loop3A_681 : vector<16xi32>
        %parallel_loop3A_683 = arith.constant 8.000000e+00 : f32
        %parallel_loop3A_684 = vector.broadcast %parallel_loop3A_683 : f32 to vector<16xf32>
        %parallel_loop3A_685 = arith.mulf %parallel_loop3A_676, %parallel_loop3A_684 : vector<16xf32>
        tpu.vector_store_idx %arg14[%parallel_loop3A_679, %parallel_loop3A_682, %parallel_loop3A_557], %parallel_loop3A_685 : memref<8x8x128xf32, #tpu.memory_space<vmem>>[vector<16xi32>, vector<16xi32>, vector<16xi32>], vector<16xf32>,
        %parallel_loop3A_686 = vector.broadcast %parallel_loop3A_551 : i32 to vector<16xi32>
        %parallel_loop3A_687 = arith.addi %and3A_357, %parallel_loop3A_686 : vector<16xi32>
        %parallel_loop3A_688 = arith.addi %parallel_loop3A_568, %parallel_loop3A_687 : vector<16xi32>
        %parallel_loop3A_689 = tpu.vector_load_idx %arg10[%parallel_loop3A_557, %parallel_loop3A_688] : memref<128x128xf32, #tpu.memory_space<vmem>>[vector<16xi32>, vector<16xi32>], vector<16xf32>,
        %parallel_loop3A_690 = arith.constant 3 : i32
        %parallel_loop3A_691 = vector.broadcast %parallel_loop3A_690 : i32 to vector<16xi32>
        %parallel_loop3A_692 = arith.shrsi %parallel_loop3A_687, %parallel_loop3A_691 : vector<16xi32>
        %parallel_loop3A_693 = arith.constant 7 : i32
        %parallel_loop3A_694 = vector.broadcast %parallel_loop3A_693 : i32 to vector<16xi32>
        %parallel_loop3A_695 = arith.andi %parallel_loop3A_687, %parallel_loop3A_694 : vector<16xi32>
        %parallel_loop3A_696 = arith.constant 8.000000e+00 : f32
        %parallel_loop3A_697 = vector.broadcast %parallel_loop3A_696 : f32 to vector<16xf32>
        %parallel_loop3A_698 = arith.mulf %parallel_loop3A_689, %parallel_loop3A_697 : vector<16xf32>
        tpu.vector_store_idx %arg14[%parallel_loop3A_692, %parallel_loop3A_695, %parallel_loop3A_557], %parallel_loop3A_698 : memref<8x8x128xf32, #tpu.memory_space<vmem>>[vector<16xi32>, vector<16xi32>, vector<16xi32>], vector<16xf32>,
        %parallel_loop3A_699 = vector.broadcast %parallel_loop3A_551 : i32 to vector<16xi32>
        %parallel_loop3A_700 = arith.addi %and3A_363, %parallel_loop3A_699 : vector<16xi32>
        %parallel_loop3A_701 = arith.addi %parallel_loop3A_568, %parallel_loop3A_700 : vector<16xi32>
        %parallel_loop3A_702 = tpu.vector_load_idx %arg10[%parallel_loop3A_557, %parallel_loop3A_701] : memref<128x128xf32, #tpu.memory_space<vmem>>[vector<16xi32>, vector<16xi32>], vector<16xf32>,
        %parallel_loop3A_703 = arith.constant 3 : i32
        %parallel_loop3A_704 = vector.broadcast %parallel_loop3A_703 : i32 to vector<16xi32>
        %parallel_loop3A_705 = arith.shrsi %parallel_loop3A_700, %parallel_loop3A_704 : vector<16xi32>
        %parallel_loop3A_706 = arith.constant 7 : i32
        %parallel_loop3A_707 = vector.broadcast %parallel_loop3A_706 : i32 to vector<16xi32>
        %parallel_loop3A_708 = arith.andi %parallel_loop3A_700, %parallel_loop3A_707 : vector<16xi32>
        %parallel_loop3A_709 = arith.constant 8.000000e+00 : f32
        %parallel_loop3A_710 = vector.broadcast %parallel_loop3A_709 : f32 to vector<16xf32>
        %parallel_loop3A_711 = arith.mulf %parallel_loop3A_702, %parallel_loop3A_710 : vector<16xf32>
        tpu.vector_store_idx %arg14[%parallel_loop3A_705, %parallel_loop3A_708, %parallel_loop3A_557], %parallel_loop3A_711 : memref<8x8x128xf32, #tpu.memory_space<vmem>>[vector<16xi32>, vector<16xi32>, vector<16xi32>], vector<16xf32>,
        %parallel_loop3A_712 = vector.broadcast %parallel_loop3A_551 : i32 to vector<16xi32>
        %parallel_loop3A_713 = arith.addi %and3A_369, %parallel_loop3A_712 : vector<16xi32>
        %parallel_loop3A_714 = arith.addi %parallel_loop3A_568, %parallel_loop3A_713 : vector<16xi32>
        %parallel_loop3A_715 = tpu.vector_load_idx %arg10[%parallel_loop3A_557, %parallel_loop3A_714] : memref<128x128xf32, #tpu.memory_space<vmem>>[vector<16xi32>, vector<16xi32>], vector<16xf32>,
        %parallel_loop3A_716 = arith.constant 3 : i32
        %parallel_loop3A_717 = vector.broadcast %parallel_loop3A_716 : i32 to vector<16xi32>
        %parallel_loop3A_718 = arith.shrsi %parallel_loop3A_713, %parallel_loop3A_717 : vector<16xi32>
        %parallel_loop3A_719 = arith.constant 7 : i32
        %parallel_loop3A_720 = vector.broadcast %parallel_loop3A_719 : i32 to vector<16xi32>
        %parallel_loop3A_721 = arith.andi %parallel_loop3A_713, %parallel_loop3A_720 : vector<16xi32>
        %parallel_loop3A_722 = arith.constant 8.000000e+00 : f32
        %parallel_loop3A_723 = vector.broadcast %parallel_loop3A_722 : f32 to vector<16xf32>
        %parallel_loop3A_724 = arith.mulf %parallel_loop3A_715, %parallel_loop3A_723 : vector<16xf32>
        tpu.vector_store_idx %arg14[%parallel_loop3A_718, %parallel_loop3A_721, %parallel_loop3A_557], %parallel_loop3A_724 : memref<8x8x128xf32, #tpu.memory_space<vmem>>[vector<16xi32>, vector<16xi32>, vector<16xi32>], vector<16xf32>,
        %parallel_loop3A_725 = vector.broadcast %parallel_loop3A_551 : i32 to vector<16xi32>
        %parallel_loop3A_726 = arith.addi %and3A_375, %parallel_loop3A_725 : vector<16xi32>
        %parallel_loop3A_727 = arith.addi %parallel_loop3A_568, %parallel_loop3A_726 : vector<16xi32>
        %parallel_loop3A_728 = tpu.vector_load_idx %arg10[%parallel_loop3A_557, %parallel_loop3A_727] : memref<128x128xf32, #tpu.memory_space<vmem>>[vector<16xi32>, vector<16xi32>], vector<16xf32>,
        %parallel_loop3A_729 = arith.constant 3 : i32
        %parallel_loop3A_730 = vector.broadcast %parallel_loop3A_729 : i32 to vector<16xi32>
        %parallel_loop3A_731 = arith.shrsi %parallel_loop3A_726, %parallel_loop3A_730 : vector<16xi32>
        %parallel_loop3A_732 = arith.constant 7 : i32
        %parallel_loop3A_733 = vector.broadcast %parallel_loop3A_732 : i32 to vector<16xi32>
        %parallel_loop3A_734 = arith.andi %parallel_loop3A_726, %parallel_loop3A_733 : vector<16xi32>
        %parallel_loop3A_735 = arith.constant 8.000000e+00 : f32
        %parallel_loop3A_736 = vector.broadcast %parallel_loop3A_735 : f32 to vector<16xf32>
        %parallel_loop3A_737 = arith.mulf %parallel_loop3A_728, %parallel_loop3A_736 : vector<16xf32>
        tpu.vector_store_idx %arg14[%parallel_loop3A_731, %parallel_loop3A_734, %parallel_loop3A_557], %parallel_loop3A_737 : memref<8x8x128xf32, #tpu.memory_space<vmem>>[vector<16xi32>, vector<16xi32>, vector<16xi32>], vector<16xf32>,
        %parallel_loop3A_738 = vector.broadcast %parallel_loop3A_551 : i32 to vector<16xi32>
        %parallel_loop3A_739 = arith.addi %and3A_381, %parallel_loop3A_738 : vector<16xi32>
        %parallel_loop3A_740 = arith.addi %parallel_loop3A_568, %parallel_loop3A_739 : vector<16xi32>
        %parallel_loop3A_741 = tpu.vector_load_idx %arg10[%parallel_loop3A_557, %parallel_loop3A_740] : memref<128x128xf32, #tpu.memory_space<vmem>>[vector<16xi32>, vector<16xi32>], vector<16xf32>,
        %parallel_loop3A_742 = arith.constant 3 : i32
        %parallel_loop3A_743 = vector.broadcast %parallel_loop3A_742 : i32 to vector<16xi32>
        %parallel_loop3A_744 = arith.shrsi %parallel_loop3A_739, %parallel_loop3A_743 : vector<16xi32>
        %parallel_loop3A_745 = arith.constant 7 : i32
        %parallel_loop3A_746 = vector.broadcast %parallel_loop3A_745 : i32 to vector<16xi32>
        %parallel_loop3A_747 = arith.andi %parallel_loop3A_739, %parallel_loop3A_746 : vector<16xi32>
        %parallel_loop3A_748 = arith.constant 8.000000e+00 : f32
        %parallel_loop3A_749 = vector.broadcast %parallel_loop3A_748 : f32 to vector<16xf32>
        %parallel_loop3A_750 = arith.mulf %parallel_loop3A_741, %parallel_loop3A_749 : vector<16xf32>
        tpu.vector_store_idx %arg14[%parallel_loop3A_744, %parallel_loop3A_747, %parallel_loop3A_557], %parallel_loop3A_750 : memref<8x8x128xf32, #tpu.memory_space<vmem>>[vector<16xi32>, vector<16xi32>, vector<16xi32>], vector<16xf32>,
        %parallel_loop3A_751 = vector.broadcast %parallel_loop3A_551 : i32 to vector<16xi32>
        %parallel_loop3A_752 = arith.addi %and3A_387, %parallel_loop3A_751 : vector<16xi32>
        %parallel_loop3A_753 = arith.addi %parallel_loop3A_568, %parallel_loop3A_752 : vector<16xi32>
        %parallel_loop3A_754 = tpu.vector_load_idx %arg10[%parallel_loop3A_557, %parallel_loop3A_753] : memref<128x128xf32, #tpu.memory_space<vmem>>[vector<16xi32>, vector<16xi32>], vector<16xf32>,
        %parallel_loop3A_755 = arith.constant 3 : i32
        %parallel_loop3A_756 = vector.broadcast %parallel_loop3A_755 : i32 to vector<16xi32>
        %parallel_loop3A_757 = arith.shrsi %parallel_loop3A_752, %parallel_loop3A_756 : vector<16xi32>
        %parallel_loop3A_758 = arith.constant 7 : i32
        %parallel_loop3A_759 = vector.broadcast %parallel_loop3A_758 : i32 to vector<16xi32>
        %parallel_loop3A_760 = arith.andi %parallel_loop3A_752, %parallel_loop3A_759 : vector<16xi32>
        %parallel_loop3A_761 = arith.constant 8.000000e+00 : f32
        %parallel_loop3A_762 = vector.broadcast %parallel_loop3A_761 : f32 to vector<16xf32>
        %parallel_loop3A_763 = arith.mulf %parallel_loop3A_754, %parallel_loop3A_762 : vector<16xf32>
        tpu.vector_store_idx %arg14[%parallel_loop3A_757, %parallel_loop3A_760, %parallel_loop3A_557], %parallel_loop3A_763 : memref<8x8x128xf32, #tpu.memory_space<vmem>>[vector<16xi32>, vector<16xi32>, vector<16xi32>], vector<16xf32>,
        %parallel_loop3A_764 = vector.broadcast %parallel_loop3A_551 : i32 to vector<16xi32>
        %parallel_loop3A_765 = arith.addi %and3A_393, %parallel_loop3A_764 : vector<16xi32>
        %parallel_loop3A_766 = arith.addi %parallel_loop3A_568, %parallel_loop3A_765 : vector<16xi32>
        %parallel_loop3A_767 = tpu.vector_load_idx %arg10[%parallel_loop3A_557, %parallel_loop3A_766] : memref<128x128xf32, #tpu.memory_space<vmem>>[vector<16xi32>, vector<16xi32>], vector<16xf32>,
        %parallel_loop3A_768 = arith.constant 3 : i32
        %parallel_loop3A_769 = vector.broadcast %parallel_loop3A_768 : i32 to vector<16xi32>
        %parallel_loop3A_770 = arith.shrsi %parallel_loop3A_765, %parallel_loop3A_769 : vector<16xi32>
        %parallel_loop3A_771 = arith.constant 7 : i32
        %parallel_loop3A_772 = vector.broadcast %parallel_loop3A_771 : i32 to vector<16xi32>
        %parallel_loop3A_773 = arith.andi %parallel_loop3A_765, %parallel_loop3A_772 : vector<16xi32>
        %parallel_loop3A_774 = arith.constant 8.000000e+00 : f32
        %parallel_loop3A_775 = vector.broadcast %parallel_loop3A_774 : f32 to vector<16xf32>
        %parallel_loop3A_776 = arith.mulf %parallel_loop3A_767, %parallel_loop3A_775 : vector<16xf32>
        tpu.vector_store_idx %arg14[%parallel_loop3A_770, %parallel_loop3A_773, %parallel_loop3A_557], %parallel_loop3A_776 : memref<8x8x128xf32, #tpu.memory_space<vmem>>[vector<16xi32>, vector<16xi32>, vector<16xi32>], vector<16xf32>,
      } {sc.loop_unroll_factor = 2 : i64, sc.parallel_access}
      %add3A_434 = arith.constant 4 : i32
      %add3A_435 = arith.addi %add3A_426, %add3A_434 : i32
      %lt3A = arith.constant 200 : i32
      %lt3A_436 = arith.cmpi slt, %add3A_435, %lt3A : i32
      %convert_element_type3A_437 = arith.extui %lt3A_436 : i1 to i32
      %cond3A_438 = arith.constant 0 : i32
      %cond3A_439 = arith.cmpi ne, %convert_element_type3A_437, %cond3A_438 : i32
      scf.if %cond3A_439 {
        %add3A_547 = arith.constant 4 : i32
        %add3A_548 = arith.addi %add3A_426, %add3A_547 : i32
        %get3A_549 = arith.index_cast %add3A_548 : i32 to index
        %get3A_550 = arith.constant 0 : index
        %get3A_551 = tpu.vector_load %arg5[%get3A_549, %get3A_550] {strides = array<i32>} : memref<200x128xi32, #tpu.memory_space<vmem>>, vector<16xi32>,
        %shift_right_arithmetic3A_552 = arith.constant 1 : i32
        %shift_right_arithmetic3A_553 = vector.broadcast %shift_right_arithmetic3A_552 : i32 to vector<16xi32>
        %shift_right_arithmetic3A_554 = arith.shrsi %get3A_551, %shift_right_arithmetic3A_553 : vector<16xi32>
        %swap3A_555 = arith.constant 0 : index
        %swap3A_556 = tpu.vector_load %arg6[%swap3A_555] {strides = array<i32>} : memref<128xi32, #tpu.memory_space<vmem>>, vector<16xi32>,
        tpu.vector_store %arg6[%swap3A_555], %shift_right_arithmetic3A_554 {strides = array<i32>} : memref<128xi32, #tpu.memory_space<vmem>>, vector<16xi32>,
        %get3A_557 = arith.index_cast %add3A_548 : i32 to index
        %get3A_558 = arith.constant 16 : index
        %get3A_559 = tpu.vector_load %arg5[%get3A_557, %get3A_558] {strides = array<i32>} : memref<200x128xi32, #tpu.memory_space<vmem>>, vector<16xi32>,
        %shift_right_arithmetic3A_560 = arith.constant 1 : i32
        %shift_right_arithmetic3A_561 = vector.broadcast %shift_right_arithmetic3A_560 : i32 to vector<16xi32>
        %shift_right_arithmetic3A_562 = arith.shrsi %get3A_559, %shift_right_arithmetic3A_561 : vector<16xi32>
        %swap3A_563 = arith.constant 16 : index
        %swap3A_564 = tpu.vector_load %arg6[%swap3A_563] {strides = array<i32>} : memref<128xi32, #tpu.memory_space<vmem>>, vector<16xi32>,
        tpu.vector_store %arg6[%swap3A_563], %shift_right_arithmetic3A_562 {strides = array<i32>} : memref<128xi32, #tpu.memory_space<vmem>>, vector<16xi32>,
        %get3A_565 = arith.index_cast %add3A_548 : i32 to index
        %get3A_566 = arith.constant 32 : index
        %get3A_567 = tpu.vector_load %arg5[%get3A_565, %get3A_566] {strides = array<i32>} : memref<200x128xi32, #tpu.memory_space<vmem>>, vector<16xi32>,
        %shift_right_arithmetic3A_568 = arith.constant 1 : i32
        %shift_right_arithmetic3A_569 = vector.broadcast %shift_right_arithmetic3A_568 : i32 to vector<16xi32>
        %shift_right_arithmetic3A_570 = arith.shrsi %get3A_567, %shift_right_arithmetic3A_569 : vector<16xi32>
        %swap3A_571 = arith.constant 32 : index
        %swap3A_572 = tpu.vector_load %arg6[%swap3A_571] {strides = array<i32>} : memref<128xi32, #tpu.memory_space<vmem>>, vector<16xi32>,
        tpu.vector_store %arg6[%swap3A_571], %shift_right_arithmetic3A_570 {strides = array<i32>} : memref<128xi32, #tpu.memory_space<vmem>>, vector<16xi32>,
        %get3A_573 = arith.index_cast %add3A_548 : i32 to index
        %get3A_574 = arith.constant 48 : index
        %get3A_575 = tpu.vector_load %arg5[%get3A_573, %get3A_574] {strides = array<i32>} : memref<200x128xi32, #tpu.memory_space<vmem>>, vector<16xi32>,
        %shift_right_arithmetic3A_576 = arith.constant 1 : i32
        %shift_right_arithmetic3A_577 = vector.broadcast %shift_right_arithmetic3A_576 : i32 to vector<16xi32>
        %shift_right_arithmetic3A_578 = arith.shrsi %get3A_575, %shift_right_arithmetic3A_577 : vector<16xi32>
        %swap3A_579 = arith.constant 48 : index
        %swap3A_580 = tpu.vector_load %arg6[%swap3A_579] {strides = array<i32>} : memref<128xi32, #tpu.memory_space<vmem>>, vector<16xi32>,
        tpu.vector_store %arg6[%swap3A_579], %shift_right_arithmetic3A_578 {strides = array<i32>} : memref<128xi32, #tpu.memory_space<vmem>>, vector<16xi32>,
        %get3A_581 = arith.index_cast %add3A_548 : i32 to index
        %get3A_582 = arith.constant 64 : index
        %get3A_583 = tpu.vector_load %arg5[%get3A_581, %get3A_582] {strides = array<i32>} : memref<200x128xi32, #tpu.memory_space<vmem>>, vector<16xi32>,
        %shift_right_arithmetic3A_584 = arith.constant 1 : i32
        %shift_right_arithmetic3A_585 = vector.broadcast %shift_right_arithmetic3A_584 : i32 to vector<16xi32>
        %shift_right_arithmetic3A_586 = arith.shrsi %get3A_583, %shift_right_arithmetic3A_585 : vector<16xi32>
        %swap3A_587 = arith.constant 64 : index
        %swap3A_588 = tpu.vector_load %arg6[%swap3A_587] {strides = array<i32>} : memref<128xi32, #tpu.memory_space<vmem>>, vector<16xi32>,
        tpu.vector_store %arg6[%swap3A_587], %shift_right_arithmetic3A_586 {strides = array<i32>} : memref<128xi32, #tpu.memory_space<vmem>>, vector<16xi32>,
        %get3A_589 = arith.index_cast %add3A_548 : i32 to index
        %get3A_590 = arith.constant 80 : index
        %get3A_591 = tpu.vector_load %arg5[%get3A_589, %get3A_590] {strides = array<i32>} : memref<200x128xi32, #tpu.memory_space<vmem>>, vector<16xi32>,
        %shift_right_arithmetic3A_592 = arith.constant 1 : i32
        %shift_right_arithmetic3A_593 = vector.broadcast %shift_right_arithmetic3A_592 : i32 to vector<16xi32>
        %shift_right_arithmetic3A_594 = arith.shrsi %get3A_591, %shift_right_arithmetic3A_593 : vector<16xi32>
        %swap3A_595 = arith.constant 80 : index
        %swap3A_596 = tpu.vector_load %arg6[%swap3A_595] {strides = array<i32>} : memref<128xi32, #tpu.memory_space<vmem>>, vector<16xi32>,
        tpu.vector_store %arg6[%swap3A_595], %shift_right_arithmetic3A_594 {strides = array<i32>} : memref<128xi32, #tpu.memory_space<vmem>>, vector<16xi32>,
        %get3A_597 = arith.index_cast %add3A_548 : i32 to index
        %get3A_598 = arith.constant 96 : index
        %get3A_599 = tpu.vector_load %arg5[%get3A_597, %get3A_598] {strides = array<i32>} : memref<200x128xi32, #tpu.memory_space<vmem>>, vector<16xi32>,
        %shift_right_arithmetic3A_600 = arith.constant 1 : i32
        %shift_right_arithmetic3A_601 = vector.broadcast %shift_right_arithmetic3A_600 : i32 to vector<16xi32>
        %shift_right_arithmetic3A_602 = arith.shrsi %get3A_599, %shift_right_arithmetic3A_601 : vector<16xi32>
        %swap3A_603 = arith.constant 96 : index
        %swap3A_604 = tpu.vector_load %arg6[%swap3A_603] {strides = array<i32>} : memref<128xi32, #tpu.memory_space<vmem>>, vector<16xi32>,
        tpu.vector_store %arg6[%swap3A_603], %shift_right_arithmetic3A_602 {strides = array<i32>} : memref<128xi32, #tpu.memory_space<vmem>>, vector<16xi32>,
        %get3A_605 = arith.index_cast %add3A_548 : i32 to index
        %get3A_606 = arith.constant 112 : index
        %get3A_607 = tpu.vector_load %arg5[%get3A_605, %get3A_606] {strides = array<i32>} : memref<200x128xi32, #tpu.memory_space<vmem>>, vector<16xi32>,
        %shift_right_arithmetic3A_608 = arith.constant 1 : i32
        %shift_right_arithmetic3A_609 = vector.broadcast %shift_right_arithmetic3A_608 : i32 to vector<16xi32>
        %shift_right_arithmetic3A_610 = arith.shrsi %get3A_607, %shift_right_arithmetic3A_609 : vector<16xi32>
        %swap3A_611 = arith.constant 112 : index
        %swap3A_612 = tpu.vector_load %arg6[%swap3A_611] {strides = array<i32>} : memref<128xi32, #tpu.memory_space<vmem>>, vector<16xi32>,
        tpu.vector_store %arg6[%swap3A_611], %shift_right_arithmetic3A_610 {strides = array<i32>} : memref<128xi32, #tpu.memory_space<vmem>>, vector<16xi32>,
        %add3A_613 = arith.constant 4 : i32
        %add3A_614 = arith.addi %add3A_426, %add3A_613 : i32
        %dma_start3A_615 = arith.constant 0 : i32
        %dma_start3A_616 = arith.constant 0 : i32
        %dma_start3A_617 = tpu.memref_slice %arg3[%dma_start3A_615, %dma_start3A_616] : memref<500000x128xf32, #tpu.memory_space<hbm>> -> memref<500000x128xf32, #tpu.memory_space<hbm>>
        tpu.enqueue_indirect_dma source(%dma_start3A_617 : memref<500000x128xf32, #tpu.memory_space<hbm>>) target(%arg10 : memref<128x128xf32, #tpu.memory_space<vmem>>) offsets(%arg6 : memref<128xi32, #tpu.memory_space<vmem>>) semaphore(%arg16 : memref<!tpu.dma_semaphore, #tpu.memory_space<semaphore_mem>>)
      } else {
      }
      %dma_start3A_440 = arith.constant 0 : i32
      %dma_start3A_441 = arith.constant 0 : i32
      %dma_start3A_442 = arith.constant 0 : i32
      %dma_start3A_443 = tpu.memref_slice %arg4[%add3A_426, %dma_start3A_440, %add3A, %dma_start3A_441, %dma_start3A_442] : memref<200x8x32x8x128xf32, #tpu.memory_space<hbm>> -> memref<1x8x1x8x128xf32, #tpu.memory_space<hbm>>
      %dma_start3A_444 = tpu.memref_squeeze %dma_start3A_443 : memref<1x8x1x8x128xf32, #tpu.memory_space<hbm>> -> memref<8x8x128xf32, #tpu.memory_space<hbm>>
      %dma_start3A_445 = arith.constant 0 : i32
      %dma_start3A_446 = arith.constant 0 : i32
      %dma_start3A_447 = arith.constant 0 : i32
      %dma_start3A_448 = tpu.memref_slice %arg4[%add3A_426, %dma_start3A_445, %add3A, %dma_start3A_446, %dma_start3A_447] : memref<200x8x32x8x128xf32, #tpu.memory_space<hbm>> -> memref<1x8x1x8x128xf32, #tpu.memory_space<hbm>>
      %dma_start3A_449 = tpu.memref_squeeze %dma_start3A_448 : memref<1x8x1x8x128xf32, #tpu.memory_space<hbm>> -> memref<8x8x128xf32, #tpu.memory_space<hbm>>
      tpu.enqueue_dma source(%arg14 : memref<8x8x128xf32, #tpu.memory_space<vmem>>) target(%dma_start3A_449 : memref<8x8x128xf32, #tpu.memory_space<hbm>>) target_semaphore(%arg20 : memref<!tpu.dma_semaphore, #tpu.memory_space<semaphore_mem>>)
      %mul3A_450 = arith.constant 4 : i32
      %mul3A_451 = arith.muli %scan3A_421, %mul3A_450 : i32
      %add3A_452 = arith.constant 1 : i32
      %add3A_453 = arith.addi %mul3A_451, %add3A_452 : i32
      %dma_wait3A_454 = arith.constant 0 : i32
      %dma_wait3A_455 = arith.constant 0 : i32
      %dma_wait3A_456 = tpu.memref_slice %arg3[%dma_wait3A_454, %dma_wait3A_455] : memref<500000x128xf32, #tpu.memory_space<hbm>> -> memref<500000x128xf32, #tpu.memory_space<hbm>>
      tpu.wait_indirect_dma semaphore(%arg17 : memref<!tpu.dma_semaphore, #tpu.memory_space<semaphore_mem>>) src(%dma_wait3A_456 : memref<500000x128xf32, #tpu.memory_space<hbm>>) dst(%arg11 : memref<128x128xf32, #tpu.memory_space<vmem>>)
      %ge3A_457 = arith.constant 2 : i32
      %ge3A_458 = arith.cmpi sge, %add3A_453, %ge3A_457 : i32
      %convert_element_type3A_459 = arith.extui %ge3A_458 : i1 to i32
      %cond3A_460 = arith.constant 0 : i32
      %cond3A_461 = arith.cmpi ne, %convert_element_type3A_459, %cond3A_460 : i32
      scf.if %cond3A_461 {
        %sub3A = arith.constant 2 : i32
        %sub3A_547 = arith.subi %add3A_453, %sub3A : i32
        %dma_wait3A_548 = arith.constant 0 : i32
        %dma_wait3A_549 = arith.constant 0 : i32
        %dma_wait3A_550 = arith.constant 0 : i32
        %dma_wait3A_551 = tpu.memref_slice %arg4[%sub3A_547, %dma_wait3A_548, %add3A, %dma_wait3A_549, %dma_wait3A_550] : memref<200x8x32x8x128xf32, #tpu.memory_space<hbm>> -> memref<1x8x1x8x128xf32, #tpu.memory_space<hbm>>
        %dma_wait3A_552 = tpu.memref_squeeze %dma_wait3A_551 : memref<1x8x1x8x128xf32, #tpu.memory_space<hbm>> -> memref<8x8x128xf32, #tpu.memory_space<hbm>>
        %dma_wait3A_553 = arith.constant 0 : i32
        %dma_wait3A_554 = arith.constant 0 : i32
        %dma_wait3A_555 = arith.constant 0 : i32
        %dma_wait3A_556 = tpu.memref_slice %arg4[%sub3A_547, %dma_wait3A_553, %add3A, %dma_wait3A_554, %dma_wait3A_555] : memref<200x8x32x8x128xf32, #tpu.memory_space<hbm>> -> memref<1x8x1x8x128xf32, #tpu.memory_space<hbm>>
        %dma_wait3A_557 = tpu.memref_squeeze %dma_wait3A_556 : memref<1x8x1x8x128xf32, #tpu.memory_space<hbm>> -> memref<8x8x128xf32, #tpu.memory_space<hbm>>
        tpu.wait_dma2 semaphore(%arg21 : memref<!tpu.dma_semaphore, #tpu.memory_space<semaphore_mem>>) src(%arg15 : memref<8x8x128xf32, #tpu.memory_space<vmem>>) dst(%dma_wait3A_557 : memref<8x8x128xf32, #tpu.memory_space<hbm>>)
      } else {
      }
      %parallel_loop3A_462 = arith.constant 0 : i32
      %parallel_loop3A_463 = arith.constant 32 : i32
      %parallel_loop3A_464 = arith.constant 1 : i32
      scf.for %parallel_loop3A_547 = %parallel_loop3A_462 to %parallel_loop3A_463 step %parallel_loop3A_464  : i32 {
        %parallel_loop3A_548 = arith.constant 3 : i32
        %parallel_loop3A_549 = arith.shrsi %parallel_loop3A_547, %parallel_loop3A_548 : i32
        %parallel_loop3A_550 = arith.constant 16 : i32
        %parallel_loop3A_551 = arith.muli %parallel_loop3A_549, %parallel_loop3A_550 : i32
        %parallel_loop3A_552 = arith.constant 7 : i32
        %parallel_loop3A_553 = arith.andi %parallel_loop3A_547, %parallel_loop3A_552 : i32
        %parallel_loop3A_554 = arith.constant 16 : i32
        %parallel_loop3A_555 = arith.muli %parallel_loop3A_553, %parallel_loop3A_554 : i32
        %parallel_loop3A_556 = vector.broadcast %parallel_loop3A_555 : i32 to vector<16xi32>
        %parallel_loop3A_557 = arith.addi %iota3A, %parallel_loop3A_556 : vector<16xi32>
        %parallel_loop3A_558 = arith.constant 16 : i32
        %parallel_loop3A_559 = arith.muli %parallel_loop3A_553, %parallel_loop3A_558 : i32
        %parallel_loop3A_560 = arith.index_cast %add3A_453 : i32 to index
        %parallel_loop3A_561 = arith.index_cast %parallel_loop3A_559 : i32 to index
        %parallel_loop3A_562 = tpu.vector_load %arg5[%parallel_loop3A_560, %parallel_loop3A_561] {strides = array<i32>} : memref<200x128xi32, #tpu.memory_space<vmem>>, vector<16xi32>,
        %parallel_loop3A_563 = arith.constant 1 : i32
        %parallel_loop3A_564 = vector.broadcast %parallel_loop3A_563 : i32 to vector<16xi32>
        %parallel_loop3A_565 = arith.andi %parallel_loop3A_562, %parallel_loop3A_564 : vector<16xi32>
        %parallel_loop3A_566 = arith.constant 64 : i32
        %parallel_loop3A_567 = vector.broadcast %parallel_loop3A_566 : i32 to vector<16xi32>
        %parallel_loop3A_568 = arith.muli %parallel_loop3A_565, %parallel_loop3A_567 : vector<16xi32>
        %parallel_loop3A_569 = vector.broadcast %parallel_loop3A_551 : i32 to vector<16xi32>
        %parallel_loop3A_570 = arith.addi %and3A_303, %parallel_loop3A_569 : vector<16xi32>
        %parallel_loop3A_571 = arith.addi %parallel_loop3A_568, %parallel_loop3A_570 : vector<16xi32>
        %parallel_loop3A_572 = tpu.vector_load_idx %arg11[%parallel_loop3A_557, %parallel_loop3A_571] : memref<128x128xf32, #tpu.memory_space<vmem>>[vector<16xi32>, vector<16xi32>], vector<16xf32>,
        %parallel_loop3A_573 = arith.constant 3 : i32
        %parallel_loop3A_574 = vector.broadcast %parallel_loop3A_573 : i32 to vector<16xi32>
        %parallel_loop3A_575 = arith.shrsi %parallel_loop3A_570, %parallel_loop3A_574 : vector<16xi32>
        %parallel_loop3A_576 = arith.constant 7 : i32
        %parallel_loop3A_577 = vector.broadcast %parallel_loop3A_576 : i32 to vector<16xi32>
        %parallel_loop3A_578 = arith.andi %parallel_loop3A_570, %parallel_loop3A_577 : vector<16xi32>
        %parallel_loop3A_579 = arith.constant 8.000000e+00 : f32
        %parallel_loop3A_580 = vector.broadcast %parallel_loop3A_579 : f32 to vector<16xf32>
        %parallel_loop3A_581 = arith.mulf %parallel_loop3A_572, %parallel_loop3A_580 : vector<16xf32>
        tpu.vector_store_idx %arg15[%parallel_loop3A_575, %parallel_loop3A_578, %parallel_loop3A_557], %parallel_loop3A_581 : memref<8x8x128xf32, #tpu.memory_space<vmem>>[vector<16xi32>, vector<16xi32>, vector<16xi32>], vector<16xf32>,
        %parallel_loop3A_582 = vector.broadcast %parallel_loop3A_551 : i32 to vector<16xi32>
        %parallel_loop3A_583 = arith.addi %and3A_309, %parallel_loop3A_582 : vector<16xi32>
        %parallel_loop3A_584 = arith.addi %parallel_loop3A_568, %parallel_loop3A_583 : vector<16xi32>
        %parallel_loop3A_585 = tpu.vector_load_idx %arg11[%parallel_loop3A_557, %parallel_loop3A_584] : memref<128x128xf32, #tpu.memory_space<vmem>>[vector<16xi32>, vector<16xi32>], vector<16xf32>,
        %parallel_loop3A_586 = arith.constant 3 : i32
        %parallel_loop3A_587 = vector.broadcast %parallel_loop3A_586 : i32 to vector<16xi32>
        %parallel_loop3A_588 = arith.shrsi %parallel_loop3A_583, %parallel_loop3A_587 : vector<16xi32>
        %parallel_loop3A_589 = arith.constant 7 : i32
        %parallel_loop3A_590 = vector.broadcast %parallel_loop3A_589 : i32 to vector<16xi32>
        %parallel_loop3A_591 = arith.andi %parallel_loop3A_583, %parallel_loop3A_590 : vector<16xi32>
        %parallel_loop3A_592 = arith.constant 8.000000e+00 : f32
        %parallel_loop3A_593 = vector.broadcast %parallel_loop3A_592 : f32 to vector<16xf32>
        %parallel_loop3A_594 = arith.mulf %parallel_loop3A_585, %parallel_loop3A_593 : vector<16xf32>
        tpu.vector_store_idx %arg15[%parallel_loop3A_588, %parallel_loop3A_591, %parallel_loop3A_557], %parallel_loop3A_594 : memref<8x8x128xf32, #tpu.memory_space<vmem>>[vector<16xi32>, vector<16xi32>, vector<16xi32>], vector<16xf32>,
        %parallel_loop3A_595 = vector.broadcast %parallel_loop3A_551 : i32 to vector<16xi32>
        %parallel_loop3A_596 = arith.addi %and3A_315, %parallel_loop3A_595 : vector<16xi32>
        %parallel_loop3A_597 = arith.addi %parallel_loop3A_568, %parallel_loop3A_596 : vector<16xi32>
        %parallel_loop3A_598 = tpu.vector_load_idx %arg11[%parallel_loop3A_557, %parallel_loop3A_597] : memref<128x128xf32, #tpu.memory_space<vmem>>[vector<16xi32>, vector<16xi32>], vector<16xf32>,
        %parallel_loop3A_599 = arith.constant 3 : i32
        %parallel_loop3A_600 = vector.broadcast %parallel_loop3A_599 : i32 to vector<16xi32>
        %parallel_loop3A_601 = arith.shrsi %parallel_loop3A_596, %parallel_loop3A_600 : vector<16xi32>
        %parallel_loop3A_602 = arith.constant 7 : i32
        %parallel_loop3A_603 = vector.broadcast %parallel_loop3A_602 : i32 to vector<16xi32>
        %parallel_loop3A_604 = arith.andi %parallel_loop3A_596, %parallel_loop3A_603 : vector<16xi32>
        %parallel_loop3A_605 = arith.constant 8.000000e+00 : f32
        %parallel_loop3A_606 = vector.broadcast %parallel_loop3A_605 : f32 to vector<16xf32>
        %parallel_loop3A_607 = arith.mulf %parallel_loop3A_598, %parallel_loop3A_606 : vector<16xf32>
        tpu.vector_store_idx %arg15[%parallel_loop3A_601, %parallel_loop3A_604, %parallel_loop3A_557], %parallel_loop3A_607 : memref<8x8x128xf32, #tpu.memory_space<vmem>>[vector<16xi32>, vector<16xi32>, vector<16xi32>], vector<16xf32>,
        %parallel_loop3A_608 = vector.broadcast %parallel_loop3A_551 : i32 to vector<16xi32>
        %parallel_loop3A_609 = arith.addi %and3A_321, %parallel_loop3A_608 : vector<16xi32>
        %parallel_loop3A_610 = arith.addi %parallel_loop3A_568, %parallel_loop3A_609 : vector<16xi32>
        %parallel_loop3A_611 = tpu.vector_load_idx %arg11[%parallel_loop3A_557, %parallel_loop3A_610] : memref<128x128xf32, #tpu.memory_space<vmem>>[vector<16xi32>, vector<16xi32>], vector<16xf32>,
        %parallel_loop3A_612 = arith.constant 3 : i32
        %parallel_loop3A_613 = vector.broadcast %parallel_loop3A_612 : i32 to vector<16xi32>
        %parallel_loop3A_614 = arith.shrsi %parallel_loop3A_609, %parallel_loop3A_613 : vector<16xi32>
        %parallel_loop3A_615 = arith.constant 7 : i32
        %parallel_loop3A_616 = vector.broadcast %parallel_loop3A_615 : i32 to vector<16xi32>
        %parallel_loop3A_617 = arith.andi %parallel_loop3A_609, %parallel_loop3A_616 : vector<16xi32>
        %parallel_loop3A_618 = arith.constant 8.000000e+00 : f32
        %parallel_loop3A_619 = vector.broadcast %parallel_loop3A_618 : f32 to vector<16xf32>
        %parallel_loop3A_620 = arith.mulf %parallel_loop3A_611, %parallel_loop3A_619 : vector<16xf32>
        tpu.vector_store_idx %arg15[%parallel_loop3A_614, %parallel_loop3A_617, %parallel_loop3A_557], %parallel_loop3A_620 : memref<8x8x128xf32, #tpu.memory_space<vmem>>[vector<16xi32>, vector<16xi32>, vector<16xi32>], vector<16xf32>,
        %parallel_loop3A_621 = vector.broadcast %parallel_loop3A_551 : i32 to vector<16xi32>
        %parallel_loop3A_622 = arith.addi %and3A_327, %parallel_loop3A_621 : vector<16xi32>
        %parallel_loop3A_623 = arith.addi %parallel_loop3A_568, %parallel_loop3A_622 : vector<16xi32>
        %parallel_loop3A_624 = tpu.vector_load_idx %arg11[%parallel_loop3A_557, %parallel_loop3A_623] : memref<128x128xf32, #tpu.memory_space<vmem>>[vector<16xi32>, vector<16xi32>], vector<16xf32>,
        %parallel_loop3A_625 = arith.constant 3 : i32
        %parallel_loop3A_626 = vector.broadcast %parallel_loop3A_625 : i32 to vector<16xi32>
        %parallel_loop3A_627 = arith.shrsi %parallel_loop3A_622, %parallel_loop3A_626 : vector<16xi32>
        %parallel_loop3A_628 = arith.constant 7 : i32
        %parallel_loop3A_629 = vector.broadcast %parallel_loop3A_628 : i32 to vector<16xi32>
        %parallel_loop3A_630 = arith.andi %parallel_loop3A_622, %parallel_loop3A_629 : vector<16xi32>
        %parallel_loop3A_631 = arith.constant 8.000000e+00 : f32
        %parallel_loop3A_632 = vector.broadcast %parallel_loop3A_631 : f32 to vector<16xf32>
        %parallel_loop3A_633 = arith.mulf %parallel_loop3A_624, %parallel_loop3A_632 : vector<16xf32>
        tpu.vector_store_idx %arg15[%parallel_loop3A_627, %parallel_loop3A_630, %parallel_loop3A_557], %parallel_loop3A_633 : memref<8x8x128xf32, #tpu.memory_space<vmem>>[vector<16xi32>, vector<16xi32>, vector<16xi32>], vector<16xf32>,
        %parallel_loop3A_634 = vector.broadcast %parallel_loop3A_551 : i32 to vector<16xi32>
        %parallel_loop3A_635 = arith.addi %and3A_333, %parallel_loop3A_634 : vector<16xi32>
        %parallel_loop3A_636 = arith.addi %parallel_loop3A_568, %parallel_loop3A_635 : vector<16xi32>
        %parallel_loop3A_637 = tpu.vector_load_idx %arg11[%parallel_loop3A_557, %parallel_loop3A_636] : memref<128x128xf32, #tpu.memory_space<vmem>>[vector<16xi32>, vector<16xi32>], vector<16xf32>,
        %parallel_loop3A_638 = arith.constant 3 : i32
        %parallel_loop3A_639 = vector.broadcast %parallel_loop3A_638 : i32 to vector<16xi32>
        %parallel_loop3A_640 = arith.shrsi %parallel_loop3A_635, %parallel_loop3A_639 : vector<16xi32>
        %parallel_loop3A_641 = arith.constant 7 : i32
        %parallel_loop3A_642 = vector.broadcast %parallel_loop3A_641 : i32 to vector<16xi32>
        %parallel_loop3A_643 = arith.andi %parallel_loop3A_635, %parallel_loop3A_642 : vector<16xi32>
        %parallel_loop3A_644 = arith.constant 8.000000e+00 : f32
        %parallel_loop3A_645 = vector.broadcast %parallel_loop3A_644 : f32 to vector<16xf32>
        %parallel_loop3A_646 = arith.mulf %parallel_loop3A_637, %parallel_loop3A_645 : vector<16xf32>
        tpu.vector_store_idx %arg15[%parallel_loop3A_640, %parallel_loop3A_643, %parallel_loop3A_557], %parallel_loop3A_646 : memref<8x8x128xf32, #tpu.memory_space<vmem>>[vector<16xi32>, vector<16xi32>, vector<16xi32>], vector<16xf32>,
        %parallel_loop3A_647 = vector.broadcast %parallel_loop3A_551 : i32 to vector<16xi32>
        %parallel_loop3A_648 = arith.addi %and3A_339, %parallel_loop3A_647 : vector<16xi32>
        %parallel_loop3A_649 = arith.addi %parallel_loop3A_568, %parallel_loop3A_648 : vector<16xi32>
        %parallel_loop3A_650 = tpu.vector_load_idx %arg11[%parallel_loop3A_557, %parallel_loop3A_649] : memref<128x128xf32, #tpu.memory_space<vmem>>[vector<16xi32>, vector<16xi32>], vector<16xf32>,
        %parallel_loop3A_651 = arith.constant 3 : i32
        %parallel_loop3A_652 = vector.broadcast %parallel_loop3A_651 : i32 to vector<16xi32>
        %parallel_loop3A_653 = arith.shrsi %parallel_loop3A_648, %parallel_loop3A_652 : vector<16xi32>
        %parallel_loop3A_654 = arith.constant 7 : i32
        %parallel_loop3A_655 = vector.broadcast %parallel_loop3A_654 : i32 to vector<16xi32>
        %parallel_loop3A_656 = arith.andi %parallel_loop3A_648, %parallel_loop3A_655 : vector<16xi32>
        %parallel_loop3A_657 = arith.constant 8.000000e+00 : f32
        %parallel_loop3A_658 = vector.broadcast %parallel_loop3A_657 : f32 to vector<16xf32>
        %parallel_loop3A_659 = arith.mulf %parallel_loop3A_650, %parallel_loop3A_658 : vector<16xf32>
        tpu.vector_store_idx %arg15[%parallel_loop3A_653, %parallel_loop3A_656, %parallel_loop3A_557], %parallel_loop3A_659 : memref<8x8x128xf32, #tpu.memory_space<vmem>>[vector<16xi32>, vector<16xi32>, vector<16xi32>], vector<16xf32>,
        %parallel_loop3A_660 = vector.broadcast %parallel_loop3A_551 : i32 to vector<16xi32>
        %parallel_loop3A_661 = arith.addi %and3A_345, %parallel_loop3A_660 : vector<16xi32>
        %parallel_loop3A_662 = arith.addi %parallel_loop3A_568, %parallel_loop3A_661 : vector<16xi32>
        %parallel_loop3A_663 = tpu.vector_load_idx %arg11[%parallel_loop3A_557, %parallel_loop3A_662] : memref<128x128xf32, #tpu.memory_space<vmem>>[vector<16xi32>, vector<16xi32>], vector<16xf32>,
        %parallel_loop3A_664 = arith.constant 3 : i32
        %parallel_loop3A_665 = vector.broadcast %parallel_loop3A_664 : i32 to vector<16xi32>
        %parallel_loop3A_666 = arith.shrsi %parallel_loop3A_661, %parallel_loop3A_665 : vector<16xi32>
        %parallel_loop3A_667 = arith.constant 7 : i32
        %parallel_loop3A_668 = vector.broadcast %parallel_loop3A_667 : i32 to vector<16xi32>
        %parallel_loop3A_669 = arith.andi %parallel_loop3A_661, %parallel_loop3A_668 : vector<16xi32>
        %parallel_loop3A_670 = arith.constant 8.000000e+00 : f32
        %parallel_loop3A_671 = vector.broadcast %parallel_loop3A_670 : f32 to vector<16xf32>
        %parallel_loop3A_672 = arith.mulf %parallel_loop3A_663, %parallel_loop3A_671 : vector<16xf32>
        tpu.vector_store_idx %arg15[%parallel_loop3A_666, %parallel_loop3A_669, %parallel_loop3A_557], %parallel_loop3A_672 : memref<8x8x128xf32, #tpu.memory_space<vmem>>[vector<16xi32>, vector<16xi32>, vector<16xi32>], vector<16xf32>,
        %parallel_loop3A_673 = vector.broadcast %parallel_loop3A_551 : i32 to vector<16xi32>
        %parallel_loop3A_674 = arith.addi %and3A_351, %parallel_loop3A_673 : vector<16xi32>
        %parallel_loop3A_675 = arith.addi %parallel_loop3A_568, %parallel_loop3A_674 : vector<16xi32>
        %parallel_loop3A_676 = tpu.vector_load_idx %arg11[%parallel_loop3A_557, %parallel_loop3A_675] : memref<128x128xf32, #tpu.memory_space<vmem>>[vector<16xi32>, vector<16xi32>], vector<16xf32>,
        %parallel_loop3A_677 = arith.constant 3 : i32
        %parallel_loop3A_678 = vector.broadcast %parallel_loop3A_677 : i32 to vector<16xi32>
        %parallel_loop3A_679 = arith.shrsi %parallel_loop3A_674, %parallel_loop3A_678 : vector<16xi32>
        %parallel_loop3A_680 = arith.constant 7 : i32
        %parallel_loop3A_681 = vector.broadcast %parallel_loop3A_680 : i32 to vector<16xi32>
        %parallel_loop3A_682 = arith.andi %parallel_loop3A_674, %parallel_loop3A_681 : vector<16xi32>
        %parallel_loop3A_683 = arith.constant 8.000000e+00 : f32
        %parallel_loop3A_684 = vector.broadcast %parallel_loop3A_683 : f32 to vector<16xf32>
        %parallel_loop3A_685 = arith.mulf %parallel_loop3A_676, %parallel_loop3A_684 : vector<16xf32>
        tpu.vector_store_idx %arg15[%parallel_loop3A_679, %parallel_loop3A_682, %parallel_loop3A_557], %parallel_loop3A_685 : memref<8x8x128xf32, #tpu.memory_space<vmem>>[vector<16xi32>, vector<16xi32>, vector<16xi32>], vector<16xf32>,
        %parallel_loop3A_686 = vector.broadcast %parallel_loop3A_551 : i32 to vector<16xi32>
        %parallel_loop3A_687 = arith.addi %and3A_357, %parallel_loop3A_686 : vector<16xi32>
        %parallel_loop3A_688 = arith.addi %parallel_loop3A_568, %parallel_loop3A_687 : vector<16xi32>
        %parallel_loop3A_689 = tpu.vector_load_idx %arg11[%parallel_loop3A_557, %parallel_loop3A_688] : memref<128x128xf32, #tpu.memory_space<vmem>>[vector<16xi32>, vector<16xi32>], vector<16xf32>,
        %parallel_loop3A_690 = arith.constant 3 : i32
        %parallel_loop3A_691 = vector.broadcast %parallel_loop3A_690 : i32 to vector<16xi32>
        %parallel_loop3A_692 = arith.shrsi %parallel_loop3A_687, %parallel_loop3A_691 : vector<16xi32>
        %parallel_loop3A_693 = arith.constant 7 : i32
        %parallel_loop3A_694 = vector.broadcast %parallel_loop3A_693 : i32 to vector<16xi32>
        %parallel_loop3A_695 = arith.andi %parallel_loop3A_687, %parallel_loop3A_694 : vector<16xi32>
        %parallel_loop3A_696 = arith.constant 8.000000e+00 : f32
        %parallel_loop3A_697 = vector.broadcast %parallel_loop3A_696 : f32 to vector<16xf32>
        %parallel_loop3A_698 = arith.mulf %parallel_loop3A_689, %parallel_loop3A_697 : vector<16xf32>
        tpu.vector_store_idx %arg15[%parallel_loop3A_692, %parallel_loop3A_695, %parallel_loop3A_557], %parallel_loop3A_698 : memref<8x8x128xf32, #tpu.memory_space<vmem>>[vector<16xi32>, vector<16xi32>, vector<16xi32>], vector<16xf32>,
        %parallel_loop3A_699 = vector.broadcast %parallel_loop3A_551 : i32 to vector<16xi32>
        %parallel_loop3A_700 = arith.addi %and3A_363, %parallel_loop3A_699 : vector<16xi32>
        %parallel_loop3A_701 = arith.addi %parallel_loop3A_568, %parallel_loop3A_700 : vector<16xi32>
        %parallel_loop3A_702 = tpu.vector_load_idx %arg11[%parallel_loop3A_557, %parallel_loop3A_701] : memref<128x128xf32, #tpu.memory_space<vmem>>[vector<16xi32>, vector<16xi32>], vector<16xf32>,
        %parallel_loop3A_703 = arith.constant 3 : i32
        %parallel_loop3A_704 = vector.broadcast %parallel_loop3A_703 : i32 to vector<16xi32>
        %parallel_loop3A_705 = arith.shrsi %parallel_loop3A_700, %parallel_loop3A_704 : vector<16xi32>
        %parallel_loop3A_706 = arith.constant 7 : i32
        %parallel_loop3A_707 = vector.broadcast %parallel_loop3A_706 : i32 to vector<16xi32>
        %parallel_loop3A_708 = arith.andi %parallel_loop3A_700, %parallel_loop3A_707 : vector<16xi32>
        %parallel_loop3A_709 = arith.constant 8.000000e+00 : f32
        %parallel_loop3A_710 = vector.broadcast %parallel_loop3A_709 : f32 to vector<16xf32>
        %parallel_loop3A_711 = arith.mulf %parallel_loop3A_702, %parallel_loop3A_710 : vector<16xf32>
        tpu.vector_store_idx %arg15[%parallel_loop3A_705, %parallel_loop3A_708, %parallel_loop3A_557], %parallel_loop3A_711 : memref<8x8x128xf32, #tpu.memory_space<vmem>>[vector<16xi32>, vector<16xi32>, vector<16xi32>], vector<16xf32>,
        %parallel_loop3A_712 = vector.broadcast %parallel_loop3A_551 : i32 to vector<16xi32>
        %parallel_loop3A_713 = arith.addi %and3A_369, %parallel_loop3A_712 : vector<16xi32>
        %parallel_loop3A_714 = arith.addi %parallel_loop3A_568, %parallel_loop3A_713 : vector<16xi32>
        %parallel_loop3A_715 = tpu.vector_load_idx %arg11[%parallel_loop3A_557, %parallel_loop3A_714] : memref<128x128xf32, #tpu.memory_space<vmem>>[vector<16xi32>, vector<16xi32>], vector<16xf32>,
        %parallel_loop3A_716 = arith.constant 3 : i32
        %parallel_loop3A_717 = vector.broadcast %parallel_loop3A_716 : i32 to vector<16xi32>
        %parallel_loop3A_718 = arith.shrsi %parallel_loop3A_713, %parallel_loop3A_717 : vector<16xi32>
        %parallel_loop3A_719 = arith.constant 7 : i32
        %parallel_loop3A_720 = vector.broadcast %parallel_loop3A_719 : i32 to vector<16xi32>
        %parallel_loop3A_721 = arith.andi %parallel_loop3A_713, %parallel_loop3A_720 : vector<16xi32>
        %parallel_loop3A_722 = arith.constant 8.000000e+00 : f32
        %parallel_loop3A_723 = vector.broadcast %parallel_loop3A_722 : f32 to vector<16xf32>
        %parallel_loop3A_724 = arith.mulf %parallel_loop3A_715, %parallel_loop3A_723 : vector<16xf32>
        tpu.vector_store_idx %arg15[%parallel_loop3A_718, %parallel_loop3A_721, %parallel_loop3A_557], %parallel_loop3A_724 : memref<8x8x128xf32, #tpu.memory_space<vmem>>[vector<16xi32>, vector<16xi32>, vector<16xi32>], vector<16xf32>,
        %parallel_loop3A_725 = vector.broadcast %parallel_loop3A_551 : i32 to vector<16xi32>
        %parallel_loop3A_726 = arith.addi %and3A_375, %parallel_loop3A_725 : vector<16xi32>
        %parallel_loop3A_727 = arith.addi %parallel_loop3A_568, %parallel_loop3A_726 : vector<16xi32>
        %parallel_loop3A_728 = tpu.vector_load_idx %arg11[%parallel_loop3A_557, %parallel_loop3A_727] : memref<128x128xf32, #tpu.memory_space<vmem>>[vector<16xi32>, vector<16xi32>], vector<16xf32>,
        %parallel_loop3A_729 = arith.constant 3 : i32
        %parallel_loop3A_730 = vector.broadcast %parallel_loop3A_729 : i32 to vector<16xi32>
        %parallel_loop3A_731 = arith.shrsi %parallel_loop3A_726, %parallel_loop3A_730 : vector<16xi32>
        %parallel_loop3A_732 = arith.constant 7 : i32
        %parallel_loop3A_733 = vector.broadcast %parallel_loop3A_732 : i32 to vector<16xi32>
        %parallel_loop3A_734 = arith.andi %parallel_loop3A_726, %parallel_loop3A_733 : vector<16xi32>
        %parallel_loop3A_735 = arith.constant 8.000000e+00 : f32
        %parallel_loop3A_736 = vector.broadcast %parallel_loop3A_735 : f32 to vector<16xf32>
        %parallel_loop3A_737 = arith.mulf %parallel_loop3A_728, %parallel_loop3A_736 : vector<16xf32>
        tpu.vector_store_idx %arg15[%parallel_loop3A_731, %parallel_loop3A_734, %parallel_loop3A_557], %parallel_loop3A_737 : memref<8x8x128xf32, #tpu.memory_space<vmem>>[vector<16xi32>, vector<16xi32>, vector<16xi32>], vector<16xf32>,
        %parallel_loop3A_738 = vector.broadcast %parallel_loop3A_551 : i32 to vector<16xi32>
        %parallel_loop3A_739 = arith.addi %and3A_381, %parallel_loop3A_738 : vector<16xi32>
        %parallel_loop3A_740 = arith.addi %parallel_loop3A_568, %parallel_loop3A_739 : vector<16xi32>
        %parallel_loop3A_741 = tpu.vector_load_idx %arg11[%parallel_loop3A_557, %parallel_loop3A_740] : memref<128x128xf32, #tpu.memory_space<vmem>>[vector<16xi32>, vector<16xi32>], vector<16xf32>,
        %parallel_loop3A_742 = arith.constant 3 : i32
        %parallel_loop3A_743 = vector.broadcast %parallel_loop3A_742 : i32 to vector<16xi32>
        %parallel_loop3A_744 = arith.shrsi %parallel_loop3A_739, %parallel_loop3A_743 : vector<16xi32>
        %parallel_loop3A_745 = arith.constant 7 : i32
        %parallel_loop3A_746 = vector.broadcast %parallel_loop3A_745 : i32 to vector<16xi32>
        %parallel_loop3A_747 = arith.andi %parallel_loop3A_739, %parallel_loop3A_746 : vector<16xi32>
        %parallel_loop3A_748 = arith.constant 8.000000e+00 : f32
        %parallel_loop3A_749 = vector.broadcast %parallel_loop3A_748 : f32 to vector<16xf32>
        %parallel_loop3A_750 = arith.mulf %parallel_loop3A_741, %parallel_loop3A_749 : vector<16xf32>
        tpu.vector_store_idx %arg15[%parallel_loop3A_744, %parallel_loop3A_747, %parallel_loop3A_557], %parallel_loop3A_750 : memref<8x8x128xf32, #tpu.memory_space<vmem>>[vector<16xi32>, vector<16xi32>, vector<16xi32>], vector<16xf32>,
        %parallel_loop3A_751 = vector.broadcast %parallel_loop3A_551 : i32 to vector<16xi32>
        %parallel_loop3A_752 = arith.addi %and3A_387, %parallel_loop3A_751 : vector<16xi32>
        %parallel_loop3A_753 = arith.addi %parallel_loop3A_568, %parallel_loop3A_752 : vector<16xi32>
        %parallel_loop3A_754 = tpu.vector_load_idx %arg11[%parallel_loop3A_557, %parallel_loop3A_753] : memref<128x128xf32, #tpu.memory_space<vmem>>[vector<16xi32>, vector<16xi32>], vector<16xf32>,
        %parallel_loop3A_755 = arith.constant 3 : i32
        %parallel_loop3A_756 = vector.broadcast %parallel_loop3A_755 : i32 to vector<16xi32>
        %parallel_loop3A_757 = arith.shrsi %parallel_loop3A_752, %parallel_loop3A_756 : vector<16xi32>
        %parallel_loop3A_758 = arith.constant 7 : i32
        %parallel_loop3A_759 = vector.broadcast %parallel_loop3A_758 : i32 to vector<16xi32>
        %parallel_loop3A_760 = arith.andi %parallel_loop3A_752, %parallel_loop3A_759 : vector<16xi32>
        %parallel_loop3A_761 = arith.constant 8.000000e+00 : f32
        %parallel_loop3A_762 = vector.broadcast %parallel_loop3A_761 : f32 to vector<16xf32>
        %parallel_loop3A_763 = arith.mulf %parallel_loop3A_754, %parallel_loop3A_762 : vector<16xf32>
        tpu.vector_store_idx %arg15[%parallel_loop3A_757, %parallel_loop3A_760, %parallel_loop3A_557], %parallel_loop3A_763 : memref<8x8x128xf32, #tpu.memory_space<vmem>>[vector<16xi32>, vector<16xi32>, vector<16xi32>], vector<16xf32>,
        %parallel_loop3A_764 = vector.broadcast %parallel_loop3A_551 : i32 to vector<16xi32>
        %parallel_loop3A_765 = arith.addi %and3A_393, %parallel_loop3A_764 : vector<16xi32>
        %parallel_loop3A_766 = arith.addi %parallel_loop3A_568, %parallel_loop3A_765 : vector<16xi32>
        %parallel_loop3A_767 = tpu.vector_load_idx %arg11[%parallel_loop3A_557, %parallel_loop3A_766] : memref<128x128xf32, #tpu.memory_space<vmem>>[vector<16xi32>, vector<16xi32>], vector<16xf32>,
        %parallel_loop3A_768 = arith.constant 3 : i32
        %parallel_loop3A_769 = vector.broadcast %parallel_loop3A_768 : i32 to vector<16xi32>
        %parallel_loop3A_770 = arith.shrsi %parallel_loop3A_765, %parallel_loop3A_769 : vector<16xi32>
        %parallel_loop3A_771 = arith.constant 7 : i32
        %parallel_loop3A_772 = vector.broadcast %parallel_loop3A_771 : i32 to vector<16xi32>
        %parallel_loop3A_773 = arith.andi %parallel_loop3A_765, %parallel_loop3A_772 : vector<16xi32>
        %parallel_loop3A_774 = arith.constant 8.000000e+00 : f32
        %parallel_loop3A_775 = vector.broadcast %parallel_loop3A_774 : f32 to vector<16xf32>
        %parallel_loop3A_776 = arith.mulf %parallel_loop3A_767, %parallel_loop3A_775 : vector<16xf32>
        tpu.vector_store_idx %arg15[%parallel_loop3A_770, %parallel_loop3A_773, %parallel_loop3A_557], %parallel_loop3A_776 : memref<8x8x128xf32, #tpu.memory_space<vmem>>[vector<16xi32>, vector<16xi32>, vector<16xi32>], vector<16xf32>,
      } {sc.loop_unroll_factor = 2 : i64, sc.parallel_access}
      %add3A_465 = arith.constant 4 : i32
      %add3A_466 = arith.addi %add3A_453, %add3A_465 : i32
      %lt3A_467 = arith.constant 200 : i32
      %lt3A_468 = arith.cmpi slt, %add3A_466, %lt3A_467 : i32
      %convert_element_type3A_469 = arith.extui %lt3A_468 : i1 to i32
      %cond3A_470 = arith.constant 0 : i32
      %cond3A_471 = arith.cmpi ne, %convert_element_type3A_469, %cond3A_470 : i32
      scf.if %cond3A_471 {
        %add3A_547 = arith.constant 4 : i32
        %add3A_548 = arith.addi %add3A_453, %add3A_547 : i32
        %get3A_549 = arith.index_cast %add3A_548 : i32 to index
        %get3A_550 = arith.constant 0 : index
        %get3A_551 = tpu.vector_load %arg5[%get3A_549, %get3A_550] {strides = array<i32>} : memref<200x128xi32, #tpu.memory_space<vmem>>, vector<16xi32>,
        %shift_right_arithmetic3A_552 = arith.constant 1 : i32
        %shift_right_arithmetic3A_553 = vector.broadcast %shift_right_arithmetic3A_552 : i32 to vector<16xi32>
        %shift_right_arithmetic3A_554 = arith.shrsi %get3A_551, %shift_right_arithmetic3A_553 : vector<16xi32>
        %swap3A_555 = arith.constant 0 : index
        %swap3A_556 = tpu.vector_load %arg7[%swap3A_555] {strides = array<i32>} : memref<128xi32, #tpu.memory_space<vmem>>, vector<16xi32>,
        tpu.vector_store %arg7[%swap3A_555], %shift_right_arithmetic3A_554 {strides = array<i32>} : memref<128xi32, #tpu.memory_space<vmem>>, vector<16xi32>,
        %get3A_557 = arith.index_cast %add3A_548 : i32 to index
        %get3A_558 = arith.constant 16 : index
        %get3A_559 = tpu.vector_load %arg5[%get3A_557, %get3A_558] {strides = array<i32>} : memref<200x128xi32, #tpu.memory_space<vmem>>, vector<16xi32>,
        %shift_right_arithmetic3A_560 = arith.constant 1 : i32
        %shift_right_arithmetic3A_561 = vector.broadcast %shift_right_arithmetic3A_560 : i32 to vector<16xi32>
        %shift_right_arithmetic3A_562 = arith.shrsi %get3A_559, %shift_right_arithmetic3A_561 : vector<16xi32>
        %swap3A_563 = arith.constant 16 : index
        %swap3A_564 = tpu.vector_load %arg7[%swap3A_563] {strides = array<i32>} : memref<128xi32, #tpu.memory_space<vmem>>, vector<16xi32>,
        tpu.vector_store %arg7[%swap3A_563], %shift_right_arithmetic3A_562 {strides = array<i32>} : memref<128xi32, #tpu.memory_space<vmem>>, vector<16xi32>,
        %get3A_565 = arith.index_cast %add3A_548 : i32 to index
        %get3A_566 = arith.constant 32 : index
        %get3A_567 = tpu.vector_load %arg5[%get3A_565, %get3A_566] {strides = array<i32>} : memref<200x128xi32, #tpu.memory_space<vmem>>, vector<16xi32>,
        %shift_right_arithmetic3A_568 = arith.constant 1 : i32
        %shift_right_arithmetic3A_569 = vector.broadcast %shift_right_arithmetic3A_568 : i32 to vector<16xi32>
        %shift_right_arithmetic3A_570 = arith.shrsi %get3A_567, %shift_right_arithmetic3A_569 : vector<16xi32>
        %swap3A_571 = arith.constant 32 : index
        %swap3A_572 = tpu.vector_load %arg7[%swap3A_571] {strides = array<i32>} : memref<128xi32, #tpu.memory_space<vmem>>, vector<16xi32>,
        tpu.vector_store %arg7[%swap3A_571], %shift_right_arithmetic3A_570 {strides = array<i32>} : memref<128xi32, #tpu.memory_space<vmem>>, vector<16xi32>,
        %get3A_573 = arith.index_cast %add3A_548 : i32 to index
        %get3A_574 = arith.constant 48 : index
        %get3A_575 = tpu.vector_load %arg5[%get3A_573, %get3A_574] {strides = array<i32>} : memref<200x128xi32, #tpu.memory_space<vmem>>, vector<16xi32>,
        %shift_right_arithmetic3A_576 = arith.constant 1 : i32
        %shift_right_arithmetic3A_577 = vector.broadcast %shift_right_arithmetic3A_576 : i32 to vector<16xi32>
        %shift_right_arithmetic3A_578 = arith.shrsi %get3A_575, %shift_right_arithmetic3A_577 : vector<16xi32>
        %swap3A_579 = arith.constant 48 : index
        %swap3A_580 = tpu.vector_load %arg7[%swap3A_579] {strides = array<i32>} : memref<128xi32, #tpu.memory_space<vmem>>, vector<16xi32>,
        tpu.vector_store %arg7[%swap3A_579], %shift_right_arithmetic3A_578 {strides = array<i32>} : memref<128xi32, #tpu.memory_space<vmem>>, vector<16xi32>,
        %get3A_581 = arith.index_cast %add3A_548 : i32 to index
        %get3A_582 = arith.constant 64 : index
        %get3A_583 = tpu.vector_load %arg5[%get3A_581, %get3A_582] {strides = array<i32>} : memref<200x128xi32, #tpu.memory_space<vmem>>, vector<16xi32>,
        %shift_right_arithmetic3A_584 = arith.constant 1 : i32
        %shift_right_arithmetic3A_585 = vector.broadcast %shift_right_arithmetic3A_584 : i32 to vector<16xi32>
        %shift_right_arithmetic3A_586 = arith.shrsi %get3A_583, %shift_right_arithmetic3A_585 : vector<16xi32>
        %swap3A_587 = arith.constant 64 : index
        %swap3A_588 = tpu.vector_load %arg7[%swap3A_587] {strides = array<i32>} : memref<128xi32, #tpu.memory_space<vmem>>, vector<16xi32>,
        tpu.vector_store %arg7[%swap3A_587], %shift_right_arithmetic3A_586 {strides = array<i32>} : memref<128xi32, #tpu.memory_space<vmem>>, vector<16xi32>,
        %get3A_589 = arith.index_cast %add3A_548 : i32 to index
        %get3A_590 = arith.constant 80 : index
        %get3A_591 = tpu.vector_load %arg5[%get3A_589, %get3A_590] {strides = array<i32>} : memref<200x128xi32, #tpu.memory_space<vmem>>, vector<16xi32>,
        %shift_right_arithmetic3A_592 = arith.constant 1 : i32
        %shift_right_arithmetic3A_593 = vector.broadcast %shift_right_arithmetic3A_592 : i32 to vector<16xi32>
        %shift_right_arithmetic3A_594 = arith.shrsi %get3A_591, %shift_right_arithmetic3A_593 : vector<16xi32>
        %swap3A_595 = arith.constant 80 : index
        %swap3A_596 = tpu.vector_load %arg7[%swap3A_595] {strides = array<i32>} : memref<128xi32, #tpu.memory_space<vmem>>, vector<16xi32>,
        tpu.vector_store %arg7[%swap3A_595], %shift_right_arithmetic3A_594 {strides = array<i32>} : memref<128xi32, #tpu.memory_space<vmem>>, vector<16xi32>,
        %get3A_597 = arith.index_cast %add3A_548 : i32 to index
        %get3A_598 = arith.constant 96 : index
        %get3A_599 = tpu.vector_load %arg5[%get3A_597, %get3A_598] {strides = array<i32>} : memref<200x128xi32, #tpu.memory_space<vmem>>, vector<16xi32>,
        %shift_right_arithmetic3A_600 = arith.constant 1 : i32
        %shift_right_arithmetic3A_601 = vector.broadcast %shift_right_arithmetic3A_600 : i32 to vector<16xi32>
        %shift_right_arithmetic3A_602 = arith.shrsi %get3A_599, %shift_right_arithmetic3A_601 : vector<16xi32>
        %swap3A_603 = arith.constant 96 : index
        %swap3A_604 = tpu.vector_load %arg7[%swap3A_603] {strides = array<i32>} : memref<128xi32, #tpu.memory_space<vmem>>, vector<16xi32>,
        tpu.vector_store %arg7[%swap3A_603], %shift_right_arithmetic3A_602 {strides = array<i32>} : memref<128xi32, #tpu.memory_space<vmem>>, vector<16xi32>,
        %get3A_605 = arith.index_cast %add3A_548 : i32 to index
        %get3A_606 = arith.constant 112 : index
        %get3A_607 = tpu.vector_load %arg5[%get3A_605, %get3A_606] {strides = array<i32>} : memref<200x128xi32, #tpu.memory_space<vmem>>, vector<16xi32>,
        %shift_right_arithmetic3A_608 = arith.constant 1 : i32
        %shift_right_arithmetic3A_609 = vector.broadcast %shift_right_arithmetic3A_608 : i32 to vector<16xi32>
        %shift_right_arithmetic3A_610 = arith.shrsi %get3A_607, %shift_right_arithmetic3A_609 : vector<16xi32>
        %swap3A_611 = arith.constant 112 : index
        %swap3A_612 = tpu.vector_load %arg7[%swap3A_611] {strides = array<i32>} : memref<128xi32, #tpu.memory_space<vmem>>, vector<16xi32>,
        tpu.vector_store %arg7[%swap3A_611], %shift_right_arithmetic3A_610 {strides = array<i32>} : memref<128xi32, #tpu.memory_space<vmem>>, vector<16xi32>,
        %add3A_613 = arith.constant 4 : i32
        %add3A_614 = arith.addi %add3A_453, %add3A_613 : i32
        %dma_start3A_615 = arith.constant 0 : i32
        %dma_start3A_616 = arith.constant 0 : i32
        %dma_start3A_617 = tpu.memref_slice %arg3[%dma_start3A_615, %dma_start3A_616] : memref<500000x128xf32, #tpu.memory_space<hbm>> -> memref<500000x128xf32, #tpu.memory_space<hbm>>
        tpu.enqueue_indirect_dma source(%dma_start3A_617 : memref<500000x128xf32, #tpu.memory_space<hbm>>) target(%arg11 : memref<128x128xf32, #tpu.memory_space<vmem>>) offsets(%arg7 : memref<128xi32, #tpu.memory_space<vmem>>) semaphore(%arg17 : memref<!tpu.dma_semaphore, #tpu.memory_space<semaphore_mem>>)
      } else {
      }
      %dma_start3A_472 = arith.constant 0 : i32
      %dma_start3A_473 = arith.constant 0 : i32
      %dma_start3A_474 = arith.constant 0 : i32
      %dma_start3A_475 = tpu.memref_slice %arg4[%add3A_453, %dma_start3A_472, %add3A, %dma_start3A_473, %dma_start3A_474] : memref<200x8x32x8x128xf32, #tpu.memory_space<hbm>> -> memref<1x8x1x8x128xf32, #tpu.memory_space<hbm>>
      %dma_start3A_476 = tpu.memref_squeeze %dma_start3A_475 : memref<1x8x1x8x128xf32, #tpu.memory_space<hbm>> -> memref<8x8x128xf32, #tpu.memory_space<hbm>>
      %dma_start3A_477 = arith.constant 0 : i32
      %dma_start3A_478 = arith.constant 0 : i32
      %dma_start3A_479 = arith.constant 0 : i32
      %dma_start3A_480 = tpu.memref_slice %arg4[%add3A_453, %dma_start3A_477, %add3A, %dma_start3A_478, %dma_start3A_479] : memref<200x8x32x8x128xf32, #tpu.memory_space<hbm>> -> memref<1x8x1x8x128xf32, #tpu.memory_space<hbm>>
      %dma_start3A_481 = tpu.memref_squeeze %dma_start3A_480 : memref<1x8x1x8x128xf32, #tpu.memory_space<hbm>> -> memref<8x8x128xf32, #tpu.memory_space<hbm>>
      tpu.enqueue_dma source(%arg15 : memref<8x8x128xf32, #tpu.memory_space<vmem>>) target(%dma_start3A_481 : memref<8x8x128xf32, #tpu.memory_space<hbm>>) target_semaphore(%arg21 : memref<!tpu.dma_semaphore, #tpu.memory_space<semaphore_mem>>)
      %mul3A_482 = arith.constant 4 : i32
      %mul3A_483 = arith.muli %scan3A_421, %mul3A_482 : i32
      %add3A_484 = arith.constant 2 : i32
      %add3A_485 = arith.addi %mul3A_483, %add3A_484 : i32
      %dma_wait3A_486 = arith.constant 0 : i32
      %dma_wait3A_487 = arith.constant 0 : i32
      %dma_wait3A_488 = tpu.memref_slice %arg3[%dma_wait3A_486, %dma_wait3A_487] : memref<500000x128xf32, #tpu.memory_space<hbm>> -> memref<500000x128xf32, #tpu.memory_space<hbm>>
      tpu.wait_indirect_dma semaphore(%arg18 : memref<!tpu.dma_semaphore, #tpu.memory_space<semaphore_mem>>) src(%dma_wait3A_488 : memref<500000x128xf32, #tpu.memory_space<hbm>>) dst(%arg12 : memref<128x128xf32, #tpu.memory_space<vmem>>)
      %ge3A_489 = arith.constant 2 : i32
      %ge3A_490 = arith.cmpi sge, %add3A_485, %ge3A_489 : i32
      %convert_element_type3A_491 = arith.extui %ge3A_490 : i1 to i32
      %cond3A_492 = arith.constant 0 : i32
      %cond3A_493 = arith.cmpi ne, %convert_element_type3A_491, %cond3A_492 : i32
      scf.if %cond3A_493 {
        %sub3A = arith.constant 2 : i32
        %sub3A_547 = arith.subi %add3A_485, %sub3A : i32
        %dma_wait3A_548 = arith.constant 0 : i32
        %dma_wait3A_549 = arith.constant 0 : i32
        %dma_wait3A_550 = arith.constant 0 : i32
        %dma_wait3A_551 = tpu.memref_slice %arg4[%sub3A_547, %dma_wait3A_548, %add3A, %dma_wait3A_549, %dma_wait3A_550] : memref<200x8x32x8x128xf32, #tpu.memory_space<hbm>> -> memref<1x8x1x8x128xf32, #tpu.memory_space<hbm>>
        %dma_wait3A_552 = tpu.memref_squeeze %dma_wait3A_551 : memref<1x8x1x8x128xf32, #tpu.memory_space<hbm>> -> memref<8x8x128xf32, #tpu.memory_space<hbm>>
        %dma_wait3A_553 = arith.constant 0 : i32
        %dma_wait3A_554 = arith.constant 0 : i32
        %dma_wait3A_555 = arith.constant 0 : i32
        %dma_wait3A_556 = tpu.memref_slice %arg4[%sub3A_547, %dma_wait3A_553, %add3A, %dma_wait3A_554, %dma_wait3A_555] : memref<200x8x32x8x128xf32, #tpu.memory_space<hbm>> -> memref<1x8x1x8x128xf32, #tpu.memory_space<hbm>>
        %dma_wait3A_557 = tpu.memref_squeeze %dma_wait3A_556 : memref<1x8x1x8x128xf32, #tpu.memory_space<hbm>> -> memref<8x8x128xf32, #tpu.memory_space<hbm>>
        tpu.wait_dma2 semaphore(%arg20 : memref<!tpu.dma_semaphore, #tpu.memory_space<semaphore_mem>>) src(%arg14 : memref<8x8x128xf32, #tpu.memory_space<vmem>>) dst(%dma_wait3A_557 : memref<8x8x128xf32, #tpu.memory_space<hbm>>)
      } else {
      }
      %parallel_loop3A_494 = arith.constant 0 : i32
      %parallel_loop3A_495 = arith.constant 32 : i32
      %parallel_loop3A_496 = arith.constant 1 : i32
      scf.for %parallel_loop3A_547 = %parallel_loop3A_494 to %parallel_loop3A_495 step %parallel_loop3A_496  : i32 {
        %parallel_loop3A_548 = arith.constant 3 : i32
        %parallel_loop3A_549 = arith.shrsi %parallel_loop3A_547, %parallel_loop3A_548 : i32
        %parallel_loop3A_550 = arith.constant 16 : i32
        %parallel_loop3A_551 = arith.muli %parallel_loop3A_549, %parallel_loop3A_550 : i32
        %parallel_loop3A_552 = arith.constant 7 : i32
        %parallel_loop3A_553 = arith.andi %parallel_loop3A_547, %parallel_loop3A_552 : i32
        %parallel_loop3A_554 = arith.constant 16 : i32
        %parallel_loop3A_555 = arith.muli %parallel_loop3A_553, %parallel_loop3A_554 : i32
        %parallel_loop3A_556 = vector.broadcast %parallel_loop3A_555 : i32 to vector<16xi32>
        %parallel_loop3A_557 = arith.addi %iota3A, %parallel_loop3A_556 : vector<16xi32>
        %parallel_loop3A_558 = arith.constant 16 : i32
        %parallel_loop3A_559 = arith.muli %parallel_loop3A_553, %parallel_loop3A_558 : i32
        %parallel_loop3A_560 = arith.index_cast %add3A_485 : i32 to index
        %parallel_loop3A_561 = arith.index_cast %parallel_loop3A_559 : i32 to index
        %parallel_loop3A_562 = tpu.vector_load %arg5[%parallel_loop3A_560, %parallel_loop3A_561] {strides = array<i32>} : memref<200x128xi32, #tpu.memory_space<vmem>>, vector<16xi32>,
        %parallel_loop3A_563 = arith.constant 1 : i32
        %parallel_loop3A_564 = vector.broadcast %parallel_loop3A_563 : i32 to vector<16xi32>
        %parallel_loop3A_565 = arith.andi %parallel_loop3A_562, %parallel_loop3A_564 : vector<16xi32>
        %parallel_loop3A_566 = arith.constant 64 : i32
        %parallel_loop3A_567 = vector.broadcast %parallel_loop3A_566 : i32 to vector<16xi32>
        %parallel_loop3A_568 = arith.muli %parallel_loop3A_565, %parallel_loop3A_567 : vector<16xi32>
        %parallel_loop3A_569 = vector.broadcast %parallel_loop3A_551 : i32 to vector<16xi32>
        %parallel_loop3A_570 = arith.addi %and3A_303, %parallel_loop3A_569 : vector<16xi32>
        %parallel_loop3A_571 = arith.addi %parallel_loop3A_568, %parallel_loop3A_570 : vector<16xi32>
        %parallel_loop3A_572 = tpu.vector_load_idx %arg12[%parallel_loop3A_557, %parallel_loop3A_571] : memref<128x128xf32, #tpu.memory_space<vmem>>[vector<16xi32>, vector<16xi32>], vector<16xf32>,
        %parallel_loop3A_573 = arith.constant 3 : i32
        %parallel_loop3A_574 = vector.broadcast %parallel_loop3A_573 : i32 to vector<16xi32>
        %parallel_loop3A_575 = arith.shrsi %parallel_loop3A_570, %parallel_loop3A_574 : vector<16xi32>
        %parallel_loop3A_576 = arith.constant 7 : i32
        %parallel_loop3A_577 = vector.broadcast %parallel_loop3A_576 : i32 to vector<16xi32>
        %parallel_loop3A_578 = arith.andi %parallel_loop3A_570, %parallel_loop3A_577 : vector<16xi32>
        %parallel_loop3A_579 = arith.constant 8.000000e+00 : f32
        %parallel_loop3A_580 = vector.broadcast %parallel_loop3A_579 : f32 to vector<16xf32>
        %parallel_loop3A_581 = arith.mulf %parallel_loop3A_572, %parallel_loop3A_580 : vector<16xf32>
        tpu.vector_store_idx %arg14[%parallel_loop3A_575, %parallel_loop3A_578, %parallel_loop3A_557], %parallel_loop3A_581 : memref<8x8x128xf32, #tpu.memory_space<vmem>>[vector<16xi32>, vector<16xi32>, vector<16xi32>], vector<16xf32>,
        %parallel_loop3A_582 = vector.broadcast %parallel_loop3A_551 : i32 to vector<16xi32>
        %parallel_loop3A_583 = arith.addi %and3A_309, %parallel_loop3A_582 : vector<16xi32>
        %parallel_loop3A_584 = arith.addi %parallel_loop3A_568, %parallel_loop3A_583 : vector<16xi32>
        %parallel_loop3A_585 = tpu.vector_load_idx %arg12[%parallel_loop3A_557, %parallel_loop3A_584] : memref<128x128xf32, #tpu.memory_space<vmem>>[vector<16xi32>, vector<16xi32>], vector<16xf32>,
        %parallel_loop3A_586 = arith.constant 3 : i32
        %parallel_loop3A_587 = vector.broadcast %parallel_loop3A_586 : i32 to vector<16xi32>
        %parallel_loop3A_588 = arith.shrsi %parallel_loop3A_583, %parallel_loop3A_587 : vector<16xi32>
        %parallel_loop3A_589 = arith.constant 7 : i32
        %parallel_loop3A_590 = vector.broadcast %parallel_loop3A_589 : i32 to vector<16xi32>
        %parallel_loop3A_591 = arith.andi %parallel_loop3A_583, %parallel_loop3A_590 : vector<16xi32>
        %parallel_loop3A_592 = arith.constant 8.000000e+00 : f32
        %parallel_loop3A_593 = vector.broadcast %parallel_loop3A_592 : f32 to vector<16xf32>
        %parallel_loop3A_594 = arith.mulf %parallel_loop3A_585, %parallel_loop3A_593 : vector<16xf32>
        tpu.vector_store_idx %arg14[%parallel_loop3A_588, %parallel_loop3A_591, %parallel_loop3A_557], %parallel_loop3A_594 : memref<8x8x128xf32, #tpu.memory_space<vmem>>[vector<16xi32>, vector<16xi32>, vector<16xi32>], vector<16xf32>,
        %parallel_loop3A_595 = vector.broadcast %parallel_loop3A_551 : i32 to vector<16xi32>
        %parallel_loop3A_596 = arith.addi %and3A_315, %parallel_loop3A_595 : vector<16xi32>
        %parallel_loop3A_597 = arith.addi %parallel_loop3A_568, %parallel_loop3A_596 : vector<16xi32>
        %parallel_loop3A_598 = tpu.vector_load_idx %arg12[%parallel_loop3A_557, %parallel_loop3A_597] : memref<128x128xf32, #tpu.memory_space<vmem>>[vector<16xi32>, vector<16xi32>], vector<16xf32>,
        %parallel_loop3A_599 = arith.constant 3 : i32
        %parallel_loop3A_600 = vector.broadcast %parallel_loop3A_599 : i32 to vector<16xi32>
        %parallel_loop3A_601 = arith.shrsi %parallel_loop3A_596, %parallel_loop3A_600 : vector<16xi32>
        %parallel_loop3A_602 = arith.constant 7 : i32
        %parallel_loop3A_603 = vector.broadcast %parallel_loop3A_602 : i32 to vector<16xi32>
        %parallel_loop3A_604 = arith.andi %parallel_loop3A_596, %parallel_loop3A_603 : vector<16xi32>
        %parallel_loop3A_605 = arith.constant 8.000000e+00 : f32
        %parallel_loop3A_606 = vector.broadcast %parallel_loop3A_605 : f32 to vector<16xf32>
        %parallel_loop3A_607 = arith.mulf %parallel_loop3A_598, %parallel_loop3A_606 : vector<16xf32>
        tpu.vector_store_idx %arg14[%parallel_loop3A_601, %parallel_loop3A_604, %parallel_loop3A_557], %parallel_loop3A_607 : memref<8x8x128xf32, #tpu.memory_space<vmem>>[vector<16xi32>, vector<16xi32>, vector<16xi32>], vector<16xf32>,
        %parallel_loop3A_608 = vector.broadcast %parallel_loop3A_551 : i32 to vector<16xi32>
        %parallel_loop3A_609 = arith.addi %and3A_321, %parallel_loop3A_608 : vector<16xi32>
        %parallel_loop3A_610 = arith.addi %parallel_loop3A_568, %parallel_loop3A_609 : vector<16xi32>
        %parallel_loop3A_611 = tpu.vector_load_idx %arg12[%parallel_loop3A_557, %parallel_loop3A_610] : memref<128x128xf32, #tpu.memory_space<vmem>>[vector<16xi32>, vector<16xi32>], vector<16xf32>,
        %parallel_loop3A_612 = arith.constant 3 : i32
        %parallel_loop3A_613 = vector.broadcast %parallel_loop3A_612 : i32 to vector<16xi32>
        %parallel_loop3A_614 = arith.shrsi %parallel_loop3A_609, %parallel_loop3A_613 : vector<16xi32>
        %parallel_loop3A_615 = arith.constant 7 : i32
        %parallel_loop3A_616 = vector.broadcast %parallel_loop3A_615 : i32 to vector<16xi32>
        %parallel_loop3A_617 = arith.andi %parallel_loop3A_609, %parallel_loop3A_616 : vector<16xi32>
        %parallel_loop3A_618 = arith.constant 8.000000e+00 : f32
        %parallel_loop3A_619 = vector.broadcast %parallel_loop3A_618 : f32 to vector<16xf32>
        %parallel_loop3A_620 = arith.mulf %parallel_loop3A_611, %parallel_loop3A_619 : vector<16xf32>
        tpu.vector_store_idx %arg14[%parallel_loop3A_614, %parallel_loop3A_617, %parallel_loop3A_557], %parallel_loop3A_620 : memref<8x8x128xf32, #tpu.memory_space<vmem>>[vector<16xi32>, vector<16xi32>, vector<16xi32>], vector<16xf32>,
        %parallel_loop3A_621 = vector.broadcast %parallel_loop3A_551 : i32 to vector<16xi32>
        %parallel_loop3A_622 = arith.addi %and3A_327, %parallel_loop3A_621 : vector<16xi32>
        %parallel_loop3A_623 = arith.addi %parallel_loop3A_568, %parallel_loop3A_622 : vector<16xi32>
        %parallel_loop3A_624 = tpu.vector_load_idx %arg12[%parallel_loop3A_557, %parallel_loop3A_623] : memref<128x128xf32, #tpu.memory_space<vmem>>[vector<16xi32>, vector<16xi32>], vector<16xf32>,
        %parallel_loop3A_625 = arith.constant 3 : i32
        %parallel_loop3A_626 = vector.broadcast %parallel_loop3A_625 : i32 to vector<16xi32>
        %parallel_loop3A_627 = arith.shrsi %parallel_loop3A_622, %parallel_loop3A_626 : vector<16xi32>
        %parallel_loop3A_628 = arith.constant 7 : i32
        %parallel_loop3A_629 = vector.broadcast %parallel_loop3A_628 : i32 to vector<16xi32>
        %parallel_loop3A_630 = arith.andi %parallel_loop3A_622, %parallel_loop3A_629 : vector<16xi32>
        %parallel_loop3A_631 = arith.constant 8.000000e+00 : f32
        %parallel_loop3A_632 = vector.broadcast %parallel_loop3A_631 : f32 to vector<16xf32>
        %parallel_loop3A_633 = arith.mulf %parallel_loop3A_624, %parallel_loop3A_632 : vector<16xf32>
        tpu.vector_store_idx %arg14[%parallel_loop3A_627, %parallel_loop3A_630, %parallel_loop3A_557], %parallel_loop3A_633 : memref<8x8x128xf32, #tpu.memory_space<vmem>>[vector<16xi32>, vector<16xi32>, vector<16xi32>], vector<16xf32>,
        %parallel_loop3A_634 = vector.broadcast %parallel_loop3A_551 : i32 to vector<16xi32>
        %parallel_loop3A_635 = arith.addi %and3A_333, %parallel_loop3A_634 : vector<16xi32>
        %parallel_loop3A_636 = arith.addi %parallel_loop3A_568, %parallel_loop3A_635 : vector<16xi32>
        %parallel_loop3A_637 = tpu.vector_load_idx %arg12[%parallel_loop3A_557, %parallel_loop3A_636] : memref<128x128xf32, #tpu.memory_space<vmem>>[vector<16xi32>, vector<16xi32>], vector<16xf32>,
        %parallel_loop3A_638 = arith.constant 3 : i32
        %parallel_loop3A_639 = vector.broadcast %parallel_loop3A_638 : i32 to vector<16xi32>
        %parallel_loop3A_640 = arith.shrsi %parallel_loop3A_635, %parallel_loop3A_639 : vector<16xi32>
        %parallel_loop3A_641 = arith.constant 7 : i32
        %parallel_loop3A_642 = vector.broadcast %parallel_loop3A_641 : i32 to vector<16xi32>
        %parallel_loop3A_643 = arith.andi %parallel_loop3A_635, %parallel_loop3A_642 : vector<16xi32>
        %parallel_loop3A_644 = arith.constant 8.000000e+00 : f32
        %parallel_loop3A_645 = vector.broadcast %parallel_loop3A_644 : f32 to vector<16xf32>
        %parallel_loop3A_646 = arith.mulf %parallel_loop3A_637, %parallel_loop3A_645 : vector<16xf32>
        tpu.vector_store_idx %arg14[%parallel_loop3A_640, %parallel_loop3A_643, %parallel_loop3A_557], %parallel_loop3A_646 : memref<8x8x128xf32, #tpu.memory_space<vmem>>[vector<16xi32>, vector<16xi32>, vector<16xi32>], vector<16xf32>,
        %parallel_loop3A_647 = vector.broadcast %parallel_loop3A_551 : i32 to vector<16xi32>
        %parallel_loop3A_648 = arith.addi %and3A_339, %parallel_loop3A_647 : vector<16xi32>
        %parallel_loop3A_649 = arith.addi %parallel_loop3A_568, %parallel_loop3A_648 : vector<16xi32>
        %parallel_loop3A_650 = tpu.vector_load_idx %arg12[%parallel_loop3A_557, %parallel_loop3A_649] : memref<128x128xf32, #tpu.memory_space<vmem>>[vector<16xi32>, vector<16xi32>], vector<16xf32>,
        %parallel_loop3A_651 = arith.constant 3 : i32
        %parallel_loop3A_652 = vector.broadcast %parallel_loop3A_651 : i32 to vector<16xi32>
        %parallel_loop3A_653 = arith.shrsi %parallel_loop3A_648, %parallel_loop3A_652 : vector<16xi32>
        %parallel_loop3A_654 = arith.constant 7 : i32
        %parallel_loop3A_655 = vector.broadcast %parallel_loop3A_654 : i32 to vector<16xi32>
        %parallel_loop3A_656 = arith.andi %parallel_loop3A_648, %parallel_loop3A_655 : vector<16xi32>
        %parallel_loop3A_657 = arith.constant 8.000000e+00 : f32
        %parallel_loop3A_658 = vector.broadcast %parallel_loop3A_657 : f32 to vector<16xf32>
        %parallel_loop3A_659 = arith.mulf %parallel_loop3A_650, %parallel_loop3A_658 : vector<16xf32>
        tpu.vector_store_idx %arg14[%parallel_loop3A_653, %parallel_loop3A_656, %parallel_loop3A_557], %parallel_loop3A_659 : memref<8x8x128xf32, #tpu.memory_space<vmem>>[vector<16xi32>, vector<16xi32>, vector<16xi32>], vector<16xf32>,
        %parallel_loop3A_660 = vector.broadcast %parallel_loop3A_551 : i32 to vector<16xi32>
        %parallel_loop3A_661 = arith.addi %and3A_345, %parallel_loop3A_660 : vector<16xi32>
        %parallel_loop3A_662 = arith.addi %parallel_loop3A_568, %parallel_loop3A_661 : vector<16xi32>
        %parallel_loop3A_663 = tpu.vector_load_idx %arg12[%parallel_loop3A_557, %parallel_loop3A_662] : memref<128x128xf32, #tpu.memory_space<vmem>>[vector<16xi32>, vector<16xi32>], vector<16xf32>,
        %parallel_loop3A_664 = arith.constant 3 : i32
        %parallel_loop3A_665 = vector.broadcast %parallel_loop3A_664 : i32 to vector<16xi32>
        %parallel_loop3A_666 = arith.shrsi %parallel_loop3A_661, %parallel_loop3A_665 : vector<16xi32>
        %parallel_loop3A_667 = arith.constant 7 : i32
        %parallel_loop3A_668 = vector.broadcast %parallel_loop3A_667 : i32 to vector<16xi32>
        %parallel_loop3A_669 = arith.andi %parallel_loop3A_661, %parallel_loop3A_668 : vector<16xi32>
        %parallel_loop3A_670 = arith.constant 8.000000e+00 : f32
        %parallel_loop3A_671 = vector.broadcast %parallel_loop3A_670 : f32 to vector<16xf32>
        %parallel_loop3A_672 = arith.mulf %parallel_loop3A_663, %parallel_loop3A_671 : vector<16xf32>
        tpu.vector_store_idx %arg14[%parallel_loop3A_666, %parallel_loop3A_669, %parallel_loop3A_557], %parallel_loop3A_672 : memref<8x8x128xf32, #tpu.memory_space<vmem>>[vector<16xi32>, vector<16xi32>, vector<16xi32>], vector<16xf32>,
        %parallel_loop3A_673 = vector.broadcast %parallel_loop3A_551 : i32 to vector<16xi32>
        %parallel_loop3A_674 = arith.addi %and3A_351, %parallel_loop3A_673 : vector<16xi32>
        %parallel_loop3A_675 = arith.addi %parallel_loop3A_568, %parallel_loop3A_674 : vector<16xi32>
        %parallel_loop3A_676 = tpu.vector_load_idx %arg12[%parallel_loop3A_557, %parallel_loop3A_675] : memref<128x128xf32, #tpu.memory_space<vmem>>[vector<16xi32>, vector<16xi32>], vector<16xf32>,
        %parallel_loop3A_677 = arith.constant 3 : i32
        %parallel_loop3A_678 = vector.broadcast %parallel_loop3A_677 : i32 to vector<16xi32>
        %parallel_loop3A_679 = arith.shrsi %parallel_loop3A_674, %parallel_loop3A_678 : vector<16xi32>
        %parallel_loop3A_680 = arith.constant 7 : i32
        %parallel_loop3A_681 = vector.broadcast %parallel_loop3A_680 : i32 to vector<16xi32>
        %parallel_loop3A_682 = arith.andi %parallel_loop3A_674, %parallel_loop3A_681 : vector<16xi32>
        %parallel_loop3A_683 = arith.constant 8.000000e+00 : f32
        %parallel_loop3A_684 = vector.broadcast %parallel_loop3A_683 : f32 to vector<16xf32>
        %parallel_loop3A_685 = arith.mulf %parallel_loop3A_676, %parallel_loop3A_684 : vector<16xf32>
        tpu.vector_store_idx %arg14[%parallel_loop3A_679, %parallel_loop3A_682, %parallel_loop3A_557], %parallel_loop3A_685 : memref<8x8x128xf32, #tpu.memory_space<vmem>>[vector<16xi32>, vector<16xi32>, vector<16xi32>], vector<16xf32>,
        %parallel_loop3A_686 = vector.broadcast %parallel_loop3A_551 : i32 to vector<16xi32>
        %parallel_loop3A_687 = arith.addi %and3A_357, %parallel_loop3A_686 : vector<16xi32>
        %parallel_loop3A_688 = arith.addi %parallel_loop3A_568, %parallel_loop3A_687 : vector<16xi32>
        %parallel_loop3A_689 = tpu.vector_load_idx %arg12[%parallel_loop3A_557, %parallel_loop3A_688] : memref<128x128xf32, #tpu.memory_space<vmem>>[vector<16xi32>, vector<16xi32>], vector<16xf32>,
        %parallel_loop3A_690 = arith.constant 3 : i32
        %parallel_loop3A_691 = vector.broadcast %parallel_loop3A_690 : i32 to vector<16xi32>
        %parallel_loop3A_692 = arith.shrsi %parallel_loop3A_687, %parallel_loop3A_691 : vector<16xi32>
        %parallel_loop3A_693 = arith.constant 7 : i32
        %parallel_loop3A_694 = vector.broadcast %parallel_loop3A_693 : i32 to vector<16xi32>
        %parallel_loop3A_695 = arith.andi %parallel_loop3A_687, %parallel_loop3A_694 : vector<16xi32>
        %parallel_loop3A_696 = arith.constant 8.000000e+00 : f32
        %parallel_loop3A_697 = vector.broadcast %parallel_loop3A_696 : f32 to vector<16xf32>
        %parallel_loop3A_698 = arith.mulf %parallel_loop3A_689, %parallel_loop3A_697 : vector<16xf32>
        tpu.vector_store_idx %arg14[%parallel_loop3A_692, %parallel_loop3A_695, %parallel_loop3A_557], %parallel_loop3A_698 : memref<8x8x128xf32, #tpu.memory_space<vmem>>[vector<16xi32>, vector<16xi32>, vector<16xi32>], vector<16xf32>,
        %parallel_loop3A_699 = vector.broadcast %parallel_loop3A_551 : i32 to vector<16xi32>
        %parallel_loop3A_700 = arith.addi %and3A_363, %parallel_loop3A_699 : vector<16xi32>
        %parallel_loop3A_701 = arith.addi %parallel_loop3A_568, %parallel_loop3A_700 : vector<16xi32>
        %parallel_loop3A_702 = tpu.vector_load_idx %arg12[%parallel_loop3A_557, %parallel_loop3A_701] : memref<128x128xf32, #tpu.memory_space<vmem>>[vector<16xi32>, vector<16xi32>], vector<16xf32>,
        %parallel_loop3A_703 = arith.constant 3 : i32
        %parallel_loop3A_704 = vector.broadcast %parallel_loop3A_703 : i32 to vector<16xi32>
        %parallel_loop3A_705 = arith.shrsi %parallel_loop3A_700, %parallel_loop3A_704 : vector<16xi32>
        %parallel_loop3A_706 = arith.constant 7 : i32
        %parallel_loop3A_707 = vector.broadcast %parallel_loop3A_706 : i32 to vector<16xi32>
        %parallel_loop3A_708 = arith.andi %parallel_loop3A_700, %parallel_loop3A_707 : vector<16xi32>
        %parallel_loop3A_709 = arith.constant 8.000000e+00 : f32
        %parallel_loop3A_710 = vector.broadcast %parallel_loop3A_709 : f32 to vector<16xf32>
        %parallel_loop3A_711 = arith.mulf %parallel_loop3A_702, %parallel_loop3A_710 : vector<16xf32>
        tpu.vector_store_idx %arg14[%parallel_loop3A_705, %parallel_loop3A_708, %parallel_loop3A_557], %parallel_loop3A_711 : memref<8x8x128xf32, #tpu.memory_space<vmem>>[vector<16xi32>, vector<16xi32>, vector<16xi32>], vector<16xf32>,
        %parallel_loop3A_712 = vector.broadcast %parallel_loop3A_551 : i32 to vector<16xi32>
        %parallel_loop3A_713 = arith.addi %and3A_369, %parallel_loop3A_712 : vector<16xi32>
        %parallel_loop3A_714 = arith.addi %parallel_loop3A_568, %parallel_loop3A_713 : vector<16xi32>
        %parallel_loop3A_715 = tpu.vector_load_idx %arg12[%parallel_loop3A_557, %parallel_loop3A_714] : memref<128x128xf32, #tpu.memory_space<vmem>>[vector<16xi32>, vector<16xi32>], vector<16xf32>,
        %parallel_loop3A_716 = arith.constant 3 : i32
        %parallel_loop3A_717 = vector.broadcast %parallel_loop3A_716 : i32 to vector<16xi32>
        %parallel_loop3A_718 = arith.shrsi %parallel_loop3A_713, %parallel_loop3A_717 : vector<16xi32>
        %parallel_loop3A_719 = arith.constant 7 : i32
        %parallel_loop3A_720 = vector.broadcast %parallel_loop3A_719 : i32 to vector<16xi32>
        %parallel_loop3A_721 = arith.andi %parallel_loop3A_713, %parallel_loop3A_720 : vector<16xi32>
        %parallel_loop3A_722 = arith.constant 8.000000e+00 : f32
        %parallel_loop3A_723 = vector.broadcast %parallel_loop3A_722 : f32 to vector<16xf32>
        %parallel_loop3A_724 = arith.mulf %parallel_loop3A_715, %parallel_loop3A_723 : vector<16xf32>
        tpu.vector_store_idx %arg14[%parallel_loop3A_718, %parallel_loop3A_721, %parallel_loop3A_557], %parallel_loop3A_724 : memref<8x8x128xf32, #tpu.memory_space<vmem>>[vector<16xi32>, vector<16xi32>, vector<16xi32>], vector<16xf32>,
        %parallel_loop3A_725 = vector.broadcast %parallel_loop3A_551 : i32 to vector<16xi32>
        %parallel_loop3A_726 = arith.addi %and3A_375, %parallel_loop3A_725 : vector<16xi32>
        %parallel_loop3A_727 = arith.addi %parallel_loop3A_568, %parallel_loop3A_726 : vector<16xi32>
        %parallel_loop3A_728 = tpu.vector_load_idx %arg12[%parallel_loop3A_557, %parallel_loop3A_727] : memref<128x128xf32, #tpu.memory_space<vmem>>[vector<16xi32>, vector<16xi32>], vector<16xf32>,
        %parallel_loop3A_729 = arith.constant 3 : i32
        %parallel_loop3A_730 = vector.broadcast %parallel_loop3A_729 : i32 to vector<16xi32>
        %parallel_loop3A_731 = arith.shrsi %parallel_loop3A_726, %parallel_loop3A_730 : vector<16xi32>
        %parallel_loop3A_732 = arith.constant 7 : i32
        %parallel_loop3A_733 = vector.broadcast %parallel_loop3A_732 : i32 to vector<16xi32>
        %parallel_loop3A_734 = arith.andi %parallel_loop3A_726, %parallel_loop3A_733 : vector<16xi32>
        %parallel_loop3A_735 = arith.constant 8.000000e+00 : f32
        %parallel_loop3A_736 = vector.broadcast %parallel_loop3A_735 : f32 to vector<16xf32>
        %parallel_loop3A_737 = arith.mulf %parallel_loop3A_728, %parallel_loop3A_736 : vector<16xf32>
        tpu.vector_store_idx %arg14[%parallel_loop3A_731, %parallel_loop3A_734, %parallel_loop3A_557], %parallel_loop3A_737 : memref<8x8x128xf32, #tpu.memory_space<vmem>>[vector<16xi32>, vector<16xi32>, vector<16xi32>], vector<16xf32>,
        %parallel_loop3A_738 = vector.broadcast %parallel_loop3A_551 : i32 to vector<16xi32>
        %parallel_loop3A_739 = arith.addi %and3A_381, %parallel_loop3A_738 : vector<16xi32>
        %parallel_loop3A_740 = arith.addi %parallel_loop3A_568, %parallel_loop3A_739 : vector<16xi32>
        %parallel_loop3A_741 = tpu.vector_load_idx %arg12[%parallel_loop3A_557, %parallel_loop3A_740] : memref<128x128xf32, #tpu.memory_space<vmem>>[vector<16xi32>, vector<16xi32>], vector<16xf32>,
        %parallel_loop3A_742 = arith.constant 3 : i32
        %parallel_loop3A_743 = vector.broadcast %parallel_loop3A_742 : i32 to vector<16xi32>
        %parallel_loop3A_744 = arith.shrsi %parallel_loop3A_739, %parallel_loop3A_743 : vector<16xi32>
        %parallel_loop3A_745 = arith.constant 7 : i32
        %parallel_loop3A_746 = vector.broadcast %parallel_loop3A_745 : i32 to vector<16xi32>
        %parallel_loop3A_747 = arith.andi %parallel_loop3A_739, %parallel_loop3A_746 : vector<16xi32>
        %parallel_loop3A_748 = arith.constant 8.000000e+00 : f32
        %parallel_loop3A_749 = vector.broadcast %parallel_loop3A_748 : f32 to vector<16xf32>
        %parallel_loop3A_750 = arith.mulf %parallel_loop3A_741, %parallel_loop3A_749 : vector<16xf32>
        tpu.vector_store_idx %arg14[%parallel_loop3A_744, %parallel_loop3A_747, %parallel_loop3A_557], %parallel_loop3A_750 : memref<8x8x128xf32, #tpu.memory_space<vmem>>[vector<16xi32>, vector<16xi32>, vector<16xi32>], vector<16xf32>,
        %parallel_loop3A_751 = vector.broadcast %parallel_loop3A_551 : i32 to vector<16xi32>
        %parallel_loop3A_752 = arith.addi %and3A_387, %parallel_loop3A_751 : vector<16xi32>
        %parallel_loop3A_753 = arith.addi %parallel_loop3A_568, %parallel_loop3A_752 : vector<16xi32>
        %parallel_loop3A_754 = tpu.vector_load_idx %arg12[%parallel_loop3A_557, %parallel_loop3A_753] : memref<128x128xf32, #tpu.memory_space<vmem>>[vector<16xi32>, vector<16xi32>], vector<16xf32>,
        %parallel_loop3A_755 = arith.constant 3 : i32
        %parallel_loop3A_756 = vector.broadcast %parallel_loop3A_755 : i32 to vector<16xi32>
        %parallel_loop3A_757 = arith.shrsi %parallel_loop3A_752, %parallel_loop3A_756 : vector<16xi32>
        %parallel_loop3A_758 = arith.constant 7 : i32
        %parallel_loop3A_759 = vector.broadcast %parallel_loop3A_758 : i32 to vector<16xi32>
        %parallel_loop3A_760 = arith.andi %parallel_loop3A_752, %parallel_loop3A_759 : vector<16xi32>
        %parallel_loop3A_761 = arith.constant 8.000000e+00 : f32
        %parallel_loop3A_762 = vector.broadcast %parallel_loop3A_761 : f32 to vector<16xf32>
        %parallel_loop3A_763 = arith.mulf %parallel_loop3A_754, %parallel_loop3A_762 : vector<16xf32>
        tpu.vector_store_idx %arg14[%parallel_loop3A_757, %parallel_loop3A_760, %parallel_loop3A_557], %parallel_loop3A_763 : memref<8x8x128xf32, #tpu.memory_space<vmem>>[vector<16xi32>, vector<16xi32>, vector<16xi32>], vector<16xf32>,
        %parallel_loop3A_764 = vector.broadcast %parallel_loop3A_551 : i32 to vector<16xi32>
        %parallel_loop3A_765 = arith.addi %and3A_393, %parallel_loop3A_764 : vector<16xi32>
        %parallel_loop3A_766 = arith.addi %parallel_loop3A_568, %parallel_loop3A_765 : vector<16xi32>
        %parallel_loop3A_767 = tpu.vector_load_idx %arg12[%parallel_loop3A_557, %parallel_loop3A_766] : memref<128x128xf32, #tpu.memory_space<vmem>>[vector<16xi32>, vector<16xi32>], vector<16xf32>,
        %parallel_loop3A_768 = arith.constant 3 : i32
        %parallel_loop3A_769 = vector.broadcast %parallel_loop3A_768 : i32 to vector<16xi32>
        %parallel_loop3A_770 = arith.shrsi %parallel_loop3A_765, %parallel_loop3A_769 : vector<16xi32>
        %parallel_loop3A_771 = arith.constant 7 : i32
        %parallel_loop3A_772 = vector.broadcast %parallel_loop3A_771 : i32 to vector<16xi32>
        %parallel_loop3A_773 = arith.andi %parallel_loop3A_765, %parallel_loop3A_772 : vector<16xi32>
        %parallel_loop3A_774 = arith.constant 8.000000e+00 : f32
        %parallel_loop3A_775 = vector.broadcast %parallel_loop3A_774 : f32 to vector<16xf32>
        %parallel_loop3A_776 = arith.mulf %parallel_loop3A_767, %parallel_loop3A_775 : vector<16xf32>
        tpu.vector_store_idx %arg14[%parallel_loop3A_770, %parallel_loop3A_773, %parallel_loop3A_557], %parallel_loop3A_776 : memref<8x8x128xf32, #tpu.memory_space<vmem>>[vector<16xi32>, vector<16xi32>, vector<16xi32>], vector<16xf32>,
      } {sc.loop_unroll_factor = 2 : i64, sc.parallel_access}
      %add3A_497 = arith.constant 4 : i32
      %add3A_498 = arith.addi %add3A_485, %add3A_497 : i32
      %lt3A_499 = arith.constant 200 : i32
      %lt3A_500 = arith.cmpi slt, %add3A_498, %lt3A_499 : i32
      %convert_element_type3A_501 = arith.extui %lt3A_500 : i1 to i32
      %cond3A_502 = arith.constant 0 : i32
      %cond3A_503 = arith.cmpi ne, %convert_element_type3A_501, %cond3A_502 : i32
      scf.if %cond3A_503 {
        %add3A_547 = arith.constant 4 : i32
        %add3A_548 = arith.addi %add3A_485, %add3A_547 : i32
        %get3A_549 = arith.index_cast %add3A_548 : i32 to index
        %get3A_550 = arith.constant 0 : index
        %get3A_551 = tpu.vector_load %arg5[%get3A_549, %get3A_550] {strides = array<i32>} : memref<200x128xi32, #tpu.memory_space<vmem>>, vector<16xi32>,
        %shift_right_arithmetic3A_552 = arith.constant 1 : i32
        %shift_right_arithmetic3A_553 = vector.broadcast %shift_right_arithmetic3A_552 : i32 to vector<16xi32>
        %shift_right_arithmetic3A_554 = arith.shrsi %get3A_551, %shift_right_arithmetic3A_553 : vector<16xi32>
        %swap3A_555 = arith.constant 0 : index
        %swap3A_556 = tpu.vector_load %arg8[%swap3A_555] {strides = array<i32>} : memref<128xi32, #tpu.memory_space<vmem>>, vector<16xi32>,
        tpu.vector_store %arg8[%swap3A_555], %shift_right_arithmetic3A_554 {strides = array<i32>} : memref<128xi32, #tpu.memory_space<vmem>>, vector<16xi32>,
        %get3A_557 = arith.index_cast %add3A_548 : i32 to index
        %get3A_558 = arith.constant 16 : index
        %get3A_559 = tpu.vector_load %arg5[%get3A_557, %get3A_558] {strides = array<i32>} : memref<200x128xi32, #tpu.memory_space<vmem>>, vector<16xi32>,
        %shift_right_arithmetic3A_560 = arith.constant 1 : i32
        %shift_right_arithmetic3A_561 = vector.broadcast %shift_right_arithmetic3A_560 : i32 to vector<16xi32>
        %shift_right_arithmetic3A_562 = arith.shrsi %get3A_559, %shift_right_arithmetic3A_561 : vector<16xi32>
        %swap3A_563 = arith.constant 16 : index
        %swap3A_564 = tpu.vector_load %arg8[%swap3A_563] {strides = array<i32>} : memref<128xi32, #tpu.memory_space<vmem>>, vector<16xi32>,
        tpu.vector_store %arg8[%swap3A_563], %shift_right_arithmetic3A_562 {strides = array<i32>} : memref<128xi32, #tpu.memory_space<vmem>>, vector<16xi32>,
        %get3A_565 = arith.index_cast %add3A_548 : i32 to index
        %get3A_566 = arith.constant 32 : index
        %get3A_567 = tpu.vector_load %arg5[%get3A_565, %get3A_566] {strides = array<i32>} : memref<200x128xi32, #tpu.memory_space<vmem>>, vector<16xi32>,
        %shift_right_arithmetic3A_568 = arith.constant 1 : i32
        %shift_right_arithmetic3A_569 = vector.broadcast %shift_right_arithmetic3A_568 : i32 to vector<16xi32>
        %shift_right_arithmetic3A_570 = arith.shrsi %get3A_567, %shift_right_arithmetic3A_569 : vector<16xi32>
        %swap3A_571 = arith.constant 32 : index
        %swap3A_572 = tpu.vector_load %arg8[%swap3A_571] {strides = array<i32>} : memref<128xi32, #tpu.memory_space<vmem>>, vector<16xi32>,
        tpu.vector_store %arg8[%swap3A_571], %shift_right_arithmetic3A_570 {strides = array<i32>} : memref<128xi32, #tpu.memory_space<vmem>>, vector<16xi32>,
        %get3A_573 = arith.index_cast %add3A_548 : i32 to index
        %get3A_574 = arith.constant 48 : index
        %get3A_575 = tpu.vector_load %arg5[%get3A_573, %get3A_574] {strides = array<i32>} : memref<200x128xi32, #tpu.memory_space<vmem>>, vector<16xi32>,
        %shift_right_arithmetic3A_576 = arith.constant 1 : i32
        %shift_right_arithmetic3A_577 = vector.broadcast %shift_right_arithmetic3A_576 : i32 to vector<16xi32>
        %shift_right_arithmetic3A_578 = arith.shrsi %get3A_575, %shift_right_arithmetic3A_577 : vector<16xi32>
        %swap3A_579 = arith.constant 48 : index
        %swap3A_580 = tpu.vector_load %arg8[%swap3A_579] {strides = array<i32>} : memref<128xi32, #tpu.memory_space<vmem>>, vector<16xi32>,
        tpu.vector_store %arg8[%swap3A_579], %shift_right_arithmetic3A_578 {strides = array<i32>} : memref<128xi32, #tpu.memory_space<vmem>>, vector<16xi32>,
        %get3A_581 = arith.index_cast %add3A_548 : i32 to index
        %get3A_582 = arith.constant 64 : index
        %get3A_583 = tpu.vector_load %arg5[%get3A_581, %get3A_582] {strides = array<i32>} : memref<200x128xi32, #tpu.memory_space<vmem>>, vector<16xi32>,
        %shift_right_arithmetic3A_584 = arith.constant 1 : i32
        %shift_right_arithmetic3A_585 = vector.broadcast %shift_right_arithmetic3A_584 : i32 to vector<16xi32>
        %shift_right_arithmetic3A_586 = arith.shrsi %get3A_583, %shift_right_arithmetic3A_585 : vector<16xi32>
        %swap3A_587 = arith.constant 64 : index
        %swap3A_588 = tpu.vector_load %arg8[%swap3A_587] {strides = array<i32>} : memref<128xi32, #tpu.memory_space<vmem>>, vector<16xi32>,
        tpu.vector_store %arg8[%swap3A_587], %shift_right_arithmetic3A_586 {strides = array<i32>} : memref<128xi32, #tpu.memory_space<vmem>>, vector<16xi32>,
        %get3A_589 = arith.index_cast %add3A_548 : i32 to index
        %get3A_590 = arith.constant 80 : index
        %get3A_591 = tpu.vector_load %arg5[%get3A_589, %get3A_590] {strides = array<i32>} : memref<200x128xi32, #tpu.memory_space<vmem>>, vector<16xi32>,
        %shift_right_arithmetic3A_592 = arith.constant 1 : i32
        %shift_right_arithmetic3A_593 = vector.broadcast %shift_right_arithmetic3A_592 : i32 to vector<16xi32>
        %shift_right_arithmetic3A_594 = arith.shrsi %get3A_591, %shift_right_arithmetic3A_593 : vector<16xi32>
        %swap3A_595 = arith.constant 80 : index
        %swap3A_596 = tpu.vector_load %arg8[%swap3A_595] {strides = array<i32>} : memref<128xi32, #tpu.memory_space<vmem>>, vector<16xi32>,
        tpu.vector_store %arg8[%swap3A_595], %shift_right_arithmetic3A_594 {strides = array<i32>} : memref<128xi32, #tpu.memory_space<vmem>>, vector<16xi32>,
        %get3A_597 = arith.index_cast %add3A_548 : i32 to index
        %get3A_598 = arith.constant 96 : index
        %get3A_599 = tpu.vector_load %arg5[%get3A_597, %get3A_598] {strides = array<i32>} : memref<200x128xi32, #tpu.memory_space<vmem>>, vector<16xi32>,
        %shift_right_arithmetic3A_600 = arith.constant 1 : i32
        %shift_right_arithmetic3A_601 = vector.broadcast %shift_right_arithmetic3A_600 : i32 to vector<16xi32>
        %shift_right_arithmetic3A_602 = arith.shrsi %get3A_599, %shift_right_arithmetic3A_601 : vector<16xi32>
        %swap3A_603 = arith.constant 96 : index
        %swap3A_604 = tpu.vector_load %arg8[%swap3A_603] {strides = array<i32>} : memref<128xi32, #tpu.memory_space<vmem>>, vector<16xi32>,
        tpu.vector_store %arg8[%swap3A_603], %shift_right_arithmetic3A_602 {strides = array<i32>} : memref<128xi32, #tpu.memory_space<vmem>>, vector<16xi32>,
        %get3A_605 = arith.index_cast %add3A_548 : i32 to index
        %get3A_606 = arith.constant 112 : index
        %get3A_607 = tpu.vector_load %arg5[%get3A_605, %get3A_606] {strides = array<i32>} : memref<200x128xi32, #tpu.memory_space<vmem>>, vector<16xi32>,
        %shift_right_arithmetic3A_608 = arith.constant 1 : i32
        %shift_right_arithmetic3A_609 = vector.broadcast %shift_right_arithmetic3A_608 : i32 to vector<16xi32>
        %shift_right_arithmetic3A_610 = arith.shrsi %get3A_607, %shift_right_arithmetic3A_609 : vector<16xi32>
        %swap3A_611 = arith.constant 112 : index
        %swap3A_612 = tpu.vector_load %arg8[%swap3A_611] {strides = array<i32>} : memref<128xi32, #tpu.memory_space<vmem>>, vector<16xi32>,
        tpu.vector_store %arg8[%swap3A_611], %shift_right_arithmetic3A_610 {strides = array<i32>} : memref<128xi32, #tpu.memory_space<vmem>>, vector<16xi32>,
        %add3A_613 = arith.constant 4 : i32
        %add3A_614 = arith.addi %add3A_485, %add3A_613 : i32
        %dma_start3A_615 = arith.constant 0 : i32
        %dma_start3A_616 = arith.constant 0 : i32
        %dma_start3A_617 = tpu.memref_slice %arg3[%dma_start3A_615, %dma_start3A_616] : memref<500000x128xf32, #tpu.memory_space<hbm>> -> memref<500000x128xf32, #tpu.memory_space<hbm>>
        tpu.enqueue_indirect_dma source(%dma_start3A_617 : memref<500000x128xf32, #tpu.memory_space<hbm>>) target(%arg12 : memref<128x128xf32, #tpu.memory_space<vmem>>) offsets(%arg8 : memref<128xi32, #tpu.memory_space<vmem>>) semaphore(%arg18 : memref<!tpu.dma_semaphore, #tpu.memory_space<semaphore_mem>>)
      } else {
      }
      %dma_start3A_504 = arith.constant 0 : i32
      %dma_start3A_505 = arith.constant 0 : i32
      %dma_start3A_506 = arith.constant 0 : i32
      %dma_start3A_507 = tpu.memref_slice %arg4[%add3A_485, %dma_start3A_504, %add3A, %dma_start3A_505, %dma_start3A_506] : memref<200x8x32x8x128xf32, #tpu.memory_space<hbm>> -> memref<1x8x1x8x128xf32, #tpu.memory_space<hbm>>
      %dma_start3A_508 = tpu.memref_squeeze %dma_start3A_507 : memref<1x8x1x8x128xf32, #tpu.memory_space<hbm>> -> memref<8x8x128xf32, #tpu.memory_space<hbm>>
      %dma_start3A_509 = arith.constant 0 : i32
      %dma_start3A_510 = arith.constant 0 : i32
      %dma_start3A_511 = arith.constant 0 : i32
      %dma_start3A_512 = tpu.memref_slice %arg4[%add3A_485, %dma_start3A_509, %add3A, %dma_start3A_510, %dma_start3A_511] : memref<200x8x32x8x128xf32, #tpu.memory_space<hbm>> -> memref<1x8x1x8x128xf32, #tpu.memory_space<hbm>>
      %dma_start3A_513 = tpu.memref_squeeze %dma_start3A_512 : memref<1x8x1x8x128xf32, #tpu.memory_space<hbm>> -> memref<8x8x128xf32, #tpu.memory_space<hbm>>
      tpu.enqueue_dma source(%arg14 : memref<8x8x128xf32, #tpu.memory_space<vmem>>) target(%dma_start3A_513 : memref<8x8x128xf32, #tpu.memory_space<hbm>>) target_semaphore(%arg20 : memref<!tpu.dma_semaphore, #tpu.memory_space<semaphore_mem>>)
      %mul3A_514 = arith.constant 4 : i32
      %mul3A_515 = arith.muli %scan3A_421, %mul3A_514 : i32
      %add3A_516 = arith.constant 3 : i32
      %add3A_517 = arith.addi %mul3A_515, %add3A_516 : i32
      %dma_wait3A_518 = arith.constant 0 : i32
      %dma_wait3A_519 = arith.constant 0 : i32
      %dma_wait3A_520 = tpu.memref_slice %arg3[%dma_wait3A_518, %dma_wait3A_519] : memref<500000x128xf32, #tpu.memory_space<hbm>> -> memref<500000x128xf32, #tpu.memory_space<hbm>>
      tpu.wait_indirect_dma semaphore(%arg19 : memref<!tpu.dma_semaphore, #tpu.memory_space<semaphore_mem>>) src(%dma_wait3A_520 : memref<500000x128xf32, #tpu.memory_space<hbm>>) dst(%arg13 : memref<128x128xf32, #tpu.memory_space<vmem>>)
      %ge3A_521 = arith.constant 2 : i32
      %ge3A_522 = arith.cmpi sge, %add3A_517, %ge3A_521 : i32
      %convert_element_type3A_523 = arith.extui %ge3A_522 : i1 to i32
      %cond3A_524 = arith.constant 0 : i32
      %cond3A_525 = arith.cmpi ne, %convert_element_type3A_523, %cond3A_524 : i32
      scf.if %cond3A_525 {
        %sub3A = arith.constant 2 : i32
        %sub3A_547 = arith.subi %add3A_517, %sub3A : i32
        %dma_wait3A_548 = arith.constant 0 : i32
        %dma_wait3A_549 = arith.constant 0 : i32
        %dma_wait3A_550 = arith.constant 0 : i32
        %dma_wait3A_551 = tpu.memref_slice %arg4[%sub3A_547, %dma_wait3A_548, %add3A, %dma_wait3A_549, %dma_wait3A_550] : memref<200x8x32x8x128xf32, #tpu.memory_space<hbm>> -> memref<1x8x1x8x128xf32, #tpu.memory_space<hbm>>
        %dma_wait3A_552 = tpu.memref_squeeze %dma_wait3A_551 : memref<1x8x1x8x128xf32, #tpu.memory_space<hbm>> -> memref<8x8x128xf32, #tpu.memory_space<hbm>>
        %dma_wait3A_553 = arith.constant 0 : i32
        %dma_wait3A_554 = arith.constant 0 : i32
        %dma_wait3A_555 = arith.constant 0 : i32
        %dma_wait3A_556 = tpu.memref_slice %arg4[%sub3A_547, %dma_wait3A_553, %add3A, %dma_wait3A_554, %dma_wait3A_555] : memref<200x8x32x8x128xf32, #tpu.memory_space<hbm>> -> memref<1x8x1x8x128xf32, #tpu.memory_space<hbm>>
        %dma_wait3A_557 = tpu.memref_squeeze %dma_wait3A_556 : memref<1x8x1x8x128xf32, #tpu.memory_space<hbm>> -> memref<8x8x128xf32, #tpu.memory_space<hbm>>
        tpu.wait_dma2 semaphore(%arg21 : memref<!tpu.dma_semaphore, #tpu.memory_space<semaphore_mem>>) src(%arg15 : memref<8x8x128xf32, #tpu.memory_space<vmem>>) dst(%dma_wait3A_557 : memref<8x8x128xf32, #tpu.memory_space<hbm>>)
      } else {
      }
      %parallel_loop3A_526 = arith.constant 0 : i32
      %parallel_loop3A_527 = arith.constant 32 : i32
      %parallel_loop3A_528 = arith.constant 1 : i32
      scf.for %parallel_loop3A_547 = %parallel_loop3A_526 to %parallel_loop3A_527 step %parallel_loop3A_528  : i32 {
        %parallel_loop3A_548 = arith.constant 3 : i32
        %parallel_loop3A_549 = arith.shrsi %parallel_loop3A_547, %parallel_loop3A_548 : i32
        %parallel_loop3A_550 = arith.constant 16 : i32
        %parallel_loop3A_551 = arith.muli %parallel_loop3A_549, %parallel_loop3A_550 : i32
        %parallel_loop3A_552 = arith.constant 7 : i32
        %parallel_loop3A_553 = arith.andi %parallel_loop3A_547, %parallel_loop3A_552 : i32
        %parallel_loop3A_554 = arith.constant 16 : i32
        %parallel_loop3A_555 = arith.muli %parallel_loop3A_553, %parallel_loop3A_554 : i32
        %parallel_loop3A_556 = vector.broadcast %parallel_loop3A_555 : i32 to vector<16xi32>
        %parallel_loop3A_557 = arith.addi %iota3A, %parallel_loop3A_556 : vector<16xi32>
        %parallel_loop3A_558 = arith.constant 16 : i32
        %parallel_loop3A_559 = arith.muli %parallel_loop3A_553, %parallel_loop3A_558 : i32
        %parallel_loop3A_560 = arith.index_cast %add3A_517 : i32 to index
        %parallel_loop3A_561 = arith.index_cast %parallel_loop3A_559 : i32 to index
        %parallel_loop3A_562 = tpu.vector_load %arg5[%parallel_loop3A_560, %parallel_loop3A_561] {strides = array<i32>} : memref<200x128xi32, #tpu.memory_space<vmem>>, vector<16xi32>,
        %parallel_loop3A_563 = arith.constant 1 : i32
        %parallel_loop3A_564 = vector.broadcast %parallel_loop3A_563 : i32 to vector<16xi32>
        %parallel_loop3A_565 = arith.andi %parallel_loop3A_562, %parallel_loop3A_564 : vector<16xi32>
        %parallel_loop3A_566 = arith.constant 64 : i32
        %parallel_loop3A_567 = vector.broadcast %parallel_loop3A_566 : i32 to vector<16xi32>
        %parallel_loop3A_568 = arith.muli %parallel_loop3A_565, %parallel_loop3A_567 : vector<16xi32>
        %parallel_loop3A_569 = vector.broadcast %parallel_loop3A_551 : i32 to vector<16xi32>
        %parallel_loop3A_570 = arith.addi %and3A_303, %parallel_loop3A_569 : vector<16xi32>
        %parallel_loop3A_571 = arith.addi %parallel_loop3A_568, %parallel_loop3A_570 : vector<16xi32>
        %parallel_loop3A_572 = tpu.vector_load_idx %arg13[%parallel_loop3A_557, %parallel_loop3A_571] : memref<128x128xf32, #tpu.memory_space<vmem>>[vector<16xi32>, vector<16xi32>], vector<16xf32>,
        %parallel_loop3A_573 = arith.constant 3 : i32
        %parallel_loop3A_574 = vector.broadcast %parallel_loop3A_573 : i32 to vector<16xi32>
        %parallel_loop3A_575 = arith.shrsi %parallel_loop3A_570, %parallel_loop3A_574 : vector<16xi32>
        %parallel_loop3A_576 = arith.constant 7 : i32
        %parallel_loop3A_577 = vector.broadcast %parallel_loop3A_576 : i32 to vector<16xi32>
        %parallel_loop3A_578 = arith.andi %parallel_loop3A_570, %parallel_loop3A_577 : vector<16xi32>
        %parallel_loop3A_579 = arith.constant 8.000000e+00 : f32
        %parallel_loop3A_580 = vector.broadcast %parallel_loop3A_579 : f32 to vector<16xf32>
        %parallel_loop3A_581 = arith.mulf %parallel_loop3A_572, %parallel_loop3A_580 : vector<16xf32>
        tpu.vector_store_idx %arg15[%parallel_loop3A_575, %parallel_loop3A_578, %parallel_loop3A_557], %parallel_loop3A_581 : memref<8x8x128xf32, #tpu.memory_space<vmem>>[vector<16xi32>, vector<16xi32>, vector<16xi32>], vector<16xf32>,
        %parallel_loop3A_582 = vector.broadcast %parallel_loop3A_551 : i32 to vector<16xi32>
        %parallel_loop3A_583 = arith.addi %and3A_309, %parallel_loop3A_582 : vector<16xi32>
        %parallel_loop3A_584 = arith.addi %parallel_loop3A_568, %parallel_loop3A_583 : vector<16xi32>
        %parallel_loop3A_585 = tpu.vector_load_idx %arg13[%parallel_loop3A_557, %parallel_loop3A_584] : memref<128x128xf32, #tpu.memory_space<vmem>>[vector<16xi32>, vector<16xi32>], vector<16xf32>,
        %parallel_loop3A_586 = arith.constant 3 : i32
        %parallel_loop3A_587 = vector.broadcast %parallel_loop3A_586 : i32 to vector<16xi32>
        %parallel_loop3A_588 = arith.shrsi %parallel_loop3A_583, %parallel_loop3A_587 : vector<16xi32>
        %parallel_loop3A_589 = arith.constant 7 : i32
        %parallel_loop3A_590 = vector.broadcast %parallel_loop3A_589 : i32 to vector<16xi32>
        %parallel_loop3A_591 = arith.andi %parallel_loop3A_583, %parallel_loop3A_590 : vector<16xi32>
        %parallel_loop3A_592 = arith.constant 8.000000e+00 : f32
        %parallel_loop3A_593 = vector.broadcast %parallel_loop3A_592 : f32 to vector<16xf32>
        %parallel_loop3A_594 = arith.mulf %parallel_loop3A_585, %parallel_loop3A_593 : vector<16xf32>
        tpu.vector_store_idx %arg15[%parallel_loop3A_588, %parallel_loop3A_591, %parallel_loop3A_557], %parallel_loop3A_594 : memref<8x8x128xf32, #tpu.memory_space<vmem>>[vector<16xi32>, vector<16xi32>, vector<16xi32>], vector<16xf32>,
        %parallel_loop3A_595 = vector.broadcast %parallel_loop3A_551 : i32 to vector<16xi32>
        %parallel_loop3A_596 = arith.addi %and3A_315, %parallel_loop3A_595 : vector<16xi32>
        %parallel_loop3A_597 = arith.addi %parallel_loop3A_568, %parallel_loop3A_596 : vector<16xi32>
        %parallel_loop3A_598 = tpu.vector_load_idx %arg13[%parallel_loop3A_557, %parallel_loop3A_597] : memref<128x128xf32, #tpu.memory_space<vmem>>[vector<16xi32>, vector<16xi32>], vector<16xf32>,
        %parallel_loop3A_599 = arith.constant 3 : i32
        %parallel_loop3A_600 = vector.broadcast %parallel_loop3A_599 : i32 to vector<16xi32>
        %parallel_loop3A_601 = arith.shrsi %parallel_loop3A_596, %parallel_loop3A_600 : vector<16xi32>
        %parallel_loop3A_602 = arith.constant 7 : i32
        %parallel_loop3A_603 = vector.broadcast %parallel_loop3A_602 : i32 to vector<16xi32>
        %parallel_loop3A_604 = arith.andi %parallel_loop3A_596, %parallel_loop3A_603 : vector<16xi32>
        %parallel_loop3A_605 = arith.constant 8.000000e+00 : f32
        %parallel_loop3A_606 = vector.broadcast %parallel_loop3A_605 : f32 to vector<16xf32>
        %parallel_loop3A_607 = arith.mulf %parallel_loop3A_598, %parallel_loop3A_606 : vector<16xf32>
        tpu.vector_store_idx %arg15[%parallel_loop3A_601, %parallel_loop3A_604, %parallel_loop3A_557], %parallel_loop3A_607 : memref<8x8x128xf32, #tpu.memory_space<vmem>>[vector<16xi32>, vector<16xi32>, vector<16xi32>], vector<16xf32>,
        %parallel_loop3A_608 = vector.broadcast %parallel_loop3A_551 : i32 to vector<16xi32>
        %parallel_loop3A_609 = arith.addi %and3A_321, %parallel_loop3A_608 : vector<16xi32>
        %parallel_loop3A_610 = arith.addi %parallel_loop3A_568, %parallel_loop3A_609 : vector<16xi32>
        %parallel_loop3A_611 = tpu.vector_load_idx %arg13[%parallel_loop3A_557, %parallel_loop3A_610] : memref<128x128xf32, #tpu.memory_space<vmem>>[vector<16xi32>, vector<16xi32>], vector<16xf32>,
        %parallel_loop3A_612 = arith.constant 3 : i32
        %parallel_loop3A_613 = vector.broadcast %parallel_loop3A_612 : i32 to vector<16xi32>
        %parallel_loop3A_614 = arith.shrsi %parallel_loop3A_609, %parallel_loop3A_613 : vector<16xi32>
        %parallel_loop3A_615 = arith.constant 7 : i32
        %parallel_loop3A_616 = vector.broadcast %parallel_loop3A_615 : i32 to vector<16xi32>
        %parallel_loop3A_617 = arith.andi %parallel_loop3A_609, %parallel_loop3A_616 : vector<16xi32>
        %parallel_loop3A_618 = arith.constant 8.000000e+00 : f32
        %parallel_loop3A_619 = vector.broadcast %parallel_loop3A_618 : f32 to vector<16xf32>
        %parallel_loop3A_620 = arith.mulf %parallel_loop3A_611, %parallel_loop3A_619 : vector<16xf32>
        tpu.vector_store_idx %arg15[%parallel_loop3A_614, %parallel_loop3A_617, %parallel_loop3A_557], %parallel_loop3A_620 : memref<8x8x128xf32, #tpu.memory_space<vmem>>[vector<16xi32>, vector<16xi32>, vector<16xi32>], vector<16xf32>,
        %parallel_loop3A_621 = vector.broadcast %parallel_loop3A_551 : i32 to vector<16xi32>
        %parallel_loop3A_622 = arith.addi %and3A_327, %parallel_loop3A_621 : vector<16xi32>
        %parallel_loop3A_623 = arith.addi %parallel_loop3A_568, %parallel_loop3A_622 : vector<16xi32>
        %parallel_loop3A_624 = tpu.vector_load_idx %arg13[%parallel_loop3A_557, %parallel_loop3A_623] : memref<128x128xf32, #tpu.memory_space<vmem>>[vector<16xi32>, vector<16xi32>], vector<16xf32>,
        %parallel_loop3A_625 = arith.constant 3 : i32
        %parallel_loop3A_626 = vector.broadcast %parallel_loop3A_625 : i32 to vector<16xi32>
        %parallel_loop3A_627 = arith.shrsi %parallel_loop3A_622, %parallel_loop3A_626 : vector<16xi32>
        %parallel_loop3A_628 = arith.constant 7 : i32
        %parallel_loop3A_629 = vector.broadcast %parallel_loop3A_628 : i32 to vector<16xi32>
        %parallel_loop3A_630 = arith.andi %parallel_loop3A_622, %parallel_loop3A_629 : vector<16xi32>
        %parallel_loop3A_631 = arith.constant 8.000000e+00 : f32
        %parallel_loop3A_632 = vector.broadcast %parallel_loop3A_631 : f32 to vector<16xf32>
        %parallel_loop3A_633 = arith.mulf %parallel_loop3A_624, %parallel_loop3A_632 : vector<16xf32>
        tpu.vector_store_idx %arg15[%parallel_loop3A_627, %parallel_loop3A_630, %parallel_loop3A_557], %parallel_loop3A_633 : memref<8x8x128xf32, #tpu.memory_space<vmem>>[vector<16xi32>, vector<16xi32>, vector<16xi32>], vector<16xf32>,
        %parallel_loop3A_634 = vector.broadcast %parallel_loop3A_551 : i32 to vector<16xi32>
        %parallel_loop3A_635 = arith.addi %and3A_333, %parallel_loop3A_634 : vector<16xi32>
        %parallel_loop3A_636 = arith.addi %parallel_loop3A_568, %parallel_loop3A_635 : vector<16xi32>
        %parallel_loop3A_637 = tpu.vector_load_idx %arg13[%parallel_loop3A_557, %parallel_loop3A_636] : memref<128x128xf32, #tpu.memory_space<vmem>>[vector<16xi32>, vector<16xi32>], vector<16xf32>,
        %parallel_loop3A_638 = arith.constant 3 : i32
        %parallel_loop3A_639 = vector.broadcast %parallel_loop3A_638 : i32 to vector<16xi32>
        %parallel_loop3A_640 = arith.shrsi %parallel_loop3A_635, %parallel_loop3A_639 : vector<16xi32>
        %parallel_loop3A_641 = arith.constant 7 : i32
        %parallel_loop3A_642 = vector.broadcast %parallel_loop3A_641 : i32 to vector<16xi32>
        %parallel_loop3A_643 = arith.andi %parallel_loop3A_635, %parallel_loop3A_642 : vector<16xi32>
        %parallel_loop3A_644 = arith.constant 8.000000e+00 : f32
        %parallel_loop3A_645 = vector.broadcast %parallel_loop3A_644 : f32 to vector<16xf32>
        %parallel_loop3A_646 = arith.mulf %parallel_loop3A_637, %parallel_loop3A_645 : vector<16xf32>
        tpu.vector_store_idx %arg15[%parallel_loop3A_640, %parallel_loop3A_643, %parallel_loop3A_557], %parallel_loop3A_646 : memref<8x8x128xf32, #tpu.memory_space<vmem>>[vector<16xi32>, vector<16xi32>, vector<16xi32>], vector<16xf32>,
        %parallel_loop3A_647 = vector.broadcast %parallel_loop3A_551 : i32 to vector<16xi32>
        %parallel_loop3A_648 = arith.addi %and3A_339, %parallel_loop3A_647 : vector<16xi32>
        %parallel_loop3A_649 = arith.addi %parallel_loop3A_568, %parallel_loop3A_648 : vector<16xi32>
        %parallel_loop3A_650 = tpu.vector_load_idx %arg13[%parallel_loop3A_557, %parallel_loop3A_649] : memref<128x128xf32, #tpu.memory_space<vmem>>[vector<16xi32>, vector<16xi32>], vector<16xf32>,
        %parallel_loop3A_651 = arith.constant 3 : i32
        %parallel_loop3A_652 = vector.broadcast %parallel_loop3A_651 : i32 to vector<16xi32>
        %parallel_loop3A_653 = arith.shrsi %parallel_loop3A_648, %parallel_loop3A_652 : vector<16xi32>
        %parallel_loop3A_654 = arith.constant 7 : i32
        %parallel_loop3A_655 = vector.broadcast %parallel_loop3A_654 : i32 to vector<16xi32>
        %parallel_loop3A_656 = arith.andi %parallel_loop3A_648, %parallel_loop3A_655 : vector<16xi32>
        %parallel_loop3A_657 = arith.constant 8.000000e+00 : f32
        %parallel_loop3A_658 = vector.broadcast %parallel_loop3A_657 : f32 to vector<16xf32>
        %parallel_loop3A_659 = arith.mulf %parallel_loop3A_650, %parallel_loop3A_658 : vector<16xf32>
        tpu.vector_store_idx %arg15[%parallel_loop3A_653, %parallel_loop3A_656, %parallel_loop3A_557], %parallel_loop3A_659 : memref<8x8x128xf32, #tpu.memory_space<vmem>>[vector<16xi32>, vector<16xi32>, vector<16xi32>], vector<16xf32>,
        %parallel_loop3A_660 = vector.broadcast %parallel_loop3A_551 : i32 to vector<16xi32>
        %parallel_loop3A_661 = arith.addi %and3A_345, %parallel_loop3A_660 : vector<16xi32>
        %parallel_loop3A_662 = arith.addi %parallel_loop3A_568, %parallel_loop3A_661 : vector<16xi32>
        %parallel_loop3A_663 = tpu.vector_load_idx %arg13[%parallel_loop3A_557, %parallel_loop3A_662] : memref<128x128xf32, #tpu.memory_space<vmem>>[vector<16xi32>, vector<16xi32>], vector<16xf32>,
        %parallel_loop3A_664 = arith.constant 3 : i32
        %parallel_loop3A_665 = vector.broadcast %parallel_loop3A_664 : i32 to vector<16xi32>
        %parallel_loop3A_666 = arith.shrsi %parallel_loop3A_661, %parallel_loop3A_665 : vector<16xi32>
        %parallel_loop3A_667 = arith.constant 7 : i32
        %parallel_loop3A_668 = vector.broadcast %parallel_loop3A_667 : i32 to vector<16xi32>
        %parallel_loop3A_669 = arith.andi %parallel_loop3A_661, %parallel_loop3A_668 : vector<16xi32>
        %parallel_loop3A_670 = arith.constant 8.000000e+00 : f32
        %parallel_loop3A_671 = vector.broadcast %parallel_loop3A_670 : f32 to vector<16xf32>
        %parallel_loop3A_672 = arith.mulf %parallel_loop3A_663, %parallel_loop3A_671 : vector<16xf32>
        tpu.vector_store_idx %arg15[%parallel_loop3A_666, %parallel_loop3A_669, %parallel_loop3A_557], %parallel_loop3A_672 : memref<8x8x128xf32, #tpu.memory_space<vmem>>[vector<16xi32>, vector<16xi32>, vector<16xi32>], vector<16xf32>,
        %parallel_loop3A_673 = vector.broadcast %parallel_loop3A_551 : i32 to vector<16xi32>
        %parallel_loop3A_674 = arith.addi %and3A_351, %parallel_loop3A_673 : vector<16xi32>
        %parallel_loop3A_675 = arith.addi %parallel_loop3A_568, %parallel_loop3A_674 : vector<16xi32>
        %parallel_loop3A_676 = tpu.vector_load_idx %arg13[%parallel_loop3A_557, %parallel_loop3A_675] : memref<128x128xf32, #tpu.memory_space<vmem>>[vector<16xi32>, vector<16xi32>], vector<16xf32>,
        %parallel_loop3A_677 = arith.constant 3 : i32
        %parallel_loop3A_678 = vector.broadcast %parallel_loop3A_677 : i32 to vector<16xi32>
        %parallel_loop3A_679 = arith.shrsi %parallel_loop3A_674, %parallel_loop3A_678 : vector<16xi32>
        %parallel_loop3A_680 = arith.constant 7 : i32
        %parallel_loop3A_681 = vector.broadcast %parallel_loop3A_680 : i32 to vector<16xi32>
        %parallel_loop3A_682 = arith.andi %parallel_loop3A_674, %parallel_loop3A_681 : vector<16xi32>
        %parallel_loop3A_683 = arith.constant 8.000000e+00 : f32
        %parallel_loop3A_684 = vector.broadcast %parallel_loop3A_683 : f32 to vector<16xf32>
        %parallel_loop3A_685 = arith.mulf %parallel_loop3A_676, %parallel_loop3A_684 : vector<16xf32>
        tpu.vector_store_idx %arg15[%parallel_loop3A_679, %parallel_loop3A_682, %parallel_loop3A_557], %parallel_loop3A_685 : memref<8x8x128xf32, #tpu.memory_space<vmem>>[vector<16xi32>, vector<16xi32>, vector<16xi32>], vector<16xf32>,
        %parallel_loop3A_686 = vector.broadcast %parallel_loop3A_551 : i32 to vector<16xi32>
        %parallel_loop3A_687 = arith.addi %and3A_357, %parallel_loop3A_686 : vector<16xi32>
        %parallel_loop3A_688 = arith.addi %parallel_loop3A_568, %parallel_loop3A_687 : vector<16xi32>
        %parallel_loop3A_689 = tpu.vector_load_idx %arg13[%parallel_loop3A_557, %parallel_loop3A_688] : memref<128x128xf32, #tpu.memory_space<vmem>>[vector<16xi32>, vector<16xi32>], vector<16xf32>,
        %parallel_loop3A_690 = arith.constant 3 : i32
        %parallel_loop3A_691 = vector.broadcast %parallel_loop3A_690 : i32 to vector<16xi32>
        %parallel_loop3A_692 = arith.shrsi %parallel_loop3A_687, %parallel_loop3A_691 : vector<16xi32>
        %parallel_loop3A_693 = arith.constant 7 : i32
        %parallel_loop3A_694 = vector.broadcast %parallel_loop3A_693 : i32 to vector<16xi32>
        %parallel_loop3A_695 = arith.andi %parallel_loop3A_687, %parallel_loop3A_694 : vector<16xi32>
        %parallel_loop3A_696 = arith.constant 8.000000e+00 : f32
        %parallel_loop3A_697 = vector.broadcast %parallel_loop3A_696 : f32 to vector<16xf32>
        %parallel_loop3A_698 = arith.mulf %parallel_loop3A_689, %parallel_loop3A_697 : vector<16xf32>
        tpu.vector_store_idx %arg15[%parallel_loop3A_692, %parallel_loop3A_695, %parallel_loop3A_557], %parallel_loop3A_698 : memref<8x8x128xf32, #tpu.memory_space<vmem>>[vector<16xi32>, vector<16xi32>, vector<16xi32>], vector<16xf32>,
        %parallel_loop3A_699 = vector.broadcast %parallel_loop3A_551 : i32 to vector<16xi32>
        %parallel_loop3A_700 = arith.addi %and3A_363, %parallel_loop3A_699 : vector<16xi32>
        %parallel_loop3A_701 = arith.addi %parallel_loop3A_568, %parallel_loop3A_700 : vector<16xi32>
        %parallel_loop3A_702 = tpu.vector_load_idx %arg13[%parallel_loop3A_557, %parallel_loop3A_701] : memref<128x128xf32, #tpu.memory_space<vmem>>[vector<16xi32>, vector<16xi32>], vector<16xf32>,
        %parallel_loop3A_703 = arith.constant 3 : i32
        %parallel_loop3A_704 = vector.broadcast %parallel_loop3A_703 : i32 to vector<16xi32>
        %parallel_loop3A_705 = arith.shrsi %parallel_loop3A_700, %parallel_loop3A_704 : vector<16xi32>
        %parallel_loop3A_706 = arith.constant 7 : i32
        %parallel_loop3A_707 = vector.broadcast %parallel_loop3A_706 : i32 to vector<16xi32>
        %parallel_loop3A_708 = arith.andi %parallel_loop3A_700, %parallel_loop3A_707 : vector<16xi32>
        %parallel_loop3A_709 = arith.constant 8.000000e+00 : f32
        %parallel_loop3A_710 = vector.broadcast %parallel_loop3A_709 : f32 to vector<16xf32>
        %parallel_loop3A_711 = arith.mulf %parallel_loop3A_702, %parallel_loop3A_710 : vector<16xf32>
        tpu.vector_store_idx %arg15[%parallel_loop3A_705, %parallel_loop3A_708, %parallel_loop3A_557], %parallel_loop3A_711 : memref<8x8x128xf32, #tpu.memory_space<vmem>>[vector<16xi32>, vector<16xi32>, vector<16xi32>], vector<16xf32>,
        %parallel_loop3A_712 = vector.broadcast %parallel_loop3A_551 : i32 to vector<16xi32>
        %parallel_loop3A_713 = arith.addi %and3A_369, %parallel_loop3A_712 : vector<16xi32>
        %parallel_loop3A_714 = arith.addi %parallel_loop3A_568, %parallel_loop3A_713 : vector<16xi32>
        %parallel_loop3A_715 = tpu.vector_load_idx %arg13[%parallel_loop3A_557, %parallel_loop3A_714] : memref<128x128xf32, #tpu.memory_space<vmem>>[vector<16xi32>, vector<16xi32>], vector<16xf32>,
        %parallel_loop3A_716 = arith.constant 3 : i32
        %parallel_loop3A_717 = vector.broadcast %parallel_loop3A_716 : i32 to vector<16xi32>
        %parallel_loop3A_718 = arith.shrsi %parallel_loop3A_713, %parallel_loop3A_717 : vector<16xi32>
        %parallel_loop3A_719 = arith.constant 7 : i32
        %parallel_loop3A_720 = vector.broadcast %parallel_loop3A_719 : i32 to vector<16xi32>
        %parallel_loop3A_721 = arith.andi %parallel_loop3A_713, %parallel_loop3A_720 : vector<16xi32>
        %parallel_loop3A_722 = arith.constant 8.000000e+00 : f32
        %parallel_loop3A_723 = vector.broadcast %parallel_loop3A_722 : f32 to vector<16xf32>
        %parallel_loop3A_724 = arith.mulf %parallel_loop3A_715, %parallel_loop3A_723 : vector<16xf32>
        tpu.vector_store_idx %arg15[%parallel_loop3A_718, %parallel_loop3A_721, %parallel_loop3A_557], %parallel_loop3A_724 : memref<8x8x128xf32, #tpu.memory_space<vmem>>[vector<16xi32>, vector<16xi32>, vector<16xi32>], vector<16xf32>,
        %parallel_loop3A_725 = vector.broadcast %parallel_loop3A_551 : i32 to vector<16xi32>
        %parallel_loop3A_726 = arith.addi %and3A_375, %parallel_loop3A_725 : vector<16xi32>
        %parallel_loop3A_727 = arith.addi %parallel_loop3A_568, %parallel_loop3A_726 : vector<16xi32>
        %parallel_loop3A_728 = tpu.vector_load_idx %arg13[%parallel_loop3A_557, %parallel_loop3A_727] : memref<128x128xf32, #tpu.memory_space<vmem>>[vector<16xi32>, vector<16xi32>], vector<16xf32>,
        %parallel_loop3A_729 = arith.constant 3 : i32
        %parallel_loop3A_730 = vector.broadcast %parallel_loop3A_729 : i32 to vector<16xi32>
        %parallel_loop3A_731 = arith.shrsi %parallel_loop3A_726, %parallel_loop3A_730 : vector<16xi32>
        %parallel_loop3A_732 = arith.constant 7 : i32
        %parallel_loop3A_733 = vector.broadcast %parallel_loop3A_732 : i32 to vector<16xi32>
        %parallel_loop3A_734 = arith.andi %parallel_loop3A_726, %parallel_loop3A_733 : vector<16xi32>
        %parallel_loop3A_735 = arith.constant 8.000000e+00 : f32
        %parallel_loop3A_736 = vector.broadcast %parallel_loop3A_735 : f32 to vector<16xf32>
        %parallel_loop3A_737 = arith.mulf %parallel_loop3A_728, %parallel_loop3A_736 : vector<16xf32>
        tpu.vector_store_idx %arg15[%parallel_loop3A_731, %parallel_loop3A_734, %parallel_loop3A_557], %parallel_loop3A_737 : memref<8x8x128xf32, #tpu.memory_space<vmem>>[vector<16xi32>, vector<16xi32>, vector<16xi32>], vector<16xf32>,
        %parallel_loop3A_738 = vector.broadcast %parallel_loop3A_551 : i32 to vector<16xi32>
        %parallel_loop3A_739 = arith.addi %and3A_381, %parallel_loop3A_738 : vector<16xi32>
        %parallel_loop3A_740 = arith.addi %parallel_loop3A_568, %parallel_loop3A_739 : vector<16xi32>
        %parallel_loop3A_741 = tpu.vector_load_idx %arg13[%parallel_loop3A_557, %parallel_loop3A_740] : memref<128x128xf32, #tpu.memory_space<vmem>>[vector<16xi32>, vector<16xi32>], vector<16xf32>,
        %parallel_loop3A_742 = arith.constant 3 : i32
        %parallel_loop3A_743 = vector.broadcast %parallel_loop3A_742 : i32 to vector<16xi32>
        %parallel_loop3A_744 = arith.shrsi %parallel_loop3A_739, %parallel_loop3A_743 : vector<16xi32>
        %parallel_loop3A_745 = arith.constant 7 : i32
        %parallel_loop3A_746 = vector.broadcast %parallel_loop3A_745 : i32 to vector<16xi32>
        %parallel_loop3A_747 = arith.andi %parallel_loop3A_739, %parallel_loop3A_746 : vector<16xi32>
        %parallel_loop3A_748 = arith.constant 8.000000e+00 : f32
        %parallel_loop3A_749 = vector.broadcast %parallel_loop3A_748 : f32 to vector<16xf32>
        %parallel_loop3A_750 = arith.mulf %parallel_loop3A_741, %parallel_loop3A_749 : vector<16xf32>
        tpu.vector_store_idx %arg15[%parallel_loop3A_744, %parallel_loop3A_747, %parallel_loop3A_557], %parallel_loop3A_750 : memref<8x8x128xf32, #tpu.memory_space<vmem>>[vector<16xi32>, vector<16xi32>, vector<16xi32>], vector<16xf32>,
        %parallel_loop3A_751 = vector.broadcast %parallel_loop3A_551 : i32 to vector<16xi32>
        %parallel_loop3A_752 = arith.addi %and3A_387, %parallel_loop3A_751 : vector<16xi32>
        %parallel_loop3A_753 = arith.addi %parallel_loop3A_568, %parallel_loop3A_752 : vector<16xi32>
        %parallel_loop3A_754 = tpu.vector_load_idx %arg13[%parallel_loop3A_557, %parallel_loop3A_753] : memref<128x128xf32, #tpu.memory_space<vmem>>[vector<16xi32>, vector<16xi32>], vector<16xf32>,
        %parallel_loop3A_755 = arith.constant 3 : i32
        %parallel_loop3A_756 = vector.broadcast %parallel_loop3A_755 : i32 to vector<16xi32>
        %parallel_loop3A_757 = arith.shrsi %parallel_loop3A_752, %parallel_loop3A_756 : vector<16xi32>
        %parallel_loop3A_758 = arith.constant 7 : i32
        %parallel_loop3A_759 = vector.broadcast %parallel_loop3A_758 : i32 to vector<16xi32>
        %parallel_loop3A_760 = arith.andi %parallel_loop3A_752, %parallel_loop3A_759 : vector<16xi32>
        %parallel_loop3A_761 = arith.constant 8.000000e+00 : f32
        %parallel_loop3A_762 = vector.broadcast %parallel_loop3A_761 : f32 to vector<16xf32>
        %parallel_loop3A_763 = arith.mulf %parallel_loop3A_754, %parallel_loop3A_762 : vector<16xf32>
        tpu.vector_store_idx %arg15[%parallel_loop3A_757, %parallel_loop3A_760, %parallel_loop3A_557], %parallel_loop3A_763 : memref<8x8x128xf32, #tpu.memory_space<vmem>>[vector<16xi32>, vector<16xi32>, vector<16xi32>], vector<16xf32>,
        %parallel_loop3A_764 = vector.broadcast %parallel_loop3A_551 : i32 to vector<16xi32>
        %parallel_loop3A_765 = arith.addi %and3A_393, %parallel_loop3A_764 : vector<16xi32>
        %parallel_loop3A_766 = arith.addi %parallel_loop3A_568, %parallel_loop3A_765 : vector<16xi32>
        %parallel_loop3A_767 = tpu.vector_load_idx %arg13[%parallel_loop3A_557, %parallel_loop3A_766] : memref<128x128xf32, #tpu.memory_space<vmem>>[vector<16xi32>, vector<16xi32>], vector<16xf32>,
        %parallel_loop3A_768 = arith.constant 3 : i32
        %parallel_loop3A_769 = vector.broadcast %parallel_loop3A_768 : i32 to vector<16xi32>
        %parallel_loop3A_770 = arith.shrsi %parallel_loop3A_765, %parallel_loop3A_769 : vector<16xi32>
        %parallel_loop3A_771 = arith.constant 7 : i32
        %parallel_loop3A_772 = vector.broadcast %parallel_loop3A_771 : i32 to vector<16xi32>
        %parallel_loop3A_773 = arith.andi %parallel_loop3A_765, %parallel_loop3A_772 : vector<16xi32>
        %parallel_loop3A_774 = arith.constant 8.000000e+00 : f32
        %parallel_loop3A_775 = vector.broadcast %parallel_loop3A_774 : f32 to vector<16xf32>
        %parallel_loop3A_776 = arith.mulf %parallel_loop3A_767, %parallel_loop3A_775 : vector<16xf32>
        tpu.vector_store_idx %arg15[%parallel_loop3A_770, %parallel_loop3A_773, %parallel_loop3A_557], %parallel_loop3A_776 : memref<8x8x128xf32, #tpu.memory_space<vmem>>[vector<16xi32>, vector<16xi32>, vector<16xi32>], vector<16xf32>,
      } {sc.loop_unroll_factor = 2 : i64, sc.parallel_access}
      %add3A_529 = arith.constant 4 : i32
      %add3A_530 = arith.addi %add3A_517, %add3A_529 : i32
      %lt3A_531 = arith.constant 200 : i32
      %lt3A_532 = arith.cmpi slt, %add3A_530, %lt3A_531 : i32
      %convert_element_type3A_533 = arith.extui %lt3A_532 : i1 to i32
      %cond3A_534 = arith.constant 0 : i32
      %cond3A_535 = arith.cmpi ne, %convert_element_type3A_533, %cond3A_534 : i32
      scf.if %cond3A_535 {
        %add3A_547 = arith.constant 4 : i32
        %add3A_548 = arith.addi %add3A_517, %add3A_547 : i32
        %get3A_549 = arith.index_cast %add3A_548 : i32 to index
        %get3A_550 = arith.constant 0 : index
        %get3A_551 = tpu.vector_load %arg5[%get3A_549, %get3A_550] {strides = array<i32>} : memref<200x128xi32, #tpu.memory_space<vmem>>, vector<16xi32>,
        %shift_right_arithmetic3A_552 = arith.constant 1 : i32
        %shift_right_arithmetic3A_553 = vector.broadcast %shift_right_arithmetic3A_552 : i32 to vector<16xi32>
        %shift_right_arithmetic3A_554 = arith.shrsi %get3A_551, %shift_right_arithmetic3A_553 : vector<16xi32>
        %swap3A_555 = arith.constant 0 : index
        %swap3A_556 = tpu.vector_load %arg9[%swap3A_555] {strides = array<i32>} : memref<128xi32, #tpu.memory_space<vmem>>, vector<16xi32>,
        tpu.vector_store %arg9[%swap3A_555], %shift_right_arithmetic3A_554 {strides = array<i32>} : memref<128xi32, #tpu.memory_space<vmem>>, vector<16xi32>,
        %get3A_557 = arith.index_cast %add3A_548 : i32 to index
        %get3A_558 = arith.constant 16 : index
        %get3A_559 = tpu.vector_load %arg5[%get3A_557, %get3A_558] {strides = array<i32>} : memref<200x128xi32, #tpu.memory_space<vmem>>, vector<16xi32>,
        %shift_right_arithmetic3A_560 = arith.constant 1 : i32
        %shift_right_arithmetic3A_561 = vector.broadcast %shift_right_arithmetic3A_560 : i32 to vector<16xi32>
        %shift_right_arithmetic3A_562 = arith.shrsi %get3A_559, %shift_right_arithmetic3A_561 : vector<16xi32>
        %swap3A_563 = arith.constant 16 : index
        %swap3A_564 = tpu.vector_load %arg9[%swap3A_563] {strides = array<i32>} : memref<128xi32, #tpu.memory_space<vmem>>, vector<16xi32>,
        tpu.vector_store %arg9[%swap3A_563], %shift_right_arithmetic3A_562 {strides = array<i32>} : memref<128xi32, #tpu.memory_space<vmem>>, vector<16xi32>,
        %get3A_565 = arith.index_cast %add3A_548 : i32 to index
        %get3A_566 = arith.constant 32 : index
        %get3A_567 = tpu.vector_load %arg5[%get3A_565, %get3A_566] {strides = array<i32>} : memref<200x128xi32, #tpu.memory_space<vmem>>, vector<16xi32>,
        %shift_right_arithmetic3A_568 = arith.constant 1 : i32
        %shift_right_arithmetic3A_569 = vector.broadcast %shift_right_arithmetic3A_568 : i32 to vector<16xi32>
        %shift_right_arithmetic3A_570 = arith.shrsi %get3A_567, %shift_right_arithmetic3A_569 : vector<16xi32>
        %swap3A_571 = arith.constant 32 : index
        %swap3A_572 = tpu.vector_load %arg9[%swap3A_571] {strides = array<i32>} : memref<128xi32, #tpu.memory_space<vmem>>, vector<16xi32>,
        tpu.vector_store %arg9[%swap3A_571], %shift_right_arithmetic3A_570 {strides = array<i32>} : memref<128xi32, #tpu.memory_space<vmem>>, vector<16xi32>,
        %get3A_573 = arith.index_cast %add3A_548 : i32 to index
        %get3A_574 = arith.constant 48 : index
        %get3A_575 = tpu.vector_load %arg5[%get3A_573, %get3A_574] {strides = array<i32>} : memref<200x128xi32, #tpu.memory_space<vmem>>, vector<16xi32>,
        %shift_right_arithmetic3A_576 = arith.constant 1 : i32
        %shift_right_arithmetic3A_577 = vector.broadcast %shift_right_arithmetic3A_576 : i32 to vector<16xi32>
        %shift_right_arithmetic3A_578 = arith.shrsi %get3A_575, %shift_right_arithmetic3A_577 : vector<16xi32>
        %swap3A_579 = arith.constant 48 : index
        %swap3A_580 = tpu.vector_load %arg9[%swap3A_579] {strides = array<i32>} : memref<128xi32, #tpu.memory_space<vmem>>, vector<16xi32>,
        tpu.vector_store %arg9[%swap3A_579], %shift_right_arithmetic3A_578 {strides = array<i32>} : memref<128xi32, #tpu.memory_space<vmem>>, vector<16xi32>,
        %get3A_581 = arith.index_cast %add3A_548 : i32 to index
        %get3A_582 = arith.constant 64 : index
        %get3A_583 = tpu.vector_load %arg5[%get3A_581, %get3A_582] {strides = array<i32>} : memref<200x128xi32, #tpu.memory_space<vmem>>, vector<16xi32>,
        %shift_right_arithmetic3A_584 = arith.constant 1 : i32
        %shift_right_arithmetic3A_585 = vector.broadcast %shift_right_arithmetic3A_584 : i32 to vector<16xi32>
        %shift_right_arithmetic3A_586 = arith.shrsi %get3A_583, %shift_right_arithmetic3A_585 : vector<16xi32>
        %swap3A_587 = arith.constant 64 : index
        %swap3A_588 = tpu.vector_load %arg9[%swap3A_587] {strides = array<i32>} : memref<128xi32, #tpu.memory_space<vmem>>, vector<16xi32>,
        tpu.vector_store %arg9[%swap3A_587], %shift_right_arithmetic3A_586 {strides = array<i32>} : memref<128xi32, #tpu.memory_space<vmem>>, vector<16xi32>,
        %get3A_589 = arith.index_cast %add3A_548 : i32 to index
        %get3A_590 = arith.constant 80 : index
        %get3A_591 = tpu.vector_load %arg5[%get3A_589, %get3A_590] {strides = array<i32>} : memref<200x128xi32, #tpu.memory_space<vmem>>, vector<16xi32>,
        %shift_right_arithmetic3A_592 = arith.constant 1 : i32
        %shift_right_arithmetic3A_593 = vector.broadcast %shift_right_arithmetic3A_592 : i32 to vector<16xi32>
        %shift_right_arithmetic3A_594 = arith.shrsi %get3A_591, %shift_right_arithmetic3A_593 : vector<16xi32>
        %swap3A_595 = arith.constant 80 : index
        %swap3A_596 = tpu.vector_load %arg9[%swap3A_595] {strides = array<i32>} : memref<128xi32, #tpu.memory_space<vmem>>, vector<16xi32>,
        tpu.vector_store %arg9[%swap3A_595], %shift_right_arithmetic3A_594 {strides = array<i32>} : memref<128xi32, #tpu.memory_space<vmem>>, vector<16xi32>,
        %get3A_597 = arith.index_cast %add3A_548 : i32 to index
        %get3A_598 = arith.constant 96 : index
        %get3A_599 = tpu.vector_load %arg5[%get3A_597, %get3A_598] {strides = array<i32>} : memref<200x128xi32, #tpu.memory_space<vmem>>, vector<16xi32>,
        %shift_right_arithmetic3A_600 = arith.constant 1 : i32
        %shift_right_arithmetic3A_601 = vector.broadcast %shift_right_arithmetic3A_600 : i32 to vector<16xi32>
        %shift_right_arithmetic3A_602 = arith.shrsi %get3A_599, %shift_right_arithmetic3A_601 : vector<16xi32>
        %swap3A_603 = arith.constant 96 : index
        %swap3A_604 = tpu.vector_load %arg9[%swap3A_603] {strides = array<i32>} : memref<128xi32, #tpu.memory_space<vmem>>, vector<16xi32>,
        tpu.vector_store %arg9[%swap3A_603], %shift_right_arithmetic3A_602 {strides = array<i32>} : memref<128xi32, #tpu.memory_space<vmem>>, vector<16xi32>,
        %get3A_605 = arith.index_cast %add3A_548 : i32 to index
        %get3A_606 = arith.constant 112 : index
        %get3A_607 = tpu.vector_load %arg5[%get3A_605, %get3A_606] {strides = array<i32>} : memref<200x128xi32, #tpu.memory_space<vmem>>, vector<16xi32>,
        %shift_right_arithmetic3A_608 = arith.constant 1 : i32
        %shift_right_arithmetic3A_609 = vector.broadcast %shift_right_arithmetic3A_608 : i32 to vector<16xi32>
        %shift_right_arithmetic3A_610 = arith.shrsi %get3A_607, %shift_right_arithmetic3A_609 : vector<16xi32>
        %swap3A_611 = arith.constant 112 : index
        %swap3A_612 = tpu.vector_load %arg9[%swap3A_611] {strides = array<i32>} : memref<128xi32, #tpu.memory_space<vmem>>, vector<16xi32>,
        tpu.vector_store %arg9[%swap3A_611], %shift_right_arithmetic3A_610 {strides = array<i32>} : memref<128xi32, #tpu.memory_space<vmem>>, vector<16xi32>,
        %add3A_613 = arith.constant 4 : i32
        %add3A_614 = arith.addi %add3A_517, %add3A_613 : i32
        %dma_start3A_615 = arith.constant 0 : i32
        %dma_start3A_616 = arith.constant 0 : i32
        %dma_start3A_617 = tpu.memref_slice %arg3[%dma_start3A_615, %dma_start3A_616] : memref<500000x128xf32, #tpu.memory_space<hbm>> -> memref<500000x128xf32, #tpu.memory_space<hbm>>
        tpu.enqueue_indirect_dma source(%dma_start3A_617 : memref<500000x128xf32, #tpu.memory_space<hbm>>) target(%arg13 : memref<128x128xf32, #tpu.memory_space<vmem>>) offsets(%arg9 : memref<128xi32, #tpu.memory_space<vmem>>) semaphore(%arg19 : memref<!tpu.dma_semaphore, #tpu.memory_space<semaphore_mem>>)
      } else {
      }
      %dma_start3A_536 = arith.constant 0 : i32
      %dma_start3A_537 = arith.constant 0 : i32
      %dma_start3A_538 = arith.constant 0 : i32
      %dma_start3A_539 = tpu.memref_slice %arg4[%add3A_517, %dma_start3A_536, %add3A, %dma_start3A_537, %dma_start3A_538] : memref<200x8x32x8x128xf32, #tpu.memory_space<hbm>> -> memref<1x8x1x8x128xf32, #tpu.memory_space<hbm>>
      %dma_start3A_540 = tpu.memref_squeeze %dma_start3A_539 : memref<1x8x1x8x128xf32, #tpu.memory_space<hbm>> -> memref<8x8x128xf32, #tpu.memory_space<hbm>>
      %dma_start3A_541 = arith.constant 0 : i32
      %dma_start3A_542 = arith.constant 0 : i32
      %dma_start3A_543 = arith.constant 0 : i32
      %dma_start3A_544 = tpu.memref_slice %arg4[%add3A_517, %dma_start3A_541, %add3A, %dma_start3A_542, %dma_start3A_543] : memref<200x8x32x8x128xf32, #tpu.memory_space<hbm>> -> memref<1x8x1x8x128xf32, #tpu.memory_space<hbm>>
      %dma_start3A_545 = tpu.memref_squeeze %dma_start3A_544 : memref<1x8x1x8x128xf32, #tpu.memory_space<hbm>> -> memref<8x8x128xf32, #tpu.memory_space<hbm>>
      tpu.enqueue_dma source(%arg15 : memref<8x8x128xf32, #tpu.memory_space<vmem>>) target(%dma_start3A_545 : memref<8x8x128xf32, #tpu.memory_space<hbm>>) target_semaphore(%arg21 : memref<!tpu.dma_semaphore, #tpu.memory_space<semaphore_mem>>)
      %scan3A_546 = arith.constant 0 : i32
      scf.yield %scan3A_546 : i32
    }
    %scan3A_399 = arith.constant 50 : i32
    %dma_wait3A = arith.constant 198 : i32
    %dma_wait3A_400 = arith.constant 0 : i32
    %dma_wait3A_401 = arith.constant 0 : i32
    %dma_wait3A_402 = arith.constant 0 : i32
    %dma_wait3A_403 = tpu.memref_slice %arg4[%dma_wait3A, %dma_wait3A_400, %add3A, %dma_wait3A_401, %dma_wait3A_402] : memref<200x8x32x8x128xf32, #tpu.memory_space<hbm>> -> memref<1x8x1x8x128xf32, #tpu.memory_space<hbm>>
    %dma_wait3A_404 = tpu.memref_squeeze %dma_wait3A_403 : memref<1x8x1x8x128xf32, #tpu.memory_space<hbm>> -> memref<8x8x128xf32, #tpu.memory_space<hbm>>
    %dma_wait3A_405 = arith.constant 0 : i32
    %dma_wait3A_406 = arith.constant 0 : i32
    %dma_wait3A_407 = arith.constant 0 : i32
    %dma_wait3A_408 = tpu.memref_slice %arg4[%dma_wait3A, %dma_wait3A_405, %add3A, %dma_wait3A_406, %dma_wait3A_407] : memref<200x8x32x8x128xf32, #tpu.memory_space<hbm>> -> memref<1x8x1x8x128xf32, #tpu.memory_space<hbm>>
    %dma_wait3A_409 = tpu.memref_squeeze %dma_wait3A_408 : memref<1x8x1x8x128xf32, #tpu.memory_space<hbm>> -> memref<8x8x128xf32, #tpu.memory_space<hbm>>
    tpu.wait_dma2 semaphore(%arg20 : memref<!tpu.dma_semaphore, #tpu.memory_space<semaphore_mem>>) src(%arg14 : memref<8x8x128xf32, #tpu.memory_space<vmem>>) dst(%dma_wait3A_409 : memref<8x8x128xf32, #tpu.memory_space<hbm>>)
    %dma_wait3A_410 = arith.constant 199 : i32
    %dma_wait3A_411 = arith.constant 0 : i32
    %dma_wait3A_412 = arith.constant 0 : i32
    %dma_wait3A_413 = arith.constant 0 : i32
    %dma_wait3A_414 = tpu.memref_slice %arg4[%dma_wait3A_410, %dma_wait3A_411, %add3A, %dma_wait3A_412, %dma_wait3A_413] : memref<200x8x32x8x128xf32, #tpu.memory_space<hbm>> -> memref<1x8x1x8x128xf32, #tpu.memory_space<hbm>>
    %dma_wait3A_415 = tpu.memref_squeeze %dma_wait3A_414 : memref<1x8x1x8x128xf32, #tpu.memory_space<hbm>> -> memref<8x8x128xf32, #tpu.memory_space<hbm>>
    %dma_wait3A_416 = arith.constant 0 : i32
    %dma_wait3A_417 = arith.constant 0 : i32
    %dma_wait3A_418 = arith.constant 0 : i32
    %dma_wait3A_419 = tpu.memref_slice %arg4[%dma_wait3A_410, %dma_wait3A_416, %add3A, %dma_wait3A_417, %dma_wait3A_418] : memref<200x8x32x8x128xf32, #tpu.memory_space<hbm>> -> memref<1x8x1x8x128xf32, #tpu.memory_space<hbm>>
    %dma_wait3A_420 = tpu.memref_squeeze %dma_wait3A_419 : memref<1x8x1x8x128xf32, #tpu.memory_space<hbm>> -> memref<8x8x128xf32, #tpu.memory_space<hbm>>
    tpu.wait_dma2 semaphore(%arg21 : memref<!tpu.dma_semaphore, #tpu.memory_space<semaphore_mem>>) src(%arg15 : memref<8x8x128xf32, #tpu.memory_space<vmem>>) dst(%dma_wait3A_420 : memref<8x8x128xf32, #tpu.memory_space<hbm>>)
    return
  }
}

</mosaic_0001>

<sc_bundles>
// kernel: kernel.3.cloned.1.call-start
scs
__scs_entry_jumppad:
0x0: {  	(pc) =	sbr.rel $0x88, $3  }
0x1: {  	(tag) =	ssettag $0x0;
	lr =	simm.s32 $0x1  }
0x2: {  	[smem:$0x3F9F] =	sst lr;
	_ =	strace $0xD0000000  }
0x3: {  	_ = 	snop  }
0x4: {  	_ = 	snop  }
0x5: {  	_ = 	snop  }
0x6: {  	_ = 	snop  }
0x7: {  	_ = 	snop  }
__scs_overlays_trampoline_lowered:
0x8: {  	[smem:$0x3FAE] =	sst s0  }
0x9: {  	[smem:$0x3FAF] =	sst s1  }
0xa: {  	[smem:$0x3FB0] =	sst s2  }
0xb: {  	[smem:$0x3FB1] =	sst s3  }
0xc: {  	[smem:$0x3FB2] =	sst s4  }
0xd: {  	[smem:$0x3FB3] =	sst s5  }
0xe: {  	[smem:$0x3FB4] =	sst s6  }
0xf: {  	[smem:$0x3FB5] =	sst s7  }
0x10: {  	[smem:$0x3FB6] =	sst s8  }
0x11: {  	[smem:$0x3FB7] =	sst s9;
	s0 =	simm.s32 @!p0 $0x0  }
0x12: {  	s1 =	sld [smem:$0x3F9D];
	s0 =	simm.s32 @p0 $0x1  }
0x13: {  	[smem:$0x3FB8] =	sst s0;
	s0 =	simm.s32 @!p1 $0x0  }
0x14: {  	s2 =	sld [smem:$0x3F9C];
	s0 =	simm.s32 @p1 $0x1  }
0x15: {  	[smem:$0x3FB9] =	sst s0;
	s0 =	simm.s32 @!p2 $0x0  }
0x16: {  	s3 =	sld [smem:$0x3FDB];
	s0 =	simm.s32 @p2 $0x1  }
0x17: {  	s4 =	simm.s32 $0x1BF5;
	[smem:$0x3FBB] =	sst s0  }
0x18: {  	s0 =	sld [smem:$0x3F9E];
	_ =	swait.ge [sflag:s4], $0x0  }
0x19: {  	s7 =	sld [smem:$0x3F9F]  }
0x1a: {  	s8 =	sadd.s32 $0xFFFFE003, lr  }
0x1b: {  	s9 =	sadd.s32 $0xFFFFFEF7, lr;
	s5 =	simm.s32 $0xFFFFFFFF;
	p2 =	slt.u32 s8, $0xFFFFF086  }
0x1c: {  	p1 =	slt.u32 s9, $0xF7A;
	s5 =	simm.s32 @!p2 $0x0  }
0x1d: {  	s5 =	simm.s32 @p1 $0x1;
	p0 =	seq.s32 s7, s2  }
0x1e: {  	s7 =	smul.u32 @!p0 $0xF7A, s2;
	p2 =	seq.s32 @!p0 s5, $0x0  }
0x1f: {  	s9 =	smul.u32 $0xF7A, s1;
	s8 =	simm.s32 @!p0 $0x1BF5;
	p2 =	por !p2, p0  }
0x20: {  	[sflag:s8] =	ssyncset.s32 @!p0 $0xFFFFF086;
	s6 =	sadd.s32 @!p0 s3, s7;
	s7 =	simm.s32 @!p0 $0x108  }
0x21: {  	s3 =	sadd.s32 s3, s9;
	s6 =	sadd.s32 @!p0 $0x88, s6;
	s7 =	simm.s32 @p2 $0x1082  }
0x22: {  	[simem:s7], [sflag:s8] =	dma.local @!p0 [hbm:s6], $0xF7A  }
0x23: {  	s9 =	sor.u32 $0xD0000000, s2;
	s6 =	simm.s32 $0x108;
	_ =	swait.ge @!p0 [sflag:s8], $0x0  }
0x24: {  	s3 =	sadd.s32 $0x88, s3;
	s6 =	simm.s32 @!p1 $0x1082;
	[sflag:s4] =	ssyncset.s32 $0xFFFFF086  }
0x25: {  	[simem:s6], [sflag:s4] =	dma.local [hbm:s3], $0xF7A  }
0x26: {  	[smem:$0x3F9F] =	sst s1;
	(tag) =	ssettag s2;
	_ =	strace s9  }
0x27: {  	s1 =	sld [smem:$0x3FAF]  }
0x28: {  	s2 =	sld [smem:$0x3FB0]  }
0x29: {  	s4 =	sld [smem:$0x3FB2]  }
0x2a: {  	p0 =	seq.s32 s5, $0x0;
	s5 =	sld [smem:$0x3FB3]  }
0x2b: {  	s6 =	sld [smem:$0x3FB4]  }
0x2c: {  	s7 =	sld [smem:$0x3FB5]  }
0x2d: {  	s3 =	simm.s32 $0x108;
	s8 =	sld [smem:$0x3FB6]  }
0x2e: {  	s3 =	simm.s32 @!p0 $0x1082;
	s9 =	sld [smem:$0x3FB7]  }
0x2f: {  	lr =	sadd.s32 s0, s3;
	s0 =	sld [smem:$0x3FAE]  }
0x30: {  	s3 =	sld [smem:$0x3FB1]  }
0x31: {  	[smem:$0x3FBA] =	sst s10  }
0x32: {  	s10 =	sld [smem:$0x3FB8];
	_ =	sdelay $0x3  }
0x33: {  	p0 =	seq.s32 s10, $0x1;
	s10 =	sld [smem:$0x3FBA];
	_ =	sdelay $0x3  }
0x34: {  	[smem:$0x3FBA] =	sst s10  }
0x35: {  	s10 =	sld [smem:$0x3FB9];
	_ =	sdelay $0x3  }
0x36: {  	p1 =	seq.s32 s10, $0x1;
	s10 =	sld [smem:$0x3FBA];
	_ =	sdelay $0x3  }
0x37: {  	[smem:$0x3FBA] =	sst s10  }
0x38: {  	s10 =	sld [smem:$0x3FBB]  }
0x39: {  	_ = 	snop;
	(pc) =	sbr.ind lr, $3  }
0x3a: {  	_ = 	snop  }
0x3b: {  	_ = 	snop  }
0x3c: {  	p2 =	seq.s32 s10, $0x1;
	s10 =	sld [smem:$0x3FBA]  }
0x3d: {  	_ =	shalt  }
0x3e: {  	_ =	shalt  }
0x3f: {  	_ =	shalt  }
0x40: {  	_ =	shalt  }
0x41: {  	_ =	shalt  }
0x42: {  	_ =	shalt  }
0x43: {  	_ =	shalt  }
0x44: {  	_ =	shalt  }
0x45: {  	_ =	shalt  }
0x46: {  	_ =	shalt  }
0x47: {  	_ =	shalt  }
0x48: {  	_ =	shalt  }
0x49: {  	_ =	shalt  }
0x4a: {  	_ =	shalt  }
0x4b: {  	_ =	shalt  }
0x4c: {  	_ =	shalt  }
0x4d: {  	_ =	shalt  }
0x4e: {  	_ =	shalt  }
0x4f: {  	_ =	shalt  }
0x50: {  	_ =	shalt  }
0x51: {  	_ =	shalt  }
0x52: {  	_ =	shalt  }
0x53: {  	_ =	shalt  }
0x54: {  	_ =	shalt  }
0x55: {  	_ =	shalt  }
0x56: {  	_ =	shalt  }
0x57: {  	_ =	shalt  }
0x58: {  	_ =	shalt  }
0x59: {  	_ =	shalt  }
0x5a: {  	_ =	shalt  }
0x5b: {  	_ =	shalt  }
0x5c: {  	_ =	shalt  }
0x5d: {  	_ =	shalt  }
0x5e: {  	_ =	shalt  }
0x5f: {  	_ =	shalt  }
0x60: {  	_ =	shalt  }
0x61: {  	_ =	shalt  }
0x62: {  	_ =	shalt  }
0x63: {  	_ =	shalt  }
0x64: {  	_ =	shalt  }
0x65: {  	_ =	shalt  }
0x66: {  	_ =	shalt  }
0x67: {  	_ =	shalt  }
0x68: {  	_ =	shalt  }
0x69: {  	_ =	shalt  }
0x6a: {  	_ =	shalt  }
0x6b: {  	_ =	shalt  }
0x6c: {  	_ =	shalt  }
0x6d: {  	_ =	shalt  }
0x6e: {  	_ =	shalt  }
0x6f: {  	_ =	shalt  }
0x70: {  	_ =	shalt  }
0x71: {  	_ =	shalt  }
0x72: {  	_ =	shalt  }
0x73: {  	_ =	shalt  }
0x74: {  	_ =	shalt  }
0x75: {  	_ =	shalt  }
0x76: {  	_ =	shalt  }
0x77: {  	_ =	shalt  }
0x78: {  	_ =	shalt  }
0x79: {  	_ =	shalt  }
0x7a: {  	_ =	shalt  }
0x7b: {  	_ =	shalt  }
0x7c: {  	_ =	shalt  }
0x7d: {  	_ =	shalt  }
0x7e: {  	_ =	shalt  }
0x7f: {  	_ =	shalt  }
0x80: {  	_ =	shalt  }
0x81: {  	_ =	shalt  }
0x82: {  	_ =	shalt  }
0x83: {  	_ =	shalt  }
0x84: {  	_ =	shalt  }
0x85: {  	_ =	shalt  }
0x86: {  	_ =	shalt  }
0x87: {  	_ =	shalt  }
.Lfunc_end0:
.L_simem_size_0:
called_computation_lowered:
.L_overlay_start_0:
0x88: {  	s2 =	sld [smem:$0x3FD9]  }
0x89: {  	s3 =	sld [smem:$0x3FFE];
	_ =	sdelay $0x1  }
0x8a: {  	s1 =	srdreg.scid  }
0x8b: {  	s0 =	sand.u32 $0x1, s1  }
0x8c: {  	s17 =	sshll.u32 s0, $0xA;
	s2 =	sadd.s32 s3, s2  }
0x8d: {  	s2 =	sadd.s32 s2, s17  }
0x8e: {  	[smem:$0x3FC6] =	sst s2  }
0x8f: {  	_ = 	snop  }
0x90: {  	s2 =	sld [smem:$0x3FC9]  }
0x91: {  	s18 =	sld [smem:$0x3FD0];
	(tm) =	ssettm $0x1  }
0x92: {  	s4 =	sld [smem:$0x3FFB];
	_ =	sdelay $0x3  }
0x93: {  	_ =	strace s4  }
0x94: {  	s4 =	sld [smem:$0x3FFC];
	_ =	sdelay $0x3  }
0x95: {  	_ =	strace s4  }
0x96: {  	s4 =	sld [smem:$0x3FFD];
	_ =	sdelay $0x3  }
0x97: {  	_ =	strace s4  }
0x98: {  	_ =	strace $0x8FFFFFFF  }
0x99: {  	s19 =	sld [smem:$0x3FDB];
	_ =	sdelay $0x1  }
0x9a: {  	s5 =	simm.s32 $_scs_section_size  }
0x9b: {  	s6 =	simm.s32 $_size__tile_overlayer_lowered;
	s7 =	simm.s32 $_tile_overlayer_lowered  }
0x9c: {  	s22 =	simm.s32 $0x1BFF;
	s21 =	sshll.u32 s7, $0x1;
	s4 =	sadd.s32 s5, s19  }
0x9d: {  	s8 =	simm.s32 $0x0;
	s20 =	sshll.u32 s6, $0x1;
	s6 =	sadd.s32 s21, s4  }
0x9e: {  	[timem:s8], [sflag:s22] =	dma.local [hbm:s6], s20  }
0x9f: {  	_ =	swait.ge [sflag:s22], s20  }
0xa0: {  	s5 =	ssub.s32 $0x0, s20;
	[sflag:s22] =	ssyncset.done $0x0  }
0xa1: {  	[sflag:s22] =	ssyncadd.s32 s5;
	_ =	sdelay $0x1  }
0xa2: {  	s23 =	simm.s32 $0x1B8B  }
0xa3: {  	_ =	swait.ge [sflag:s23], $0x1  }
0xa4: {  	[sflag:s23] =	ssyncset.done $0x0  }
0xa5: {  	s25 =	simm.s32 $0x1B8E;
	s24 =	sld [smem:$0x3FFE];
	[sflag:s23] =	ssyncadd.s32 $0xFFFFFFFF  }
0xa6: {  	s26 =	simm.s32 $execute0_lowered;
	[smem:$0x3FD2] =	sst s25  }
0xa7: {  	s6 =	sshll.u32 s26, $0x1;
	_ =	strace $0x80000046;
	[dreg:$0x1] =	wrdreg $0xFFFFFFFF  }
0xa8: {  	s28 =	simm.s32 $_size_execute0_lowered;
	s4 =	sadd.s32 s4, s6;
	[dreg:$0x0] =	wrdreg $0x0  }
0xa9: {  	s6 =	sshll.u32 s28, $0x1;
	[dreg:$0x2] =	wrdreg s4  }
0xaa: {  	[dreg:$0x3] =	wrdreg s6  }
0xab: {  	[dreg:$0x4] =	wrdreg $0xC0  }
0xac: {  	_ =	task [dreg:s8], $0x5FFFF  }
0xad: {  	[dreg:$0x1] =	wrdreg $0xFFFFFFFF  }
0xae: {  	[dreg:$0x0] =	wrdreg $0x60  }
0xaf: {  	[dreg:$0x2] =	wrdreg s2  }
0xb0: {  	[dreg:$0x3] =	wrdreg s24  }
0xb1: {  	[dreg:$0x4] =	wrdreg s18  }
0xb2: {  	[dreg:$0x5] =	wrdreg $0x9  }
0xb3: {  	_ =	task.clear_ibuf [dreg:s8], $0x6FFFF;
	_ =	strace $0x90000046  }
0xb4: {  	s29 =	simm.s32 $0x9;
	_ =	strace $0x80000048  }
0xb5: {  	_ =	swait.ge [sflag:s29], $0x1  }
0xb6: {  	[sflag:s29] =	ssyncadd.s32 $0xFFFFFFFF  }
0xb7: {  	_ =	strace $0x90000048  }
0xb8: {  	_ =	sfence  }
0xb9: {  	s30 =	sld [smem:$0x0];
	_ =	sdelay $0x2  }
0xba: {  	s31 =	sshll.u32 s1, $0xD;
	s1 =	sshrl.u32 s1, $0x2  }
0xbb: {  	s3 =	sand.u32 $0x4000, s31;
	s1 =	sadd.s32 s1, s30  }
0xbc: {  	s0 =	sor.u32 s3, s0;
	s1 =	sshll.u32 s1, $0x11  }
0xbd: {  	s0 =	sor.u32 s1, s0  }
0xbe: {  	s0 =	sadd.s32 $0x8F2B, s0  }
0xbf: {  	[sflag:s0] =	ssyncadd.remote.s32 $0x1  }
0xc0: {  	_ =	sfence.sel $0xFFFF  }
0xc1: {  	[dreg:$0x0] =	wrdreg $0xFFFFFFFF;
	(pc) =	sbr.abs _section_cstart, $3  }
0xc2: {  	[dreg:$0x1] =	wrdreg $0xFFFFFFFF  }
0xc3: {  	_ =	task.clear_ibuf [dreg:s8], $0x2FFFF;
	_ =	strace $0x9FFFFFFF  }
0xc4: {  	(tm) =	ssettm $0x7FFFFFFF  }
0xc5: {  	_ =	shalt  }
tec
execute0_lowered:
.L_overlay_start_1:
0x0: {  	(tag) =	ssettag $0x1  }
0x1: {  	v0 =	vlaneseq.u32;
	v2 =	vimm.s32 $0xFEDCBA9  }
0x2: {  	vm12 =	vcmask $0x300;
	v3 =	vimm.s32 $0x0;
	vm13 =	vcmask $0x704  }
0x3: {  	v4 =	vimm.s32 $0x87654321;
	vm11 =	vcmask $0xB08;
	vm10 =	vcmask $0xF0C  }
0x4: {  	vm9 =	vcmask $0x1310;
	vm8 =	vcmask $0x1714;
	vm7 =	vcmask $0x1B18  }
0x5: {  	vm6 =	vcmask $0x2320;
	vm5 =	vcmask $0x2724;
	vm4 =	vcmask $0x2B28  }
0x6: {  	vm2 =	vcmask $0x2F2C;
	vm1 =	vcmask $0x3330;
	vm0 =	vcmask $0x3734  }
0x7: {  	v6 =	vimm.s32 $0x98765432;
	vm3 =	vcmask $0x3B38;
	v8 =	vimm.s32 $0xA9876543  }
0x8: {  	v10 =	vimm.s32 $0xBA987654;
	v12 =	vimm.s32 $0xCBA98765;
	v28 =	vimm.s32 $0xEDCBA987  }
0x9: {  	v30 =	vimm.s32 $0x76543210;
	v1 =	vand.u32 $0x7, v0;
	v3 =	vsel vm12, $0x80, v3  }
0xa: {  	v2 =	vunpack.c.l.s4.s8 v2;
	v4 =	vunpack.c.l.s4.s8 v4;
	v3 =	vsel vm13, $0x100, v3  }
0xb: {  	v6 =	vunpack.c.l.s4.s8 v6;
	v8 =	vunpack.c.l.s4.s8 v8;
	v3 =	vsel vm11, $0x180, v3  }
0xc: {  	v10 =	vunpack.c.l.s4.s8 v10;
	v16 =	vunpack.c.0.s8.s32 v2;
	v2 =	vsel vm10, $0x200, v3  }
0xd: {  	v17 =	vunpack.c.0.s8.s32 v4;
	v4 =	vimm.s32 $0x80;
	v2 =	vsel vm9, $0x280, v2  }
0xe: {  	v28 =	vunpack.c.l.s4.s8 v28;
	v4 =	vsel vm12, $0x100, v4;
	v2 =	vsel vm8, $0x300, v2  }
0xf: {  	v30 =	vunpack.c.l.s4.s8 v30;
	v4 =	vsel vm13, $0x180, v4;
	v2 =	vsel vm7, $0x380, v2  }
0x10: {  	v1 =	vmul.u32 $0x80, v1;
	v4 =	vsel vm11, $0x200, v4;
	v2 =	vsel vm6, $0x80, v2  }
0x11: {  	v3 =	vcombine.low v17, v16;
	v4 =	vsel vm10, $0x280, v4;
	v2 =	vsel vm5, $0x100, v2  }
0x12: {  	v19 =	vunpack.c.0.s8.s32 v6;
	v4 =	vsel vm9, $0x300, v4;
	v2 =	vsel vm4, $0x180, v2  }
0x13: {  	v46 =	vand.u32 $0xF, v3;
	v4 =	vsel vm8, $0x380, v4;
	v5 =	vsel vm2, $0x200, v2  }
0x14: {  	v4 =	vsel vm7, $0x0, v4;
	v3 =	vsel vm1, $0x280, v5;
	v5 =	vimm.s32 $0x10FEDCBA  }
0x15: {  	v21 =	vunpack.c.0.s8.s32 v8;
	v4 =	vsel vm6, $0x100, v4;
	v5 =	vunpack.c.l.s4.s8 v5  }
0x16: {  	v23 =	vunpack.c.0.s8.s32 v10;
	v28 =	vunpack.c.0.s8.s32 v28;
	v4 =	vsel vm5, $0x180, v4  }
0x17: {  	v4 =	vsel vm4, $0x200, v4;
	v18 =	vunpack.c.0.s8.s32 v5;
	v5 =	vimm.s32 $0x100  }
0x18: {  	v17 =	vcombine.low v16, v17;
	v7 =	vsel vm2, $0x280, v4;
	v5 =	vsel vm12, $0x180, v5  }
0x19: {  	v6 =	vcombine.low v19, v18;
	v4 =	vsel vm13, $0x200, v5;
	v5 =	vimm.s32 $0x210FEDCB  }
0x1a: {  	v30 =	vunpack.c.0.s8.s32 v30;
	v4 =	vsel vm11, $0x280, v4;
	v5 =	vunpack.c.l.s4.s8 v5  }
0x1b: {  	v51 =	vand.u32 $0xF, v17;
	v9 =	vsel vm10, $0x300, v4;
	v54 =	vand.u32 $0xF, v6  }
0x1c: {  	v6 =	vsel vm1, $0x300, v7;
	v7 =	vsel vm9, $0x380, v9;
	v20 =	vunpack.c.0.s8.s32 v5  }
0x1d: {  	v3 =	vsel vm0, $0x300, v3;
	v5 =	vsel vm8, $0x0, v7;
	v7 =	vimm.s32 $0x180  }
0x1e: {  	v5 =	vsel vm7, $0x80, v5;
	v8 =	vcombine.low v21, v20;
	v7 =	vsel vm12, $0x200, v7  }
0x1f: {  	v18 =	vcombine.low v18, v19;
	v9 =	vsel vm6, $0x180, v5;
	v7 =	vsel vm13, $0x280, v7  }
0x20: {  	v9 =	vsel vm5, $0x200, v9;
	v37 =	vand.u32 $0xF, v8;
	v7 =	vsel vm11, $0x300, v7  }
0x21: {  	v8 =	vsel vm4, $0x280, v9;
	v9 =	vimm.s32 $0x3210FEDC;
	v7 =	vsel vm10, $0x380, v7  }
0x22: {  	v8 =	vsel vm2, $0x300, v8;
	v9 =	vunpack.c.l.s4.s8 v9;
	v7 =	vsel vm9, $0x0, v7  }
0x23: {  	v6 =	vsel vm0, $0x380, v6;
	v8 =	vsel vm1, $0x380, v8;
	v7 =	vsel vm8, $0x80, v7  }
0x24: {  	v22 =	vunpack.c.0.s8.s32 v9;
	v7 =	vsel vm7, $0x100, v7;
	v9 =	vimm.s32 $0x200  }
0x25: {  	v8 =	vsel vm0, $0x0, v8;
	v7 =	vsel vm6, $0x200, v7;
	v9 =	vsel vm12, $0x280, v9  }
0x26: {  	v7 =	vsel vm5, $0x280, v7;
	v9 =	vsel vm13, $0x300, v9;
	v10 =	vcombine.low v23, v22  }
0x27: {  	v11 =	vsel vm4, $0x300, v7;
	v9 =	vsel vm11, $0x380, v9;
	v7 =	vsel vm3, $0x80, v8  }
0x28: {  	v11 =	vsel vm2, $0x380, v11;
	v9 =	vsel vm10, $0x0, v9;
	v8 =	vand.u32 $0xF, v10  }
0x29: {  	v10 =	vsel vm1, $0x0, v11;
	v9 =	vsel vm9, $0x80, v9;
	v11 =	vimm.s32 $0x43210FED  }
0x2a: {  	v10 =	vsel vm0, $0x80, v10;
	v9 =	vsel vm8, $0x100, v9;
	v11 =	vunpack.c.l.s4.s8 v11  }
0x2b: {  	v13 =	vsel vm7, $0x180, v9;
	v9 =	vsel vm3, $0x100, v10;
	v10 =	vunpack.c.l.s4.s8 v12  }
0x2c: {  	v12 =	vsel vm6, $0x280, v13;
	v24 =	vunpack.c.0.s8.s32 v11;
	v13 =	vimm.s32 $0xDCBA9876  }
0x2d: {  	v11 =	vsel vm5, $0x300, v12;
	v12 =	vimm.s32 $0x280;
	v25 =	vunpack.c.0.s8.s32 v10  }
0x2e: {  	v10 =	vsel vm4, $0x380, v11;
	v11 =	vsel vm12, $0x300, v12;
	v12 =	vimm.s32 $0x543210FE  }
0x2f: {  	v13 =	vunpack.c.l.s4.s8 v13;
	v11 =	vsel vm13, $0x380, v11;
	v12 =	vunpack.c.l.s4.s8 v12  }
0x30: {  	v19 =	vcombine.low v20, v21;
	v15 =	vsel vm2, $0x0, v10;
	v11 =	vsel vm11, $0x0, v11  }
0x31: {  	v27 =	vunpack.c.0.s8.s32 v13;
	v10 =	vsel vm10, $0x80, v11;
	v26 =	vunpack.c.0.s8.s32 v12  }
0x32: {  	v5 =	vsel vm3, $0x0, v6;
	v14 =	vcombine.low v25, v24;
	v11 =	vsel vm9, $0x100, v10  }
0x33: {  	v20 =	vcombine.low v22, v23;
	v11 =	vsel vm8, $0x180, v11;
	v13 =	vcombine.low v27, v26  }
0x34: {  	s0 =	rddreg [dreg:$0x0];
	v6 =	vand.u32 $0xF, v14;
	v12 =	vsel vm1, $0x80, v15;
	v14 =	vsel vm7, $0x200, v11  }
0x35: {  	s2 =	rddreg [dreg:$0x1];
	s5 =	simm.s32 $0x0;
	v15 =	vimm.s32 $0x300;
	v14 =	vsel vm6, $0x300, v14;
	v55 =	vand.u32 $0xF, v13  }
0x36: {  	[smem:$0x7FF] =	sst s5;
	v13 =	vsel vm5, $0x380, v14;
	v14 =	vsel vm12, $0x380, v15;
	v15 =	vimm.s32 $0x6543210F  }
0x37: {  	s1 =	rddreg [dreg:$0x2];
	_ =	strace $0x80000047;
	[tilespmem:$0x1FF90] =	vst v51;
	v52 =	vand.u32 $0xF, v19;
	v14 =	vsel vm13, $0x0, v14;
	v15 =	vunpack.c.l.s4.s8 v15  }
0x38: {  	[tilespmem:$0x1FF60] =	vst v52;
	v17 =	vand.u32 $0xF, v20;
	v21 =	vcombine.low v24, v25;
	v14 =	vsel vm11, $0x80, v14  }
0x39: {  	s3 =	srdreg.scid;
	[tilespmem:$0x1FFA0] =	vst v37;
	v14 =	vsel vm10, $0x100, v14;
	v29 =	vunpack.c.0.s8.s32 v15;
	v15 =	vimm.s32 $0xFEDCBA98  }
0x3a: {  	s4 =	stileid.u32;
	s8 =	simm.s32 $0x400;
	s9 =	simm.s32 $0x8000;
	v3 =	vsel vm3, $0x380, v3;
	[tilespmem:$0x1FF40] =	vst v17;
	v14 =	vsel vm9, $0x180, v14;
	v15 =	vunpack.c.l.s4.s8 v15  }
0x3b: {  	s10 =	simm.s32 $0x7;
	s11 =	simm.s32 $0x80;
	s13 =	simm.s32 $0x6600;
	[tilespmem:$0x1FF80] =	vst v8;
	v21 =	vand.u32 $0xF, v21;
	v12 =	vsel vm0, $0x100, v12;
	v14 =	vsel vm8, $0x200, v14  }
0x3c: {  	s15 =	simm.s32 $0xA600;
	s17 =	simm.s32 $0xE600;
	s19 =	simm.s32 $0x12600;
	[tilespmem:$0x1FF50] =	vst v21;
	v23 =	vcombine.low v29, v28;
	v14 =	vsel vm7, $0x280, v14;
	v15 =	vunpack.c.0.s8.s32 v15  }
0x3d: {  	s20 =	simm.s32 $0x1;
	s21 =	simm.s32 $0x16600;
	s22 =	simm.s32 $0x2;
	[tilespmem:$0x1FF70] =	vst v6;
	v13 =	vsel vm4, $0x0, v13;
	v31 =	vcombine.low v28, v29;
	v14 =	vsel vm6, $0x380, v14  }
0x3e: {  	s23 =	simm.s32 $0x18600;
	s24 =	simm.s32 $0x3;
	s25 =	simm.s32 $0x5;
	[tilespmem:$0x1FFF0] =	vst v55;
	v23 =	vand.u32 $0xF, v23;
	v14 =	vsel vm5, $0x0, v14;
	v15 =	vand.u32 $0xF, v15  }
0x3f: {  	s28 =	simm.s32 $0x6;
	s3 =	sand.u32 $0x1, s3;
	s4 =	sshll.u32 s4, $0x1;
	[tilespmem:$0x1FFD0] =	vst v23;
	v32 =	vsel vm4, $0x80, v14;
	v14 =	vand.u32 $0xF, v31;
	v15 =	vcombine.low v15, v30  }
0x40: {  	s29 =	simm.s32 $0x0;
	s26 =	ssub.s32 $0x2, s3;
	s3 =	sor.u32 s3, s4;
	v22 =	vcombine.low v26, v27;
	v13 =	vsel vm2, $0x80, v13;
	v63 =	vsel vm2, $0x100, v32;
	[tilespmem:$0x1FFC0] =	vst v14  }
0x41: {  	s4 =	sadd.s32 $0xF42800, s2;
	s6 =	sshrl.u32 s26, $0x1;
	s31 =	sshll.u32 s3, $0x7;
	v13 =	vsel vm1, $0x100, v13;
	v31 =	vsel vm1, $0x180, v63;
	v63 =	vand.u32 $0xF, v18;
	[tilespmem:$0x1FFB0] =	vst v15  }
0x42: {  	s30 =	ssub.s32 s26, s6;
	s0 =	sadd.s32 s0, s31;
	s6 =	sshll.u32 s3, $0xA;
	v13 =	vsel vm0, $0x180, v13;
	v18 =	vand.u32 $0xF, v22;
	v16 =	vsel vm0, $0x200, v31;
	[tilespmem:$0x1FF30] =	vst v63  }
0x43: {  	s26 =	simm.s32 $0x4;
	[dreg:$0x4] =	wrdreg s0;
	s7 =	smax.u32 s30, $0x1;
	v11 =	vsel vm3, $0x180, v12;
	v13 =	vsel vm3, $0x200, v13;
	[tilespmem:$0x1FFE0] =	vst v18;
	v16 =	vsel vm3, $0x280, v16  }
.LBB2_1:
0x44: {  	s0 =	simm.s32 $0x0;
	s2 =	rddreg [dreg:$0x4]  }
0x45: {  	[tilespmem:s0], [sflag:$0x7] =	stream.strided.gather [hbm4b:s2+s8], $0x6400, s9, s8, $0x38;
	[tilespmem:$0x1A600] =	vst v63  }
0x46: {  	_ =	swait.ge [sflag:s10], $0x6400  }
0x47: {  	[sflag:s10] =	ssyncset.done $0x0  }
0x48: {  	[sflag:s10] =	ssyncadd.s32 $0xFFFF9C00  }
0x49: {  	v24 =	vld [tilespmem:$0x0]  }
0x4a: {  	v25 =	vld [tilespmem:$0x10]  }
0x4b: {  	v26 =	vld [tilespmem:$0x20]  }
0x4c: {  	v27 =	vld [tilespmem:$0x30]  }
0x4d: {  	v28 =	vld [tilespmem:$0x40]  }
0x4e: {  	v29 =	vld [tilespmem:$0x50];
	v24 =	vshra.s32 v24, $0x1  }
0x4f: {  	v62 =	vld [tilespmem:$0x60];
	v61 =	vshra.s32 v25, $0x1;
	[tilespmem:$0x6400] =	vst v24  }
0x50: {  	v31 =	vld [tilespmem:$0x70];
	v30 =	vshra.s32 v26, $0x1;
	[tilespmem:$0x6410] =	vst v61  }
0x51: {  	v32 =	vshra.s32 v27, $0x1;
	[tilespmem:$0x6420] =	vst v30  }
0x52: {  	v33 =	vshra.s32 v28, $0x1;
	[tilespmem:$0x6430] =	vst v32  }
0x53: {  	v34 =	vshra.s32 v29, $0x1;
	[tilespmem:$0x6440] =	vst v33  }
0x54: {  	v35 =	vshra.s32 v62, $0x1;
	[tilespmem:$0x6450] =	vst v34  }
0x55: {  	v36 =	vshra.s32 v31, $0x1;
	[tilespmem:$0x6460] =	vst v35  }
0x56: {  	s14 =	simm.s32 $0x6400;
	[tilespmem:$0x6470] =	vst v36  }
0x57: {  	[tilespmem:s13], [sflag:$0x1] =	stream.indirect.gather [hbm4b:s4+s11], $0x80, s14, s11, $0xb8;
	[tilespmem:$0x1A600] =	vst v63  }
0x58: {  	v38 =	vld [tilespmem:$0x80]  }
0x59: {  	v39 =	vld [tilespmem:$0x90]  }
0x5a: {  	v40 =	vld [tilespmem:$0xA0]  }
0x5b: {  	v41 =	vld [tilespmem:$0xB0]  }
0x5c: {  	v42 =	vld [tilespmem:$0xC0]  }
0x5d: {  	v43 =	vld [tilespmem:$0xD0];
	v24 =	vshra.s32 v38, $0x1  }
0x5e: {  	v45 =	vld [tilespmem:$0xE0];
	v44 =	vshra.s32 v39, $0x1;
	[tilespmem:$0x6480] =	vst v24  }
0x5f: {  	v48 =	vld [tilespmem:$0xF0];
	v47 =	vshra.s32 v40, $0x1;
	[tilespmem:$0x6490] =	vst v44  }
0x60: {  	v49 =	vshra.s32 v41, $0x1;
	[tilespmem:$0x64A0] =	vst v47  }
0x61: {  	v50 =	vshra.s32 v42, $0x1;
	[tilespmem:$0x64B0] =	vst v49  }
0x62: {  	v53 =	vshra.s32 v43, $0x1;
	[tilespmem:$0x64C0] =	vst v50  }
0x63: {  	v56 =	vshra.s32 v45, $0x1;
	[tilespmem:$0x64D0] =	vst v53  }
0x64: {  	v57 =	vshra.s32 v48, $0x1;
	[tilespmem:$0x64E0] =	vst v56  }
0x65: {  	s16 =	simm.s32 $0x6480;
	[tilespmem:$0x64F0] =	vst v57  }
0x66: {  	[tilespmem:s15], [sflag:$0x2] =	stream.indirect.gather [hbm4b:s4+s11], $0x80, s16, s11, $0xb8;
	[tilespmem:$0x1A600] =	vst v63  }
0x67: {  	v58 =	vld [tilespmem:$0x100]  }
0x68: {  	v59 =	vld [tilespmem:$0x110]  }
0x69: {  	v60 =	vld [tilespmem:$0x120]  }
0x6a: {  	v61 =	vld [tilespmem:$0x130]  }
0x6b: {  	v62 =	vld [tilespmem:$0x140]  }
0x6c: {  	v32 =	vld [tilespmem:$0x150];
	v24 =	vshra.s32 v58, $0x1  }
0x6d: {  	v34 =	vld [tilespmem:$0x160];
	v33 =	vshra.s32 v59, $0x1;
	[tilespmem:$0x6500] =	vst v24  }
0x6e: {  	v36 =	vld [tilespmem:$0x170];
	v35 =	vshra.s32 v60, $0x1;
	[tilespmem:$0x6510] =	vst v33  }
0x6f: {  	v38 =	vshra.s32 v61, $0x1;
	[tilespmem:$0x6520] =	vst v35  }
0x70: {  	v39 =	vshra.s32 v62, $0x1;
	[tilespmem:$0x6530] =	vst v38  }
0x71: {  	v40 =	vshra.s32 v32, $0x1;
	[tilespmem:$0x6540] =	vst v39  }
0x72: {  	v41 =	vshra.s32 v34, $0x1;
	[tilespmem:$0x6550] =	vst v40  }
0x73: {  	v42 =	vshra.s32 v36, $0x1;
	[tilespmem:$0x6560] =	vst v41  }
0x74: {  	s18 =	simm.s32 $0x6500;
	[tilespmem:$0x6570] =	vst v42  }
0x75: {  	[tilespmem:s17], [sflag:$0x3] =	stream.indirect.gather [hbm4b:s4+s11], $0x80, s18, s11, $0xb8;
	[tilespmem:$0x1A600] =	vst v63  }
0x76: {  	v43 =	vld [tilespmem:$0x180]  }
0x77: {  	v44 =	vld [tilespmem:$0x190]  }
0x78: {  	v45 =	vld [tilespmem:$0x1A0]  }
0x79: {  	v47 =	vld [tilespmem:$0x1B0]  }
0x7a: {  	v48 =	vld [tilespmem:$0x1C0]  }
0x7b: {  	v49 =	vld [tilespmem:$0x1D0];
	v24 =	vshra.s32 v43, $0x1  }
0x7c: {  	v53 =	vld [tilespmem:$0x1E0];
	v50 =	vshra.s32 v44, $0x1;
	[tilespmem:$0x6580] =	vst v24  }
0x7d: {  	v57 =	vld [tilespmem:$0x1F0];
	v56 =	vshra.s32 v45, $0x1;
	[tilespmem:$0x6590] =	vst v50  }
0x7e: {  	v58 =	vshra.s32 v47, $0x1;
	[tilespmem:$0x65A0] =	vst v56  }
0x7f: {  	v59 =	vshra.s32 v48, $0x1;
	[tilespmem:$0x65B0] =	vst v58  }
0x80: {  	v60 =	vshra.s32 v49, $0x1;
	[tilespmem:$0x65C0] =	vst v59  }
0x81: {  	v61 =	vshra.s32 v53, $0x1;
	[tilespmem:$0x65D0] =	vst v60  }
0x82: {  	v62 =	vshra.s32 v57, $0x1;
	[tilespmem:$0x65E0] =	vst v61  }
0x83: {  	s31 =	simm.s32 $0x6580;
	s30 =	simm.s32 $0x0;
	[tilespmem:$0x65F0] =	vst v62  }
0x84: {  	[tilespmem:s19], [sflag:$0x4] =	stream.indirect.gather [hbm4b:s4+s11], $0x80, s31, s11, $0xb8;
	[tilespmem:$0x1A600] =	vst v63  }
.LBB2_2:
0x85: {  	s0 =	sshll.u32 s30, $0x9  }
0x86: {  	_ =	swait.ge [sflag:s20], $0x4000;
	s31 =	sand.u32 $0x3FFFFE00, s0  }
0x87: {  	p1 =	seq.s32 s30, $0x0;
	[sflag:s20] =	ssyncset.done $0x0;
	v24 =	vmov s31  }
0x88: {  	s0 =	simm.s32 @!p1 $0x5;
	[sflag:s20] =	ssyncadd.s32 $0xFFFFC000  }
0x89: {  	s2 =	simm.s32 $0x0;
	_ =	swait.ge @!p1 [sflag:s0], $0x2000  }
0x8a: {  	s3 =	sand.u32 $0x60, s2;
	[sflag:s0] =	ssyncset.done @!p1 $0x0  }
0x8b: {  	s18 =	sor.u32 $0x10, s3;
	[sflag:s0] =	ssyncadd.s32 @!p1 $0xFFFFE000  }
0x8c: {  	v25 =	vld.idx.msk [tilespmem:v24+s18+$0x0 ss:$0x1], $0xffff;
	_ =	sdelay $0x4  }
0x8d: {  	v31 =	vor.u32 s18, v0;
	v25 =	vshll.u32 v25, $0x6  }
0x8e: {  	s12 =	sand.u32 $0x30, s2;
	v26 =	vshll.u32 v31, $0x7;
	v25 =	vand.u32 $0x40, v25  }
0x8f: {  	v27 =	vor.u32 s12, v0;
	v32 =	vor.u32 v26, v25  }
0x90: {  	v25 =	vor.u32 v27, v32;
	_ =	sdelay $0x2  }
0x91: {  	v26 =	vld.idx.msk [tilespmem:v24+s3+$0x0 ss:$0x1], $0xffff  }
0x92: {  	v28 =	vshll.u32 v27, $0x7  }
0x93: {  	v28 =	vand.u32 $0x1C00, v28;
	v25 =	vld.idx.msk [tilespmem:v25+s13+$0x0], $0xffff  }
0x94: {  	v28 =	vor.u32 v1, v28  }
0x95: {  	v33 =	vor.u32 s12, v46;
	v34 =	vor.u32 v31, v28  }
0x96: {  	v60 =	vor.u32 s3, v0;
	v35 =	vor.u32 v33, v32;
	v26 =	vshll.u32 v26, $0x6  }
0x97: {  	v30 =	vshll.u32 v60, $0x7;
	v26 =	vand.u32 $0x40, v26  }
0x98: {  	v30 =	vor.u32 v30, v26;
	v25 =	vmul.f32 $8.000000000e+00, v25  }
0x99: {  	v26 =	vor.u32 v27, v30  }
0x9a: {  	[tilespmem:v34+s21+$0x0] =	vst.idx.msk $0xffff, v25;
	v25 =	vshll.u32 v33, $0x7  }
0x9b: {  	v27 =	vld.idx.msk [tilespmem:v35+s13+$0x0], $0xffff;
	v25 =	vand.u32 $0x1C00, v25  }
0x9c: {  	v25 =	vor.u32 v3, v25  }
0x9d: {  	v40 =	vor.u32 s12, v54;
	v41 =	vor.u32 v31, v25  }
0x9e: {  	v36 =	vor.u32 v40, v32;
	v26 =	vld.idx.msk [tilespmem:v26+s13+$0x0], $0xffff;
	_ =	sdelay $0x1  }
0x9f: {  	v28 =	vor.u32 v60, v28;
	v27 =	vmul.f32 $8.000000000e+00, v27  }
0xa0: {  	v33 =	vor.u32 v33, v30  }
0xa1: {  	[tilespmem:v41+s21+$0x0] =	vst.idx.msk $0xffff, v27;
	v27 =	vshll.u32 v40, $0x7  }
0xa2: {  	v26 =	vmul.f32 $8.000000000e+00, v26;
	v35 =	vld.idx.msk [tilespmem:v36+s13+$0x0], $0xffff;
	v27 =	vand.u32 $0x1C00, v27  }
0xa3: {  	v27 =	vor.u32 v5, v27  }
0xa4: {  	v42 =	vor.u32 s12, v37;
	[tilespmem:v28+s21+$0x0] =	vst.idx.msk $0xffff, v26;
	v43 =	vor.u32 v31, v27  }
0xa5: {  	v38 =	vor.u32 v42, v32;
	v26 =	vld.idx.msk [tilespmem:v33+s13+$0x0], $0xffff;
	_ =	sdelay $0x1  }
0xa6: {  	v25 =	vor.u32 v60, v25;
	v28 =	vmul.f32 $8.000000000e+00, v35  }
0xa7: {  	v44 =	vor.u32 v40, v30  }
0xa8: {  	[tilespmem:v43+s21+$0x0] =	vst.idx.msk $0xffff, v28;
	v28 =	vshll.u32 v42, $0x7  }
0xa9: {  	v26 =	vmul.f32 $8.000000000e+00, v26;
	v45 =	vld.idx.msk [tilespmem:v38+s13+$0x0], $0xffff;
	v28 =	vand.u32 $0x1C00, v28  }
0xaa: {  	v28 =	vor.u32 v7, v28  }
0xab: {  	v47 =	vor.u32 s12, v8;
	[tilespmem:v25+s21+$0x0] =	vst.idx.msk $0xffff, v26;
	v48 =	vor.u32 v31, v28  }
0xac: {  	v49 =	vor.u32 v47, v32;
	v25 =	vld.idx.msk [tilespmem:v44+s13+$0x0], $0xffff;
	_ =	sdelay $0x1  }
0xad: {  	v27 =	vor.u32 v60, v27;
	v26 =	vmul.f32 $8.000000000e+00, v45  }
0xae: {  	v50 =	vor.u32 v42, v30  }
0xaf: {  	[tilespmem:v48+s21+$0x0] =	vst.idx.msk $0xffff, v26;
	v26 =	vshll.u32 v47, $0x7  }
0xb0: {  	v25 =	vmul.f32 $8.000000000e+00, v25;
	v53 =	vld.idx.msk [tilespmem:v49+s13+$0x0], $0xffff;
	v26 =	vand.u32 $0x1C00, v26  }
0xb1: {  	v26 =	vor.u32 v9, v26  }
0xb2: {  	s2 =	simm.s32 $0x20;
	v56 =	vor.u32 s12, v6;
	[tilespmem:v27+s21+$0x0] =	vst.idx.msk $0xffff, v25;
	v57 =	vor.u32 v31, v26  }
0xb3: {  	s0 =	sand.u32 $0x60, s2;
	v58 =	vor.u32 v56, v32;
	v25 =	vld.idx.msk [tilespmem:v50+s13+$0x0], $0xffff  }
0xb4: {  	v39 =	vld.idx.msk [tilespmem:v24+s0+$0x0 ss:$0x1], $0xffff;
	s3 =	sor.u32 $0x10, s0  }
0xb5: {  	v59 =	vld.idx.msk [tilespmem:v24+s3+$0x0 ss:$0x1], $0xffff;
	v28 =	vor.u32 v60, v28;
	v27 =	vmul.f32 $8.000000000e+00, v53  }
0xb6: {  	v35 =	vor.u32 v47, v30  }
0xb7: {  	v10 =	vmov v6;
	v6 =	vor.u32 s0, v0;
	[tilespmem:v57+s21+$0x0] =	vst.idx.msk $0xffff, v27;
	v27 =	vshll.u32 v56, $0x7  }
0xb8: {  	v22 =	vmovc v37;
	v2 =	vor.u32 s3, v0;
	v25 =	vmul.f32 $8.000000000e+00, v25;
	v37 =	vld.idx.msk [tilespmem:v58+s13+$0x0], $0xffff;
	v27 =	vand.u32 $0x1C00, v27  }
0xb9: {  	s5 =	simm.s32 $0x4;
	v39 =	vshll.u32 v39, $0x6;
	v62 =	vshll.u32 v2, $0x7;
	v27 =	vor.u32 v11, v27  }
0xba: {  	s0 =	sand.u32 $0x30, s5;
	v40 =	vor.u32 s12, v55;
	[tilespmem:v28+s21+$0x0] =	vst.idx.msk $0xffff, v25;
	v28 =	vshll.u32 v59, $0x6;
	v41 =	vor.u32 v31, v27  }
0xbb: {  	v42 =	vor.u32 v40, v32;
	v44 =	vor.u32 s0, v0;
	v61 =	vld.idx.msk [tilespmem:v35+s13+$0x0], $0xffff;
	v28 =	vand.u32 $0x40, v28  }
0xbc: {  	v48 =	vand.u32 $0x40, v39;
	v26 =	vor.u32 v60, v26;
	v12 =	vor.u32 v62, v28  }
0xbd: {  	v25 =	vshll.u32 v6, $0x7;
	v28 =	vor.u32 v44, v12;
	v43 =	vmul.f32 $8.000000000e+00, v37  }
0xbe: {  	v38 =	vor.u32 v56, v30;
	v4 =	vor.u32 v25, v48  }
0xbf: {  	v49 =	vshll.u32 v40, $0x7;
	v50 =	vor.u32 v44, v4;
	[tilespmem:v41+s21+$0x0] =	vst.idx.msk $0xffff, v43  }
0xc0: {  	v25 =	vand.u32 $0x1C00, v49;
	v33 =	vmul.f32 $8.000000000e+00, v61;
	v41 =	vld.idx.msk [tilespmem:v42+s13+$0x0], $0xffff  }
0xc1: {  	v25 =	vor.u32 v13, v25;
	v44 =	vshll.u32 v44, $0x7  }
0xc2: {  	v53 =	vor.u32 v31, v25;
	[tilespmem:v26+s21+$0x0] =	vst.idx.msk $0xffff, v33;
	v26 =	vld.idx.msk [tilespmem:v28+s13+$0x0], $0xffff;
	v28 =	vand.u32 $0x1C00, v44;
	v42 =	vor.u32 s12, v14  }
0xc3: {  	v33 =	vld.idx.msk [tilespmem:v38+s13+$0x0], $0xffff;
	v28 =	vor.u32 v1, v28;
	v45 =	vor.u32 v42, v32  }
0xc4: {  	v57 =	vor.u32 s0, v46;
	v39 =	vld.idx.msk [tilespmem:v50+s13+$0x0], $0xffff;
	v58 =	vor.u32 v2, v28  }
0xc5: {  	v59 =	vor.u32 v57, v12;
	v27 =	vor.u32 v60, v27;
	v56 =	vmul.f32 $8.000000000e+00, v41  }
0xc6: {  	v40 =	vor.u32 v40, v30;
	v28 =	vor.u32 v6, v28  }
0xc7: {  	v62 =	vor.u32 v57, v4;
	v61 =	vshll.u32 v42, $0x7;
	v26 =	vmul.f32 $8.000000000e+00, v26;
	[tilespmem:v53+s21+$0x0] =	vst.idx.msk $0xffff, v56  }
0xc8: {  	v38 =	vand.u32 $0x1C00, v61;
	v33 =	vmul.f32 $8.000000000e+00, v33;
	v43 =	vld.idx.msk [tilespmem:v45+s13+$0x0], $0xffff  }
0xc9: {  	v44 =	vshll.u32 v57, $0x7;
	v38 =	vor.u32 v16, v38;
	[tilespmem:v58+s21+$0x0] =	vst.idx.msk $0xffff, v26;
	v26 =	vmul.f32 $8.000000000e+00, v39  }
0xca: {  	v47 =	vor.u32 s12, v15;
	v50 =	vand.u32 $0x1C00, v44;
	v48 =	vor.u32 v31, v38;
	[tilespmem:v27+s21+$0x0] =	vst.idx.msk $0xffff, v33;
	v27 =	vld.idx.msk [tilespmem:v59+s13+$0x0], $0xffff  }
0xcb: {  	v49 =	vor.u32 v47, v32;
	v53 =	vld.idx.msk [tilespmem:v40+s13+$0x0], $0xffff;
	[tilespmem:v28+s21+$0x0] =	vst.idx.msk $0xffff, v26;
	v26 =	vor.u32 v3, v50  }
0xcc: {  	v57 =	vor.u32 s0, v54;
	v56 =	vld.idx.msk [tilespmem:v62+s13+$0x0], $0xffff;
	v58 =	vor.u32 v2, v26  }
0xcd: {  	v25 =	vor.u32 v60, v25;
	v59 =	vor.u32 v57, v12;
	v28 =	vmul.f32 $8.000000000e+00, v43  }
0xce: {  	v42 =	vor.u32 v42, v30;
	v26 =	vor.u32 v6, v26  }
0xcf: {  	v61 =	vor.u32 v57, v4;
	v27 =	vmul.f32 $8.000000000e+00, v27;
	[tilespmem:v48+s21+$0x0] =	vst.idx.msk $0xffff, v28;
	v28 =	vshll.u32 v47, $0x7  }
0xd0: {  	v39 =	vmul.f32 $8.000000000e+00, v53;
	v41 =	vld.idx.msk [tilespmem:v49+s13+$0x0], $0xffff;
	v28 =	vand.u32 $0x1C00, v28  }
0xd1: {  	v29 =	vmovc v46;
	v50 =	vshll.u32 v57, $0x7;
	[tilespmem:v58+s21+$0x0] =	vst.idx.msk $0xffff, v27;
	v27 =	vmul.f32 $8.000000000e+00, v56;
	v28 =	vor.u32 v1, v28  }
0xd2: {  	v46 =	vor.u32 s12, v51;
	v33 =	vand.u32 $0x1C00, v50;
	v43 =	vld.idx.msk [tilespmem:v59+s13+$0x0], $0xffff;
	[tilespmem:v25+s21+$0x0] =	vst.idx.msk $0xffff, v39;
	v62 =	vor.u32 v31, v28  }
0xd3: {  	v53 =	vor.u32 v46, v32;
	v25 =	vor.u32 v5, v33;
	[tilespmem:v26+s21+$0x0] =	vst.idx.msk $0xffff, v27;
	v26 =	vld.idx.msk [tilespmem:v42+s13+$0x0], $0xffff  }
0xd4: {  	v57 =	vor.u32 s0, v22;
	v58 =	vor.u32 v2, v25;
	v56 =	vld.idx.msk [tilespmem:v61+s13+$0x0], $0xffff  }
0xd5: {  	v38 =	vor.u32 v60, v38;
	v59 =	vor.u32 v57, v12;
	v27 =	vmul.f32 $8.000000000e+00, v41  }
0xd6: {  	v25 =	vor.u32 v6, v25  }
0xd7: {  	v61 =	vor.u32 v47, v30;
	v43 =	vmul.f32 $8.000000000e+00, v43;
	[tilespmem:v62+s21+$0x0] =	vst.idx.msk $0xffff, v27;
	v27 =	vshll.u32 v46, $0x7  }
0xd8: {  	v26 =	vmul.f32 $8.000000000e+00, v26;
	v62 =	vor.u32 v57, v4;
	v40 =	vld.idx.msk [tilespmem:v53+s13+$0x0], $0xffff;
	v27 =	vand.u32 $0x1C00, v27  }
0xd9: {  	v39 =	vshll.u32 v57, $0x7;
	[tilespmem:v58+s21+$0x0] =	vst.idx.msk $0xffff, v43;
	v33 =	vmul.f32 $8.000000000e+00, v56;
	v27 =	vor.u32 v3, v27  }
0xda: {  	v39 =	vand.u32 $0x1C00, v39;
	v47 =	vor.u32 s12, v63;
	v42 =	vld.idx.msk [tilespmem:v59+s13+$0x0], $0xffff;
	[tilespmem:v38+s21+$0x0] =	vst.idx.msk $0xffff, v26;
	v63 =	vor.u32 v31, v27  }
0xdb: {  	[tilespmem:v25+s21+$0x0] =	vst.idx.msk $0xffff, v33;
	v25 =	vor.u32 v7, v39;
	v53 =	vor.u32 v47, v32  }
0xdc: {  	v50 =	vor.u32 s12, v17;
	v59 =	vor.u32 s0, v8;
	v26 =	vld.idx.msk [tilespmem:v61+s13+$0x0], $0xffff;
	v61 =	vor.u32 v2, v25  }
0xdd: {  	v28 =	vor.u32 v60, v28;
	v56 =	vor.u32 v59, v12;
	v58 =	vld.idx.msk [tilespmem:v62+s13+$0x0], $0xffff;
	v57 =	vmul.f32 $8.000000000e+00, v40  }
0xde: {  	v36 =	vmovc v8;
	v43 =	vor.u32 v46, v30;
	v8 =	vor.u32 v50, v30;
	v62 =	vshll.u32 v47, $0x7  }
0xdf: {  	v25 =	vor.u32 v6, v25;
	v42 =	vmul.f32 $8.000000000e+00, v42;
	v33 =	vand.u32 $0x1C00, v62;
	[tilespmem:v63+s21+$0x0] =	vst.idx.msk $0xffff, v57  }
0xe0: {  	v27 =	vor.u32 v60, v27;
	v33 =	vor.u32 v5, v33;
	v63 =	vor.u32 v59, v4;
	v41 =	vld.idx.msk [tilespmem:v53+s13+$0x0], $0xffff  }
0xe1: {  	v26 =	vmul.f32 $8.000000000e+00, v26;
	[tilespmem:v61+s21+$0x0] =	vst.idx.msk $0xffff, v42;
	v42 =	vor.u32 v47, v30;
	v57 =	vor.u32 v31, v33  }
0xe2: {  	v44 =	vld.idx.msk [tilespmem:v56+s13+$0x0], $0xffff;
	v59 =	vshll.u32 v59, $0x7;
	v53 =	vor.u32 s12, v52;
	v58 =	vmul.f32 $8.000000000e+00, v58  }
0xe3: {  	[tilespmem:v28+s21+$0x0] =	vst.idx.msk $0xffff, v26;
	v38 =	vor.u32 v60, v33;
	v62 =	vand.u32 $0x1C00, v59;
	v61 =	vor.u32 v53, v32  }
0xe4: {  	v33 =	vor.u32 s0, v10;
	v43 =	vld.idx.msk [tilespmem:v43+s13+$0x0], $0xffff;
	[tilespmem:v25+s21+$0x0] =	vst.idx.msk $0xffff, v58;
	v25 =	vor.u32 v9, v62  }
0xe5: {  	s14 =	simm.s32 $0x40;
	v35 =	vmovc v10;
	v10 =	vmovc v54;
	v54 =	vor.u32 s0, v55;
	v28 =	vld.idx.msk [tilespmem:v63+s13+$0x0], $0xffff;
	v63 =	vor.u32 v2, v25;
	v26 =	vmul.f32 $8.000000000e+00, v41  }
0xe6: {  	s2 =	sand.u32 $0x60, s14;
	v37 =	vmovc v22;
	v22 =	vmovc v55;
	v55 =	vor.u32 s0, v14;
	v56 =	vor.u32 v33, v12;
	v47 =	vor.u32 v33, v4  }
0xe7: {  	v59 =	vld.idx.msk [tilespmem:v24+s2+$0x0 ss:$0x1], $0xffff;
	v33 =	vshll.u32 v33, $0x7;
	v40 =	vor.u32 v53, v30;
	v58 =	vmul.f32 $8.000000000e+00, v44;
	[tilespmem:v57+s21+$0x0] =	vst.idx.msk $0xffff, v26  }
0xe8: {  	v26 =	vshll.u32 v53, $0x7;
	v57 =	vor.u32 v6, v25;
	v25 =	vor.u32 s2, v0;
	s2 =	sor.u32 $0x10, s2;
	v48 =	vld.idx.msk [tilespmem:v61+s13+$0x0], $0xffff  }
0xe9: {  	v33 =	vand.u32 $0x1C00, v33;
	v43 =	vmul.f32 $8.000000000e+00, v43;
	v26 =	vand.u32 $0x1C00, v26;
	v62 =	vld.idx.msk [tilespmem:v24+s2+$0x0 ss:$0x1], $0xffff  }
0xea: {  	v26 =	vor.u32 v7, v26;
	[tilespmem:v63+s21+$0x0] =	vst.idx.msk $0xffff, v58;
	v28 =	vmul.f32 $8.000000000e+00, v28;
	v63 =	vor.u32 v50, v32  }
0xeb: {  	v61 =	vor.u32 v31, v26;
	v39 =	vor.u32 v60, v26;
	v26 =	vor.u32 v11, v33  }
0xec: {  	v49 =	vshll.u32 v25, $0x7;
	v45 =	vld.idx.msk [tilespmem:v56+s13+$0x0], $0xffff;
	[tilespmem:$0x1FED0] =	vst v8;
	v56 =	vor.u32 v54, v12;
	v53 =	vor.u32 v6, v26  }
0xed: {  	s16 =	simm.s32 $0x8;
	v33 =	vor.u32 v2, v26;
	v26 =	vor.u32 s2, v0;
	[tilespmem:v57+s21+$0x0] =	vst.idx.msk $0xffff, v28;
	v28 =	vshll.u32 v59, $0x6  }
0xee: {  	s2 =	sand.u32 $0x30, s16;
	[tilespmem:v27+s21+$0x0] =	vst.idx.msk $0xffff, v43;
	v57 =	vshll.u32 v50, $0x7;
	v59 =	vshll.u32 v26, $0x7;
	v50 =	vor.u32 s12, v21  }
0xef: {  	v20 =	vmovc v17;
	v17 =	vmovc v52;
	v42 =	vld.idx.msk [tilespmem:v42+s13+$0x0], $0xffff;
	v52 =	vor.u32 s2, v29;
	v48 =	vmul.f32 $8.000000000e+00, v48;
	v58 =	vshll.u32 v62, $0x6  }
0xf0: {  	v47 =	vld.idx.msk [tilespmem:v47+s13+$0x0], $0xffff;
	v46 =	vand.u32 $0x1C00, v57;
	v28 =	vand.u32 $0x40, v28;
	v57 =	vor.u32 v55, v12  }
0xf1: {  	v46 =	vor.u32 v9, v46;
	v28 =	vor.u32 v49, v28;
	[tilespmem:v61+s21+$0x0] =	vst.idx.msk $0xffff, v48;
	v45 =	vmul.f32 $8.000000000e+00, v45  }
0xf2: {  	v48 =	vand.u32 $0x40, v58;
	v61 =	vor.u32 s2, v0;
	v62 =	vor.u32 v31, v46;
	v41 =	vld.idx.msk [tilespmem:v63+s13+$0x0], $0xffff  }
0xf3: {  	v27 =	vor.u32 v59, v48;
	v63 =	vshll.u32 v54, $0x7;
	v54 =	vor.u32 v54, v4;
	[tilespmem:v33+s21+$0x0] =	vst.idx.msk $0xffff, v45  }
0xf4: {  	v49 =	vor.u32 v61, v28;
	v43 =	vshll.u32 v61, $0x7;
	v48 =	vor.u32 v61, v27;
	v44 =	vld.idx.msk [tilespmem:v56+s13+$0x0], $0xffff  }
0xf5: {  	v33 =	vor.u32 v50, v32;
	v45 =	vand.u32 $0x1C00, v63;
	v47 =	vmul.f32 $8.000000000e+00, v47  }
0xf6: {  	v42 =	vmul.f32 $8.000000000e+00, v42;
	v61 =	vand.u32 $0x1C00, v43;
	v45 =	vor.u32 v13, v45  }
0xf7: {  	v59 =	vor.u32 v52, v27;
	v56 =	vor.u32 v2, v45;
	[tilespmem:v53+s21+$0x0] =	vst.idx.msk $0xffff, v47;
	v41 =	vmul.f32 $8.000000000e+00, v41  }
0xf8: {  	v63 =	vshll.u32 v52, $0x7;
	v43 =	vor.u32 v6, v45;
	v53 =	vor.u32 s0, v15;
	v54 =	vld.idx.msk [tilespmem:v54+s13+$0x0], $0xffff  }
0xf9: {  	v48 =	vld.idx.msk [tilespmem:v48+s13+$0x0], $0xffff;
	[tilespmem:v62+s21+$0x0] =	vst.idx.msk $0xffff, v41;
	v62 =	vshll.u32 v50, $0x7;
	v41 =	vor.u32 v1, v61;
	v44 =	vmul.f32 $8.000000000e+00, v44  }
0xfa: {  	v19 =	vmovc v51;
	v51 =	vld.idx.msk [tilespmem:v33+s13+$0x0], $0xffff;
	v45 =	vand.u32 $0x1C00, v62;
	v58 =	vor.u32 v26, v41;
	v33 =	vor.u32 s12, v18  }
0xfb: {  	v49 =	vld.idx.msk [tilespmem:v49+s13+$0x0], $0xffff;
	v41 =	vor.u32 v25, v41;
	v62 =	vor.u32 v52, v28;
	v45 =	vor.u32 v11, v45  }
0xfc: {  	v52 =	vor.u32 v53, v12;
	[tilespmem:v56+s21+$0x0] =	vst.idx.msk $0xffff, v44;
	v44 =	vshll.u32 v55, $0x7;
	v61 =	vor.u32 v31, v45  }
0xfd: {  	[tilespmem:v38+s21+$0x0] =	vst.idx.msk $0xffff, v42;
	v56 =	vor.u32 v33, v32;
	v57 =	vld.idx.msk [tilespmem:v57+s13+$0x0], $0xffff;
	v44 =	vand.u32 $0x1C00, v44;
	v38 =	vmul.f32 $8.000000000e+00, v54  }
0xfe: {  	v55 =	vor.u32 v55, v4;
	v48 =	vmul.f32 $8.000000000e+00, v48;
	v44 =	vor.u32 v16, v44  }
0xff: {  	v47 =	vor.u32 v6, v44;
	v44 =	vor.u32 v2, v44;
	[tilespmem:v43+s21+$0x0] =	vst.idx.msk $0xffff, v38;
	v51 =	vmul.f32 $8.000000000e+00, v51  }
0x100: {  	[tilespmem:v58+s21+$0x0] =	vst.idx.msk $0xffff, v48;
	v48 =	vmul.f32 $8.000000000e+00, v49;
	v49 =	vand.u32 $0x1C00, v63;
	v63 =	vor.u32 s12, v23  }
0x101: {  	v58 =	vld.idx.msk [tilespmem:v59+s13+$0x0], $0xffff;
	v49 =	vor.u32 v3, v49;
	v38 =	vshll.u32 v63, $0x7;
	[tilespmem:v61+s21+$0x0] =	vst.idx.msk $0xffff, v51;
	v61 =	vshll.u32 v33, $0x7  }
0x102: {  	v8 =	vmovc v29;
	v57 =	vmul.f32 $8.000000000e+00, v57;
	[tilespmem:v41+s21+$0x0] =	vst.idx.msk $0xffff, v48;
	v41 =	vor.u32 s2, v10;
	v56 =	vld.idx.msk [tilespmem:v56+s13+$0x0], $0xffff;
	v59 =	vand.u32 $0x1C00, v61  }
0x103: {  	v48 =	vor.u32 v26, v49;
	v61 =	vld.idx.msk [tilespmem:v62+s13+$0x0], $0xffff;
	v62 =	vor.u32 v41, v27;
	v59 =	vor.u32 v13, v59  }
0x104: {  	[tilespmem:v44+s21+$0x0] =	vst.idx.msk $0xffff, v57;
	v44 =	vor.u32 v25, v49;
	v49 =	vshll.u32 v53, $0x7;
	v29 =	vor.u32 v31, v59  }
0x105: {  	v51 =	vor.u32 v53, v4;
	v53 =	vor.u32 v41, v28;
	v52 =	vld.idx.msk [tilespmem:v52+s13+$0x0], $0xffff;
	v49 =	vand.u32 $0x1C00, v49  }
0x106: {  	v40 =	vld.idx.msk [tilespmem:v40+s13+$0x0], $0xffff;
	v41 =	vshll.u32 v41, $0x7;
	v57 =	vmul.f32 $8.000000000e+00, v58;
	v42 =	vor.u32 v1, v49  }
0x107: {  	v54 =	vor.u32 v6, v42;
	v42 =	vor.u32 v2, v42;
	v49 =	vmul.f32 $8.000000000e+00, v56  }
0x108: {  	v38 =	vand.u32 $0x1C00, v38;
	v41 =	vand.u32 $0x1C00, v41;
	[tilespmem:v48+s21+$0x0] =	vst.idx.msk $0xffff, v57;
	v48 =	vmul.f32 $8.000000000e+00, v61  }
0x109: {  	v58 =	vld.idx.msk [tilespmem:v62+s13+$0x0], $0xffff;
	[tilespmem:v29+s21+$0x0] =	vst.idx.msk $0xffff, v49;
	v29 =	vor.u32 v5, v41;
	v49 =	vor.u32 v16, v38  }
0x10a: {  	v34 =	vmov v14;
	v41 =	vld.idx.msk [tilespmem:v55+s13+$0x0], $0xffff;
	v62 =	vmul.f32 $8.000000000e+00, v52;
	[tilespmem:v44+s21+$0x0] =	vst.idx.msk $0xffff, v48;
	v14 =	vor.u32 v31, v49  }
0x10b: {  	v40 =	vmul.f32 $8.000000000e+00, v40;
	v52 =	vld.idx.msk [tilespmem:v53+s13+$0x0], $0xffff;
	[tilespmem:$0x1FEF0] =	vst v14  }
0x10c: {  	[tilespmem:v42+s21+$0x0] =	vst.idx.msk $0xffff, v62  }
0x10d: {  	[tilespmem:v39+s21+$0x0] =	vst.idx.msk $0xffff, v40  }
0x10e: {  	v14 =	vld [tilespmem:$0x1FED0];
	_ =	sdelay $0x2  }
0x10f: {  	v48 =	vor.u32 v26, v29;
	_ =	sdelay $0x1  }
0x110: {  	v56 =	vor.u32 s0, v19  }
0x111: {  	v38 =	vshll.u32 v56, $0x7;
	v62 =	vmul.f32 $8.000000000e+00, v58  }
0x112: {  	v57 =	vor.u32 v56, v12;
	v42 =	vand.u32 $0x1C00, v38  }
0x113: {  	v44 =	vor.u32 s2, v37;
	v37 =	vor.u32 v3, v42;
	[tilespmem:v48+s21+$0x0] =	vst.idx.msk $0xffff, v62;
	v42 =	vld.idx.msk [tilespmem:v14+s13+$0x0], $0xffff  }
0x114: {  	v14 =	vld [tilespmem:$0x1FF30];
	_ =	sdelay $0x1  }
0x115: {  	v53 =	vor.u32 v44, v27  }
0x116: {  	v32 =	vor.u32 v63, v32;
	v43 =	vld.idx.msk [tilespmem:v57+s13+$0x0], $0xffff  }
0x117: {  	v29 =	vor.u32 v25, v29;
	v31 =	vor.u32 v44, v28;
	v39 =	vor.u32 v60, v46  }
0x118: {  	v46 =	vor.u32 v50, v30;
	v50 =	vor.u32 v2, v37;
	v48 =	vor.u32 s0, v14  }
0x119: {  	v44 =	vshll.u32 v44, $0x7;
	v41 =	vmul.f32 $8.000000000e+00, v41;
	v38 =	vor.u32 v48, v12  }
0x11a: {  	v44 =	vand.u32 $0x1C00, v44;
	v52 =	vmul.f32 $8.000000000e+00, v52;
	v53 =	vld.idx.msk [tilespmem:v53+s13+$0x0], $0xffff  }
0x11b: {  	v32 =	vld.idx.msk [tilespmem:v32+s13+$0x0], $0xffff;
	v58 =	vor.u32 v7, v44;
	v62 =	vmul.f32 $8.000000000e+00, v43;
	[tilespmem:v47+s21+$0x0] =	vst.idx.msk $0xffff, v41  }
0x11c: {  	v61 =	vor.u32 v56, v4;
	v44 =	vor.u32 v26, v58;
	[tilespmem:v29+s21+$0x0] =	vst.idx.msk $0xffff, v52;
	v29 =	vld.idx.msk [tilespmem:v51+s13+$0x0], $0xffff  }
0x11d: {  	v36 =	vor.u32 s2, v36;
	[tilespmem:v50+s21+$0x0] =	vst.idx.msk $0xffff, v62;
	v31 =	vld.idx.msk [tilespmem:v31+s13+$0x0], $0xffff;
	v42 =	vmul.f32 $8.000000000e+00, v42;
	v14 =	vor.u32 v33, v30  }
0x11e: {  	v56 =	vor.u32 v6, v37;
	v37 =	vor.u32 v36, v27;
	v43 =	vshll.u32 v36, $0x7;
	v38 =	vld.idx.msk [tilespmem:v38+s13+$0x0], $0xffff;
	[tilespmem:$0x1FEE0] =	vst v14  }
0x11f: {  	v55 =	vmul.f32 $8.000000000e+00, v53;
	v51 =	vor.u32 v25, v58;
	v14 =	vor.u32 v60, v59;
	[tilespmem:v39+s21+$0x0] =	vst.idx.msk $0xffff, v42  }
0x120: {  	v57 =	vor.u32 v48, v4;
	v48 =	vshll.u32 v48, $0x7;
	[tilespmem:$0x1FF10] =	vst v14;
	v14 =	vor.u32 v63, v30  }
0x121: {  	v52 =	vor.u32 v36, v28;
	v29 =	vmul.f32 $8.000000000e+00, v29;
	v48 =	vand.u32 $0x1C00, v48;
	[tilespmem:$0x1FF20] =	vst v14  }
0x122: {  	v41 =	vor.u32 v60, v45;
	v48 =	vor.u32 v5, v48;
	v14 =	vmul.f32 $8.000000000e+00, v32;
	[tilespmem:v44+s21+$0x0] =	vst.idx.msk $0xffff, v55  }
0x123: {  	v58 =	vor.u32 s0, v17;
	v31 =	vmul.f32 $8.000000000e+00, v31;
	v59 =	vor.u32 v2, v48;
	v30 =	vld.idx.msk [tilespmem:v46+s13+$0x0], $0xffff;
	[tilespmem:v54+s21+$0x0] =	vst.idx.msk $0xffff, v29  }
0x124: {  	s18 =	simm.s32 $0x60;
	v36 =	vand.u32 $0x1C00, v43;
	v47 =	vor.u32 v58, v4;
	v63 =	vor.u32 v58, v12;
	v62 =	vld.idx.msk [tilespmem:v37+s13+$0x0], $0xffff;
	[tilespmem:$0x1FF00] =	vst v14  }
0x125: {  	s3 =	sand.u32 $0x60, s18;
	v40 =	vshll.u32 v58, $0x7;
	v48 =	vor.u32 v6, v48;
	v39 =	vor.u32 s2, v35;
	[tilespmem:v51+s21+$0x0] =	vst.idx.msk $0xffff, v31;
	v31 =	vld.idx.msk [tilespmem:v61+s13+$0x0], $0xffff  }
0x126: {  	v32 =	vand.u32 $0x1C00, v40;
	v29 =	vor.u32 v9, v36;
	v37 =	vmul.f32 $8.000000000e+00, v38;
	v43 =	vld.idx.msk [tilespmem:v24+s3+$0x0 ss:$0x1], $0xffff  }
0x127: {  	v54 =	vor.u32 v39, v28;
	v55 =	vor.u32 v39, v27;
	v53 =	vor.u32 v26, v29;
	v38 =	vld.idx.msk [tilespmem:v52+s13+$0x0], $0xffff  }
0x128: {  	v58 =	vor.u32 s0, v20;
	v32 =	vor.u32 v7, v32;
	v51 =	vor.u32 v25, v29;
	[tilespmem:v59+s21+$0x0] =	vst.idx.msk $0xffff, v37  }
0x129: {  	v29 =	vor.u32 v60, v49;
	v59 =	vor.u32 v2, v32;
	v42 =	vld.idx.msk [tilespmem:v63+s13+$0x0], $0xffff;
	v63 =	vor.u32 s2, v22  }
0x12a: {  	v44 =	vmul.f32 $8.000000000e+00, v30;
	v30 =	vor.u32 s3, v0;
	v46 =	vmul.f32 $8.000000000e+00, v62  }
0x12b: {  	s3 =	sor.u32 $0x10, s3;
	v50 =	vshll.u32 v30, $0x7;
	v61 =	vmul.f32 $8.000000000e+00, v31;
	v49 =	vshll.u32 v43, $0x6  }
0x12c: {  	v36 =	vld.idx.msk [tilespmem:v24+s3+$0x0 ss:$0x1], $0xffff;
	v43 =	vor.u32 v63, v27;
	[tilespmem:v53+s21+$0x0] =	vst.idx.msk $0xffff, v46;
	v37 =	vmul.f32 $8.000000000e+00, v38;
	v38 =	vshll.u32 v39, $0x7  }
0x12d: {  	s14 =	simm.s32 $0xC;
	v39 =	vor.u32 v58, v12;
	v46 =	vor.u32 v6, v32;
	v55 =	vld.idx.msk [tilespmem:v55+s13+$0x0], $0xffff;
	v45 =	vand.u32 $0x1C00, v38  }
0x12e: {  	s12 =	sand.u32 $0x30, s14;
	v40 =	vmul.f32 $8.000000000e+00, v42;
	[tilespmem:v56+s21+$0x0] =	vst.idx.msk $0xffff, v61;
	v61 =	vor.u32 v63, v28;
	v31 =	vor.u32 v11, v45  }
0x12f: {  	v45 =	vor.u32 v58, v4;
	[tilespmem:v51+s21+$0x0] =	vst.idx.msk $0xffff, v37;
	v58 =	vshll.u32 v58, $0x7;
	v37 =	vor.u32 s12, v0  }
0x130: {  	v62 =	vor.u32 v25, v31;
	v42 =	vor.u32 v26, v31;
	v31 =	vor.u32 s3, v0  }
0x131: {  	[tilespmem:v59+s21+$0x0] =	vst.idx.msk $0xffff, v40;
	v60 =	vshll.u32 v36, $0x6;
	v53 =	vand.u32 $0x1C00, v58;
	v59 =	vor.u32 s0, v21  }
0x132: {  	v40 =	vshll.u32 v63, $0x7;
	v32 =	vand.u32 $0x40, v60;
	v36 =	vshll.u32 v31, $0x7  }
0x133: {  	v63 =	vor.u32 s2, v34;
	v52 =	vld.idx.msk [tilespmem:v39+s13+$0x0], $0xffff;
	v32 =	vor.u32 v36, v32;
	v55 =	vmul.f32 $8.000000000e+00, v55  }
0x134: {  	v54 =	vld.idx.msk [tilespmem:v54+s13+$0x0], $0xffff;
	v56 =	vshll.u32 v37, $0x7;
	v53 =	vor.u32 v9, v53;
	v58 =	vor.u32 v37, v32  }
0x135: {  	v35 =	vor.u32 v63, v27;
	v38 =	vor.u32 v2, v53;
	v39 =	vand.u32 $0x40, v49;
	[tilespmem:v42+s21+$0x0] =	vst.idx.msk $0xffff, v55  }
0x136: {  	v49 =	vand.u32 $0x1C00, v40;
	v33 =	vor.u32 v50, v39;
	v42 =	vor.u32 v59, v12;
	v51 =	vld.idx.msk [tilespmem:v43+s13+$0x0], $0xffff  }
0x137: {  	v60 =	vor.u32 s12, v8;
	v49 =	vor.u32 v13, v49;
	v43 =	vor.u32 v37, v33  }
0x138: {  	v14 =	vmovc v34;
	v40 =	vshll.u32 v59, $0x7;
	v34 =	vor.u32 v26, v49;
	v52 =	vmul.f32 $8.000000000e+00, v52  }
0x139: {  	v39 =	vand.u32 $0x1C00, v56;
	v56 =	vand.u32 $0x1C00, v40;
	v49 =	vor.u32 v25, v49;
	v58 =	vld.idx.msk [tilespmem:v58+s13+$0x0], $0xffff  }
0x13a: {  	v56 =	vor.u32 v11, v56;
	v50 =	vmul.f32 $8.000000000e+00, v54;
	[tilespmem:v38+s21+$0x0] =	vst.idx.msk $0xffff, v52;
	v52 =	vor.u32 v1, v39  }
0x13b: {  	v37 =	vor.u32 v2, v56;
	v55 =	vld.idx.msk [tilespmem:v42+s13+$0x0], $0xffff;
	v36 =	vor.u32 v31, v52;
	v51 =	vmul.f32 $8.000000000e+00, v51  }
0x13c: {  	[tilespmem:v62+s21+$0x0] =	vst.idx.msk $0xffff, v50;
	v62 =	vor.u32 s2, v15;
	v38 =	vor.u32 v60, v32;
	v54 =	vld.idx.msk [tilespmem:v43+s13+$0x0], $0xffff  }
0x13d: {  	v57 =	vld.idx.msk [tilespmem:v57+s13+$0x0], $0xffff;
	v42 =	vshll.u32 v63, $0x7;
	v43 =	vor.u32 s0, v18;
	[tilespmem:v34+s21+$0x0] =	vst.idx.msk $0xffff, v51;
	v34 =	vor.u32 v30, v52  }
0x13e: {  	v52 =	vor.u32 v43, v12;
	v58 =	vmul.f32 $8.000000000e+00, v58;
	v51 =	vand.u32 $0x1C00, v42;
	v35 =	vld.idx.msk [tilespmem:v35+s13+$0x0], $0xffff  }
0x13f: {  	v39 =	vor.u32 v60, v33;
	v60 =	vshll.u32 v60, $0x7;
	v51 =	vor.u32 v16, v51  }
0x140: {  	v55 =	vmul.f32 $8.000000000e+00, v55;
	v50 =	vor.u32 v25, v51;
	v51 =	vor.u32 v26, v51;
	[tilespmem:v36+s21+$0x0] =	vst.idx.msk $0xffff, v58  }
0x141: {  	v42 =	vand.u32 $0x1C00, v60;
	v58 =	vor.u32 v62, v27;
	v36 =	vmul.f32 $8.000000000e+00, v54;
	v40 =	vld.idx.msk [tilespmem:v38+s13+$0x0], $0xffff  }
0x142: {  	v57 =	vmul.f32 $8.000000000e+00, v57;
	v61 =	vld.idx.msk [tilespmem:v61+s13+$0x0], $0xffff;
	v60 =	vshll.u32 v43, $0x7;
	[tilespmem:v37+s21+$0x0] =	vst.idx.msk $0xffff, v55;
	v37 =	vor.u32 v3, v42  }
0x143: {  	v55 =	vand.u32 $0x1C00, v60;
	v52 =	vld.idx.msk [tilespmem:v52+s13+$0x0], $0xffff;
	[tilespmem:v34+s21+$0x0] =	vst.idx.msk $0xffff, v36;
	v38 =	vor.u32 v31, v37;
	v35 =	vmul.f32 $8.000000000e+00, v35  }
0x144: {  	v54 =	vor.u32 v62, v28;
	v34 =	vor.u32 s12, v10;
	v55 =	vor.u32 v13, v55;
	v39 =	vld.idx.msk [tilespmem:v39+s13+$0x0], $0xffff  }
0x145: {  	v62 =	vshll.u32 v62, $0x7;
	v60 =	vor.u32 v34, v32;
	v36 =	vor.u32 v2, v55;
	[tilespmem:v51+s21+$0x0] =	vst.idx.msk $0xffff, v35  }
0x146: {  	[tilespmem:v48+s21+$0x0] =	vst.idx.msk $0xffff, v57;
	v35 =	vor.u32 v30, v37;
	v40 =	vmul.f32 $8.000000000e+00, v40;
	v37 =	vand.u32 $0x1C00, v62;
	v48 =	vld.idx.msk [tilespmem:v58+s13+$0x0], $0xffff  }
0x147: {  	v57 =	vor.u32 v34, v33;
	v58 =	vmul.f32 $8.000000000e+00, v61;
	v37 =	vor.u32 v1, v37  }
0x148: {  	v52 =	vmul.f32 $8.000000000e+00, v52;
	[tilespmem:v38+s21+$0x0] =	vst.idx.msk $0xffff, v40;
	v61 =	vor.u32 v25, v37;
	v37 =	vor.u32 v26, v37  }
0x149: {  	v62 =	vmul.f32 $8.000000000e+00, v39;
	[tilespmem:v49+s21+$0x0] =	vst.idx.msk $0xffff, v58  }
0x14a: {  	v42 =	vor.u32 s0, v23;
	[tilespmem:v36+s21+$0x0] =	vst.idx.msk $0xffff, v52  }
0x14b: {  	v40 =	vld.idx.msk [tilespmem:v60+s13+$0x0], $0xffff;
	v60 =	vshll.u32 v42, $0x7;
	[tilespmem:v35+s21+$0x0] =	vst.idx.msk $0xffff, v62;
	v35 =	vmul.f32 $8.000000000e+00, v48  }
0x14c: {  	v51 =	vor.u32 v42, v12;
	v62 =	vand.u32 $0x1C00, v60;
	v12 =	vld [tilespmem:$0x1FFA0];
	[tilespmem:v41+s21+$0x0] =	vst.idx.msk $0xffff, v44  }
0x14d: {  	v63 =	vor.u32 v63, v28;
	v60 =	vor.u32 v16, v62;
	[tilespmem:v37+s21+$0x0] =	vst.idx.msk $0xffff, v35;
	v35 =	vld.idx.msk [tilespmem:v57+s13+$0x0], $0xffff  }
0x14e: {  	v38 =	vor.u32 s2, v19;
	v57 =	vor.u32 v2, v60;
	v2 =	vld [tilespmem:$0x1FEE0]  }
0x14f: {  	v47 =	vld.idx.msk [tilespmem:v47+s13+$0x0], $0xffff;
	v39 =	vor.u32 v38, v27  }
0x150: {  	v34 =	vshll.u32 v34, $0x7  }
0x151: {  	v34 =	vand.u32 $0x1C00, v34  }
0x152: {  	v34 =	vor.u32 v5, v34;
	v48 =	vld.idx.msk [tilespmem:v63+s13+$0x0], $0xffff  }
0x153: {  	v49 =	vor.u32 v38, v28;
	v58 =	vor.u32 v31, v34;
	v38 =	vshll.u32 v38, $0x7  }
0x154: {  	v38 =	vand.u32 $0x1C00, v38;
	v37 =	vmul.f32 $8.000000000e+00, v47;
	v39 =	vld.idx.msk [tilespmem:v39+s13+$0x0], $0xffff  }
0x155: {  	v34 =	vor.u32 v30, v34;
	v38 =	vor.u32 v3, v38  }
0x156: {  	v62 =	vor.u32 v26, v38;
	v40 =	vmul.f32 $8.000000000e+00, v40;
	[tilespmem:v46+s21+$0x0] =	vst.idx.msk $0xffff, v37;
	v47 =	vld.idx.msk [tilespmem:v2+s13+$0x0], $0xffff  }
0x157: {  	v52 =	vor.u32 s12, v12;
	v37 =	vmul.f32 $8.000000000e+00, v48;
	v2 =	vld [tilespmem:$0x1FF30]  }
0x158: {  	v36 =	vor.u32 v52, v32;
	v35 =	vmul.f32 $8.000000000e+00, v35;
	[tilespmem:v58+s21+$0x0] =	vst.idx.msk $0xffff, v40  }
0x159: {  	v44 =	vor.u32 v52, v33;
	v63 =	vshll.u32 v52, $0x7;
	v52 =	vmul.f32 $8.000000000e+00, v39;
	[tilespmem:v50+s21+$0x0] =	vst.idx.msk $0xffff, v37  }
0x15a: {  	[tilespmem:v34+s21+$0x0] =	vst.idx.msk $0xffff, v35  }
0x15b: {  	v45 =	vld.idx.msk [tilespmem:v45+s13+$0x0], $0xffff;
	[tilespmem:v62+s21+$0x0] =	vst.idx.msk $0xffff, v52  }
0x15c: {  	v48 =	vor.u32 s2, v2;
	v2 =	vld [tilespmem:$0x1FEF0];
	_ =	sdelay $0x1  }
0x15d: {  	v53 =	vor.u32 v6, v53  }
0x15e: {  	v21 =	vld [tilespmem:$0x1FF00];
	_ =	sdelay $0x1  }
0x15f: {  	v45 =	vmul.f32 $8.000000000e+00, v45;
	_ =	sdelay $0x1  }
0x160: {  	v17 =	vmov v22;
	v22 =	vmov v15;
	v15 =	vmov v19;
	v19 =	vld [tilespmem:$0x1FF80];
	[tilespmem:v53+s21+$0x0] =	vst.idx.msk $0xffff, v45  }
0x161: {  	[tilespmem:v2+s21+$0x0] =	vst.idx.msk $0xffff, v21  }
0x162: {  	v2 =	vld [tilespmem:$0x1FF10];
	_ =	sdelay $0x2  }
0x163: {  	v51 =	vld.idx.msk [tilespmem:v51+s13+$0x0], $0xffff;
	_ =	sdelay $0x2  }
0x164: {  	v50 =	vand.u32 $0x1C00, v63;
	v36 =	vld.idx.msk [tilespmem:v36+s13+$0x0], $0xffff;
	v35 =	vmul.f32 $8.000000000e+00, v47  }
0x165: {  	v58 =	vor.u32 v7, v50  }
0x166: {  	v46 =	vmul.f32 $8.000000000e+00, v51;
	v34 =	vor.u32 v31, v58;
	v51 =	vor.u32 v48, v27;
	[tilespmem:v2+s21+$0x0] =	vst.idx.msk $0xffff, v35  }
0x167: {  	v2 =	vld [tilespmem:$0x1FF60];
	_ =	sdelay $0x1  }
0x168: {  	v39 =	vld.idx.msk [tilespmem:v54+s13+$0x0], $0xffff;
	v62 =	vmul.f32 $8.000000000e+00, v36  }
0x169: {  	v59 =	vor.u32 v59, v4;
	v44 =	vld.idx.msk [tilespmem:v44+s13+$0x0], $0xffff;
	v63 =	vshll.u32 v48, $0x7  }
0x16a: {  	v20 =	vmov v18;
	v47 =	vor.u32 v30, v58;
	v58 =	vand.u32 $0x1C00, v63;
	v52 =	vld.idx.msk [tilespmem:v51+s13+$0x0], $0xffff;
	[tilespmem:v34+s21+$0x0] =	vst.idx.msk $0xffff, v62  }
0x16b: {  	v18 =	vmovc v23;
	v37 =	vor.u32 v43, v4;
	v43 =	vor.u32 v5, v58;
	v23 =	vmovc v2;
	v58 =	vor.u32 s2, v2;
	v2 =	vld [tilespmem:$0x1FF20]  }
0x16c: {  	v53 =	vor.u32 v26, v43  }
0x16d: {  	v39 =	vmul.f32 $8.000000000e+00, v39  }
0x16e: {  	v41 =	vor.u32 v25, v38;
	v63 =	vmul.f32 $8.000000000e+00, v44  }
0x16f: {  	v38 =	vor.u32 v6, v56;
	v50 =	vor.u32 s12, v19;
	v62 =	vmul.f32 $8.000000000e+00, v52;
	[tilespmem:v61+s21+$0x0] =	vst.idx.msk $0xffff, v39  }
0x170: {  	v40 =	vor.u32 v48, v28;
	v56 =	vld.idx.msk [tilespmem:v59+s13+$0x0], $0xffff;
	v48 =	vor.u32 v50, v32;
	[tilespmem:v47+s21+$0x0] =	vst.idx.msk $0xffff, v63  }
0x171: {  	[tilespmem:v53+s21+$0x0] =	vst.idx.msk $0xffff, v62  }
0x172: {  	v54 =	vor.u32 v50, v33;
	v21 =	vld [tilespmem:$0x1FF70]  }
0x173: {  	v36 =	vor.u32 v6, v55;
	v55 =	vshll.u32 v50, $0x7;
	v59 =	vor.u32 v58, v27;
	v34 =	vld.idx.msk [tilespmem:v2+s13+$0x0], $0xffff  }
0x174: {  	v44 =	vand.u32 $0x1C00, v55;
	v43 =	vor.u32 v25, v43  }
0x175: {  	v45 =	vmul.f32 $8.000000000e+00, v56;
	v35 =	vor.u32 v42, v4;
	v51 =	vld.idx.msk [tilespmem:v48+s13+$0x0], $0xffff;
	v63 =	vor.u32 v9, v44  }
0x176: {  	v42 =	vor.u32 v6, v60;
	v39 =	vor.u32 v58, v28;
	v47 =	vld.idx.msk [tilespmem:v49+s13+$0x0], $0xffff;
	v49 =	vor.u32 v30, v63  }
0x177: {  	v55 =	vor.u32 v31, v63;
	v53 =	vld.idx.msk [tilespmem:v54+s13+$0x0], $0xffff;
	[tilespmem:v57+s21+$0x0] =	vst.idx.msk $0xffff, v46;
	v48 =	vshll.u32 v58, $0x7;
	v52 =	vor.u32 s12, v21  }
0x178: {  	s18 =	simm.s32 $0x80;
	s16 =	simm.s32 $0x6;
	s0 =	sshll.u32 s30, $0x2;
	v46 =	vld.idx.msk [tilespmem:v59+s13+$0x0], $0xffff;
	v50 =	vor.u32 v52, v33;
	v54 =	vor.u32 v52, v32;
	v44 =	vmul.f32 $8.000000000e+00, v34  }
.LBB2_3:
0x179: {  	v2 =	vld [tilespmem:$0x1FF40]  }
0x17a: {  	s3 =	sand.u32 $0x60, s18;
	v48 =	vand.u32 $0x1C00, v48  }
0x17b: {  	v52 =	vshll.u32 v52, $0x7;
	v56 =	vor.u32 s12, v17;
	[tilespmem:v38+s21+$0x0] =	vst.idx.msk $0xffff, v45;
	v34 =	vor.u32 s3, v0  }
0x17c: {  	v61 =	vor.u32 v7, v48;
	v52 =	vand.u32 $0x1C00, v52;
	v51 =	vmul.f32 $8.000000000e+00, v51;
	v45 =	vld.idx.msk [tilespmem:v24+s3+$0x0 ss:$0x1], $0xffff;
	s3 =	sor.u32 $0x10, s3  }
0x17d: {  	v58 =	vor.u32 v56, v32;
	[tilespmem:v29+s21+$0x0] =	vst.idx.msk $0xffff, v44;
	v29 =	vmov v42;
	v42 =	vshll.u32 v34, $0x7;
	v48 =	vld.idx.msk [tilespmem:v24+s3+$0x0 ss:$0x1], $0xffff  }
0x17e: {  	v63 =	vor.u32 v26, v61;
	v38 =	vor.u32 v25, v61;
	[tilespmem:v55+s21+$0x0] =	vst.idx.msk $0xffff, v51;
	v62 =	vor.u32 s2, v2  }
0x17f: {  	v61 =	vor.u32 v11, v52;
	v59 =	vmul.f32 $8.000000000e+00, v53;
	v53 =	vld.idx.msk [tilespmem:v54+s13+$0x0], $0xffff;
	v60 =	vor.u32 v62, v27  }
0x180: {  	v37 =	vld.idx.msk [tilespmem:v37+s13+$0x0], $0xffff;
	v52 =	vor.u32 v30, v61;
	v47 =	vmul.f32 $8.000000000e+00, v47;
	v46 =	vmul.f32 $8.000000000e+00, v46  }
0x181: {  	s14 =	sadd.s32 $0x4, s14;
	v2 =	vld [tilespmem:$0x1FF50];
	[tilespmem:v49+s21+$0x0] =	vst.idx.msk $0xffff, v59;
	v44 =	vor.u32 v62, v28;
	v49 =	vor.u32 v31, v61;
	v51 =	vshll.u32 v62, $0x7  }
0x182: {  	s5 =	sand.u32 $0x30, s14;
	v57 =	vshll.u32 v45, $0x6;
	v45 =	vor.u32 s3, v0;
	v62 =	vshll.u32 v48, $0x6  }
0x183: {  	v61 =	vor.u32 s5, v0;
	v50 =	vld.idx.msk [tilespmem:v50+s13+$0x0], $0xffff;
	[tilespmem:v63+s21+$0x0] =	vst.idx.msk $0xffff, v46;
	v59 =	vshll.u32 v45, $0x7;
	v46 =	vand.u32 $0x40, v62  }
0x184: {  	[tilespmem:v41+s21+$0x0] =	vst.idx.msk $0xffff, v47;
	v63 =	vand.u32 $0x1C00, v51;
	v48 =	vor.u32 v59, v46;
	v47 =	vld.idx.msk [tilespmem:v60+s13+$0x0], $0xffff;
	v60 =	vmul.f32 $8.000000000e+00, v53  }
0x185: {  	v54 =	vshll.u32 v61, $0x7;
	v41 =	vor.u32 v9, v63;
	v53 =	vld.idx.msk [tilespmem:v40+s13+$0x0], $0xffff;
	v46 =	vor.u32 v61, v48  }
0x186: {  	v62 =	vand.u32 $0x40, v57;
	v40 =	vor.u32 s2, v2;
	[tilespmem:v49+s21+$0x0] =	vst.idx.msk $0xffff, v60;
	v49 =	vor.u32 v26, v41  }
0x187: {  	v63 =	vshll.u32 v56, $0x7;
	v42 =	vor.u32 v42, v62;
	v57 =	vld.idx.msk [tilespmem:v58+s13+$0x0], $0xffff;
	v58 =	vor.u32 v40, v27  }
0x188: {  	v55 =	vor.u32 v61, v42;
	v50 =	vmul.f32 $8.000000000e+00, v50;
	v60 =	vand.u32 $0x1C00, v63  }
0x189: {  	v61 =	vand.u32 $0x1C00, v54;
	v51 =	vor.u32 v13, v60;
	v47 =	vmul.f32 $8.000000000e+00, v47  }
0x18a: {  	[tilespmem:v52+s21+$0x0] =	vst.idx.msk $0xffff, v50;
	v50 =	vor.u32 v56, v33;
	v52 =	vor.u32 s12, v14;
	v59 =	vld.idx.msk [tilespmem:v46+s13+$0x0], $0xffff;
	v46 =	vmul.f32 $8.000000000e+00, v53  }
0x18b: {  	v62 =	vshll.u32 v40, $0x7;
	v56 =	vor.u32 v31, v51;
	v60 =	vor.u32 v52, v32;
	[tilespmem:v49+s21+$0x0] =	vst.idx.msk $0xffff, v47  }
0x18c: {  	v49 =	vor.u32 v30, v51;
	v47 =	vor.u32 v1, v61;
	[tilespmem:v43+s21+$0x0] =	vst.idx.msk $0xffff, v46;
	v53 =	vld.idx.msk [tilespmem:v58+s13+$0x0], $0xffff  }
0x18d: {  	v46 =	vand.u32 $0x1C00, v62;
	v63 =	vmul.f32 $8.000000000e+00, v57;
	v51 =	vld.idx.msk [tilespmem:v55+s13+$0x0], $0xffff;
	v55 =	vor.u32 s5, v8  }
0x18e: {  	v57 =	vor.u32 v45, v47;
	v43 =	vor.u32 v11, v46;
	v46 =	vor.u32 s2, v20  }
0x18f: {  	v47 =	vor.u32 v34, v47;
	v39 =	vld.idx.msk [tilespmem:v39+s13+$0x0], $0xffff;
	v58 =	vor.u32 v55, v48;
	v54 =	vor.u32 v26, v43  }
0x190: {  	v61 =	vor.u32 v46, v27;
	v62 =	vor.u32 v55, v42;
	[tilespmem:v56+s21+$0x0] =	vst.idx.msk $0xffff, v63;
	v56 =	vshll.u32 v52, $0x7  }
0x191: {  	v55 =	vshll.u32 v55, $0x7;
	v59 =	vmul.f32 $8.000000000e+00, v59;
	v60 =	vld.idx.msk [tilespmem:v60+s13+$0x0], $0xffff;
	v56 =	vand.u32 $0x1C00, v56  }
0x192: {  	v52 =	vor.u32 v52, v33;
	v56 =	vor.u32 v16, v56;
	v53 =	vmul.f32 $8.000000000e+00, v53  }
0x193: {  	[tilespmem:v57+s21+$0x0] =	vst.idx.msk $0xffff, v59;
	v57 =	vor.u32 v30, v56;
	v59 =	vor.u32 s12, v22;
	v56 =	vor.u32 v31, v56  }
0x194: {  	v50 =	vld.idx.msk [tilespmem:v50+s13+$0x0], $0xffff;
	v51 =	vmul.f32 $8.000000000e+00, v51;
	v39 =	vmul.f32 $8.000000000e+00, v39;
	v63 =	vor.u32 v59, v32  }
0x195: {  	v58 =	vld.idx.msk [tilespmem:v58+s13+$0x0], $0xffff;
	[tilespmem:v54+s21+$0x0] =	vst.idx.msk $0xffff, v53;
	v53 =	vand.u32 $0x1C00, v55;
	v54 =	vor.u32 v59, v33;
	v55 =	vshll.u32 v46, $0x7  }
0x196: {  	[tilespmem:v47+s21+$0x0] =	vst.idx.msk $0xffff, v51;
	v59 =	vshll.u32 v59, $0x7;
	v61 =	vld.idx.msk [tilespmem:v61+s13+$0x0], $0xffff;
	v47 =	vor.u32 v3, v53;
	v51 =	vmul.f32 $8.000000000e+00, v60  }
0x197: {  	v53 =	vand.u32 $0x1C00, v55;
	v55 =	vld.idx.msk [tilespmem:v62+s13+$0x0], $0xffff;
	v60 =	vor.u32 s5, v10;
	v62 =	vor.u32 v45, v47  }
0x198: {  	v53 =	vor.u32 v13, v53;
	v2 =	vor.u32 v60, v48;
	v47 =	vor.u32 v34, v47  }
0x199: {  	v6 =	vor.u32 v60, v42;
	[tilespmem:v56+s21+$0x0] =	vst.idx.msk $0xffff, v51;
	v51 =	vor.u32 s2, v18;
	v56 =	vor.u32 v26, v53  }
0x19a: {  	v60 =	vshll.u32 v60, $0x7;
	v4 =	vor.u32 v51, v27;
	v27 =	vmovc v32;
	v32 =	vmovc v48;
	v48 =	vmul.f32 $8.000000000e+00, v50  }
0x19b: {  	v59 =	vand.u32 $0x1C00, v59;
	s2 =	smov.u32 s12;
	v60 =	vand.u32 $0x1C00, v60;
	v63 =	vld.idx.msk [tilespmem:v63+s13+$0x0], $0xffff;
	v58 =	vmul.f32 $8.000000000e+00, v58  }
0x19c: {  	v50 =	vor.u32 v1, v59;
	v59 =	vmul.f32 $8.000000000e+00, v61;
	v61 =	vor.u32 s2, v15;
	[tilespmem:v49+s21+$0x0] =	vst.idx.msk $0xffff, v48  }
0x19d: {  	v55 =	vmul.f32 $8.000000000e+00, v55;
	[tilespmem:v62+s21+$0x0] =	vst.idx.msk $0xffff, v58;
	v58 =	vor.u32 v30, v50;
	v50 =	vor.u32 v31, v50  }
0x19e: {  	v62 =	vor.u32 v61, v27;
	v48 =	vor.u32 v61, v33;
	v2 =	vld.idx.msk [tilespmem:v2+s13+$0x0], $0xffff;
	[tilespmem:v56+s21+$0x0] =	vst.idx.msk $0xffff, v59  }
0x19f: {  	s12 =	smov.u32 s5;
	v61 =	vshll.u32 v61, $0x7;
	v59 =	vshll.u32 v51, $0x7;
	[tilespmem:v47+s21+$0x0] =	vst.idx.msk $0xffff, v55;
	v47 =	vor.u32 v5, v60;
	v4 =	vld.idx.msk [tilespmem:v4+s13+$0x0], $0xffff  }
0x1a0: {  	v56 =	vor.u32 s12, v12;
	v52 =	vld.idx.msk [tilespmem:v52+s13+$0x0], $0xffff;
	v55 =	vmul.f32 $8.000000000e+00, v63;
	v49 =	vand.u32 $0x1C00, v59  }
0x1a1: {  	v61 =	vand.u32 $0x1C00, v61;
	v63 =	vld [tilespmem:$0x1FF30];
	v59 =	vor.u32 v45, v47;
	v60 =	vor.u32 v16, v49  }
0x1a2: {  	v6 =	vld.idx.msk [tilespmem:v6+s13+$0x0], $0xffff;
	v49 =	vor.u32 v56, v32;
	[tilespmem:v50+s21+$0x0] =	vst.idx.msk $0xffff, v55;
	v50 =	vor.u32 v26, v60  }
0x1a3: {  	v47 =	vor.u32 v34, v47;
	[tilespmem:v38+s21+$0x0] =	vst.idx.msk $0xffff, v39;
	v38 =	vor.u32 v3, v61  }
0x1a4: {  	v39 =	vor.u32 v25, v41;
	v41 =	vor.u32 v30, v38;
	v62 =	vld.idx.msk [tilespmem:v62+s13+$0x0], $0xffff;
	v2 =	vmul.f32 $8.000000000e+00, v2  }
0x1a5: {  	v55 =	vor.u32 v56, v42;
	v26 =	vmovc v31;
	v31 =	vmovc v45;
	v45 =	vor.u32 v40, v28;
	v4 =	vmul.f32 $8.000000000e+00, v4  }
0x1a6: {  	v44 =	vld.idx.msk [tilespmem:v44+s13+$0x0], $0xffff;
	[tilespmem:v59+s21+$0x0] =	vst.idx.msk $0xffff, v2;
	v2 =	vmul.f32 $8.000000000e+00, v52;
	v52 =	vor.u32 s2, v63;
	v59 =	vor.u32 v26, v38  }
0x1a7: {  	v61 =	vshll.u32 v56, $0x7;
	v6 =	vmul.f32 $8.000000000e+00, v6;
	v49 =	vld.idx.msk [tilespmem:v49+s13+$0x0], $0xffff;
	v56 =	vor.u32 v52, v27;
	[tilespmem:v50+s21+$0x0] =	vst.idx.msk $0xffff, v4  }
0x1a8: {  	v38 =	vor.u32 v25, v43;
	v40 =	vor.u32 v52, v33;
	v4 =	vand.u32 $0x1C00, v61;
	[tilespmem:v57+s21+$0x0] =	vst.idx.msk $0xffff, v2  }
0x1a9: {  	[tilespmem:v47+s21+$0x0] =	vst.idx.msk $0xffff, v6;
	v2 =	vor.u32 v7, v4;
	v6 =	vmul.f32 $8.000000000e+00, v62;
	v47 =	vmul.f32 $8.000000000e+00, v37  }
0x1aa: {  	v62 =	vshll.u32 v52, $0x7;
	v4 =	vld.idx.msk [tilespmem:v54+s13+$0x0], $0xffff;
	v54 =	vor.u32 v34, v2;
	v2 =	vor.u32 v31, v2  }
0x1ab: {  	v37 =	vor.u32 v46, v28;
	v50 =	vld.idx.msk [tilespmem:v55+s13+$0x0], $0xffff;
	v55 =	vor.u32 s12, v19;
	[tilespmem:v59+s21+$0x0] =	vst.idx.msk $0xffff, v6;
	v6 =	vmul.f32 $8.000000000e+00, v44  }
0x1ac: {  	v57 =	vor.u32 v55, v42;
	v61 =	vor.u32 v55, v32;
	v44 =	vand.u32 $0x1C00, v62;
	v52 =	vld.idx.msk [tilespmem:v56+s13+$0x0], $0xffff  }
0x1ad: {  	v59 =	vmul.f32 $8.000000000e+00, v49;
	v62 =	vor.u32 v5, v44;
	[tilespmem:v39+s21+$0x0] =	vst.idx.msk $0xffff, v6;
	v6 =	vor.u32 v25, v53  }
0x1ae: {  	v46 =	vor.u32 v26, v62;
	v43 =	vor.u32 v30, v62;
	v44 =	vld.idx.msk [tilespmem:v45+s13+$0x0], $0xffff;
	[tilespmem:v36+s21+$0x0] =	vst.idx.msk $0xffff, v47  }
0x1af: {  	s16 =	sadd.s32 $0x2, s16;
	v45 =	vor.u32 v51, v28;
	[tilespmem:v2+s21+$0x0] =	vst.idx.msk $0xffff, v59;
	v2 =	vmul.f32 $8.000000000e+00, v4;
	v4 =	vor.u32 s2, v23  }
0x1b0: {  	p0 =	slt.u32 s16, $0x1E;
	v55 =	vshll.u32 v55, $0x7;
	v28 =	vmovc v33;
	v33 =	vmovc v42;
	v56 =	vld.idx.msk [tilespmem:v35+s13+$0x0], $0xffff;
	v50 =	vmul.f32 $8.000000000e+00, v50;
	v59 =	vor.u32 v4, v27  }
.Ltmp0:
0x1b1: {  	v36 =	vmov v6;
	v42 =	vor.u32 v25, v60;
	v51 =	vld.idx.msk [tilespmem:v61+s13+$0x0], $0xffff;
	v61 =	vand.u32 $0x1C00, v55;
	[tilespmem:v58+s21+$0x0] =	vst.idx.msk $0xffff, v2;
	(pc) =	sbr.rel @p0 .LBB2_3-.Ltmp0, $4  }
0x1b2: {  	v39 =	vor.u32 v4, v28;
	v2 =	vor.u32 v9, v61;
	v62 =	vmul.f32 $8.000000000e+00, v52;
	[tilespmem:v54+s21+$0x0] =	vst.idx.msk $0xffff, v50  }
0x1b3: {  	v25 =	vmovc v30;
	v52 =	vor.u32 s12, v21;
	v49 =	vor.u32 v34, v2;
	v55 =	vor.u32 v31, v2;
	v47 =	vld.idx.msk [tilespmem:v48+s13+$0x0], $0xffff  }
0x1b4: {  	v50 =	vor.u32 v52, v33;
	v54 =	vor.u32 v52, v32;
	v53 =	vld.idx.msk [tilespmem:v57+s13+$0x0], $0xffff;
	[tilespmem:v46+s21+$0x0] =	vst.idx.msk $0xffff, v62  }
0x1b5: {  	s18 =	sadd.s32 $0x20, s18;
	v30 =	vmovc v34;
	v35 =	vmovc v45;
	v45 =	vmul.f32 $8.000000000e+00, v44;
	v48 =	vshll.u32 v4, $0x7;
	v44 =	vmul.f32 $8.000000000e+00, v56;
	v46 =	vld.idx.msk [tilespmem:v59+s13+$0x0], $0xffff  }
0x1b6: {  	_ =	sdelay $0x1  }
0x1b7: {  	v2 =	vmul.f32 $8.000000000e+00, v51;
	_ =	sdelay $0x1  }
0x1b8: {  	v4 =	vshll.u32 v52, $0x7;
	[tilespmem:v55+s21+$0x0] =	vst.idx.msk $0xffff, v2;
	v2 =	vmul.f32 $8.000000000e+00, v53  }
0x1b9: {  	v4 =	vand.u32 $0x1C00, v4;
	v6 =	vld.idx.msk [tilespmem:v54+s13+$0x0], $0xffff  }
0x1ba: {  	[tilespmem:v49+s21+$0x0] =	vst.idx.msk $0xffff, v2;
	v2 =	vor.u32 v11, v4  }
0x1bb: {  	v24 =	vor.u32 s12, v17;
	v34 =	vor.u32 v31, v2  }
0x1bc: {  	v60 =	vor.u32 v24, v32;
	v4 =	vld.idx.msk [tilespmem:v50+s13+$0x0], $0xffff;
	_ =	sdelay $0x1  }
0x1bd: {  	v2 =	vor.u32 v30, v2;
	v6 =	vmul.f32 $8.000000000e+00, v6  }
0x1be: {  	v61 =	vor.u32 v24, v33  }
0x1bf: {  	[tilespmem:v34+s21+$0x0] =	vst.idx.msk $0xffff, v6;
	v6 =	vshll.u32 v24, $0x7  }
0x1c0: {  	v4 =	vmul.f32 $8.000000000e+00, v4;
	v24 =	vld.idx.msk [tilespmem:v60+s13+$0x0], $0xffff;
	v6 =	vand.u32 $0x1C00, v6  }
0x1c1: {  	v6 =	vor.u32 v13, v6  }
0x1c2: {  	[tilespmem:v2+s21+$0x0] =	vst.idx.msk $0xffff, v4;
	v2 =	vor.u32 s12, v14;
	v4 =	vor.u32 v31, v6  }
0x1c3: {  	v62 =	vld.idx.msk [tilespmem:v61+s13+$0x0], $0xffff;
	v52 =	vor.u32 v2, v32;
	_ =	sdelay $0x1  }
0x1c4: {  	v6 =	vor.u32 v30, v6;
	v24 =	vmul.f32 $8.000000000e+00, v24  }
0x1c5: {  	v53 =	vor.u32 v2, v33  }
0x1c6: {  	v2 =	vshll.u32 v2, $0x7;
	[tilespmem:v4+s21+$0x0] =	vst.idx.msk $0xffff, v24  }
0x1c7: {  	v2 =	vand.u32 $0x1C00, v2;
	v4 =	vmul.f32 $8.000000000e+00, v62;
	v24 =	vld.idx.msk [tilespmem:v52+s13+$0x0], $0xffff  }
0x1c8: {  	v2 =	vor.u32 v16, v2  }
0x1c9: {  	[tilespmem:v6+s21+$0x0] =	vst.idx.msk $0xffff, v4;
	v4 =	vor.u32 s12, v22;
	v6 =	vor.u32 v31, v2  }
0x1ca: {  	v54 =	vld.idx.msk [tilespmem:v53+s13+$0x0], $0xffff;
	v55 =	vor.u32 v4, v32;
	_ =	sdelay $0x1  }
0x1cb: {  	v2 =	vor.u32 v30, v2;
	v24 =	vmul.f32 $8.000000000e+00, v24  }
0x1cc: {  	v56 =	vor.u32 v4, v33  }
0x1cd: {  	v4 =	vshll.u32 v4, $0x7;
	[tilespmem:v6+s21+$0x0] =	vst.idx.msk $0xffff, v24  }
0x1ce: {  	v4 =	vand.u32 $0x1C00, v4;
	v6 =	vmul.f32 $8.000000000e+00, v54;
	v24 =	vld.idx.msk [tilespmem:v55+s13+$0x0], $0xffff  }
0x1cf: {  	v4 =	vor.u32 v1, v4  }
0x1d0: {  	[tilespmem:v2+s21+$0x0] =	vst.idx.msk $0xffff, v6;
	v2 =	vor.u32 s12, v15;
	v6 =	vor.u32 v31, v4  }
0x1d1: {  	v57 =	vld.idx.msk [tilespmem:v56+s13+$0x0], $0xffff;
	v58 =	vor.u32 v2, v32;
	_ =	sdelay $0x1  }
0x1d2: {  	v4 =	vor.u32 v30, v4;
	v24 =	vmul.f32 $8.000000000e+00, v24  }
0x1d3: {  	v59 =	vor.u32 v2, v33  }
0x1d4: {  	v2 =	vshll.u32 v2, $0x7;
	[tilespmem:v6+s21+$0x0] =	vst.idx.msk $0xffff, v24  }
0x1d5: {  	v2 =	vand.u32 $0x1C00, v2;
	v6 =	vmul.f32 $8.000000000e+00, v57;
	v24 =	vld.idx.msk [tilespmem:v58+s13+$0x0], $0xffff  }
0x1d6: {  	v2 =	vor.u32 v3, v2  }
0x1d7: {  	[tilespmem:v4+s21+$0x0] =	vst.idx.msk $0xffff, v6;
	v4 =	vor.u32 s12, v63;
	v6 =	vor.u32 v31, v2  }
0x1d8: {  	v60 =	vld.idx.msk [tilespmem:v59+s13+$0x0], $0xffff;
	v61 =	vor.u32 v4, v32;
	_ =	sdelay $0x1  }
0x1d9: {  	v2 =	vor.u32 v30, v2;
	v24 =	vmul.f32 $8.000000000e+00, v24;
	_ =	sdelay $0x1  }
0x1da: {  	v62 =	vor.u32 v4, v33;
	v4 =	vshll.u32 v4, $0x7;
	[tilespmem:v6+s21+$0x0] =	vst.idx.msk $0xffff, v24  }
0x1db: {  	v4 =	vand.u32 $0x1C00, v4;
	v6 =	vmul.f32 $8.000000000e+00, v60;
	v24 =	vld.idx.msk [tilespmem:v61+s13+$0x0], $0xffff  }
0x1dc: {  	v4 =	vor.u32 v5, v4  }
0x1dd: {  	[tilespmem:v2+s21+$0x0] =	vst.idx.msk $0xffff, v6;
	v6 =	vor.u32 v31, v4  }
0x1de: {  	v2 =	vor.u32 s12, v23  }
0x1df: {  	v47 =	vmul.f32 $8.000000000e+00, v47;
	v53 =	vld.idx.msk [tilespmem:v62+s13+$0x0], $0xffff;
	v54 =	vor.u32 v2, v32  }
0x1e0: {  	v24 =	vmul.f32 $8.000000000e+00, v24  }
0x1e1: {  	[tilespmem:v41+s21+$0x0] =	vst.idx.msk $0xffff, v47;
	v4 =	vor.u32 v30, v4  }
0x1e2: {  	v52 =	vld.idx.msk [tilespmem:v40+s13+$0x0], $0xffff;
	[tilespmem:v6+s21+$0x0] =	vst.idx.msk $0xffff, v24  }
0x1e3: {  	v48 =	vand.u32 $0x1C00, v48;
	v55 =	vor.u32 v2, v33;
	v2 =	vshll.u32 v2, $0x7;
	v57 =	vld [tilespmem:$0x1FF40]  }
0x1e4: {  	v48 =	vor.u32 v7, v48;
	v2 =	vand.u32 $0x1C00, v2;
	v6 =	vmul.f32 $8.000000000e+00, v53;
	v58 =	vld.idx.msk [tilespmem:v54+s13+$0x0], $0xffff  }
0x1e5: {  	v56 =	vor.u32 v26, v48;
	v2 =	vor.u32 v7, v2  }
0x1e6: {  	[tilespmem:v4+s21+$0x0] =	vst.idx.msk $0xffff, v6;
	v6 =	vor.u32 v31, v2  }
0x1e7: {  	v34 =	vmul.f32 $8.000000000e+00, v52  }
0x1e8: {  	v46 =	vmul.f32 $8.000000000e+00, v46  }
0x1e9: {  	[tilespmem:v43+s21+$0x0] =	vst.idx.msk $0xffff, v34;
	v24 =	vor.u32 s2, v57;
	v34 =	vmul.f32 $8.000000000e+00, v58  }
0x1ea: {  	[tilespmem:v56+s21+$0x0] =	vst.idx.msk $0xffff, v46;
	v39 =	vld.idx.msk [tilespmem:v39+s13+$0x0], $0xffff;
	v59 =	vor.u32 v24, v27  }
0x1eb: {  	v60 =	vld.idx.msk [tilespmem:v55+s13+$0x0], $0xffff;
	v4 =	vor.u32 s12, v57;
	[tilespmem:v6+s21+$0x0] =	vst.idx.msk $0xffff, v34  }
0x1ec: {  	v61 =	vor.u32 v25, v48;
	v62 =	vor.u32 v4, v32;
	v56 =	vld [tilespmem:$0x1FF50]  }
0x1ed: {  	v2 =	vor.u32 v30, v2;
	v52 =	vor.u32 v24, v28  }
0x1ee: {  	v24 =	vshll.u32 v24, $0x7;
	v53 =	vor.u32 v4, v33  }
0x1ef: {  	v39 =	vmul.f32 $8.000000000e+00, v39;
	v24 =	vand.u32 $0x1C00, v24;
	v41 =	vld.idx.msk [tilespmem:v59+s13+$0x0], $0xffff  }
0x1f0: {  	v4 =	vshll.u32 v4, $0x7;
	v6 =	vmul.f32 $8.000000000e+00, v60;
	v24 =	vor.u32 v9, v24  }
0x1f1: {  	v4 =	vand.u32 $0x1C00, v4;
	[tilespmem:v61+s21+$0x0] =	vst.idx.msk $0xffff, v39;
	v60 =	vor.u32 v26, v24;
	v61 =	vld.idx.msk [tilespmem:v62+s13+$0x0], $0xffff;
	v59 =	vor.u32 s2, v56  }
0x1f2: {  	v4 =	vor.u32 v9, v4;
	[tilespmem:v2+s21+$0x0] =	vst.idx.msk $0xffff, v6;
	v47 =	vld.idx.msk [tilespmem:v52+s13+$0x0], $0xffff;
	v62 =	vor.u32 v59, v27  }
0x1f3: {  	v6 =	vor.u32 v31, v4;
	v40 =	vld.idx.msk [tilespmem:v53+s13+$0x0], $0xffff;
	v2 =	vor.u32 s12, v56  }
0x1f4: {  	v24 =	vor.u32 v25, v24;
	v52 =	vor.u32 v2, v32;
	v41 =	vmul.f32 $8.000000000e+00, v41  }
0x1f5: {  	v4 =	vor.u32 v30, v4;
	v53 =	vor.u32 v59, v28  }
0x1f6: {  	v34 =	vshll.u32 v59, $0x7;
	v54 =	vor.u32 v2, v33;
	v39 =	vmul.f32 $8.000000000e+00, v61;
	[tilespmem:v60+s21+$0x0] =	vst.idx.msk $0xffff, v41  }
0x1f7: {  	v34 =	vand.u32 $0x1C00, v34;
	v55 =	vmul.f32 $8.000000000e+00, v47;
	v43 =	vld.idx.msk [tilespmem:v62+s13+$0x0], $0xffff  }
0x1f8: {  	v2 =	vshll.u32 v2, $0x7;
	v34 =	vor.u32 v11, v34;
	[tilespmem:v6+s21+$0x0] =	vst.idx.msk $0xffff, v39;
	v6 =	vmul.f32 $8.000000000e+00, v40  }
0x1f9: {  	v58 =	vor.u32 s2, v20;
	v2 =	vand.u32 $0x1C00, v2;
	v59 =	vor.u32 v26, v34;
	[tilespmem:v24+s21+$0x0] =	vst.idx.msk $0xffff, v55;
	v24 =	vld.idx.msk [tilespmem:v52+s13+$0x0], $0xffff  }
0x1fa: {  	v2 =	vor.u32 v11, v2;
	v60 =	vor.u32 v58, v27;
	v61 =	vld.idx.msk [tilespmem:v53+s13+$0x0], $0xffff;
	[tilespmem:v4+s21+$0x0] =	vst.idx.msk $0xffff, v6  }
0x1fb: {  	v4 =	vor.u32 s12, v20;
	v6 =	vor.u32 v31, v2;
	v41 =	vld.idx.msk [tilespmem:v54+s13+$0x0], $0xffff  }
0x1fc: {  	v34 =	vor.u32 v25, v34;
	v62 =	vor.u32 v4, v32;
	v43 =	vmul.f32 $8.000000000e+00, v43  }
0x1fd: {  	v52 =	vor.u32 v58, v28;
	v2 =	vor.u32 v30, v2  }
0x1fe: {  	v39 =	vshll.u32 v58, $0x7;
	v53 =	vor.u32 v4, v33;
	v24 =	vmul.f32 $8.000000000e+00, v24;
	[tilespmem:v59+s21+$0x0] =	vst.idx.msk $0xffff, v43  }
0x1ff: {  	[tilespmem:v38+s21+$0x0] =	vst.idx.msk $0xffff, v45;
	v39 =	vand.u32 $0x1C00, v39;
	v55 =	vmul.f32 $8.000000000e+00, v61;
	v54 =	vld.idx.msk [tilespmem:v60+s13+$0x0], $0xffff  }
0x200: {  	v37 =	vld.idx.msk [tilespmem:v37+s13+$0x0], $0xffff;
	v39 =	vor.u32 v13, v39;
	v4 =	vshll.u32 v4, $0x7;
	[tilespmem:v6+s21+$0x0] =	vst.idx.msk $0xffff, v24;
	v6 =	vmul.f32 $8.000000000e+00, v41  }
0x201: {  	v58 =	vor.u32 v26, v39;
	v4 =	vand.u32 $0x1C00, v4;
	v24 =	vor.u32 s2, v18;
	[tilespmem:v34+s21+$0x0] =	vst.idx.msk $0xffff, v55;
	v59 =	vld.idx.msk [tilespmem:v62+s13+$0x0], $0xffff  }
0x202: {  	v4 =	vor.u32 v13, v4;
	v27 =	vor.u32 v24, v27;
	v43 =	vld.idx.msk [tilespmem:v52+s13+$0x0], $0xffff;
	[tilespmem:v2+s21+$0x0] =	vst.idx.msk $0xffff, v6  }
0x203: {  	v2 =	vor.u32 s12, v18;
	v6 =	vor.u32 v31, v4;
	v40 =	vld.idx.msk [tilespmem:v53+s13+$0x0], $0xffff  }
0x204: {  	v39 =	vor.u32 v25, v39;
	v60 =	vor.u32 v2, v32;
	v38 =	vmul.f32 $8.000000000e+00, v54  }
0x205: {  	v37 =	vmul.f32 $8.000000000e+00, v37;
	v28 =	vor.u32 v24, v28;
	v4 =	vor.u32 v30, v4  }
0x206: {  	v24 =	vshll.u32 v24, $0x7;
	v61 =	vor.u32 v2, v33;
	v34 =	vmul.f32 $8.000000000e+00, v59;
	[tilespmem:v58+s21+$0x0] =	vst.idx.msk $0xffff, v38  }
0x207: {  	[tilespmem:v36+s21+$0x0] =	vst.idx.msk $0xffff, v37;
	v24 =	vand.u32 $0x1C00, v24;
	v62 =	vmul.f32 $8.000000000e+00, v43;
	v27 =	vld.idx.msk [tilespmem:v27+s13+$0x0], $0xffff  }
0x208: {  	v35 =	vld.idx.msk [tilespmem:v35+s13+$0x0], $0xffff;
	v24 =	vor.u32 v16, v24;
	v2 =	vshll.u32 v2, $0x7;
	[tilespmem:v6+s21+$0x0] =	vst.idx.msk $0xffff, v34;
	v6 =	vmul.f32 $8.000000000e+00, v40  }
0x209: {  	v26 =	vor.u32 v26, v24;
	v2 =	vand.u32 $0x1C00, v2;
	[tilespmem:v39+s21+$0x0] =	vst.idx.msk $0xffff, v62;
	v32 =	vld.idx.msk [tilespmem:v60+s13+$0x0], $0xffff  }
0x20a: {  	v2 =	vor.u32 v16, v2;
	v28 =	vld.idx.msk [tilespmem:v28+s13+$0x0], $0xffff;
	[tilespmem:v4+s21+$0x0] =	vst.idx.msk $0xffff, v6  }
0x20b: {  	v4 =	vor.u32 v31, v2;
	v6 =	vld.idx.msk [tilespmem:v61+s13+$0x0], $0xffff  }
0x20c: {  	v24 =	vor.u32 v25, v24;
	v27 =	vmul.f32 $8.000000000e+00, v27  }
0x20d: {  	[tilespmem:v29+s21+$0x0] =	vst.idx.msk $0xffff, v44;
	v25 =	vmul.f32 $8.000000000e+00, v35;
	v2 =	vor.u32 v30, v2  }
0x20e: {  	[tilespmem:v26+s21+$0x0] =	vst.idx.msk $0xffff, v27;
	v26 =	vmul.f32 $8.000000000e+00, v32  }
0x20f: {  	[tilespmem:v42+s21+$0x0] =	vst.idx.msk $0xffff, v25;
	v25 =	vmul.f32 $8.000000000e+00, v28  }
0x210: {  	[tilespmem:v4+s21+$0x0] =	vst.idx.msk $0xffff, v26;
	v4 =	vmul.f32 $8.000000000e+00, v6  }
0x211: {  	[tilespmem:v24+s21+$0x0] =	vst.idx.msk $0xffff, v25  }
0x212: {  	p0 =	seq.s32 s30, $0x31;
	[tilespmem:v2+s21+$0x0] =	vst.idx.msk $0xffff, v4  }
0x213: {  	v2 =	vld @!p0 [tilespmem:s31+$0x200];
	_ =	sdelay $0x4  }
0x214: {  	v2 =	vshra.s32 @!p0 v2, $0x1  }
0x215: {  	[tilespmem:$0x6400] =	vst @!p0 v2  }
0x216: {  	v2 =	vld @!p0 [tilespmem:s31+$0x210];
	_ =	sdelay $0x4  }
0x217: {  	v2 =	vshra.s32 @!p0 v2, $0x1  }
0x218: {  	[tilespmem:$0x6410] =	vst @!p0 v2  }
0x219: {  	v2 =	vld @!p0 [tilespmem:s31+$0x220];
	_ =	sdelay $0x4  }
0x21a: {  	v2 =	vshra.s32 @!p0 v2, $0x1  }
0x21b: {  	[tilespmem:$0x6420] =	vst @!p0 v2  }
0x21c: {  	v2 =	vld @!p0 [tilespmem:s31+$0x230];
	_ =	sdelay $0x4  }
0x21d: {  	v2 =	vshra.s32 @!p0 v2, $0x1  }
0x21e: {  	[tilespmem:$0x6430] =	vst @!p0 v2  }
0x21f: {  	v2 =	vld @!p0 [tilespmem:s31+$0x240];
	_ =	sdelay $0x4  }
0x220: {  	v2 =	vshra.s32 @!p0 v2, $0x1  }
0x221: {  	[tilespmem:$0x6440] =	vst @!p0 v2  }
0x222: {  	v2 =	vld @!p0 [tilespmem:s31+$0x250];
	_ =	sdelay $0x4  }
0x223: {  	v2 =	vshra.s32 @!p0 v2, $0x1  }
0x224: {  	[tilespmem:$0x6450] =	vst @!p0 v2  }
0x225: {  	v2 =	vld @!p0 [tilespmem:s31+$0x260];
	_ =	sdelay $0x4  }
0x226: {  	v2 =	vshra.s32 @!p0 v2, $0x1  }
0x227: {  	[tilespmem:$0x6460] =	vst @!p0 v2  }
0x228: {  	v2 =	vld @!p0 [tilespmem:s31+$0x270];
	_ =	sdelay $0x4  }
0x229: {  	v2 =	vshra.s32 @!p0 v2, $0x1  }
0x22a: {  	s3 =	simm.s32 @!p0 $0x6400;
	s5 =	simm.s32 @!p0 $0x6600;
	s2 =	simm.s32 @!p0 $0x80;
	[tilespmem:$0x6470] =	vst @!p0 v2  }
0x22b: {  	[tilespmem:s5], [sflag:$0x1] =	stream.indirect.gather @!p0 [hbm4b:s4+s2], $0x80, s3, s2, $0xb8;
	[tilespmem:$0x1A600] =	vst v63  }
0x22c: {  	s5 =	sshll.u32 s30, $0x14  }
0x22d: {  	s2 =	sor.u32 s6, s5  }
0x22e: {  	s2 =	sshrl.u32 s2, $0x3  }
0x22f: {  	s2 =	sadd.s32 s1, s2  }
0x230: {  	[hbm4b:s2+s8] =	stream.strided.scatter [tilespmem:s21], [sflag:$0x5], $0x2000, s9, s8, $0x38;
	[tilespmem:$0x1A600] =	vst v63  }
0x231: {  	s2 =	sor.u32 $0x1, s0  }
0x232: {  	s12 =	sshll.u32 s2, $0x7  }
0x233: {  	_ =	swait.ge [sflag:s22], $0x4000;
	s3 =	sand.u32 $0x3FFFFF80, s12  }
0x234: {  	[sflag:s22] =	ssyncset.done $0x0;
	v24 =	vmov s3  }
0x235: {  	[sflag:s22] =	ssyncadd.s32 $0xFFFFC000;
	s3 =	simm.s32 @!p1 $0x6  }
0x236: {  	s14 =	simm.s32 $0x0;
	_ =	swait.ge @!p1 [sflag:s3], $0x2000  }
0x237: {  	s16 =	sand.u32 $0x60, s14;
	[sflag:s3] =	ssyncset.done @!p1 $0x0  }
0x238: {  	s18 =	sor.u32 $0x10, s16;
	[sflag:s3] =	ssyncadd.s32 @!p1 $0xFFFFE000  }
0x239: {  	v2 =	vld.idx.msk [tilespmem:v24+s18+$0x0 ss:$0x1], $0xffff;
	_ =	sdelay $0x4  }
0x23a: {  	v31 =	vor.u32 s18, v0;
	v2 =	vshll.u32 v2, $0x6  }
0x23b: {  	s14 =	sand.u32 $0x30, s14;
	v4 =	vshll.u32 v31, $0x7;
	v2 =	vand.u32 $0x40, v2  }
0x23c: {  	v6 =	vor.u32 s14, v0;
	v32 =	vor.u32 v4, v2  }
0x23d: {  	v2 =	vor.u32 v6, v32;
	_ =	sdelay $0x3  }
0x23e: {  	v25 =	vshll.u32 v6, $0x7;
	v4 =	vld.idx.msk [tilespmem:v24+s16+$0x0 ss:$0x1], $0xffff  }
0x23f: {  	v25 =	vand.u32 $0x1C00, v25;
	v2 =	vld.idx.msk [tilespmem:v2+s15+$0x0], $0xffff  }
0x240: {  	v25 =	vor.u32 v1, v25  }
0x241: {  	v26 =	vor.u32 s14, v8;
	v27 =	vor.u32 v31, v25  }
0x242: {  	v28 =	vor.u32 v26, v32  }
0x243: {  	v29 =	vor.u32 s16, v0;
	v4 =	vshll.u32 v4, $0x6  }
0x244: {  	v30 =	vshll.u32 v29, $0x7;
	v4 =	vand.u32 $0x40, v4;
	v2 =	vmul.f32 $8.000000000e+00, v2  }
0x245: {  	v30 =	vor.u32 v30, v4  }
0x246: {  	v4 =	vor.u32 v6, v30;
	[tilespmem:v27+s23+$0x0] =	vst.idx.msk $0xffff, v2;
	v2 =	vshll.u32 v26, $0x7  }
0x247: {  	v6 =	vld.idx.msk [tilespmem:v28+s15+$0x0], $0xffff;
	v2 =	vand.u32 $0x1C00, v2  }
0x248: {  	v2 =	vor.u32 v3, v2  }
0x249: {  	v27 =	vor.u32 s14, v10;
	v28 =	vor.u32 v31, v2  }
0x24a: {  	v38 =	vor.u32 v27, v32  }
0x24b: {  	v4 =	vld.idx.msk [tilespmem:v4+s15+$0x0], $0xffff  }
0x24c: {  	v6 =	vmul.f32 $8.000000000e+00, v6  }
0x24d: {  	v25 =	vor.u32 v29, v25  }
0x24e: {  	v26 =	vor.u32 v26, v30;
	[tilespmem:v28+s23+$0x0] =	vst.idx.msk $0xffff, v6;
	v6 =	vshll.u32 v27, $0x7  }
0x24f: {  	v28 =	vld.idx.msk [tilespmem:v38+s15+$0x0], $0xffff;
	v6 =	vand.u32 $0x1C00, v6  }
0x250: {  	v4 =	vmul.f32 $8.000000000e+00, v4;
	v6 =	vor.u32 v5, v6  }
0x251: {  	v39 =	vor.u32 s14, v12;
	v40 =	vor.u32 v31, v6  }
0x252: {  	v41 =	vor.u32 v39, v32;
	[tilespmem:v25+s23+$0x0] =	vst.idx.msk $0xffff, v4  }
0x253: {  	v4 =	vld.idx.msk [tilespmem:v26+s15+$0x0], $0xffff  }
0x254: {  	v25 =	vmul.f32 $8.000000000e+00, v28  }
0x255: {  	v2 =	vor.u32 v29, v2  }
0x256: {  	v26 =	vor.u32 v27, v30;
	[tilespmem:v40+s23+$0x0] =	vst.idx.msk $0xffff, v25;
	v25 =	vshll.u32 v39, $0x7  }
0x257: {  	v27 =	vld.idx.msk [tilespmem:v41+s15+$0x0], $0xffff;
	v25 =	vand.u32 $0x1C00, v25  }
0x258: {  	v4 =	vmul.f32 $8.000000000e+00, v4;
	v25 =	vor.u32 v7, v25  }
0x259: {  	v28 =	vor.u32 s14, v19;
	v42 =	vor.u32 v31, v25  }
0x25a: {  	v43 =	vor.u32 v28, v32;
	[tilespmem:v2+s23+$0x0] =	vst.idx.msk $0xffff, v4  }
0x25b: {  	v2 =	vld.idx.msk [tilespmem:v26+s15+$0x0], $0xffff  }
0x25c: {  	v4 =	vmul.f32 $8.000000000e+00, v27  }
0x25d: {  	v6 =	vor.u32 v29, v6  }
0x25e: {  	v26 =	vor.u32 v39, v30;
	[tilespmem:v42+s23+$0x0] =	vst.idx.msk $0xffff, v4;
	v4 =	vshll.u32 v28, $0x7  }
0x25f: {  	v27 =	vld.idx.msk [tilespmem:v43+s15+$0x0], $0xffff;
	v4 =	vand.u32 $0x1C00, v4  }
0x260: {  	v2 =	vmul.f32 $8.000000000e+00, v2;
	v4 =	vor.u32 v9, v4  }
0x261: {  	v44 =	vor.u32 s14, v21;
	v45 =	vor.u32 v31, v4  }
0x262: {  	s12 =	simm.s32 $0x20;
	v46 =	vor.u32 v44, v32;
	[tilespmem:v6+s23+$0x0] =	vst.idx.msk $0xffff, v2  }
0x263: {  	s3 =	sand.u32 $0x60, s12;
	v2 =	vld.idx.msk [tilespmem:v26+s15+$0x0], $0xffff  }
0x264: {  	s16 =	sor.u32 $0x10, s3;
	v6 =	vmul.f32 $8.000000000e+00, v27  }
0x265: {  	v25 =	vor.u32 v29, v25;
	v26 =	vld.idx.msk [tilespmem:v24+s16+$0x0 ss:$0x1], $0xffff  }
0x266: {  	v47 =	vld.idx.msk [tilespmem:v24+s3+$0x0 ss:$0x1], $0xffff;
	v27 =	vor.u32 v28, v30;
	[tilespmem:v45+s23+$0x0] =	vst.idx.msk $0xffff, v6;
	v6 =	vshll.u32 v44, $0x7  }
0x267: {  	s18 =	simm.s32 $0x4;
	v28 =	vld.idx.msk [tilespmem:v46+s15+$0x0], $0xffff;
	v6 =	vand.u32 $0x1C00, v6  }
0x268: {  	v48 =	vor.u32 s14, v17;
	s18 =	sand.u32 $0x30, s18;
	v2 =	vmul.f32 $8.000000000e+00, v2;
	v6 =	vor.u32 v11, v6  }
0x269: {  	v34 =	vor.u32 s3, v0;
	v51 =	vor.u32 s18, v0;
	v49 =	vor.u32 v31, v6  }
0x26a: {  	v50 =	vor.u32 v48, v32;
	v36 =	vor.u32 s16, v0;
	[tilespmem:v25+s23+$0x0] =	vst.idx.msk $0xffff, v2;
	v25 =	vshll.u32 v26, $0x6  }
0x26b: {  	v35 =	vshll.u32 v47, $0x6;
	v25 =	vand.u32 $0x40, v25;
	v26 =	vld.idx.msk [tilespmem:v27+s15+$0x0], $0xffff;
	v27 =	vshll.u32 v36, $0x7  }
0x26c: {  	v4 =	vor.u32 v29, v4;
	v37 =	vor.u32 v27, v25;
	v28 =	vmul.f32 $8.000000000e+00, v28  }
0x26d: {  	v2 =	vshll.u32 v34, $0x7;
	v27 =	vand.u32 $0x40, v35;
	v25 =	vor.u32 v51, v37  }
0x26e: {  	v33 =	vor.u32 v44, v30;
	v35 =	vor.u32 v2, v27;
	[tilespmem:v49+s23+$0x0] =	vst.idx.msk $0xffff, v28;
	v28 =	vshll.u32 v48, $0x7  }
0x26f: {  	v27 =	vor.u32 v51, v35;
	v39 =	vld.idx.msk [tilespmem:v50+s15+$0x0], $0xffff;
	v2 =	vand.u32 $0x1C00, v28  }
0x270: {  	v26 =	vmul.f32 $8.000000000e+00, v26;
	v2 =	vor.u32 v13, v2  }
0x271: {  	v41 =	vshll.u32 v51, $0x7;
	v28 =	vor.u32 s14, v14;
	v52 =	vor.u32 v31, v2  }
0x272: {  	v53 =	vor.u32 v28, v32;
	[tilespmem:v4+s23+$0x0] =	vst.idx.msk $0xffff, v26;
	v4 =	vld.idx.msk [tilespmem:v25+s15+$0x0], $0xffff;
	v25 =	vand.u32 $0x1C00, v41  }
0x273: {  	v26 =	vld.idx.msk [tilespmem:v33+s15+$0x0], $0xffff;
	v25 =	vor.u32 v1, v25  }
0x274: {  	v55 =	vor.u32 s18, v8;
	v27 =	vld.idx.msk [tilespmem:v27+s15+$0x0], $0xffff;
	v58 =	vor.u32 v36, v25;
	v54 =	vmul.f32 $8.000000000e+00, v39  }
0x275: {  	v6 =	vor.u32 v29, v6;
	v59 =	vor.u32 v55, v37  }
0x276: {  	v38 =	vor.u32 v48, v30;
	v60 =	vshll.u32 v28, $0x7;
	v25 =	vor.u32 v34, v25;
	[tilespmem:v52+s23+$0x0] =	vst.idx.msk $0xffff, v54  }
0x277: {  	v61 =	vor.u32 v55, v35;
	v33 =	vand.u32 $0x1C00, v60;
	v4 =	vmul.f32 $8.000000000e+00, v4;
	v40 =	vld.idx.msk [tilespmem:v53+s15+$0x0], $0xffff  }
0x278: {  	v62 =	vor.u32 s14, v22;
	v33 =	vor.u32 v16, v33;
	v26 =	vmul.f32 $8.000000000e+00, v26  }
0x279: {  	v48 =	vor.u32 v31, v33;
	[tilespmem:v58+s23+$0x0] =	vst.idx.msk $0xffff, v4;
	v4 =	vmul.f32 $8.000000000e+00, v27;
	v27 =	vshll.u32 v55, $0x7  }
0x27a: {  	v49 =	vor.u32 v62, v32;
	[tilespmem:v6+s23+$0x0] =	vst.idx.msk $0xffff, v26;
	v6 =	vld.idx.msk [tilespmem:v59+s15+$0x0], $0xffff;
	v26 =	vand.u32 $0x1C00, v27  }
0x27b: {  	v27 =	vld.idx.msk [tilespmem:v38+s15+$0x0], $0xffff;
	[tilespmem:v25+s23+$0x0] =	vst.idx.msk $0xffff, v4;
	v4 =	vor.u32 v3, v26  }
0x27c: {  	v50 =	vor.u32 s18, v10;
	v26 =	vld.idx.msk [tilespmem:v61+s15+$0x0], $0xffff;
	v51 =	vor.u32 v36, v4;
	v25 =	vmul.f32 $8.000000000e+00, v40  }
0x27d: {  	v2 =	vor.u32 v29, v2;
	v52 =	vor.u32 v50, v37  }
0x27e: {  	v28 =	vor.u32 v28, v30;
	v4 =	vor.u32 v34, v4;
	[tilespmem:v48+s23+$0x0] =	vst.idx.msk $0xffff, v25;
	v25 =	vshll.u32 v62, $0x7  }
0x27f: {  	v53 =	vor.u32 v50, v35;
	v6 =	vmul.f32 $8.000000000e+00, v6;
	v39 =	vld.idx.msk [tilespmem:v49+s15+$0x0], $0xffff;
	v25 =	vand.u32 $0x1C00, v25  }
0x280: {  	v54 =	vor.u32 s14, v15;
	v27 =	vmul.f32 $8.000000000e+00, v27;
	v25 =	vor.u32 v1, v25  }
0x281: {  	[tilespmem:v51+s23+$0x0] =	vst.idx.msk $0xffff, v6;
	v6 =	vmul.f32 $8.000000000e+00, v26;
	v26 =	vshll.u32 v50, $0x7;
	v55 =	vor.u32 v31, v25  }
0x282: {  	v57 =	vor.u32 s14, v57;
	v58 =	vor.u32 v54, v32;
	v40 =	vld.idx.msk [tilespmem:v52+s15+$0x0], $0xffff;
	v26 =	vand.u32 $0x1C00, v26;
	[tilespmem:v2+s23+$0x0] =	vst.idx.msk $0xffff, v27  }
0x283: {  	v47 =	vshll.u32 v57, $0x7;
	[tilespmem:v4+s23+$0x0] =	vst.idx.msk $0xffff, v6;
	v2 =	vor.u32 v5, v26;
	v4 =	vld.idx.msk [tilespmem:v28+s15+$0x0], $0xffff  }
0x284: {  	v27 =	vor.u32 s18, v12;
	v26 =	vld.idx.msk [tilespmem:v53+s15+$0x0], $0xffff;
	v28 =	vor.u32 v36, v2;
	v6 =	vmul.f32 $8.000000000e+00, v39  }
0x285: {  	v47 =	vand.u32 $0x1C00, v47;
	v59 =	vor.u32 v27, v37  }
0x286: {  	v33 =	vor.u32 v29, v33;
	v2 =	vor.u32 v34, v2;
	[tilespmem:v55+s23+$0x0] =	vst.idx.msk $0xffff, v6;
	v6 =	vshll.u32 v54, $0x7  }
0x287: {  	v61 =	vor.u32 v27, v35;
	v40 =	vmul.f32 $8.000000000e+00, v40;
	v38 =	vld.idx.msk [tilespmem:v58+s15+$0x0], $0xffff;
	v6 =	vand.u32 $0x1C00, v6  }
0x288: {  	v60 =	vor.u32 v62, v30;
	v62 =	vor.u32 s14, v63;
	v6 =	vor.u32 v3, v6  }
0x289: {  	v27 =	vshll.u32 v27, $0x7;
	[tilespmem:v28+s23+$0x0] =	vst.idx.msk $0xffff, v40;
	v26 =	vmul.f32 $8.000000000e+00, v26;
	v48 =	vor.u32 v31, v6  }
0x28a: {  	v27 =	vand.u32 $0x1C00, v27;
	v4 =	vmul.f32 $8.000000000e+00, v4;
	v28 =	vor.u32 v62, v32;
	v39 =	vld.idx.msk [tilespmem:v59+s15+$0x0], $0xffff  }
0x28b: {  	v47 =	vor.u32 v9, v47;
	[tilespmem:v2+s23+$0x0] =	vst.idx.msk $0xffff, v26;
	v2 =	vor.u32 v7, v27  }
0x28c: {  	v49 =	vor.u32 s18, v19;
	[tilespmem:v33+s23+$0x0] =	vst.idx.msk $0xffff, v4;
	v27 =	vld.idx.msk [tilespmem:v61+s15+$0x0], $0xffff;
	v50 =	vor.u32 v36, v2;
	v26 =	vmul.f32 $8.000000000e+00, v38  }
0x28d: {  	v51 =	vor.u32 v54, v30;
	v44 =	vor.u32 v62, v30;
	v52 =	vor.u32 v49, v37;
	v4 =	vld.idx.msk [tilespmem:v60+s15+$0x0], $0xffff  }
0x28e: {  	v25 =	vor.u32 v29, v25;
	v2 =	vor.u32 v34, v2;
	[tilespmem:v48+s23+$0x0] =	vst.idx.msk $0xffff, v26;
	v26 =	vshll.u32 v62, $0x7  }
0x28f: {  	v54 =	vor.u32 s14, v23;
	v39 =	vmul.f32 $8.000000000e+00, v39;
	v28 =	vld.idx.msk [tilespmem:v28+s15+$0x0], $0xffff;
	v26 =	vand.u32 $0x1C00, v26  }
0x290: {  	v53 =	vor.u32 v49, v35;
	v58 =	vor.u32 v54, v32;
	v26 =	vor.u32 v5, v26  }
0x291: {  	v33 =	vshll.u32 v49, $0x7;
	[tilespmem:v50+s23+$0x0] =	vst.idx.msk $0xffff, v39;
	v27 =	vmul.f32 $8.000000000e+00, v27;
	v55 =	vor.u32 v31, v26  }
0x292: {  	v40 =	vor.u32 v54, v30;
	v33 =	vand.u32 $0x1C00, v33;
	v4 =	vmul.f32 $8.000000000e+00, v4;
	v59 =	vld.idx.msk [tilespmem:v52+s15+$0x0], $0xffff  }
0x293: {  	s5 =	simm.s32 $0x40;
	s12 =	simm.s32 $0x8;
	v6 =	vor.u32 v29, v6;
	v50 =	vor.u32 s14, v56;
	[tilespmem:v2+s23+$0x0] =	vst.idx.msk $0xffff, v27;
	v2 =	vor.u32 v9, v33  }
0x294: {  	s12 =	sand.u32 $0x30, s12;
	s3 =	sand.u32 $0x60, s5;
	[tilespmem:v25+s23+$0x0] =	vst.idx.msk $0xffff, v4;
	v27 =	vor.u32 s18, v21;
	v4 =	vmul.f32 $8.000000000e+00, v28;
	v28 =	vor.u32 v36, v2  }
0x295: {  	v25 =	vor.u32 s3, v0;
	v52 =	vor.u32 s12, v8;
	v60 =	vld.idx.msk [tilespmem:v51+s15+$0x0], $0xffff;
	v61 =	vor.u32 v27, v37  }
0x296: {  	v38 =	vor.u32 v29, v26;
	v46 =	vshll.u32 v25, $0x7;
	v26 =	vld.idx.msk [tilespmem:v53+s15+$0x0], $0xffff;
	[tilespmem:v55+s23+$0x0] =	vst.idx.msk $0xffff, v4;
	v4 =	vshll.u32 v54, $0x7  }
0x297: {  	v33 =	vor.u32 v57, v30;
	v54 =	vmul.f32 $8.000000000e+00, v59;
	v53 =	vld.idx.msk [tilespmem:v58+s15+$0x0], $0xffff;
	v4 =	vand.u32 $0x1C00, v4  }
0x298: {  	v62 =	vor.u32 v27, v35;
	v2 =	vor.u32 v34, v2;
	v55 =	vld.idx.msk [tilespmem:v24+s3+$0x0 ss:$0x1], $0xffff;
	s3 =	sor.u32 $0x10, s3;
	v4 =	vor.u32 v7, v4  }
0x299: {  	v51 =	vor.u32 s18, v17;
	v27 =	vshll.u32 v27, $0x7;
	v59 =	vld.idx.msk [tilespmem:v24+s3+$0x0 ss:$0x1], $0xffff;
	v58 =	vor.u32 v31, v4;
	[tilespmem:v28+s23+$0x0] =	vst.idx.msk $0xffff, v54  }
0x29a: {  	v27 =	vand.u32 $0x1C00, v27;
	v60 =	vmul.f32 $8.000000000e+00, v60;
	v28 =	vor.u32 v57, v32;
	v41 =	vld.idx.msk [tilespmem:v61+s15+$0x0], $0xffff  }
0x29b: {  	v26 =	vmul.f32 $8.000000000e+00, v26;
	v39 =	vor.u32 v29, v4;
	v4 =	vor.u32 v11, v27  }
0x29c: {  	[tilespmem:v6+s23+$0x0] =	vst.idx.msk $0xffff, v60;
	v43 =	vor.u32 v34, v4;
	v4 =	vor.u32 v36, v4;
	v27 =	vmul.f32 $8.000000000e+00, v53  }
0x29d: {  	v6 =	vor.u32 s12, v0;
	[tilespmem:v2+s23+$0x0] =	vst.idx.msk $0xffff, v26;
	v26 =	vor.u32 s3, v0;
	v57 =	vor.u32 v31, v47  }
0x29e: {  	v61 =	vor.u32 v51, v37;
	v2 =	vshll.u32 v55, $0x6;
	[tilespmem:v58+s23+$0x0] =	vst.idx.msk $0xffff, v27;
	v27 =	vshll.u32 v59, $0x6  }
0x29f: {  	v48 =	vld.idx.msk [tilespmem:v28+s15+$0x0], $0xffff;
	v27 =	vand.u32 $0x40, v27;
	v28 =	vshll.u32 v26, $0x7;
	v41 =	vmul.f32 $8.000000000e+00, v41  }
0x2a0: {  	v42 =	vld.idx.msk [tilespmem:v62+s15+$0x0], $0xffff;
	v2 =	vand.u32 $0x40, v2;
	v58 =	vor.u32 v50, v32;
	v27 =	vor.u32 v28, v27  }
0x2a1: {  	v28 =	vor.u32 v46, v2;
	v62 =	vor.u32 v6, v27;
	[tilespmem:v4+s23+$0x0] =	vst.idx.msk $0xffff, v41;
	v4 =	vshll.u32 v51, $0x7  }
0x2a2: {  	v59 =	vor.u32 v6, v28;
	v6 =	vshll.u32 v6, $0x7;
	v4 =	vand.u32 $0x1C00, v4  }
0x2a3: {  	v45 =	vld.idx.msk [tilespmem:v61+s15+$0x0], $0xffff;
	v6 =	vand.u32 $0x1C00, v6;
	v61 =	vshll.u32 v50, $0x7;
	v4 =	vor.u32 v13, v4  }
0x2a4: {  	v6 =	vor.u32 v1, v6;
	v46 =	vand.u32 $0x1C00, v61;
	v60 =	vmul.f32 $8.000000000e+00, v48  }
0x2a5: {  	v48 =	vor.u32 v51, v35;
	v51 =	vor.u32 s18, v14;
	v53 =	vor.u32 v36, v4  }
0x2a6: {  	v4 =	vor.u32 v34, v4;
	v46 =	vor.u32 v11, v46;
	v54 =	vor.u32 v51, v37;
	v49 =	vld.idx.msk [tilespmem:v62+s15+$0x0], $0xffff  }
0x2a7: {  	v2 =	vmul.f32 $8.000000000e+00, v42;
	v61 =	vshll.u32 v51, $0x7;
	v51 =	vor.u32 v51, v35;
	[tilespmem:v57+s23+$0x0] =	vst.idx.msk $0xffff, v60;
	v42 =	vld.idx.msk [tilespmem:v59+s15+$0x0], $0xffff  }
0x2a8: {  	v62 =	vor.u32 v26, v6;
	v60 =	vor.u32 v52, v27;
	v41 =	vld.idx.msk [tilespmem:v58+s15+$0x0], $0xffff;
	v45 =	vmul.f32 $8.000000000e+00, v45  }
0x2a9: {  	v44 =	vld.idx.msk [tilespmem:v44+s15+$0x0], $0xffff;
	v57 =	vor.u32 s14, v20;
	v6 =	vor.u32 v25, v6;
	v59 =	vor.u32 v52, v28  }
0x2aa: {  	v58 =	vor.u32 v31, v46;
	[tilespmem:v53+s23+$0x0] =	vst.idx.msk $0xffff, v45;
	v53 =	vor.u32 v57, v32;
	v45 =	vand.u32 $0x1C00, v61  }
0x2ab: {  	v61 =	vshll.u32 v57, $0x7;
	v45 =	vor.u32 v16, v45;
	v49 =	vmul.f32 $8.000000000e+00, v49  }
0x2ac: {  	[tilespmem:v43+s23+$0x0] =	vst.idx.msk $0xffff, v2;
	v54 =	vld.idx.msk [tilespmem:v54+s15+$0x0], $0xffff;
	v56 =	vand.u32 $0x1C00, v61;
	v2 =	vor.u32 v34, v45;
	v42 =	vmul.f32 $8.000000000e+00, v42  }
0x2ad: {  	v48 =	vld.idx.msk [tilespmem:v48+s15+$0x0], $0xffff;
	v45 =	vor.u32 v36, v45;
	v41 =	vmul.f32 $8.000000000e+00, v41;
	[tilespmem:v62+s23+$0x0] =	vst.idx.msk $0xffff, v49;
	v62 =	vshll.u32 v52, $0x7  }
0x2ae: {  	v43 =	vor.u32 s18, v22;
	v56 =	vor.u32 v13, v56;
	[tilespmem:v6+s23+$0x0] =	vst.idx.msk $0xffff, v42;
	v55 =	vld.idx.msk [tilespmem:v60+s15+$0x0], $0xffff;
	v60 =	vand.u32 $0x1C00, v62  }
0x2af: {  	v44 =	vmul.f32 $8.000000000e+00, v44;
	v52 =	vor.u32 v43, v37;
	[tilespmem:v58+s23+$0x0] =	vst.idx.msk $0xffff, v41;
	v41 =	vor.u32 v3, v60  }
0x2b0: {  	v49 =	vor.u32 v43, v35;
	v6 =	vor.u32 s12, v10;
	v58 =	vld.idx.msk [tilespmem:v59+s15+$0x0], $0xffff;
	v42 =	vor.u32 v26, v41  }
0x2b1: {  	v43 =	vshll.u32 v43, $0x7;
	v59 =	vor.u32 v6, v27;
	v53 =	vld.idx.msk [tilespmem:v53+s15+$0x0], $0xffff;
	v54 =	vmul.f32 $8.000000000e+00, v54  }
0x2b2: {  	[tilespmem:v38+s23+$0x0] =	vst.idx.msk $0xffff, v44;
	v61 =	vor.u32 v31, v56;
	v43 =	vand.u32 $0x1C00, v43;
	v38 =	vmul.f32 $8.000000000e+00, v48  }
0x2b3: {  	v60 =	vor.u32 s14, v18;
	v43 =	vor.u32 v1, v43;
	[tilespmem:v45+s23+$0x0] =	vst.idx.msk $0xffff, v54;
	v62 =	vmul.f32 $8.000000000e+00, v55  }
0x2b4: {  	v41 =	vor.u32 v25, v41;
	v48 =	vor.u32 v34, v43;
	v43 =	vor.u32 v36, v43;
	v45 =	vld.idx.msk [tilespmem:v52+s15+$0x0], $0xffff  }
0x2b5: {  	v40 =	vld.idx.msk [tilespmem:v40+s15+$0x0], $0xffff;
	v52 =	vor.u32 v6, v28;
	v6 =	vshll.u32 v6, $0x7;
	v58 =	vmul.f32 $8.000000000e+00, v58;
	[tilespmem:v42+s23+$0x0] =	vst.idx.msk $0xffff, v62  }
0x2b6: {  	v44 =	vmul.f32 $8.000000000e+00, v53;
	v53 =	vor.u32 s18, v15;
	v62 =	vld.idx.msk [tilespmem:v59+s15+$0x0], $0xffff;
	v59 =	vshll.u32 v60, $0x7  }
0x2b7: {  	[tilespmem:v4+s23+$0x0] =	vst.idx.msk $0xffff, v38;
	v6 =	vand.u32 $0x1C00, v6;
	v54 =	vor.u32 v53, v37;
	v38 =	vand.u32 $0x1C00, v59  }
0x2b8: {  	v6 =	vor.u32 v5, v6;
	[tilespmem:v61+s23+$0x0] =	vst.idx.msk $0xffff, v44;
	v44 =	vld.idx.msk [tilespmem:v51+s15+$0x0], $0xffff;
	v51 =	vor.u32 v16, v38  }
0x2b9: {  	[tilespmem:v41+s23+$0x0] =	vst.idx.msk $0xffff, v58;
	v42 =	vor.u32 v26, v6;
	v45 =	vmul.f32 $8.000000000e+00, v45;
	v31 =	vor.u32 v31, v51  }
0x2ba: {  	v40 =	vmul.f32 $8.000000000e+00, v40;
	v32 =	vor.u32 v60, v32;
	v41 =	vor.u32 s12, v12;
	v52 =	vld.idx.msk [tilespmem:v52+s15+$0x0], $0xffff;
	[tilespmem:$0x1FE90] =	vst v31  }
0x2bb: {  	v6 =	vor.u32 v25, v6;
	v58 =	vor.u32 v41, v27;
	v61 =	vshll.u32 v53, $0x7;
	[tilespmem:v43+s23+$0x0] =	vst.idx.msk $0xffff, v45  }
0x2bc: {  	v31 =	vor.u32 v41, v28;
	v62 =	vmul.f32 $8.000000000e+00, v62;
	v43 =	vand.u32 $0x1C00, v61;
	v45 =	vld.idx.msk [tilespmem:v54+s15+$0x0], $0xffff  }
0x2bd: {  	[tilespmem:v39+s23+$0x0] =	vst.idx.msk $0xffff, v40;
	v39 =	vor.u32 v29, v47;
	v38 =	vor.u32 v3, v43  }
0x2be: {  	v44 =	vmul.f32 $8.000000000e+00, v44;
	v33 =	vld.idx.msk [tilespmem:v33+s15+$0x0], $0xffff;
	[tilespmem:v42+s23+$0x0] =	vst.idx.msk $0xffff, v62;
	v42 =	vor.u32 s18, v63;
	v47 =	vor.u32 v36, v38  }
0x2bf: {  	v41 =	vshll.u32 v41, $0x7;
	v61 =	vor.u32 v42, v37  }
0x2c0: {  	v41 =	vand.u32 $0x1C00, v41;
	v59 =	vmul.f32 $8.000000000e+00, v52;
	[tilespmem:v2+s23+$0x0] =	vst.idx.msk $0xffff, v44;
	v2 =	vld.idx.msk [tilespmem:v32+s15+$0x0], $0xffff  }
0x2c1: {  	v62 =	vor.u32 v7, v41;
	v52 =	vld.idx.msk [tilespmem:v58+s15+$0x0], $0xffff;
	v63 =	vmul.f32 $8.000000000e+00, v45  }
0x2c2: {  	[tilespmem:v6+s23+$0x0] =	vst.idx.msk $0xffff, v59;
	v6 =	vld.idx.msk [tilespmem:v49+s15+$0x0], $0xffff;
	v58 =	vor.u32 v26, v62  }
0x2c3: {  	v59 =	vor.u32 v57, v30;
	v31 =	vld.idx.msk [tilespmem:v31+s15+$0x0], $0xffff;
	v33 =	vmul.f32 $8.000000000e+00, v33;
	[tilespmem:v47+s23+$0x0] =	vst.idx.msk $0xffff, v63  }
0x2c4: {  	v41 =	vor.u32 v29, v46;
	v46 =	vld.idx.msk [tilespmem:v61+s15+$0x0], $0xffff;
	[tilespmem:$0x1FE70] =	vst v59  }
0x2c5: {  	v63 =	vor.u32 v29, v56;
	[tilespmem:v39+s23+$0x0] =	vst.idx.msk $0xffff, v33  }
0x2c6: {  	v43 =	vor.u32 v50, v30;
	v30 =	vor.u32 v60, v30;
	v61 =	vmul.f32 $8.000000000e+00, v52;
	[tilespmem:$0x1FEB0] =	vst v63  }
0x2c7: {  	[tilespmem:$0x1FEC0] =	vst v30  }
0x2c8: {  	v44 =	vor.u32 s12, v19;
	v54 =	vor.u32 v42, v35;
	v42 =	vshll.u32 v42, $0x7;
	[tilespmem:v58+s23+$0x0] =	vst.idx.msk $0xffff, v61  }
0x2c9: {  	v49 =	vor.u32 v25, v62;
	v50 =	vor.u32 v44, v27;
	v62 =	vand.u32 $0x1C00, v42;
	v56 =	vld [tilespmem:$0x1FF60]  }
0x2ca: {  	v39 =	vor.u32 v5, v62  }
0x2cb: {  	v55 =	vor.u32 v44, v28;
	v6 =	vmul.f32 $8.000000000e+00, v6;
	v52 =	vor.u32 v36, v39  }
0x2cc: {  	v2 =	vmul.f32 $8.000000000e+00, v2  }
0x2cd: {  	v4 =	vor.u32 v53, v35;
	v31 =	vmul.f32 $8.000000000e+00, v31;
	v30 =	vld.idx.msk [tilespmem:v43+s15+$0x0], $0xffff;
	v58 =	vshll.u32 v44, $0x7;
	[tilespmem:v48+s23+$0x0] =	vst.idx.msk $0xffff, v6  }
0x2ce: {  	v50 =	vld.idx.msk [tilespmem:v50+s15+$0x0], $0xffff;
	v44 =	vand.u32 $0x1C00, v58;
	[tilespmem:$0x1FEA0] =	vst v2;
	v6 =	vmul.f32 $8.000000000e+00, v46;
	v57 =	vor.u32 s18, v56  }
0x2cf: {  	v2 =	vor.u32 v9, v44;
	[tilespmem:v49+s23+$0x0] =	vst.idx.msk $0xffff, v31;
	v59 =	vor.u32 v57, v37  }
0x2d0: {  	v33 =	vor.u32 v25, v2;
	v2 =	vor.u32 v26, v2;
	v31 =	vld.idx.msk [tilespmem:v55+s15+$0x0], $0xffff;
	[tilespmem:v52+s23+$0x0] =	vst.idx.msk $0xffff, v6  }
0x2d1: {  	v63 =	vld [tilespmem:$0x1FF40]  }
0x2d2: {  	v32 =	vor.u32 v34, v38;
	v60 =	vor.u32 s12, v21  }
0x2d3: {  	s16 =	simm.s32 $0x60;
	v4 =	vld.idx.msk [tilespmem:v4+s15+$0x0], $0xffff;
	v55 =	vor.u32 v60, v27;
	v61 =	vmul.f32 $8.000000000e+00, v50;
	v6 =	vshll.u32 v57, $0x7  }
0x2d4: {  	s3 =	sand.u32 $0x60, s16;
	v48 =	vor.u32 v34, v39;
	v44 =	vmul.f32 $8.000000000e+00, v30;
	v6 =	vand.u32 $0x1C00, v6;
	v52 =	vld.idx.msk [tilespmem:v59+s15+$0x0], $0xffff  }
0x2d5: {  	v62 =	vld.idx.msk [tilespmem:v24+s3+$0x0 ss:$0x1], $0xffff;
	v30 =	vor.u32 s3, v0;
	s3 =	sor.u32 $0x10, s3;
	[tilespmem:v2+s23+$0x0] =	vst.idx.msk $0xffff, v61;
	v6 =	vor.u32 v7, v6;
	v2 =	vmul.f32 $8.000000000e+00, v31  }
0x2d6: {  	v42 =	vld.idx.msk [tilespmem:v24+s3+$0x0 ss:$0x1], $0xffff;
	v31 =	vshll.u32 v60, $0x7;
	v39 =	vor.u32 s18, v63;
	v40 =	vor.u32 v36, v6  }
0x2d7: {  	v38 =	vmovc v35;
	v35 =	vmovc v34;
	v49 =	vor.u32 v60, v28;
	v61 =	vld [tilespmem:$0x1FFF0];
	v31 =	vand.u32 $0x1C00, v31;
	v60 =	vor.u32 v39, v37  }
0x2d8: {  	v55 =	vld.idx.msk [tilespmem:v55+s15+$0x0], $0xffff;
	v46 =	vor.u32 v35, v6;
	v6 =	vor.u32 v11, v31;
	v31 =	vor.u32 v39, v38  }
0x2d9: {  	v29 =	vor.u32 v29, v51;
	[tilespmem:$0x1FE80] =	vst v31;
	v31 =	vmul.f32 $8.000000000e+00, v52  }
0x2da: {  	v4 =	vmul.f32 $8.000000000e+00, v4;
	[tilespmem:v33+s23+$0x0] =	vst.idx.msk $0xffff, v2;
	v52 =	vor.u32 v25, v6;
	v6 =	vor.u32 v26, v6  }
0x2db: {  	v51 =	vshll.u32 v30, $0x7;
	v47 =	vor.u32 v57, v38;
	v63 =	vshll.u32 v39, $0x7;
	[tilespmem:v40+s23+$0x0] =	vst.idx.msk $0xffff, v31  }
0x2dc: {  	v34 =	vshll.u32 v42, $0x6;
	v50 =	vand.u32 $0x1C00, v63;
	[tilespmem:v32+s23+$0x0] =	vst.idx.msk $0xffff, v4;
	v59 =	vor.u32 s12, v61;
	v56 =	vld.idx.msk [tilespmem:v60+s15+$0x0], $0xffff  }
0x2dd: {  	v43 =	vmovc v38;
	v2 =	vshll.u32 v62, $0x6;
	v55 =	vmul.f32 $8.000000000e+00, v55;
	v62 =	vor.u32 v59, v27;
	v38 =	vld [tilespmem:$0x1FF50]  }
0x2de: {  	s16 =	simm.s32 $0xC;
	v45 =	vmovc v35;
	v53 =	vand.u32 $0x40, v34;
	v50 =	vor.u32 v9, v50;
	v31 =	vor.u32 s3, v0  }
0x2df: {  	s14 =	sand.u32 $0x30, s16;
	v49 =	vld.idx.msk [tilespmem:v49+s15+$0x0], $0xffff;
	v39 =	vor.u32 v36, v50;
	v2 =	vand.u32 $0x40, v2;
	v35 =	vshll.u32 v31, $0x7;
	[tilespmem:v6+s23+$0x0] =	vst.idx.msk $0xffff, v55  }
0x2e0: {  	v4 =	vor.u32 s14, v0;
	v33 =	vor.u32 v51, v2;
	v32 =	vor.u32 v35, v53;
	v2 =	vld [tilespmem:$0x1FFC0]  }
0x2e1: {  	v40 =	vor.u32 v4, v33;
	v53 =	vld.idx.msk [tilespmem:v54+s15+$0x0], $0xffff;
	v54 =	vor.u32 v4, v32;
	v6 =	vshll.u32 v59, $0x7  }
0x2e2: {  	v60 =	vld.idx.msk [tilespmem:v62+s15+$0x0], $0xffff;
	v6 =	vand.u32 $0x1C00, v6;
	v57 =	vor.u32 s18, v38;
	v42 =	vmul.f32 $8.000000000e+00, v56  }
0x2e3: {  	v6 =	vor.u32 v13, v6;
	v55 =	vor.u32 v57, v37  }
0x2e4: {  	v4 =	vshll.u32 v4, $0x7;
	v61 =	vor.u32 v26, v6;
	[tilespmem:v39+s23+$0x0] =	vst.idx.msk $0xffff, v42  }
0x2e5: {  	v4 =	vand.u32 $0x1C00, v4;
	v56 =	vor.u32 v59, v28;
	v59 =	vor.u32 s12, v2;
	v2 =	vld [tilespmem:$0x1FFE0]  }
0x2e6: {  	v35 =	vmul.f32 $8.000000000e+00, v49;
	v4 =	vor.u32 v1, v4;
	v49 =	vld.idx.msk [tilespmem:v40+s15+$0x0], $0xffff;
	v38 =	vor.u32 v25, v6  }
0x2e7: {  	v63 =	vor.u32 v31, v4;
	v34 =	vshll.u32 v57, $0x7;
	v54 =	vld.idx.msk [tilespmem:v54+s15+$0x0], $0xffff;
	v39 =	vmul.f32 $8.000000000e+00, v60  }
0x2e8: {  	v4 =	vor.u32 v30, v4;
	v51 =	vand.u32 $0x1C00, v34;
	[tilespmem:v52+s23+$0x0] =	vst.idx.msk $0xffff, v35;
	v55 =	vld.idx.msk [tilespmem:v55+s15+$0x0], $0xffff  }
0x2e9: {  	v60 =	vor.u32 s14, v8;
	v51 =	vor.u32 v11, v51;
	v62 =	vor.u32 v59, v27;
	[tilespmem:v61+s23+$0x0] =	vst.idx.msk $0xffff, v39  }
0x2ea: {  	v6 =	vor.u32 v60, v32;
	v35 =	vld [tilespmem:$0x1FFB0];
	v42 =	vor.u32 s18, v2;
	v2 =	vor.u32 v36, v51  }
0x2eb: {  	v49 =	vmul.f32 $8.000000000e+00, v49  }
0x2ec: {  	v40 =	vshll.u32 v59, $0x7;
	v54 =	vmul.f32 $8.000000000e+00, v54  }
0x2ed: {  	v58 =	vand.u32 $0x1C00, v40;
	[tilespmem:v4+s23+$0x0] =	vst.idx.msk $0xffff, v49;
	v55 =	vmul.f32 $8.000000000e+00, v55  }
0x2ee: {  	v39 =	vshll.u32 v60, $0x7;
	v58 =	vor.u32 v16, v58;
	v62 =	vld.idx.msk [tilespmem:v62+s15+$0x0], $0xffff;
	[tilespmem:v63+s23+$0x0] =	vst.idx.msk $0xffff, v54  }
0x2ef: {  	v61 =	vor.u32 v42, v37;
	v52 =	vor.u32 s12, v35;
	v35 =	vld.idx.msk [tilespmem:v6+s15+$0x0], $0xffff;
	[tilespmem:v2+s23+$0x0] =	vst.idx.msk $0xffff, v55;
	v2 =	vand.u32 $0x1C00, v39  }
0x2f0: {  	v40 =	vor.u32 v25, v58;
	v58 =	vor.u32 v26, v58;
	v2 =	vor.u32 v3, v2  }
0x2f1: {  	v34 =	vor.u32 v60, v33;
	v6 =	vld [tilespmem:$0x1FFD0];
	v49 =	vor.u32 v31, v2  }
0x2f2: {  	v53 =	vmul.f32 $8.000000000e+00, v53  }
0x2f3: {  	v56 =	vld.idx.msk [tilespmem:v56+s15+$0x0], $0xffff;
	v39 =	vshll.u32 v42, $0x7;
	v62 =	vmul.f32 $8.000000000e+00, v62  }
0x2f4: {  	v60 =	vor.u32 v52, v27;
	v61 =	vld.idx.msk [tilespmem:v61+s15+$0x0], $0xffff;
	v55 =	vand.u32 $0x1C00, v39;
	[tilespmem:v48+s23+$0x0] =	vst.idx.msk $0xffff, v53;
	v35 =	vmul.f32 $8.000000000e+00, v35  }
0x2f5: {  	v55 =	vor.u32 v13, v55;
	[tilespmem:v58+s23+$0x0] =	vst.idx.msk $0xffff, v62  }
0x2f6: {  	v4 =	vor.u32 s14, v10;
	v34 =	vld.idx.msk [tilespmem:v34+s15+$0x0], $0xffff;
	v39 =	vor.u32 s18, v6;
	v6 =	vor.u32 v36, v55;
	[tilespmem:v49+s23+$0x0] =	vst.idx.msk $0xffff, v35  }
0x2f7: {  	v59 =	vor.u32 v59, v28;
	v63 =	vor.u32 v4, v32;
	v35 =	vld [tilespmem:$0x1FF90]  }
0x2f8: {  	v54 =	vor.u32 v52, v28;
	v52 =	vshll.u32 v52, $0x7;
	v2 =	vor.u32 v30, v2  }
0x2f9: {  	v56 =	vmul.f32 $8.000000000e+00, v56;
	v52 =	vand.u32 $0x1C00, v52;
	v48 =	vld.idx.msk [tilespmem:v60+s15+$0x0], $0xffff;
	v61 =	vmul.f32 $8.000000000e+00, v61  }
0x2fa: {  	v52 =	vor.u32 v1, v52;
	v47 =	vld.idx.msk [tilespmem:v47+s15+$0x0], $0xffff;
	v60 =	vor.u32 v4, v33;
	v4 =	vshll.u32 v4, $0x7  }
0x2fb: {  	v49 =	vor.u32 v25, v52;
	v52 =	vor.u32 v26, v52;
	[tilespmem:v6+s23+$0x0] =	vst.idx.msk $0xffff, v61;
	v6 =	vmul.f32 $8.000000000e+00, v34  }
0x2fc: {  	v4 =	vand.u32 $0x1C00, v4;
	v58 =	vld.idx.msk [tilespmem:v63+s15+$0x0], $0xffff;
	[tilespmem:v38+s23+$0x0] =	vst.idx.msk $0xffff, v56;
	v35 =	vor.u32 s12, v35  }
0x2fd: {  	[tilespmem:v2+s23+$0x0] =	vst.idx.msk $0xffff, v6;
	v2 =	vor.u32 v5, v4;
	v34 =	vor.u32 v35, v27  }
0x2fe: {  	v38 =	vld.idx.msk [tilespmem:v59+s15+$0x0], $0xffff;
	v4 =	vmul.f32 $8.000000000e+00, v48;
	v59 =	vor.u32 v31, v2  }
0x2ff: {  	[tilespmem:v41+s23+$0x0] =	vst.idx.msk $0xffff, v44  }
0x300: {  	v47 =	vmul.f32 $8.000000000e+00, v47;
	[tilespmem:v52+s23+$0x0] =	vst.idx.msk $0xffff, v4;
	v4 =	vld.idx.msk [tilespmem:v60+s15+$0x0], $0xffff  }
0x301: {  	v41 =	vmul.f32 $8.000000000e+00, v58;
	v56 =	vor.u32 v35, v28;
	v35 =	vshll.u32 v35, $0x7;
	v44 =	vld [tilespmem:$0x1FE70]  }
0x302: {  	v35 =	vand.u32 $0x1C00, v35;
	[tilespmem:v46+s23+$0x0] =	vst.idx.msk $0xffff, v47;
	v34 =	vld.idx.msk [tilespmem:v34+s15+$0x0], $0xffff  }
0x303: {  	v2 =	vor.u32 v30, v2;
	v35 =	vor.u32 v3, v35;
	v47 =	vld [tilespmem:$0x1FF30];
	[tilespmem:v59+s23+$0x0] =	vst.idx.msk $0xffff, v41  }
0x304: {  	v53 =	vor.u32 v57, v43;
	v57 =	vor.u32 v26, v35;
	v41 =	vld [tilespmem:$0x1FE80]  }
0x305: {  	v63 =	vmul.f32 $8.000000000e+00, v38  }
0x306: {  	v4 =	vmul.f32 $8.000000000e+00, v4  }
0x307: {  	[tilespmem:v40+s23+$0x0] =	vst.idx.msk $0xffff, v63;
	v34 =	vmul.f32 $8.000000000e+00, v34  }
0x308: {  	v48 =	vor.u32 s14, v12;
	[tilespmem:v2+s23+$0x0] =	vst.idx.msk $0xffff, v4  }
0x309: {  	v62 =	vshll.u32 v39, $0x7;
	v59 =	vshll.u32 v48, $0x7;
	[tilespmem:v57+s23+$0x0] =	vst.idx.msk $0xffff, v34  }
0x30a: {  	v6 =	vand.u32 $0x1C00, v62;
	v62 =	vand.u32 $0x1C00, v59;
	v59 =	vld [tilespmem:$0x1FE90];
	_ =	sdelay $0x1  }
0x30b: {  	v50 =	vor.u32 v45, v50;
	v61 =	vmov v45;
	v45 =	vld.idx.msk [tilespmem:v41+s15+$0x0], $0xffff  }
0x30c: {  	v2 =	vor.u32 v7, v62;
	v62 =	vld [tilespmem:$0x1FEA0];
	_ =	sdelay $0x3  }
0x30d: {  	v52 =	vor.u32 v48, v32;
	v45 =	vmul.f32 $8.000000000e+00, v45  }
0x30e: {  	v38 =	vor.u32 s12, v47;
	[tilespmem:v59+s23+$0x0] =	vst.idx.msk $0xffff, v62  }
0x30f: {  	v47 =	vor.u32 v38, v27;
	[tilespmem:v50+s23+$0x0] =	vst.idx.msk $0xffff, v45  }
0x310: {  	v40 =	vor.u32 v38, v28;
	v57 =	vshll.u32 v38, $0x7;
	v38 =	vor.u32 v61, v51;
	v51 =	vld [tilespmem:$0x1FEB0]  }
0x311: {  	v44 =	vld.idx.msk [tilespmem:v44+s15+$0x0], $0xffff  }
0x312: {  	v37 =	vor.u32 v39, v37;
	v6 =	vor.u32 v16, v6;
	v63 =	vld.idx.msk [tilespmem:v52+s15+$0x0], $0xffff  }
0x313: {  	v60 =	vor.u32 v36, v6  }
0x314: {  	v36 =	vor.u32 v48, v33;
	v48 =	vor.u32 v30, v2;
	v2 =	vor.u32 v31, v2;
	_ =	sdelay $0x1  }
0x315: {  	v44 =	vmul.f32 $8.000000000e+00, v44  }
0x316: {  	v37 =	vld.idx.msk [tilespmem:v37+s15+$0x0], $0xffff;
	v63 =	vmul.f32 $8.000000000e+00, v63  }
0x317: {  	[tilespmem:v51+s23+$0x0] =	vst.idx.msk $0xffff, v44;
	v44 =	vld.idx.msk [tilespmem:v53+s15+$0x0], $0xffff  }
0x318: {  	v53 =	vld [tilespmem:$0x1FF60];
	[tilespmem:v2+s23+$0x0] =	vst.idx.msk $0xffff, v63  }
0x319: {  	v2 =	vld [tilespmem:$0x1FEC0]  }
0x31a: {  	v4 =	vld.idx.msk [tilespmem:v54+s15+$0x0], $0xffff;
	_ =	sdelay $0x1  }
0x31b: {  	v52 =	vld.idx.msk [tilespmem:v36+s15+$0x0], $0xffff;
	v34 =	vor.u32 s14, v19  }
0x31c: {  	v58 =	vmovc v43;
	v46 =	vmul.f32 $8.000000000e+00, v37;
	v43 =	vor.u32 v34, v32;
	v36 =	vand.u32 $0x1C00, v57;
	v47 =	vld.idx.msk [tilespmem:v47+s15+$0x0], $0xffff  }
0x31d: {  	v37 =	vor.u32 v42, v58;
	v54 =	vor.u32 v34, v33;
	v42 =	vor.u32 v5, v36  }
0x31e: {  	v4 =	vmul.f32 $8.000000000e+00, v4;
	v34 =	vshll.u32 v34, $0x7;
	v50 =	vor.u32 v26, v42  }
0x31f: {  	v41 =	vor.u32 v25, v35;
	v36 =	vor.u32 v61, v55;
	v57 =	vor.u32 s12, v53  }
0x320: {  	v35 =	vor.u32 v39, v58;
	v55 =	vmul.f32 $8.000000000e+00, v52;
	v62 =	vor.u32 v57, v27;
	v2 =	vld.idx.msk [tilespmem:v2+s15+$0x0], $0xffff  }
0x321: {  	v63 =	vmul.f32 $8.000000000e+00, v47;
	[tilespmem:v49+s23+$0x0] =	vst.idx.msk $0xffff, v4;
	v51 =	vld.idx.msk [tilespmem:v43+s15+$0x0], $0xffff;
	v4 =	vand.u32 $0x1C00, v34;
	v43 =	vor.u32 v25, v42  }
0x322: {  	v52 =	vor.u32 s14, v21;
	[tilespmem:v48+s23+$0x0] =	vst.idx.msk $0xffff, v55;
	v42 =	vor.u32 v61, v6;
	v4 =	vor.u32 v9, v4  }
0x323: {  	v47 =	vld.idx.msk [tilespmem:v56+s15+$0x0], $0xffff;
	[tilespmem:v50+s23+$0x0] =	vst.idx.msk $0xffff, v63;
	v50 =	vor.u32 v52, v33;
	v49 =	vor.u32 v30, v4  }
0x324: {  	v55 =	vor.u32 v31, v4;
	v45 =	vmul.f32 $8.000000000e+00, v44;
	v53 =	vld.idx.msk [tilespmem:v54+s15+$0x0], $0xffff;
	v54 =	vor.u32 v52, v32  }
0x325: {  	s3 =	simm.s32 $0x80;
	s18 =	simm.s32 $0x6;
	[tilespmem:v60+s23+$0x0] =	vst.idx.msk $0xffff, v46;
	v39 =	vor.u32 v57, v28;
	v48 =	vshll.u32 v57, $0x7;
	v46 =	vld.idx.msk [tilespmem:v62+s15+$0x0], $0xffff;
	v44 =	vmul.f32 $8.000000000e+00, v2  }
.LBB2_5:
0x326: {  	_ = 	snop  }
0x327: {  	s5 =	sand.u32 $0x60, s3;
	[tilespmem:v38+s23+$0x0] =	vst.idx.msk $0xffff, v45  }
0x328: {  	v34 =	vor.u32 s5, v0;
	v6 =	vld.idx.msk [tilespmem:v24+s5+$0x0 ss:$0x1], $0xffff;
	s5 =	sor.u32 $0x10, s5;
	v2 =	vmul.f32 $8.000000000e+00, v51  }
0x329: {  	v4 =	vand.u32 $0x1C00, v48;
	v48 =	vld.idx.msk [tilespmem:v24+s5+$0x0 ss:$0x1], $0xffff  }
0x32a: {  	[tilespmem:v55+s23+$0x0] =	vst.idx.msk $0xffff, v2;
	v2 =	vld [tilespmem:$0x1FF40]  }
0x32b: {  	v59 =	vshll.u32 v52, $0x7  }
0x32c: {  	v4 =	vor.u32 v7, v4;
	v62 =	vand.u32 $0x1C00, v59;
	v47 =	vmul.f32 $8.000000000e+00, v47  }
0x32d: {  	[tilespmem:v29+s23+$0x0] =	vst.idx.msk $0xffff, v44;
	v29 =	vmovc v42;
	v42 =	vshll.u32 v34, $0x7;
	v57 =	vor.u32 v26, v4;
	v58 =	vmul.f32 $8.000000000e+00, v53  }
0x32e: {  	v38 =	vor.u32 v25, v4;
	v4 =	vor.u32 v11, v62;
	v37 =	vld.idx.msk [tilespmem:v37+s15+$0x0], $0xffff;
	v45 =	vor.u32 s5, v0  }
0x32f: {  	v46 =	vmul.f32 $8.000000000e+00, v46;
	v53 =	vor.u32 s14, v17;
	v60 =	vld.idx.msk [tilespmem:v54+s15+$0x0], $0xffff;
	[tilespmem:v49+s23+$0x0] =	vst.idx.msk $0xffff, v58;
	v2 =	vor.u32 s12, v2  }
0x330: {  	v49 =	vld.idx.msk [tilespmem:v50+s15+$0x0], $0xffff;
	v50 =	vor.u32 v30, v4;
	[tilespmem:v41+s23+$0x0] =	vst.idx.msk $0xffff, v47;
	v61 =	vor.u32 v2, v27  }
0x331: {  	v4 =	vor.u32 v31, v4;
	v6 =	vshll.u32 v6, $0x6;
	v56 =	vshll.u32 v48, $0x6;
	v51 =	vld.idx.msk [tilespmem:v40+s15+$0x0], $0xffff  }
0x332: {  	v58 =	vshll.u32 v45, $0x7;
	[tilespmem:v57+s23+$0x0] =	vst.idx.msk $0xffff, v46;
	v6 =	vand.u32 $0x40, v6;
	v57 =	vand.u32 $0x40, v56  }
0x333: {  	s16 =	sadd.s32 $0x4, s16;
	v63 =	vor.u32 v53, v32;
	v42 =	vor.u32 v42, v6;
	v55 =	vor.u32 v58, v57  }
0x334: {  	s5 =	sand.u32 $0x30, s16;
	v44 =	vor.u32 v2, v28;
	v2 =	vshll.u32 v2, $0x7;
	v59 =	vmul.f32 $8.000000000e+00, v60  }
0x335: {  	v60 =	vor.u32 s5, v0;
	v2 =	vand.u32 $0x1C00, v2;
	v6 =	vmul.f32 $8.000000000e+00, v49;
	v47 =	vld.idx.msk [tilespmem:v61+s15+$0x0], $0xffff  }
0x336: {  	v41 =	vor.u32 v9, v2;
	v2 =	vor.u32 v60, v55;
	v51 =	vmul.f32 $8.000000000e+00, v51;
	[tilespmem:v4+s23+$0x0] =	vst.idx.msk $0xffff, v59;
	v4 =	vld [tilespmem:$0x1FF50]  }
0x337: {  	[tilespmem:v50+s23+$0x0] =	vst.idx.msk $0xffff, v6;
	v6 =	vor.u32 v53, v33  }
0x338: {  	[tilespmem:v43+s23+$0x0] =	vst.idx.msk $0xffff, v51  }
0x339: {  	v61 =	vshll.u32 v53, $0x7;
	v39 =	vld.idx.msk [tilespmem:v39+s15+$0x0], $0xffff  }
0x33a: {  	v54 =	vor.u32 s14, v22;
	v48 =	vld.idx.msk [tilespmem:v63+s15+$0x0], $0xffff;
	v46 =	vand.u32 $0x1C00, v61  }
0x33b: {  	v63 =	vor.u32 v60, v42;
	v2 =	vld.idx.msk [tilespmem:v2+s15+$0x0], $0xffff;
	v40 =	vor.u32 s12, v4;
	v4 =	vor.u32 v26, v41  }
0x33c: {  	v52 =	vshll.u32 v60, $0x7;
	v50 =	vor.u32 s14, v14;
	v46 =	vor.u32 v13, v46;
	v6 =	vld.idx.msk [tilespmem:v6+s15+$0x0], $0xffff  }
0x33d: {  	v56 =	vor.u32 v50, v32;
	v53 =	vor.u32 v31, v46;
	v62 =	vor.u32 v40, v27  }
0x33e: {  	v47 =	vmul.f32 $8.000000000e+00, v47;
	v39 =	vmul.f32 $8.000000000e+00, v39;
	v60 =	vshll.u32 v40, $0x7  }
0x33f: {  	v48 =	vmul.f32 $8.000000000e+00, v48;
	v61 =	vand.u32 $0x1C00, v60;
	v60 =	vshll.u32 v50, $0x7  }
0x340: {  	v49 =	vld.idx.msk [tilespmem:v63+s15+$0x0], $0xffff;
	v2 =	vmul.f32 $8.000000000e+00, v2;
	v50 =	vor.u32 v50, v33;
	[tilespmem:v4+s23+$0x0] =	vst.idx.msk $0xffff, v47;
	v4 =	vand.u32 $0x1C00, v52  }
0x341: {  	v43 =	vor.u32 v11, v61;
	v6 =	vmul.f32 $8.000000000e+00, v6;
	v4 =	vor.u32 v1, v4  }
0x342: {  	v47 =	vor.u32 v30, v46;
	v52 =	vld.idx.msk [tilespmem:v62+s15+$0x0], $0xffff;
	v62 =	vor.u32 s5, v8;
	v63 =	vor.u32 v45, v4  }
0x343: {  	v46 =	vor.u32 s12, v20;
	[tilespmem:v53+s23+$0x0] =	vst.idx.msk $0xffff, v48;
	v57 =	vor.u32 v62, v55;
	v4 =	vor.u32 v34, v4  }
0x344: {  	v48 =	vor.u32 v26, v43;
	v58 =	vor.u32 v46, v27;
	v59 =	vor.u32 v62, v42  }
0x345: {  	v53 =	vand.u32 $0x1C00, v60;
	v49 =	vmul.f32 $8.000000000e+00, v49;
	v60 =	vor.u32 v54, v32;
	v56 =	vld.idx.msk [tilespmem:v56+s15+$0x0], $0xffff  }
0x346: {  	v53 =	vor.u32 v16, v53;
	v51 =	vshll.u32 v62, $0x7;
	v62 =	vshll.u32 v46, $0x7  }
0x347: {  	v52 =	vmul.f32 $8.000000000e+00, v52;
	[tilespmem:v63+s23+$0x0] =	vst.idx.msk $0xffff, v2;
	v2 =	vor.u32 v30, v53;
	v53 =	vor.u32 v31, v53  }
0x348: {  	v61 =	vand.u32 $0x1C00, v51;
	v51 =	vor.u32 v54, v33;
	v54 =	vshll.u32 v54, $0x7;
	[tilespmem:v4+s23+$0x0] =	vst.idx.msk $0xffff, v49;
	v57 =	vld.idx.msk [tilespmem:v57+s15+$0x0], $0xffff  }
0x349: {  	v54 =	vand.u32 $0x1C00, v54;
	v4 =	vor.u32 v3, v61;
	v63 =	vand.u32 $0x1C00, v62;
	[tilespmem:v48+s23+$0x0] =	vst.idx.msk $0xffff, v52;
	v52 =	vld.idx.msk [tilespmem:v59+s15+$0x0], $0xffff  }
0x34a: {  	v48 =	vmul.f32 $8.000000000e+00, v56;
	v56 =	vor.u32 s5, v10;
	v59 =	vor.u32 v45, v4;
	v58 =	vld.idx.msk [tilespmem:v58+s15+$0x0], $0xffff  }
0x34b: {  	v49 =	vor.u32 v13, v63;
	v4 =	vor.u32 v34, v4;
	v61 =	vor.u32 v56, v55  }
0x34c: {  	v54 =	vor.u32 v1, v54;
	[tilespmem:v53+s23+$0x0] =	vst.idx.msk $0xffff, v48;
	v48 =	vor.u32 s12, v18;
	v53 =	vor.u32 v26, v49  }
0x34d: {  	v63 =	vor.u32 v56, v42;
	v62 =	vor.u32 v48, v27;
	v57 =	vmul.f32 $8.000000000e+00, v57  }
0x34e: {  	[tilespmem:v47+s23+$0x0] =	vst.idx.msk $0xffff, v6;
	v56 =	vshll.u32 v56, $0x7;
	s12 =	smov.u32 s14;
	v60 =	vld.idx.msk [tilespmem:v60+s15+$0x0], $0xffff;
	v52 =	vmul.f32 $8.000000000e+00, v52;
	v47 =	vshll.u32 v48, $0x7  }
0x34f: {  	v27 =	vmovc v32;
	v32 =	vmovc v55;
	v55 =	vmul.f32 $8.000000000e+00, v58;
	v58 =	vor.u32 s12, v15;
	v47 =	vand.u32 $0x1C00, v47;
	[tilespmem:v59+s23+$0x0] =	vst.idx.msk $0xffff, v57  }
0x350: {  	v57 =	vor.u32 v30, v54;
	v54 =	vor.u32 v31, v54;
	[tilespmem:v4+s23+$0x0] =	vst.idx.msk $0xffff, v52;
	v59 =	vld.idx.msk [tilespmem:v61+s15+$0x0], $0xffff  }
0x351: {  	s14 =	smov.u32 s5;
	v6 =	vor.u32 v58, v33;
	v61 =	vor.u32 v58, v27;
	v50 =	vld.idx.msk [tilespmem:v50+s15+$0x0], $0xffff;
	[tilespmem:v53+s23+$0x0] =	vst.idx.msk $0xffff, v55  }
0x352: {  	v58 =	vshll.u32 v58, $0x7;
	v53 =	vand.u32 $0x1C00, v56;
	v56 =	vor.u32 s14, v12;
	v55 =	vld.idx.msk [tilespmem:v62+s15+$0x0], $0xffff  }
0x353: {  	v58 =	vand.u32 $0x1C00, v58;
	v4 =	vor.u32 v5, v53;
	v52 =	vmul.f32 $8.000000000e+00, v60;
	v53 =	vld.idx.msk [tilespmem:v63+s15+$0x0], $0xffff  }
0x354: {  	v63 =	vld [tilespmem:$0x1FF30];
	v62 =	vor.u32 v16, v47;
	v47 =	vor.u32 v56, v32;
	v60 =	vor.u32 v45, v4  }
0x355: {  	[tilespmem:v38+s23+$0x0] =	vst.idx.msk $0xffff, v39;
	v39 =	vor.u32 v25, v41;
	v38 =	vor.u32 v3, v58  }
0x356: {  	v4 =	vor.u32 v34, v4;
	v44 =	vld.idx.msk [tilespmem:v44+s15+$0x0], $0xffff;
	[tilespmem:v54+s23+$0x0] =	vst.idx.msk $0xffff, v52;
	v41 =	vmul.f32 $8.000000000e+00, v50  }
0x357: {  	v52 =	vor.u32 v26, v62;
	v54 =	vor.u32 v56, v42;
	v26 =	vmovc v31;
	v31 =	vmovc v45;
	v59 =	vmul.f32 $8.000000000e+00, v59  }
0x358: {  	v45 =	vor.u32 v40, v28;
	v56 =	vshll.u32 v56, $0x7;
	v61 =	vld.idx.msk [tilespmem:v61+s15+$0x0], $0xffff;
	v40 =	vmul.f32 $8.000000000e+00, v55;
	[tilespmem:v2+s23+$0x0] =	vst.idx.msk $0xffff, v41  }
0x359: {  	v50 =	vor.u32 s12, v63;
	v55 =	vor.u32 v26, v38;
	v53 =	vmul.f32 $8.000000000e+00, v53;
	[tilespmem:v60+s23+$0x0] =	vst.idx.msk $0xffff, v59  }
0x35a: {  	v41 =	vor.u32 v30, v38;
	v38 =	vor.u32 v25, v43;
	v60 =	vand.u32 $0x1C00, v56;
	v47 =	vld.idx.msk [tilespmem:v47+s15+$0x0], $0xffff  }
0x35b: {  	v58 =	vor.u32 v50, v27;
	[tilespmem:v4+s23+$0x0] =	vst.idx.msk $0xffff, v53;
	v2 =	vor.u32 v7, v60  }
0x35c: {  	v44 =	vmul.f32 $8.000000000e+00, v44;
	v4 =	vld.idx.msk [tilespmem:v51+s15+$0x0], $0xffff;
	v53 =	vor.u32 v34, v2;
	v2 =	vor.u32 v31, v2  }
0x35d: {  	[tilespmem:v52+s23+$0x0] =	vst.idx.msk $0xffff, v40;
	v40 =	vor.u32 v50, v33;
	v50 =	vshll.u32 v50, $0x7;
	v61 =	vmul.f32 $8.000000000e+00, v61;
	v52 =	vld.idx.msk [tilespmem:v54+s15+$0x0], $0xffff  }
0x35e: {  	v51 =	vmul.f32 $8.000000000e+00, v37;
	v37 =	vor.u32 v46, v28;
	[tilespmem:v39+s23+$0x0] =	vst.idx.msk $0xffff, v44;
	v44 =	vor.u32 v25, v49  }
0x35f: {  	v54 =	vor.u32 s14, v19;
	v46 =	vor.u32 v48, v28;
	v45 =	vld.idx.msk [tilespmem:v45+s15+$0x0], $0xffff;
	[tilespmem:v55+s23+$0x0] =	vst.idx.msk $0xffff, v61;
	v60 =	vmul.f32 $8.000000000e+00, v47  }
0x360: {  	v56 =	vor.u32 v54, v42;
	v61 =	vand.u32 $0x1C00, v50;
	[tilespmem:v36+s23+$0x0] =	vst.idx.msk $0xffff, v51;
	v55 =	vld.idx.msk [tilespmem:v58+s15+$0x0], $0xffff  }
0x361: {  	v59 =	vor.u32 v54, v32;
	v39 =	vor.u32 v5, v61;
	[tilespmem:v2+s23+$0x0] =	vst.idx.msk $0xffff, v60;
	v2 =	vmul.f32 $8.000000000e+00, v4  }
0x362: {  	s18 =	sadd.s32 $0x2, s18;
	v58 =	vld.idx.msk [tilespmem:v35+s15+$0x0], $0xffff;
	v48 =	vor.u32 v26, v39;
	v47 =	vmul.f32 $8.000000000e+00, v52;
	v4 =	vor.u32 s12, v23  }
0x363: {  	p1 =	slt.u32 s18, $0x1E;
	v28 =	vmov v33;
	v54 =	vshll.u32 v54, $0x7;
	v60 =	vor.u32 v4, v27;
	[tilespmem:v57+s23+$0x0] =	vst.idx.msk $0xffff, v2  }
.Ltmp1:
0x364: {  	v33 =	vmovc v42;
	v42 =	vor.u32 v25, v62;
	v25 =	vmov v30;
	v61 =	vand.u32 $0x1C00, v54;
	[tilespmem:v53+s23+$0x0] =	vst.idx.msk $0xffff, v47;
	(pc) =	sbr.rel @p1 .LBB2_5-.Ltmp1, $4  }
0x365: {  	v36 =	vmovc v44;
	v35 =	vmovc v46;
	v43 =	vor.u32 v30, v39;
	v52 =	vor.u32 s14, v21;
	v47 =	vld.idx.msk [tilespmem:v6+s15+$0x0], $0xffff;
	v6 =	vmul.f32 $8.000000000e+00, v55  }
0x366: {  	v50 =	vor.u32 v52, v33;
	v54 =	vor.u32 v52, v32;
	v51 =	vld.idx.msk [tilespmem:v59+s15+$0x0], $0xffff;
	v39 =	vor.u32 v4, v28  }
0x367: {  	v45 =	vmul.f32 $8.000000000e+00, v45;
	v2 =	vor.u32 v9, v61;
	v44 =	vmul.f32 $8.000000000e+00, v58;
	v53 =	vld.idx.msk [tilespmem:v56+s15+$0x0], $0xffff;
	[tilespmem:v48+s23+$0x0] =	vst.idx.msk $0xffff, v6  }
0x368: {  	s3 =	sadd.s32 $0x20, s3;
	v30 =	vmovc v34;
	v49 =	vor.u32 v34, v2;
	v55 =	vor.u32 v31, v2;
	v48 =	vshll.u32 v4, $0x7;
	v46 =	vld.idx.msk [tilespmem:v60+s15+$0x0], $0xffff  }
0x369: {  	_ =	sdelay $0x1  }
0x36a: {  	v2 =	vmul.f32 $8.000000000e+00, v51;
	_ =	sdelay $0x1  }
0x36b: {  	v4 =	vshll.u32 v52, $0x7;
	[tilespmem:v55+s23+$0x0] =	vst.idx.msk $0xffff, v2;
	v2 =	vmul.f32 $8.000000000e+00, v53  }
0x36c: {  	v4 =	vand.u32 $0x1C00, v4;
	v6 =	vld.idx.msk [tilespmem:v54+s15+$0x0], $0xffff  }
0x36d: {  	[tilespmem:v49+s23+$0x0] =	vst.idx.msk $0xffff, v2;
	v2 =	vor.u32 v11, v4  }
0x36e: {  	v24 =	vor.u32 s14, v17;
	v34 =	vor.u32 v31, v2  }
0x36f: {  	v60 =	vor.u32 v24, v32;
	v4 =	vld.idx.msk [tilespmem:v50+s15+$0x0], $0xffff;
	_ =	sdelay $0x1  }
0x370: {  	v2 =	vor.u32 v30, v2;
	v6 =	vmul.f32 $8.000000000e+00, v6  }
0x371: {  	v61 =	vor.u32 v24, v33  }
0x372: {  	[tilespmem:v34+s23+$0x0] =	vst.idx.msk $0xffff, v6;
	v6 =	vshll.u32 v24, $0x7  }
0x373: {  	v4 =	vmul.f32 $8.000000000e+00, v4;
	v24 =	vld.idx.msk [tilespmem:v60+s15+$0x0], $0xffff;
	v6 =	vand.u32 $0x1C00, v6  }
0x374: {  	v6 =	vor.u32 v13, v6  }
0x375: {  	[tilespmem:v2+s23+$0x0] =	vst.idx.msk $0xffff, v4;
	v2 =	vor.u32 s14, v14;
	v4 =	vor.u32 v31, v6  }
0x376: {  	v62 =	vld.idx.msk [tilespmem:v61+s15+$0x0], $0xffff;
	v52 =	vor.u32 v2, v32;
	_ =	sdelay $0x1  }
0x377: {  	v6 =	vor.u32 v30, v6;
	v24 =	vmul.f32 $8.000000000e+00, v24  }
0x378: {  	v53 =	vor.u32 v2, v33  }
0x379: {  	v2 =	vshll.u32 v2, $0x7;
	[tilespmem:v4+s23+$0x0] =	vst.idx.msk $0xffff, v24  }
0x37a: {  	v2 =	vand.u32 $0x1C00, v2;
	v4 =	vmul.f32 $8.000000000e+00, v62;
	v24 =	vld.idx.msk [tilespmem:v52+s15+$0x0], $0xffff  }
0x37b: {  	v2 =	vor.u32 v16, v2  }
0x37c: {  	[tilespmem:v6+s23+$0x0] =	vst.idx.msk $0xffff, v4;
	v4 =	vor.u32 s14, v22;
	v6 =	vor.u32 v31, v2  }
0x37d: {  	v54 =	vld.idx.msk [tilespmem:v53+s15+$0x0], $0xffff;
	v55 =	vor.u32 v4, v32;
	_ =	sdelay $0x1  }
0x37e: {  	v2 =	vor.u32 v30, v2;
	v24 =	vmul.f32 $8.000000000e+00, v24  }
0x37f: {  	v56 =	vor.u32 v4, v33  }
0x380: {  	v4 =	vshll.u32 v4, $0x7;
	[tilespmem:v6+s23+$0x0] =	vst.idx.msk $0xffff, v24  }
0x381: {  	v4 =	vand.u32 $0x1C00, v4;
	v6 =	vmul.f32 $8.000000000e+00, v54;
	v24 =	vld.idx.msk [tilespmem:v55+s15+$0x0], $0xffff  }
0x382: {  	v4 =	vor.u32 v1, v4  }
0x383: {  	[tilespmem:v2+s23+$0x0] =	vst.idx.msk $0xffff, v6;
	v2 =	vor.u32 s14, v15;
	v6 =	vor.u32 v31, v4  }
0x384: {  	v57 =	vld.idx.msk [tilespmem:v56+s15+$0x0], $0xffff;
	v58 =	vor.u32 v2, v32;
	_ =	sdelay $0x1  }
0x385: {  	v4 =	vor.u32 v30, v4;
	v24 =	vmul.f32 $8.000000000e+00, v24  }
0x386: {  	v59 =	vor.u32 v2, v33  }
0x387: {  	v2 =	vshll.u32 v2, $0x7;
	[tilespmem:v6+s23+$0x0] =	vst.idx.msk $0xffff, v24  }
0x388: {  	v2 =	vand.u32 $0x1C00, v2;
	v6 =	vmul.f32 $8.000000000e+00, v57;
	v24 =	vld.idx.msk [tilespmem:v58+s15+$0x0], $0xffff  }
0x389: {  	v2 =	vor.u32 v3, v2  }
0x38a: {  	[tilespmem:v4+s23+$0x0] =	vst.idx.msk $0xffff, v6;
	v4 =	vor.u32 s14, v63;
	v6 =	vor.u32 v31, v2  }
0x38b: {  	v60 =	vld.idx.msk [tilespmem:v59+s15+$0x0], $0xffff;
	v61 =	vor.u32 v4, v32;
	_ =	sdelay $0x1  }
0x38c: {  	v2 =	vor.u32 v30, v2;
	v24 =	vmul.f32 $8.000000000e+00, v24;
	_ =	sdelay $0x1  }
0x38d: {  	v62 =	vor.u32 v4, v33;
	v4 =	vshll.u32 v4, $0x7;
	[tilespmem:v6+s23+$0x0] =	vst.idx.msk $0xffff, v24  }
0x38e: {  	v4 =	vand.u32 $0x1C00, v4;
	v6 =	vmul.f32 $8.000000000e+00, v60;
	v24 =	vld.idx.msk [tilespmem:v61+s15+$0x0], $0xffff  }
0x38f: {  	v4 =	vor.u32 v5, v4  }
0x390: {  	[tilespmem:v2+s23+$0x0] =	vst.idx.msk $0xffff, v6;
	v6 =	vor.u32 v31, v4  }
0x391: {  	v2 =	vor.u32 s14, v23  }
0x392: {  	v47 =	vmul.f32 $8.000000000e+00, v47;
	v53 =	vld.idx.msk [tilespmem:v62+s15+$0x0], $0xffff;
	v54 =	vor.u32 v2, v32  }
0x393: {  	v24 =	vmul.f32 $8.000000000e+00, v24  }
0x394: {  	[tilespmem:v41+s23+$0x0] =	vst.idx.msk $0xffff, v47;
	v4 =	vor.u32 v30, v4  }
0x395: {  	v52 =	vld.idx.msk [tilespmem:v40+s15+$0x0], $0xffff;
	[tilespmem:v6+s23+$0x0] =	vst.idx.msk $0xffff, v24  }
0x396: {  	v48 =	vand.u32 $0x1C00, v48;
	v55 =	vor.u32 v2, v33;
	v2 =	vshll.u32 v2, $0x7;
	v57 =	vld [tilespmem:$0x1FF40]  }
0x397: {  	v48 =	vor.u32 v7, v48;
	v2 =	vand.u32 $0x1C00, v2;
	v6 =	vmul.f32 $8.000000000e+00, v53;
	v58 =	vld.idx.msk [tilespmem:v54+s15+$0x0], $0xffff  }
0x398: {  	v56 =	vor.u32 v26, v48;
	v2 =	vor.u32 v7, v2  }
0x399: {  	[tilespmem:v4+s23+$0x0] =	vst.idx.msk $0xffff, v6;
	v6 =	vor.u32 v31, v2  }
0x39a: {  	v34 =	vmul.f32 $8.000000000e+00, v52  }
0x39b: {  	v46 =	vmul.f32 $8.000000000e+00, v46  }
0x39c: {  	[tilespmem:v43+s23+$0x0] =	vst.idx.msk $0xffff, v34;
	v24 =	vor.u32 s12, v57;
	v34 =	vmul.f32 $8.000000000e+00, v58  }
0x39d: {  	[tilespmem:v56+s23+$0x0] =	vst.idx.msk $0xffff, v46;
	v39 =	vld.idx.msk [tilespmem:v39+s15+$0x0], $0xffff;
	v59 =	vor.u32 v24, v27  }
0x39e: {  	v60 =	vld.idx.msk [tilespmem:v55+s15+$0x0], $0xffff;
	v4 =	vor.u32 s14, v57;
	[tilespmem:v6+s23+$0x0] =	vst.idx.msk $0xffff, v34  }
0x39f: {  	v61 =	vor.u32 v25, v48;
	v62 =	vor.u32 v4, v32;
	v56 =	vld [tilespmem:$0x1FF50]  }
0x3a0: {  	v2 =	vor.u32 v30, v2;
	v52 =	vor.u32 v24, v28  }
0x3a1: {  	v24 =	vshll.u32 v24, $0x7;
	v53 =	vor.u32 v4, v33  }
0x3a2: {  	v39 =	vmul.f32 $8.000000000e+00, v39;
	v24 =	vand.u32 $0x1C00, v24;
	v41 =	vld.idx.msk [tilespmem:v59+s15+$0x0], $0xffff  }
0x3a3: {  	v4 =	vshll.u32 v4, $0x7;
	v6 =	vmul.f32 $8.000000000e+00, v60;
	v24 =	vor.u32 v9, v24  }
0x3a4: {  	v4 =	vand.u32 $0x1C00, v4;
	[tilespmem:v61+s23+$0x0] =	vst.idx.msk $0xffff, v39;
	v60 =	vor.u32 v26, v24;
	v61 =	vld.idx.msk [tilespmem:v62+s15+$0x0], $0xffff;
	v59 =	vor.u32 s12, v56  }
0x3a5: {  	v4 =	vor.u32 v9, v4;
	[tilespmem:v2+s23+$0x0] =	vst.idx.msk $0xffff, v6;
	v47 =	vld.idx.msk [tilespmem:v52+s15+$0x0], $0xffff;
	v62 =	vor.u32 v59, v27  }
0x3a6: {  	v6 =	vor.u32 v31, v4;
	v40 =	vld.idx.msk [tilespmem:v53+s15+$0x0], $0xffff;
	v2 =	vor.u32 s14, v56  }
0x3a7: {  	v24 =	vor.u32 v25, v24;
	v52 =	vor.u32 v2, v32;
	v41 =	vmul.f32 $8.000000000e+00, v41  }
0x3a8: {  	v4 =	vor.u32 v30, v4;
	v53 =	vor.u32 v59, v28  }
0x3a9: {  	v34 =	vshll.u32 v59, $0x7;
	v54 =	vor.u32 v2, v33;
	v39 =	vmul.f32 $8.000000000e+00, v61;
	[tilespmem:v60+s23+$0x0] =	vst.idx.msk $0xffff, v41  }
0x3aa: {  	v34 =	vand.u32 $0x1C00, v34;
	v55 =	vmul.f32 $8.000000000e+00, v47;
	v43 =	vld.idx.msk [tilespmem:v62+s15+$0x0], $0xffff  }
0x3ab: {  	v2 =	vshll.u32 v2, $0x7;
	v34 =	vor.u32 v11, v34;
	[tilespmem:v6+s23+$0x0] =	vst.idx.msk $0xffff, v39;
	v6 =	vmul.f32 $8.000000000e+00, v40  }
0x3ac: {  	v58 =	vor.u32 s12, v20;
	v2 =	vand.u32 $0x1C00, v2;
	v59 =	vor.u32 v26, v34;
	[tilespmem:v24+s23+$0x0] =	vst.idx.msk $0xffff, v55;
	v24 =	vld.idx.msk [tilespmem:v52+s15+$0x0], $0xffff  }
0x3ad: {  	v2 =	vor.u32 v11, v2;
	v60 =	vor.u32 v58, v27;
	v61 =	vld.idx.msk [tilespmem:v53+s15+$0x0], $0xffff;
	[tilespmem:v4+s23+$0x0] =	vst.idx.msk $0xffff, v6  }
0x3ae: {  	v4 =	vor.u32 s14, v20;
	v6 =	vor.u32 v31, v2;
	v41 =	vld.idx.msk [tilespmem:v54+s15+$0x0], $0xffff  }
0x3af: {  	v34 =	vor.u32 v25, v34;
	v62 =	vor.u32 v4, v32;
	v43 =	vmul.f32 $8.000000000e+00, v43  }
0x3b0: {  	v52 =	vor.u32 v58, v28;
	v2 =	vor.u32 v30, v2  }
0x3b1: {  	v39 =	vshll.u32 v58, $0x7;
	v53 =	vor.u32 v4, v33;
	v24 =	vmul.f32 $8.000000000e+00, v24;
	[tilespmem:v59+s23+$0x0] =	vst.idx.msk $0xffff, v43  }
0x3b2: {  	[tilespmem:v38+s23+$0x0] =	vst.idx.msk $0xffff, v45;
	v39 =	vand.u32 $0x1C00, v39;
	v55 =	vmul.f32 $8.000000000e+00, v61;
	v54 =	vld.idx.msk [tilespmem:v60+s15+$0x0], $0xffff  }
0x3b3: {  	v37 =	vld.idx.msk [tilespmem:v37+s15+$0x0], $0xffff;
	v39 =	vor.u32 v13, v39;
	v4 =	vshll.u32 v4, $0x7;
	[tilespmem:v6+s23+$0x0] =	vst.idx.msk $0xffff, v24;
	v6 =	vmul.f32 $8.000000000e+00, v41  }
0x3b4: {  	v58 =	vor.u32 v26, v39;
	v4 =	vand.u32 $0x1C00, v4;
	v24 =	vor.u32 s12, v18;
	[tilespmem:v34+s23+$0x0] =	vst.idx.msk $0xffff, v55;
	v59 =	vld.idx.msk [tilespmem:v62+s15+$0x0], $0xffff  }
0x3b5: {  	v4 =	vor.u32 v13, v4;
	v27 =	vor.u32 v24, v27;
	v43 =	vld.idx.msk [tilespmem:v52+s15+$0x0], $0xffff;
	[tilespmem:v2+s23+$0x0] =	vst.idx.msk $0xffff, v6  }
0x3b6: {  	v2 =	vor.u32 s14, v18;
	v6 =	vor.u32 v31, v4;
	v40 =	vld.idx.msk [tilespmem:v53+s15+$0x0], $0xffff  }
0x3b7: {  	v39 =	vor.u32 v25, v39;
	v60 =	vor.u32 v2, v32;
	v38 =	vmul.f32 $8.000000000e+00, v54  }
0x3b8: {  	v37 =	vmul.f32 $8.000000000e+00, v37;
	v28 =	vor.u32 v24, v28;
	v4 =	vor.u32 v30, v4  }
0x3b9: {  	v24 =	vshll.u32 v24, $0x7;
	v61 =	vor.u32 v2, v33;
	v34 =	vmul.f32 $8.000000000e+00, v59;
	[tilespmem:v58+s23+$0x0] =	vst.idx.msk $0xffff, v38  }
0x3ba: {  	[tilespmem:v36+s23+$0x0] =	vst.idx.msk $0xffff, v37;
	v24 =	vand.u32 $0x1C00, v24;
	v62 =	vmul.f32 $8.000000000e+00, v43;
	v27 =	vld.idx.msk [tilespmem:v27+s15+$0x0], $0xffff  }
0x3bb: {  	v35 =	vld.idx.msk [tilespmem:v35+s15+$0x0], $0xffff;
	v24 =	vor.u32 v16, v24;
	v2 =	vshll.u32 v2, $0x7;
	[tilespmem:v6+s23+$0x0] =	vst.idx.msk $0xffff, v34;
	v6 =	vmul.f32 $8.000000000e+00, v40  }
0x3bc: {  	v26 =	vor.u32 v26, v24;
	v2 =	vand.u32 $0x1C00, v2;
	[tilespmem:v39+s23+$0x0] =	vst.idx.msk $0xffff, v62;
	v32 =	vld.idx.msk [tilespmem:v60+s15+$0x0], $0xffff  }
0x3bd: {  	v2 =	vor.u32 v16, v2;
	v28 =	vld.idx.msk [tilespmem:v28+s15+$0x0], $0xffff;
	[tilespmem:v4+s23+$0x0] =	vst.idx.msk $0xffff, v6  }
0x3be: {  	v4 =	vor.u32 v31, v2;
	v6 =	vld.idx.msk [tilespmem:v61+s15+$0x0], $0xffff  }
0x3bf: {  	v24 =	vor.u32 v25, v24;
	v27 =	vmul.f32 $8.000000000e+00, v27  }
0x3c0: {  	[tilespmem:v29+s23+$0x0] =	vst.idx.msk $0xffff, v44;
	v25 =	vmul.f32 $8.000000000e+00, v35;
	v2 =	vor.u32 v30, v2  }
0x3c1: {  	[tilespmem:v26+s23+$0x0] =	vst.idx.msk $0xffff, v27;
	v26 =	vmul.f32 $8.000000000e+00, v32  }
0x3c2: {  	[tilespmem:v42+s23+$0x0] =	vst.idx.msk $0xffff, v25;
	v25 =	vmul.f32 $8.000000000e+00, v28  }
0x3c3: {  	[tilespmem:v4+s23+$0x0] =	vst.idx.msk $0xffff, v26;
	v4 =	vmul.f32 $8.000000000e+00, v6  }
0x3c4: {  	[tilespmem:v24+s23+$0x0] =	vst.idx.msk $0xffff, v25  }
0x3c5: {  	[tilespmem:v2+s23+$0x0] =	vst.idx.msk $0xffff, v4  }
0x3c6: {  	v2 =	vld @!p0 [tilespmem:s31+$0x280];
	_ =	sdelay $0x4  }
0x3c7: {  	v2 =	vshra.s32 @!p0 v2, $0x1  }
0x3c8: {  	[tilespmem:$0x6480] =	vst @!p0 v2  }
0x3c9: {  	v2 =	vld @!p0 [tilespmem:s31+$0x290];
	_ =	sdelay $0x4  }
0x3ca: {  	v2 =	vshra.s32 @!p0 v2, $0x1  }
0x3cb: {  	[tilespmem:$0x6490] =	vst @!p0 v2  }
0x3cc: {  	v2 =	vld @!p0 [tilespmem:s31+$0x2A0];
	_ =	sdelay $0x4  }
0x3cd: {  	v2 =	vshra.s32 @!p0 v2, $0x1  }
0x3ce: {  	[tilespmem:$0x64A0] =	vst @!p0 v2  }
0x3cf: {  	v2 =	vld @!p0 [tilespmem:s31+$0x2B0];
	_ =	sdelay $0x4  }
0x3d0: {  	v2 =	vshra.s32 @!p0 v2, $0x1  }
0x3d1: {  	[tilespmem:$0x64B0] =	vst @!p0 v2  }
0x3d2: {  	v2 =	vld @!p0 [tilespmem:s31+$0x2C0];
	_ =	sdelay $0x4  }
0x3d3: {  	v2 =	vshra.s32 @!p0 v2, $0x1  }
0x3d4: {  	[tilespmem:$0x64C0] =	vst @!p0 v2  }
0x3d5: {  	v2 =	vld @!p0 [tilespmem:s31+$0x2D0];
	_ =	sdelay $0x4  }
0x3d6: {  	v2 =	vshra.s32 @!p0 v2, $0x1  }
0x3d7: {  	[tilespmem:$0x64D0] =	vst @!p0 v2  }
0x3d8: {  	v2 =	vld @!p0 [tilespmem:s31+$0x2E0];
	_ =	sdelay $0x4  }
0x3d9: {  	v2 =	vshra.s32 @!p0 v2, $0x1  }
0x3da: {  	[tilespmem:$0x64E0] =	vst @!p0 v2  }
0x3db: {  	v2 =	vld @!p0 [tilespmem:s31+$0x2F0];
	_ =	sdelay $0x3  }
0x3dc: {  	s2 =	sshll.u32 s2, $0x12  }
0x3dd: {  	s3 =	simm.s32 @!p0 $0x80;
	s2 =	sor.u32 s6, s2;
	v2 =	vshra.s32 @!p0 v2, $0x1  }
0x3de: {  	s5 =	simm.s32 @!p0 $0x6480;
	s2 =	sshrl.u32 s2, $0x3;
	s12 =	simm.s32 @!p0 $0xA600;
	[tilespmem:$0x64F0] =	vst @!p0 v2  }
0x3df: {  	[tilespmem:s12], [sflag:$0x2] =	stream.indirect.gather @!p0 [hbm4b:s4+s3], $0x80, s5, s3, $0xb8;
	[tilespmem:$0x1A600] =	vst v63  }
0x3e0: {  	s2 =	sadd.s32 s1, s2  }
0x3e1: {  	[hbm4b:s2+s8] =	stream.strided.scatter [tilespmem:s23], [sflag:$0x6], $0x2000, s9, s8, $0x38;
	[tilespmem:$0x1A600] =	vst v63  }
0x3e2: {  	s2 =	sor.u32 $0x2, s0  }
0x3e3: {  	s12 =	sshll.u32 s2, $0x7  }
0x3e4: {  	_ =	swait.ge [sflag:s24], $0x4000;
	s3 =	sand.u32 $0x3FFFFF80, s12  }
0x3e5: {  	[sflag:s24] =	ssyncset.done $0x0;
	v24 =	vmov s3  }
0x3e6: {  	[sflag:s24] =	ssyncadd.s32 $0xFFFFC000  }
0x3e7: {  	s14 =	simm.s32 $0x0;
	_ =	swait.ge [sflag:s25], $0x2000  }
0x3e8: {  	s16 =	sand.u32 $0x60, s14;
	[sflag:s25] =	ssyncset.done $0x0  }
0x3e9: {  	s18 =	sor.u32 $0x10, s16;
	[sflag:s25] =	ssyncadd.s32 $0xFFFFE000  }
0x3ea: {  	v2 =	vld.idx.msk [tilespmem:v24+s18+$0x0 ss:$0x1], $0xffff;
	_ =	sdelay $0x4  }
0x3eb: {  	v31 =	vor.u32 s18, v0;
	v2 =	vshll.u32 v2, $0x6  }
0x3ec: {  	s14 =	sand.u32 $0x30, s14;
	v4 =	vshll.u32 v31, $0x7;
	v2 =	vand.u32 $0x40, v2  }
0x3ed: {  	v6 =	vor.u32 s14, v0;
	v32 =	vor.u32 v4, v2  }
0x3ee: {  	v2 =	vor.u32 v6, v32;
	_ =	sdelay $0x3  }
0x3ef: {  	v25 =	vshll.u32 v6, $0x7;
	v4 =	vld.idx.msk [tilespmem:v24+s16+$0x0 ss:$0x1], $0xffff  }
0x3f0: {  	v25 =	vand.u32 $0x1C00, v25;
	v2 =	vld.idx.msk [tilespmem:v2+s17+$0x0], $0xffff  }
0x3f1: {  	v25 =	vor.u32 v1, v25  }
0x3f2: {  	v26 =	vor.u32 s14, v8;
	v27 =	vor.u32 v31, v25  }
0x3f3: {  	v28 =	vor.u32 v26, v32  }
0x3f4: {  	v29 =	vor.u32 s16, v0;
	v4 =	vshll.u32 v4, $0x6  }
0x3f5: {  	v30 =	vshll.u32 v29, $0x7;
	v4 =	vand.u32 $0x40, v4;
	v2 =	vmul.f32 $8.000000000e+00, v2  }
0x3f6: {  	v30 =	vor.u32 v30, v4  }
0x3f7: {  	v4 =	vor.u32 v6, v30;
	[tilespmem:v27+s21+$0x0] =	vst.idx.msk $0xffff, v2;
	v2 =	vshll.u32 v26, $0x7  }
0x3f8: {  	v6 =	vld.idx.msk [tilespmem:v28+s17+$0x0], $0xffff;
	v2 =	vand.u32 $0x1C00, v2  }
0x3f9: {  	v2 =	vor.u32 v3, v2  }
0x3fa: {  	v27 =	vor.u32 s14, v10;
	v28 =	vor.u32 v31, v2  }
0x3fb: {  	v38 =	vor.u32 v27, v32  }
0x3fc: {  	v4 =	vld.idx.msk [tilespmem:v4+s17+$0x0], $0xffff  }
0x3fd: {  	v6 =	vmul.f32 $8.000000000e+00, v6  }
0x3fe: {  	v25 =	vor.u32 v29, v25  }
0x3ff: {  	v26 =	vor.u32 v26, v30;
	[tilespmem:v28+s21+$0x0] =	vst.idx.msk $0xffff, v6;
	v6 =	vshll.u32 v27, $0x7  }
0x400: {  	v28 =	vld.idx.msk [tilespmem:v38+s17+$0x0], $0xffff;
	v6 =	vand.u32 $0x1C00, v6  }
0x401: {  	v4 =	vmul.f32 $8.000000000e+00, v4;
	v6 =	vor.u32 v5, v6  }
0x402: {  	v39 =	vor.u32 s14, v12;
	v40 =	vor.u32 v31, v6  }
0x403: {  	v41 =	vor.u32 v39, v32;
	[tilespmem:v25+s21+$0x0] =	vst.idx.msk $0xffff, v4  }
0x404: {  	v4 =	vld.idx.msk [tilespmem:v26+s17+$0x0], $0xffff  }
0x405: {  	v25 =	vmul.f32 $8.000000000e+00, v28  }
0x406: {  	v2 =	vor.u32 v29, v2  }
0x407: {  	v26 =	vor.u32 v27, v30;
	[tilespmem:v40+s21+$0x0] =	vst.idx.msk $0xffff, v25;
	v25 =	vshll.u32 v39, $0x7  }
0x408: {  	v27 =	vld.idx.msk [tilespmem:v41+s17+$0x0], $0xffff;
	v25 =	vand.u32 $0x1C00, v25  }
0x409: {  	v4 =	vmul.f32 $8.000000000e+00, v4;
	v25 =	vor.u32 v7, v25  }
0x40a: {  	v28 =	vor.u32 s14, v19;
	v42 =	vor.u32 v31, v25  }
0x40b: {  	v43 =	vor.u32 v28, v32;
	[tilespmem:v2+s21+$0x0] =	vst.idx.msk $0xffff, v4  }
0x40c: {  	v2 =	vld.idx.msk [tilespmem:v26+s17+$0x0], $0xffff  }
0x40d: {  	v4 =	vmul.f32 $8.000000000e+00, v27  }
0x40e: {  	v6 =	vor.u32 v29, v6  }
0x40f: {  	v26 =	vor.u32 v39, v30;
	[tilespmem:v42+s21+$0x0] =	vst.idx.msk $0xffff, v4;
	v4 =	vshll.u32 v28, $0x7  }
0x410: {  	v27 =	vld.idx.msk [tilespmem:v43+s17+$0x0], $0xffff;
	v4 =	vand.u32 $0x1C00, v4  }
0x411: {  	v2 =	vmul.f32 $8.000000000e+00, v2;
	v4 =	vor.u32 v9, v4  }
0x412: {  	v44 =	vor.u32 s14, v21;
	v45 =	vor.u32 v31, v4  }
0x413: {  	s12 =	simm.s32 $0x20;
	v46 =	vor.u32 v44, v32;
	[tilespmem:v6+s21+$0x0] =	vst.idx.msk $0xffff, v2  }
0x414: {  	s3 =	sand.u32 $0x60, s12;
	v2 =	vld.idx.msk [tilespmem:v26+s17+$0x0], $0xffff  }
0x415: {  	s16 =	sor.u32 $0x10, s3;
	v6 =	vmul.f32 $8.000000000e+00, v27  }
0x416: {  	v25 =	vor.u32 v29, v25;
	v26 =	vld.idx.msk [tilespmem:v24+s16+$0x0 ss:$0x1], $0xffff  }
0x417: {  	v47 =	vld.idx.msk [tilespmem:v24+s3+$0x0 ss:$0x1], $0xffff;
	v27 =	vor.u32 v28, v30;
	[tilespmem:v45+s21+$0x0] =	vst.idx.msk $0xffff, v6;
	v6 =	vshll.u32 v44, $0x7  }
0x418: {  	s18 =	simm.s32 $0x4;
	v28 =	vld.idx.msk [tilespmem:v46+s17+$0x0], $0xffff;
	v6 =	vand.u32 $0x1C00, v6  }
0x419: {  	v48 =	vor.u32 s14, v17;
	s18 =	sand.u32 $0x30, s18;
	v2 =	vmul.f32 $8.000000000e+00, v2;
	v6 =	vor.u32 v11, v6  }
0x41a: {  	v34 =	vor.u32 s3, v0;
	v51 =	vor.u32 s18, v0;
	v49 =	vor.u32 v31, v6  }
0x41b: {  	v50 =	vor.u32 v48, v32;
	v36 =	vor.u32 s16, v0;
	[tilespmem:v25+s21+$0x0] =	vst.idx.msk $0xffff, v2;
	v25 =	vshll.u32 v26, $0x6  }
0x41c: {  	v35 =	vshll.u32 v47, $0x6;
	v25 =	vand.u32 $0x40, v25;
	v26 =	vld.idx.msk [tilespmem:v27+s17+$0x0], $0xffff;
	v27 =	vshll.u32 v36, $0x7  }
0x41d: {  	v4 =	vor.u32 v29, v4;
	v37 =	vor.u32 v27, v25;
	v28 =	vmul.f32 $8.000000000e+00, v28  }
0x41e: {  	v2 =	vshll.u32 v34, $0x7;
	v27 =	vand.u32 $0x40, v35;
	v25 =	vor.u32 v51, v37  }
0x41f: {  	v33 =	vor.u32 v44, v30;
	v35 =	vor.u32 v2, v27;
	[tilespmem:v49+s21+$0x0] =	vst.idx.msk $0xffff, v28;
	v28 =	vshll.u32 v48, $0x7  }
0x420: {  	v27 =	vor.u32 v51, v35;
	v39 =	vld.idx.msk [tilespmem:v50+s17+$0x0], $0xffff;
	v2 =	vand.u32 $0x1C00, v28  }
0x421: {  	v26 =	vmul.f32 $8.000000000e+00, v26;
	v2 =	vor.u32 v13, v2  }
0x422: {  	v41 =	vshll.u32 v51, $0x7;
	v28 =	vor.u32 s14, v14;
	v52 =	vor.u32 v31, v2  }
0x423: {  	v53 =	vor.u32 v28, v32;
	[tilespmem:v4+s21+$0x0] =	vst.idx.msk $0xffff, v26;
	v4 =	vld.idx.msk [tilespmem:v25+s17+$0x0], $0xffff;
	v25 =	vand.u32 $0x1C00, v41  }
0x424: {  	v26 =	vld.idx.msk [tilespmem:v33+s17+$0x0], $0xffff;
	v25 =	vor.u32 v1, v25  }
0x425: {  	v55 =	vor.u32 s18, v8;
	v27 =	vld.idx.msk [tilespmem:v27+s17+$0x0], $0xffff;
	v58 =	vor.u32 v36, v25;
	v54 =	vmul.f32 $8.000000000e+00, v39  }
0x426: {  	v6 =	vor.u32 v29, v6;
	v59 =	vor.u32 v55, v37  }
0x427: {  	v38 =	vor.u32 v48, v30;
	v60 =	vshll.u32 v28, $0x7;
	v25 =	vor.u32 v34, v25;
	[tilespmem:v52+s21+$0x0] =	vst.idx.msk $0xffff, v54  }
0x428: {  	v61 =	vor.u32 v55, v35;
	v33 =	vand.u32 $0x1C00, v60;
	v4 =	vmul.f32 $8.000000000e+00, v4;
	v40 =	vld.idx.msk [tilespmem:v53+s17+$0x0], $0xffff  }
0x429: {  	v62 =	vor.u32 s14, v22;
	v33 =	vor.u32 v16, v33;
	v26 =	vmul.f32 $8.000000000e+00, v26  }
0x42a: {  	v48 =	vor.u32 v31, v33;
	[tilespmem:v58+s21+$0x0] =	vst.idx.msk $0xffff, v4;
	v4 =	vmul.f32 $8.000000000e+00, v27;
	v27 =	vshll.u32 v55, $0x7  }
0x42b: {  	v49 =	vor.u32 v62, v32;
	[tilespmem:v6+s21+$0x0] =	vst.idx.msk $0xffff, v26;
	v6 =	vld.idx.msk [tilespmem:v59+s17+$0x0], $0xffff;
	v26 =	vand.u32 $0x1C00, v27  }
0x42c: {  	v27 =	vld.idx.msk [tilespmem:v38+s17+$0x0], $0xffff;
	[tilespmem:v25+s21+$0x0] =	vst.idx.msk $0xffff, v4;
	v4 =	vor.u32 v3, v26  }
0x42d: {  	v50 =	vor.u32 s18, v10;
	v26 =	vld.idx.msk [tilespmem:v61+s17+$0x0], $0xffff;
	v51 =	vor.u32 v36, v4;
	v25 =	vmul.f32 $8.000000000e+00, v40  }
0x42e: {  	v2 =	vor.u32 v29, v2;
	v52 =	vor.u32 v50, v37  }
0x42f: {  	v28 =	vor.u32 v28, v30;
	v4 =	vor.u32 v34, v4;
	[tilespmem:v48+s21+$0x0] =	vst.idx.msk $0xffff, v25;
	v25 =	vshll.u32 v62, $0x7  }
0x430: {  	v53 =	vor.u32 v50, v35;
	v6 =	vmul.f32 $8.000000000e+00, v6;
	v39 =	vld.idx.msk [tilespmem:v49+s17+$0x0], $0xffff;
	v25 =	vand.u32 $0x1C00, v25  }
0x431: {  	v54 =	vor.u32 s14, v15;
	v27 =	vmul.f32 $8.000000000e+00, v27;
	v25 =	vor.u32 v1, v25  }
0x432: {  	[tilespmem:v51+s21+$0x0] =	vst.idx.msk $0xffff, v6;
	v6 =	vmul.f32 $8.000000000e+00, v26;
	v26 =	vshll.u32 v50, $0x7;
	v55 =	vor.u32 v31, v25  }
0x433: {  	v57 =	vor.u32 s14, v57;
	v58 =	vor.u32 v54, v32;
	v40 =	vld.idx.msk [tilespmem:v52+s17+$0x0], $0xffff;
	v26 =	vand.u32 $0x1C00, v26;
	[tilespmem:v2+s21+$0x0] =	vst.idx.msk $0xffff, v27  }
0x434: {  	v47 =	vshll.u32 v57, $0x7;
	[tilespmem:v4+s21+$0x0] =	vst.idx.msk $0xffff, v6;
	v2 =	vor.u32 v5, v26;
	v4 =	vld.idx.msk [tilespmem:v28+s17+$0x0], $0xffff  }
0x435: {  	v27 =	vor.u32 s18, v12;
	v26 =	vld.idx.msk [tilespmem:v53+s17+$0x0], $0xffff;
	v28 =	vor.u32 v36, v2;
	v6 =	vmul.f32 $8.000000000e+00, v39  }
0x436: {  	v47 =	vand.u32 $0x1C00, v47;
	v59 =	vor.u32 v27, v37  }
0x437: {  	v33 =	vor.u32 v29, v33;
	v2 =	vor.u32 v34, v2;
	[tilespmem:v55+s21+$0x0] =	vst.idx.msk $0xffff, v6;
	v6 =	vshll.u32 v54, $0x7  }
0x438: {  	v61 =	vor.u32 v27, v35;
	v40 =	vmul.f32 $8.000000000e+00, v40;
	v38 =	vld.idx.msk [tilespmem:v58+s17+$0x0], $0xffff;
	v6 =	vand.u32 $0x1C00, v6  }
0x439: {  	v60 =	vor.u32 v62, v30;
	v62 =	vor.u32 s14, v63;
	v6 =	vor.u32 v3, v6  }
0x43a: {  	v27 =	vshll.u32 v27, $0x7;
	[tilespmem:v28+s21+$0x0] =	vst.idx.msk $0xffff, v40;
	v26 =	vmul.f32 $8.000000000e+00, v26;
	v48 =	vor.u32 v31, v6  }
0x43b: {  	v27 =	vand.u32 $0x1C00, v27;
	v4 =	vmul.f32 $8.000000000e+00, v4;
	v28 =	vor.u32 v62, v32;
	v39 =	vld.idx.msk [tilespmem:v59+s17+$0x0], $0xffff  }
0x43c: {  	v47 =	vor.u32 v9, v47;
	[tilespmem:v2+s21+$0x0] =	vst.idx.msk $0xffff, v26;
	v2 =	vor.u32 v7, v27  }
0x43d: {  	v49 =	vor.u32 s18, v19;
	[tilespmem:v33+s21+$0x0] =	vst.idx.msk $0xffff, v4;
	v27 =	vld.idx.msk [tilespmem:v61+s17+$0x0], $0xffff;
	v50 =	vor.u32 v36, v2;
	v26 =	vmul.f32 $8.000000000e+00, v38  }
0x43e: {  	v51 =	vor.u32 v54, v30;
	v44 =	vor.u32 v62, v30;
	v52 =	vor.u32 v49, v37;
	v4 =	vld.idx.msk [tilespmem:v60+s17+$0x0], $0xffff  }
0x43f: {  	v25 =	vor.u32 v29, v25;
	v2 =	vor.u32 v34, v2;
	[tilespmem:v48+s21+$0x0] =	vst.idx.msk $0xffff, v26;
	v26 =	vshll.u32 v62, $0x7  }
0x440: {  	v54 =	vor.u32 s14, v23;
	v39 =	vmul.f32 $8.000000000e+00, v39;
	v28 =	vld.idx.msk [tilespmem:v28+s17+$0x0], $0xffff;
	v26 =	vand.u32 $0x1C00, v26  }
0x441: {  	v53 =	vor.u32 v49, v35;
	v58 =	vor.u32 v54, v32;
	v26 =	vor.u32 v5, v26  }
0x442: {  	v33 =	vshll.u32 v49, $0x7;
	[tilespmem:v50+s21+$0x0] =	vst.idx.msk $0xffff, v39;
	v27 =	vmul.f32 $8.000000000e+00, v27;
	v55 =	vor.u32 v31, v26  }
0x443: {  	v40 =	vor.u32 v54, v30;
	v33 =	vand.u32 $0x1C00, v33;
	v4 =	vmul.f32 $8.000000000e+00, v4;
	v59 =	vld.idx.msk [tilespmem:v52+s17+$0x0], $0xffff  }
0x444: {  	s5 =	simm.s32 $0x40;
	s12 =	simm.s32 $0x8;
	v6 =	vor.u32 v29, v6;
	v50 =	vor.u32 s14, v56;
	[tilespmem:v2+s21+$0x0] =	vst.idx.msk $0xffff, v27;
	v2 =	vor.u32 v9, v33  }
0x445: {  	s12 =	sand.u32 $0x30, s12;
	s3 =	sand.u32 $0x60, s5;
	[tilespmem:v25+s21+$0x0] =	vst.idx.msk $0xffff, v4;
	v27 =	vor.u32 s18, v21;
	v4 =	vmul.f32 $8.000000000e+00, v28;
	v28 =	vor.u32 v36, v2  }
0x446: {  	v25 =	vor.u32 s3, v0;
	v52 =	vor.u32 s12, v8;
	v60 =	vld.idx.msk [tilespmem:v51+s17+$0x0], $0xffff;
	v61 =	vor.u32 v27, v37  }
0x447: {  	v38 =	vor.u32 v29, v26;
	v46 =	vshll.u32 v25, $0x7;
	v26 =	vld.idx.msk [tilespmem:v53+s17+$0x0], $0xffff;
	[tilespmem:v55+s21+$0x0] =	vst.idx.msk $0xffff, v4;
	v4 =	vshll.u32 v54, $0x7  }
0x448: {  	v33 =	vor.u32 v57, v30;
	v54 =	vmul.f32 $8.000000000e+00, v59;
	v53 =	vld.idx.msk [tilespmem:v58+s17+$0x0], $0xffff;
	v4 =	vand.u32 $0x1C00, v4  }
0x449: {  	v62 =	vor.u32 v27, v35;
	v2 =	vor.u32 v34, v2;
	v55 =	vld.idx.msk [tilespmem:v24+s3+$0x0 ss:$0x1], $0xffff;
	s3 =	sor.u32 $0x10, s3;
	v4 =	vor.u32 v7, v4  }
0x44a: {  	v51 =	vor.u32 s18, v17;
	v27 =	vshll.u32 v27, $0x7;
	v59 =	vld.idx.msk [tilespmem:v24+s3+$0x0 ss:$0x1], $0xffff;
	v58 =	vor.u32 v31, v4;
	[tilespmem:v28+s21+$0x0] =	vst.idx.msk $0xffff, v54  }
0x44b: {  	v27 =	vand.u32 $0x1C00, v27;
	v60 =	vmul.f32 $8.000000000e+00, v60;
	v28 =	vor.u32 v57, v32;
	v41 =	vld.idx.msk [tilespmem:v61+s17+$0x0], $0xffff  }
0x44c: {  	v26 =	vmul.f32 $8.000000000e+00, v26;
	v39 =	vor.u32 v29, v4;
	v4 =	vor.u32 v11, v27  }
0x44d: {  	[tilespmem:v6+s21+$0x0] =	vst.idx.msk $0xffff, v60;
	v43 =	vor.u32 v34, v4;
	v4 =	vor.u32 v36, v4;
	v27 =	vmul.f32 $8.000000000e+00, v53  }
0x44e: {  	v6 =	vor.u32 s12, v0;
	[tilespmem:v2+s21+$0x0] =	vst.idx.msk $0xffff, v26;
	v26 =	vor.u32 s3, v0;
	v57 =	vor.u32 v31, v47  }
0x44f: {  	v61 =	vor.u32 v51, v37;
	v2 =	vshll.u32 v55, $0x6;
	[tilespmem:v58+s21+$0x0] =	vst.idx.msk $0xffff, v27;
	v27 =	vshll.u32 v59, $0x6  }
0x450: {  	v48 =	vld.idx.msk [tilespmem:v28+s17+$0x0], $0xffff;
	v27 =	vand.u32 $0x40, v27;
	v28 =	vshll.u32 v26, $0x7;
	v41 =	vmul.f32 $8.000000000e+00, v41  }
0x451: {  	v42 =	vld.idx.msk [tilespmem:v62+s17+$0x0], $0xffff;
	v2 =	vand.u32 $0x40, v2;
	v58 =	vor.u32 v50, v32;
	v27 =	vor.u32 v28, v27  }
0x452: {  	v28 =	vor.u32 v46, v2;
	v62 =	vor.u32 v6, v27;
	[tilespmem:v4+s21+$0x0] =	vst.idx.msk $0xffff, v41;
	v4 =	vshll.u32 v51, $0x7  }
0x453: {  	v59 =	vor.u32 v6, v28;
	v6 =	vshll.u32 v6, $0x7;
	v4 =	vand.u32 $0x1C00, v4  }
0x454: {  	v45 =	vld.idx.msk [tilespmem:v61+s17+$0x0], $0xffff;
	v6 =	vand.u32 $0x1C00, v6;
	v61 =	vshll.u32 v50, $0x7;
	v4 =	vor.u32 v13, v4  }
0x455: {  	v6 =	vor.u32 v1, v6;
	v46 =	vand.u32 $0x1C00, v61;
	v60 =	vmul.f32 $8.000000000e+00, v48  }
0x456: {  	v48 =	vor.u32 v51, v35;
	v51 =	vor.u32 s18, v14;
	v53 =	vor.u32 v36, v4  }
0x457: {  	v4 =	vor.u32 v34, v4;
	v46 =	vor.u32 v11, v46;
	v54 =	vor.u32 v51, v37;
	v49 =	vld.idx.msk [tilespmem:v62+s17+$0x0], $0xffff  }
0x458: {  	v2 =	vmul.f32 $8.000000000e+00, v42;
	v61 =	vshll.u32 v51, $0x7;
	v51 =	vor.u32 v51, v35;
	[tilespmem:v57+s21+$0x0] =	vst.idx.msk $0xffff, v60;
	v42 =	vld.idx.msk [tilespmem:v59+s17+$0x0], $0xffff  }
0x459: {  	v62 =	vor.u32 v26, v6;
	v60 =	vor.u32 v52, v27;
	v41 =	vld.idx.msk [tilespmem:v58+s17+$0x0], $0xffff;
	v45 =	vmul.f32 $8.000000000e+00, v45  }
0x45a: {  	v44 =	vld.idx.msk [tilespmem:v44+s17+$0x0], $0xffff;
	v57 =	vor.u32 s14, v20;
	v6 =	vor.u32 v25, v6;
	v59 =	vor.u32 v52, v28  }
0x45b: {  	v58 =	vor.u32 v31, v46;
	[tilespmem:v53+s21+$0x0] =	vst.idx.msk $0xffff, v45;
	v53 =	vor.u32 v57, v32;
	v45 =	vand.u32 $0x1C00, v61  }
0x45c: {  	v61 =	vshll.u32 v57, $0x7;
	v45 =	vor.u32 v16, v45;
	v49 =	vmul.f32 $8.000000000e+00, v49  }
0x45d: {  	[tilespmem:v43+s21+$0x0] =	vst.idx.msk $0xffff, v2;
	v54 =	vld.idx.msk [tilespmem:v54+s17+$0x0], $0xffff;
	v56 =	vand.u32 $0x1C00, v61;
	v2 =	vor.u32 v34, v45;
	v42 =	vmul.f32 $8.000000000e+00, v42  }
0x45e: {  	v48 =	vld.idx.msk [tilespmem:v48+s17+$0x0], $0xffff;
	v45 =	vor.u32 v36, v45;
	v41 =	vmul.f32 $8.000000000e+00, v41;
	[tilespmem:v62+s21+$0x0] =	vst.idx.msk $0xffff, v49;
	v62 =	vshll.u32 v52, $0x7  }
0x45f: {  	v43 =	vor.u32 s18, v22;
	v56 =	vor.u32 v13, v56;
	[tilespmem:v6+s21+$0x0] =	vst.idx.msk $0xffff, v42;
	v55 =	vld.idx.msk [tilespmem:v60+s17+$0x0], $0xffff;
	v60 =	vand.u32 $0x1C00, v62  }
0x460: {  	v44 =	vmul.f32 $8.000000000e+00, v44;
	v52 =	vor.u32 v43, v37;
	[tilespmem:v58+s21+$0x0] =	vst.idx.msk $0xffff, v41;
	v41 =	vor.u32 v3, v60  }
0x461: {  	v49 =	vor.u32 v43, v35;
	v6 =	vor.u32 s12, v10;
	v58 =	vld.idx.msk [tilespmem:v59+s17+$0x0], $0xffff;
	v42 =	vor.u32 v26, v41  }
0x462: {  	v43 =	vshll.u32 v43, $0x7;
	v59 =	vor.u32 v6, v27;
	v53 =	vld.idx.msk [tilespmem:v53+s17+$0x0], $0xffff;
	v54 =	vmul.f32 $8.000000000e+00, v54  }
0x463: {  	[tilespmem:v38+s21+$0x0] =	vst.idx.msk $0xffff, v44;
	v61 =	vor.u32 v31, v56;
	v43 =	vand.u32 $0x1C00, v43;
	v38 =	vmul.f32 $8.000000000e+00, v48  }
0x464: {  	v60 =	vor.u32 s14, v18;
	v43 =	vor.u32 v1, v43;
	[tilespmem:v45+s21+$0x0] =	vst.idx.msk $0xffff, v54;
	v62 =	vmul.f32 $8.000000000e+00, v55  }
0x465: {  	v41 =	vor.u32 v25, v41;
	v48 =	vor.u32 v34, v43;
	v43 =	vor.u32 v36, v43;
	v45 =	vld.idx.msk [tilespmem:v52+s17+$0x0], $0xffff  }
0x466: {  	v40 =	vld.idx.msk [tilespmem:v40+s17+$0x0], $0xffff;
	v52 =	vor.u32 v6, v28;
	v6 =	vshll.u32 v6, $0x7;
	v58 =	vmul.f32 $8.000000000e+00, v58;
	[tilespmem:v42+s21+$0x0] =	vst.idx.msk $0xffff, v62  }
0x467: {  	v44 =	vmul.f32 $8.000000000e+00, v53;
	v53 =	vor.u32 s18, v15;
	v62 =	vld.idx.msk [tilespmem:v59+s17+$0x0], $0xffff;
	v59 =	vshll.u32 v60, $0x7  }
0x468: {  	[tilespmem:v4+s21+$0x0] =	vst.idx.msk $0xffff, v38;
	v6 =	vand.u32 $0x1C00, v6;
	v54 =	vor.u32 v53, v37;
	v38 =	vand.u32 $0x1C00, v59  }
0x469: {  	v6 =	vor.u32 v5, v6;
	[tilespmem:v61+s21+$0x0] =	vst.idx.msk $0xffff, v44;
	v44 =	vld.idx.msk [tilespmem:v51+s17+$0x0], $0xffff;
	v51 =	vor.u32 v16, v38  }
0x46a: {  	[tilespmem:v41+s21+$0x0] =	vst.idx.msk $0xffff, v58;
	v42 =	vor.u32 v26, v6;
	v45 =	vmul.f32 $8.000000000e+00, v45;
	v31 =	vor.u32 v31, v51  }
0x46b: {  	v40 =	vmul.f32 $8.000000000e+00, v40;
	v32 =	vor.u32 v60, v32;
	v41 =	vor.u32 s12, v12;
	v52 =	vld.idx.msk [tilespmem:v52+s17+$0x0], $0xffff;
	[tilespmem:$0x1FE30] =	vst v31  }
0x46c: {  	v6 =	vor.u32 v25, v6;
	v58 =	vor.u32 v41, v27;
	v61 =	vshll.u32 v53, $0x7;
	[tilespmem:v43+s21+$0x0] =	vst.idx.msk $0xffff, v45  }
0x46d: {  	v31 =	vor.u32 v41, v28;
	v62 =	vmul.f32 $8.000000000e+00, v62;
	v43 =	vand.u32 $0x1C00, v61;
	v45 =	vld.idx.msk [tilespmem:v54+s17+$0x0], $0xffff  }
0x46e: {  	[tilespmem:v39+s21+$0x0] =	vst.idx.msk $0xffff, v40;
	v39 =	vor.u32 v29, v47;
	v38 =	vor.u32 v3, v43  }
0x46f: {  	v44 =	vmul.f32 $8.000000000e+00, v44;
	v33 =	vld.idx.msk [tilespmem:v33+s17+$0x0], $0xffff;
	[tilespmem:v42+s21+$0x0] =	vst.idx.msk $0xffff, v62;
	v42 =	vor.u32 s18, v63;
	v47 =	vor.u32 v36, v38  }
0x470: {  	v41 =	vshll.u32 v41, $0x7;
	v61 =	vor.u32 v42, v37  }
0x471: {  	v41 =	vand.u32 $0x1C00, v41;
	v59 =	vmul.f32 $8.000000000e+00, v52;
	[tilespmem:v2+s21+$0x0] =	vst.idx.msk $0xffff, v44;
	v2 =	vld.idx.msk [tilespmem:v32+s17+$0x0], $0xffff  }
0x472: {  	v62 =	vor.u32 v7, v41;
	v52 =	vld.idx.msk [tilespmem:v58+s17+$0x0], $0xffff;
	v63 =	vmul.f32 $8.000000000e+00, v45  }
0x473: {  	[tilespmem:v6+s21+$0x0] =	vst.idx.msk $0xffff, v59;
	v6 =	vld.idx.msk [tilespmem:v49+s17+$0x0], $0xffff;
	v58 =	vor.u32 v26, v62  }
0x474: {  	v59 =	vor.u32 v57, v30;
	v31 =	vld.idx.msk [tilespmem:v31+s17+$0x0], $0xffff;
	v33 =	vmul.f32 $8.000000000e+00, v33;
	[tilespmem:v47+s21+$0x0] =	vst.idx.msk $0xffff, v63  }
0x475: {  	v41 =	vor.u32 v29, v46;
	v46 =	vld.idx.msk [tilespmem:v61+s17+$0x0], $0xffff;
	[tilespmem:$0x1FE10] =	vst v59  }
0x476: {  	v63 =	vor.u32 v29, v56;
	[tilespmem:v39+s21+$0x0] =	vst.idx.msk $0xffff, v33  }
0x477: {  	v43 =	vor.u32 v50, v30;
	v30 =	vor.u32 v60, v30;
	v61 =	vmul.f32 $8.000000000e+00, v52;
	[tilespmem:$0x1FE50] =	vst v63  }
0x478: {  	[tilespmem:$0x1FE60] =	vst v30  }
0x479: {  	v44 =	vor.u32 s12, v19;
	v54 =	vor.u32 v42, v35;
	v42 =	vshll.u32 v42, $0x7;
	[tilespmem:v58+s21+$0x0] =	vst.idx.msk $0xffff, v61  }
0x47a: {  	v49 =	vor.u32 v25, v62;
	v50 =	vor.u32 v44, v27;
	v62 =	vand.u32 $0x1C00, v42;
	v56 =	vld [tilespmem:$0x1FF60]  }
0x47b: {  	v39 =	vor.u32 v5, v62  }
0x47c: {  	v55 =	vor.u32 v44, v28;
	v6 =	vmul.f32 $8.000000000e+00, v6;
	v52 =	vor.u32 v36, v39  }
0x47d: {  	v2 =	vmul.f32 $8.000000000e+00, v2  }
0x47e: {  	v4 =	vor.u32 v53, v35;
	v31 =	vmul.f32 $8.000000000e+00, v31;
	v30 =	vld.idx.msk [tilespmem:v43+s17+$0x0], $0xffff;
	v58 =	vshll.u32 v44, $0x7;
	[tilespmem:v48+s21+$0x0] =	vst.idx.msk $0xffff, v6  }
0x47f: {  	v50 =	vld.idx.msk [tilespmem:v50+s17+$0x0], $0xffff;
	v44 =	vand.u32 $0x1C00, v58;
	[tilespmem:$0x1FE40] =	vst v2;
	v6 =	vmul.f32 $8.000000000e+00, v46;
	v57 =	vor.u32 s18, v56  }
0x480: {  	v2 =	vor.u32 v9, v44;
	[tilespmem:v49+s21+$0x0] =	vst.idx.msk $0xffff, v31;
	v59 =	vor.u32 v57, v37  }
0x481: {  	v33 =	vor.u32 v25, v2;
	v2 =	vor.u32 v26, v2;
	v31 =	vld.idx.msk [tilespmem:v55+s17+$0x0], $0xffff;
	[tilespmem:v52+s21+$0x0] =	vst.idx.msk $0xffff, v6  }
0x482: {  	v63 =	vld [tilespmem:$0x1FF40]  }
0x483: {  	v32 =	vor.u32 v34, v38;
	v60 =	vor.u32 s12, v21  }
0x484: {  	s16 =	simm.s32 $0x60;
	v4 =	vld.idx.msk [tilespmem:v4+s17+$0x0], $0xffff;
	v55 =	vor.u32 v60, v27;
	v61 =	vmul.f32 $8.000000000e+00, v50;
	v6 =	vshll.u32 v57, $0x7  }
0x485: {  	s3 =	sand.u32 $0x60, s16;
	v48 =	vor.u32 v34, v39;
	v44 =	vmul.f32 $8.000000000e+00, v30;
	v6 =	vand.u32 $0x1C00, v6;
	v52 =	vld.idx.msk [tilespmem:v59+s17+$0x0], $0xffff  }
0x486: {  	v62 =	vld.idx.msk [tilespmem:v24+s3+$0x0 ss:$0x1], $0xffff;
	v30 =	vor.u32 s3, v0;
	s3 =	sor.u32 $0x10, s3;
	[tilespmem:v2+s21+$0x0] =	vst.idx.msk $0xffff, v61;
	v6 =	vor.u32 v7, v6;
	v2 =	vmul.f32 $8.000000000e+00, v31  }
0x487: {  	v42 =	vld.idx.msk [tilespmem:v24+s3+$0x0 ss:$0x1], $0xffff;
	v31 =	vshll.u32 v60, $0x7;
	v39 =	vor.u32 s18, v63;
	v40 =	vor.u32 v36, v6  }
0x488: {  	v38 =	vmovc v35;
	v35 =	vmovc v34;
	v49 =	vor.u32 v60, v28;
	v61 =	vld [tilespmem:$0x1FFF0];
	v31 =	vand.u32 $0x1C00, v31;
	v60 =	vor.u32 v39, v37  }
0x489: {  	v55 =	vld.idx.msk [tilespmem:v55+s17+$0x0], $0xffff;
	v46 =	vor.u32 v35, v6;
	v6 =	vor.u32 v11, v31;
	v31 =	vor.u32 v39, v38  }
0x48a: {  	v29 =	vor.u32 v29, v51;
	[tilespmem:$0x1FE20] =	vst v31;
	v31 =	vmul.f32 $8.000000000e+00, v52  }
0x48b: {  	v4 =	vmul.f32 $8.000000000e+00, v4;
	[tilespmem:v33+s21+$0x0] =	vst.idx.msk $0xffff, v2;
	v52 =	vor.u32 v25, v6;
	v6 =	vor.u32 v26, v6  }
0x48c: {  	v51 =	vshll.u32 v30, $0x7;
	v47 =	vor.u32 v57, v38;
	v63 =	vshll.u32 v39, $0x7;
	[tilespmem:v40+s21+$0x0] =	vst.idx.msk $0xffff, v31  }
0x48d: {  	v34 =	vshll.u32 v42, $0x6;
	v50 =	vand.u32 $0x1C00, v63;
	[tilespmem:v32+s21+$0x0] =	vst.idx.msk $0xffff, v4;
	v59 =	vor.u32 s12, v61;
	v56 =	vld.idx.msk [tilespmem:v60+s17+$0x0], $0xffff  }
0x48e: {  	v43 =	vmovc v38;
	v2 =	vshll.u32 v62, $0x6;
	v55 =	vmul.f32 $8.000000000e+00, v55;
	v62 =	vor.u32 v59, v27;
	v38 =	vld [tilespmem:$0x1FF50]  }
0x48f: {  	s16 =	simm.s32 $0xC;
	v45 =	vmovc v35;
	v53 =	vand.u32 $0x40, v34;
	v50 =	vor.u32 v9, v50;
	v31 =	vor.u32 s3, v0  }
0x490: {  	s14 =	sand.u32 $0x30, s16;
	v49 =	vld.idx.msk [tilespmem:v49+s17+$0x0], $0xffff;
	v39 =	vor.u32 v36, v50;
	v2 =	vand.u32 $0x40, v2;
	v35 =	vshll.u32 v31, $0x7;
	[tilespmem:v6+s21+$0x0] =	vst.idx.msk $0xffff, v55  }
0x491: {  	v4 =	vor.u32 s14, v0;
	v33 =	vor.u32 v51, v2;
	v32 =	vor.u32 v35, v53;
	v2 =	vld [tilespmem:$0x1FFC0]  }
0x492: {  	v40 =	vor.u32 v4, v33;
	v53 =	vld.idx.msk [tilespmem:v54+s17+$0x0], $0xffff;
	v54 =	vor.u32 v4, v32;
	v6 =	vshll.u32 v59, $0x7  }
0x493: {  	v60 =	vld.idx.msk [tilespmem:v62+s17+$0x0], $0xffff;
	v6 =	vand.u32 $0x1C00, v6;
	v57 =	vor.u32 s18, v38;
	v42 =	vmul.f32 $8.000000000e+00, v56  }
0x494: {  	v6 =	vor.u32 v13, v6;
	v55 =	vor.u32 v57, v37  }
0x495: {  	v4 =	vshll.u32 v4, $0x7;
	v61 =	vor.u32 v26, v6;
	[tilespmem:v39+s21+$0x0] =	vst.idx.msk $0xffff, v42  }
0x496: {  	v4 =	vand.u32 $0x1C00, v4;
	v56 =	vor.u32 v59, v28;
	v59 =	vor.u32 s12, v2;
	v2 =	vld [tilespmem:$0x1FFE0]  }
0x497: {  	v35 =	vmul.f32 $8.000000000e+00, v49;
	v4 =	vor.u32 v1, v4;
	v49 =	vld.idx.msk [tilespmem:v40+s17+$0x0], $0xffff;
	v38 =	vor.u32 v25, v6  }
0x498: {  	v63 =	vor.u32 v31, v4;
	v34 =	vshll.u32 v57, $0x7;
	v54 =	vld.idx.msk [tilespmem:v54+s17+$0x0], $0xffff;
	v39 =	vmul.f32 $8.000000000e+00, v60  }
0x499: {  	v4 =	vor.u32 v30, v4;
	v51 =	vand.u32 $0x1C00, v34;
	[tilespmem:v52+s21+$0x0] =	vst.idx.msk $0xffff, v35;
	v55 =	vld.idx.msk [tilespmem:v55+s17+$0x0], $0xffff  }
0x49a: {  	v60 =	vor.u32 s14, v8;
	v51 =	vor.u32 v11, v51;
	v62 =	vor.u32 v59, v27;
	[tilespmem:v61+s21+$0x0] =	vst.idx.msk $0xffff, v39  }
0x49b: {  	v6 =	vor.u32 v60, v32;
	v35 =	vld [tilespmem:$0x1FFB0];
	v42 =	vor.u32 s18, v2;
	v2 =	vor.u32 v36, v51  }
0x49c: {  	v49 =	vmul.f32 $8.000000000e+00, v49  }
0x49d: {  	v40 =	vshll.u32 v59, $0x7;
	v54 =	vmul.f32 $8.000000000e+00, v54  }
0x49e: {  	v58 =	vand.u32 $0x1C00, v40;
	[tilespmem:v4+s21+$0x0] =	vst.idx.msk $0xffff, v49;
	v55 =	vmul.f32 $8.000000000e+00, v55  }
0x49f: {  	v39 =	vshll.u32 v60, $0x7;
	v58 =	vor.u32 v16, v58;
	v62 =	vld.idx.msk [tilespmem:v62+s17+$0x0], $0xffff;
	[tilespmem:v63+s21+$0x0] =	vst.idx.msk $0xffff, v54  }
0x4a0: {  	v61 =	vor.u32 v42, v37;
	v52 =	vor.u32 s12, v35;
	v35 =	vld.idx.msk [tilespmem:v6+s17+$0x0], $0xffff;
	[tilespmem:v2+s21+$0x0] =	vst.idx.msk $0xffff, v55;
	v2 =	vand.u32 $0x1C00, v39  }
0x4a1: {  	v40 =	vor.u32 v25, v58;
	v58 =	vor.u32 v26, v58;
	v2 =	vor.u32 v3, v2  }
0x4a2: {  	v34 =	vor.u32 v60, v33;
	v6 =	vld [tilespmem:$0x1FFD0];
	v49 =	vor.u32 v31, v2  }
0x4a3: {  	v53 =	vmul.f32 $8.000000000e+00, v53  }
0x4a4: {  	v56 =	vld.idx.msk [tilespmem:v56+s17+$0x0], $0xffff;
	v39 =	vshll.u32 v42, $0x7;
	v62 =	vmul.f32 $8.000000000e+00, v62  }
0x4a5: {  	v60 =	vor.u32 v52, v27;
	v61 =	vld.idx.msk [tilespmem:v61+s17+$0x0], $0xffff;
	v55 =	vand.u32 $0x1C00, v39;
	[tilespmem:v48+s21+$0x0] =	vst.idx.msk $0xffff, v53;
	v35 =	vmul.f32 $8.000000000e+00, v35  }
0x4a6: {  	v55 =	vor.u32 v13, v55;
	[tilespmem:v58+s21+$0x0] =	vst.idx.msk $0xffff, v62  }
0x4a7: {  	v4 =	vor.u32 s14, v10;
	v34 =	vld.idx.msk [tilespmem:v34+s17+$0x0], $0xffff;
	v39 =	vor.u32 s18, v6;
	v6 =	vor.u32 v36, v55;
	[tilespmem:v49+s21+$0x0] =	vst.idx.msk $0xffff, v35  }
0x4a8: {  	v59 =	vor.u32 v59, v28;
	v63 =	vor.u32 v4, v32;
	v35 =	vld [tilespmem:$0x1FF90]  }
0x4a9: {  	v54 =	vor.u32 v52, v28;
	v52 =	vshll.u32 v52, $0x7;
	v2 =	vor.u32 v30, v2  }
0x4aa: {  	v56 =	vmul.f32 $8.000000000e+00, v56;
	v52 =	vand.u32 $0x1C00, v52;
	v48 =	vld.idx.msk [tilespmem:v60+s17+$0x0], $0xffff;
	v61 =	vmul.f32 $8.000000000e+00, v61  }
0x4ab: {  	v52 =	vor.u32 v1, v52;
	v47 =	vld.idx.msk [tilespmem:v47+s17+$0x0], $0xffff;
	v60 =	vor.u32 v4, v33;
	v4 =	vshll.u32 v4, $0x7  }
0x4ac: {  	v49 =	vor.u32 v25, v52;
	v52 =	vor.u32 v26, v52;
	[tilespmem:v6+s21+$0x0] =	vst.idx.msk $0xffff, v61;
	v6 =	vmul.f32 $8.000000000e+00, v34  }
0x4ad: {  	v4 =	vand.u32 $0x1C00, v4;
	v58 =	vld.idx.msk [tilespmem:v63+s17+$0x0], $0xffff;
	[tilespmem:v38+s21+$0x0] =	vst.idx.msk $0xffff, v56;
	v35 =	vor.u32 s12, v35  }
0x4ae: {  	[tilespmem:v2+s21+$0x0] =	vst.idx.msk $0xffff, v6;
	v2 =	vor.u32 v5, v4;
	v34 =	vor.u32 v35, v27  }
0x4af: {  	v38 =	vld.idx.msk [tilespmem:v59+s17+$0x0], $0xffff;
	v4 =	vmul.f32 $8.000000000e+00, v48;
	v59 =	vor.u32 v31, v2  }
0x4b0: {  	[tilespmem:v41+s21+$0x0] =	vst.idx.msk $0xffff, v44  }
0x4b1: {  	v47 =	vmul.f32 $8.000000000e+00, v47;
	[tilespmem:v52+s21+$0x0] =	vst.idx.msk $0xffff, v4;
	v4 =	vld.idx.msk [tilespmem:v60+s17+$0x0], $0xffff  }
0x4b2: {  	v41 =	vmul.f32 $8.000000000e+00, v58;
	v56 =	vor.u32 v35, v28;
	v35 =	vshll.u32 v35, $0x7;
	v44 =	vld [tilespmem:$0x1FE10]  }
0x4b3: {  	v35 =	vand.u32 $0x1C00, v35;
	[tilespmem:v46+s21+$0x0] =	vst.idx.msk $0xffff, v47;
	v34 =	vld.idx.msk [tilespmem:v34+s17+$0x0], $0xffff  }
0x4b4: {  	v2 =	vor.u32 v30, v2;
	v35 =	vor.u32 v3, v35;
	v47 =	vld [tilespmem:$0x1FF30];
	[tilespmem:v59+s21+$0x0] =	vst.idx.msk $0xffff, v41  }
0x4b5: {  	v53 =	vor.u32 v57, v43;
	v57 =	vor.u32 v26, v35;
	v41 =	vld [tilespmem:$0x1FE20]  }
0x4b6: {  	v63 =	vmul.f32 $8.000000000e+00, v38  }
0x4b7: {  	v4 =	vmul.f32 $8.000000000e+00, v4  }
0x4b8: {  	[tilespmem:v40+s21+$0x0] =	vst.idx.msk $0xffff, v63;
	v34 =	vmul.f32 $8.000000000e+00, v34  }
0x4b9: {  	v48 =	vor.u32 s14, v12;
	[tilespmem:v2+s21+$0x0] =	vst.idx.msk $0xffff, v4  }
0x4ba: {  	v62 =	vshll.u32 v39, $0x7;
	v59 =	vshll.u32 v48, $0x7;
	[tilespmem:v57+s21+$0x0] =	vst.idx.msk $0xffff, v34  }
0x4bb: {  	v6 =	vand.u32 $0x1C00, v62;
	v62 =	vand.u32 $0x1C00, v59;
	v59 =	vld [tilespmem:$0x1FE30];
	_ =	sdelay $0x1  }
0x4bc: {  	v50 =	vor.u32 v45, v50;
	v61 =	vmov v45;
	v45 =	vld.idx.msk [tilespmem:v41+s17+$0x0], $0xffff  }
0x4bd: {  	v2 =	vor.u32 v7, v62;
	v62 =	vld [tilespmem:$0x1FE40];
	_ =	sdelay $0x3  }
0x4be: {  	v52 =	vor.u32 v48, v32;
	v45 =	vmul.f32 $8.000000000e+00, v45  }
0x4bf: {  	v38 =	vor.u32 s12, v47;
	[tilespmem:v59+s21+$0x0] =	vst.idx.msk $0xffff, v62  }
0x4c0: {  	v47 =	vor.u32 v38, v27;
	[tilespmem:v50+s21+$0x0] =	vst.idx.msk $0xffff, v45  }
0x4c1: {  	v40 =	vor.u32 v38, v28;
	v57 =	vshll.u32 v38, $0x7;
	v38 =	vor.u32 v61, v51;
	v51 =	vld [tilespmem:$0x1FE50]  }
0x4c2: {  	v44 =	vld.idx.msk [tilespmem:v44+s17+$0x0], $0xffff  }
0x4c3: {  	v37 =	vor.u32 v39, v37;
	v6 =	vor.u32 v16, v6;
	v63 =	vld.idx.msk [tilespmem:v52+s17+$0x0], $0xffff  }
0x4c4: {  	v60 =	vor.u32 v36, v6  }
0x4c5: {  	v36 =	vor.u32 v48, v33;
	v48 =	vor.u32 v30, v2;
	v2 =	vor.u32 v31, v2;
	_ =	sdelay $0x1  }
0x4c6: {  	v44 =	vmul.f32 $8.000000000e+00, v44  }
0x4c7: {  	v37 =	vld.idx.msk [tilespmem:v37+s17+$0x0], $0xffff;
	v63 =	vmul.f32 $8.000000000e+00, v63  }
0x4c8: {  	[tilespmem:v51+s21+$0x0] =	vst.idx.msk $0xffff, v44;
	v44 =	vld.idx.msk [tilespmem:v53+s17+$0x0], $0xffff  }
0x4c9: {  	v53 =	vld [tilespmem:$0x1FF60];
	[tilespmem:v2+s21+$0x0] =	vst.idx.msk $0xffff, v63  }
0x4ca: {  	v2 =	vld [tilespmem:$0x1FE60]  }
0x4cb: {  	v4 =	vld.idx.msk [tilespmem:v54+s17+$0x0], $0xffff;
	_ =	sdelay $0x1  }
0x4cc: {  	v52 =	vld.idx.msk [tilespmem:v36+s17+$0x0], $0xffff;
	v34 =	vor.u32 s14, v19  }
0x4cd: {  	v58 =	vmovc v43;
	v46 =	vmul.f32 $8.000000000e+00, v37;
	v43 =	vor.u32 v34, v32;
	v36 =	vand.u32 $0x1C00, v57;
	v47 =	vld.idx.msk [tilespmem:v47+s17+$0x0], $0xffff  }
0x4ce: {  	v37 =	vor.u32 v42, v58;
	v54 =	vor.u32 v34, v33;
	v42 =	vor.u32 v5, v36  }
0x4cf: {  	v4 =	vmul.f32 $8.000000000e+00, v4;
	v34 =	vshll.u32 v34, $0x7;
	v50 =	vor.u32 v26, v42  }
0x4d0: {  	v41 =	vor.u32 v25, v35;
	v36 =	vor.u32 v61, v55;
	v57 =	vor.u32 s12, v53  }
0x4d1: {  	v35 =	vor.u32 v39, v58;
	v55 =	vmul.f32 $8.000000000e+00, v52;
	v62 =	vor.u32 v57, v27;
	v2 =	vld.idx.msk [tilespmem:v2+s17+$0x0], $0xffff  }
0x4d2: {  	v63 =	vmul.f32 $8.000000000e+00, v47;
	[tilespmem:v49+s21+$0x0] =	vst.idx.msk $0xffff, v4;
	v51 =	vld.idx.msk [tilespmem:v43+s17+$0x0], $0xffff;
	v4 =	vand.u32 $0x1C00, v34;
	v43 =	vor.u32 v25, v42  }
0x4d3: {  	v52 =	vor.u32 s14, v21;
	[tilespmem:v48+s21+$0x0] =	vst.idx.msk $0xffff, v55;
	v42 =	vor.u32 v61, v6;
	v4 =	vor.u32 v9, v4  }
0x4d4: {  	v47 =	vld.idx.msk [tilespmem:v56+s17+$0x0], $0xffff;
	[tilespmem:v50+s21+$0x0] =	vst.idx.msk $0xffff, v63;
	v50 =	vor.u32 v52, v33;
	v49 =	vor.u32 v30, v4  }
0x4d5: {  	v55 =	vor.u32 v31, v4;
	v45 =	vmul.f32 $8.000000000e+00, v44;
	v53 =	vld.idx.msk [tilespmem:v54+s17+$0x0], $0xffff;
	v54 =	vor.u32 v52, v32  }
0x4d6: {  	s3 =	simm.s32 $0x80;
	s18 =	simm.s32 $0x6;
	[tilespmem:v60+s21+$0x0] =	vst.idx.msk $0xffff, v46;
	v39 =	vor.u32 v57, v28;
	v48 =	vshll.u32 v57, $0x7;
	v46 =	vld.idx.msk [tilespmem:v62+s17+$0x0], $0xffff;
	v44 =	vmul.f32 $8.000000000e+00, v2  }
.LBB2_7:
0x4d7: {  	_ = 	snop  }
0x4d8: {  	s5 =	sand.u32 $0x60, s3;
	[tilespmem:v38+s21+$0x0] =	vst.idx.msk $0xffff, v45  }
0x4d9: {  	v34 =	vor.u32 s5, v0;
	v6 =	vld.idx.msk [tilespmem:v24+s5+$0x0 ss:$0x1], $0xffff;
	s5 =	sor.u32 $0x10, s5;
	v2 =	vmul.f32 $8.000000000e+00, v51  }
0x4da: {  	v4 =	vand.u32 $0x1C00, v48;
	v48 =	vld.idx.msk [tilespmem:v24+s5+$0x0 ss:$0x1], $0xffff  }
0x4db: {  	[tilespmem:v55+s21+$0x0] =	vst.idx.msk $0xffff, v2;
	v2 =	vld [tilespmem:$0x1FF40]  }
0x4dc: {  	v59 =	vshll.u32 v52, $0x7  }
0x4dd: {  	v4 =	vor.u32 v7, v4;
	v62 =	vand.u32 $0x1C00, v59;
	v47 =	vmul.f32 $8.000000000e+00, v47  }
0x4de: {  	[tilespmem:v29+s21+$0x0] =	vst.idx.msk $0xffff, v44;
	v29 =	vmovc v42;
	v42 =	vshll.u32 v34, $0x7;
	v57 =	vor.u32 v26, v4;
	v58 =	vmul.f32 $8.000000000e+00, v53  }
0x4df: {  	v38 =	vor.u32 v25, v4;
	v4 =	vor.u32 v11, v62;
	v37 =	vld.idx.msk [tilespmem:v37+s17+$0x0], $0xffff;
	v45 =	vor.u32 s5, v0  }
0x4e0: {  	v46 =	vmul.f32 $8.000000000e+00, v46;
	v53 =	vor.u32 s14, v17;
	v60 =	vld.idx.msk [tilespmem:v54+s17+$0x0], $0xffff;
	[tilespmem:v49+s21+$0x0] =	vst.idx.msk $0xffff, v58;
	v2 =	vor.u32 s12, v2  }
0x4e1: {  	v49 =	vld.idx.msk [tilespmem:v50+s17+$0x0], $0xffff;
	v50 =	vor.u32 v30, v4;
	[tilespmem:v41+s21+$0x0] =	vst.idx.msk $0xffff, v47;
	v61 =	vor.u32 v2, v27  }
0x4e2: {  	v4 =	vor.u32 v31, v4;
	v6 =	vshll.u32 v6, $0x6;
	v56 =	vshll.u32 v48, $0x6;
	v51 =	vld.idx.msk [tilespmem:v40+s17+$0x0], $0xffff  }
0x4e3: {  	v58 =	vshll.u32 v45, $0x7;
	[tilespmem:v57+s21+$0x0] =	vst.idx.msk $0xffff, v46;
	v6 =	vand.u32 $0x40, v6;
	v57 =	vand.u32 $0x40, v56  }
0x4e4: {  	s16 =	sadd.s32 $0x4, s16;
	v63 =	vor.u32 v53, v32;
	v42 =	vor.u32 v42, v6;
	v55 =	vor.u32 v58, v57  }
0x4e5: {  	s5 =	sand.u32 $0x30, s16;
	v44 =	vor.u32 v2, v28;
	v2 =	vshll.u32 v2, $0x7;
	v59 =	vmul.f32 $8.000000000e+00, v60  }
0x4e6: {  	v60 =	vor.u32 s5, v0;
	v2 =	vand.u32 $0x1C00, v2;
	v6 =	vmul.f32 $8.000000000e+00, v49;
	v47 =	vld.idx.msk [tilespmem:v61+s17+$0x0], $0xffff  }
0x4e7: {  	v41 =	vor.u32 v9, v2;
	v2 =	vor.u32 v60, v55;
	v51 =	vmul.f32 $8.000000000e+00, v51;
	[tilespmem:v4+s21+$0x0] =	vst.idx.msk $0xffff, v59;
	v4 =	vld [tilespmem:$0x1FF50]  }
0x4e8: {  	[tilespmem:v50+s21+$0x0] =	vst.idx.msk $0xffff, v6;
	v6 =	vor.u32 v53, v33  }
0x4e9: {  	[tilespmem:v43+s21+$0x0] =	vst.idx.msk $0xffff, v51  }
0x4ea: {  	v61 =	vshll.u32 v53, $0x7;
	v39 =	vld.idx.msk [tilespmem:v39+s17+$0x0], $0xffff  }
0x4eb: {  	v54 =	vor.u32 s14, v22;
	v48 =	vld.idx.msk [tilespmem:v63+s17+$0x0], $0xffff;
	v46 =	vand.u32 $0x1C00, v61  }
0x4ec: {  	v63 =	vor.u32 v60, v42;
	v2 =	vld.idx.msk [tilespmem:v2+s17+$0x0], $0xffff;
	v40 =	vor.u32 s12, v4;
	v4 =	vor.u32 v26, v41  }
0x4ed: {  	v52 =	vshll.u32 v60, $0x7;
	v50 =	vor.u32 s14, v14;
	v46 =	vor.u32 v13, v46;
	v6 =	vld.idx.msk [tilespmem:v6+s17+$0x0], $0xffff  }
0x4ee: {  	v56 =	vor.u32 v50, v32;
	v53 =	vor.u32 v31, v46;
	v62 =	vor.u32 v40, v27  }
0x4ef: {  	v47 =	vmul.f32 $8.000000000e+00, v47;
	v39 =	vmul.f32 $8.000000000e+00, v39;
	v60 =	vshll.u32 v40, $0x7  }
0x4f0: {  	v48 =	vmul.f32 $8.000000000e+00, v48;
	v61 =	vand.u32 $0x1C00, v60;
	v60 =	vshll.u32 v50, $0x7  }
0x4f1: {  	v49 =	vld.idx.msk [tilespmem:v63+s17+$0x0], $0xffff;
	v2 =	vmul.f32 $8.000000000e+00, v2;
	v50 =	vor.u32 v50, v33;
	[tilespmem:v4+s21+$0x0] =	vst.idx.msk $0xffff, v47;
	v4 =	vand.u32 $0x1C00, v52  }
0x4f2: {  	v43 =	vor.u32 v11, v61;
	v6 =	vmul.f32 $8.000000000e+00, v6;
	v4 =	vor.u32 v1, v4  }
0x4f3: {  	v47 =	vor.u32 v30, v46;
	v52 =	vld.idx.msk [tilespmem:v62+s17+$0x0], $0xffff;
	v62 =	vor.u32 s5, v8;
	v63 =	vor.u32 v45, v4  }
0x4f4: {  	v46 =	vor.u32 s12, v20;
	[tilespmem:v53+s21+$0x0] =	vst.idx.msk $0xffff, v48;
	v57 =	vor.u32 v62, v55;
	v4 =	vor.u32 v34, v4  }
0x4f5: {  	v48 =	vor.u32 v26, v43;
	v58 =	vor.u32 v46, v27;
	v59 =	vor.u32 v62, v42  }
0x4f6: {  	v53 =	vand.u32 $0x1C00, v60;
	v49 =	vmul.f32 $8.000000000e+00, v49;
	v60 =	vor.u32 v54, v32;
	v56 =	vld.idx.msk [tilespmem:v56+s17+$0x0], $0xffff  }
0x4f7: {  	v53 =	vor.u32 v16, v53;
	v51 =	vshll.u32 v62, $0x7;
	v62 =	vshll.u32 v46, $0x7  }
0x4f8: {  	v52 =	vmul.f32 $8.000000000e+00, v52;
	[tilespmem:v63+s21+$0x0] =	vst.idx.msk $0xffff, v2;
	v2 =	vor.u32 v30, v53;
	v53 =	vor.u32 v31, v53  }
0x4f9: {  	v61 =	vand.u32 $0x1C00, v51;
	v51 =	vor.u32 v54, v33;
	v54 =	vshll.u32 v54, $0x7;
	[tilespmem:v4+s21+$0x0] =	vst.idx.msk $0xffff, v49;
	v57 =	vld.idx.msk [tilespmem:v57+s17+$0x0], $0xffff  }
0x4fa: {  	v54 =	vand.u32 $0x1C00, v54;
	v4 =	vor.u32 v3, v61;
	v63 =	vand.u32 $0x1C00, v62;
	[tilespmem:v48+s21+$0x0] =	vst.idx.msk $0xffff, v52;
	v52 =	vld.idx.msk [tilespmem:v59+s17+$0x0], $0xffff  }
0x4fb: {  	v48 =	vmul.f32 $8.000000000e+00, v56;
	v56 =	vor.u32 s5, v10;
	v59 =	vor.u32 v45, v4;
	v58 =	vld.idx.msk [tilespmem:v58+s17+$0x0], $0xffff  }
0x4fc: {  	v49 =	vor.u32 v13, v63;
	v4 =	vor.u32 v34, v4;
	v61 =	vor.u32 v56, v55  }
0x4fd: {  	v54 =	vor.u32 v1, v54;
	[tilespmem:v53+s21+$0x0] =	vst.idx.msk $0xffff, v48;
	v48 =	vor.u32 s12, v18;
	v53 =	vor.u32 v26, v49  }
0x4fe: {  	v63 =	vor.u32 v56, v42;
	v62 =	vor.u32 v48, v27;
	v57 =	vmul.f32 $8.000000000e+00, v57  }
0x4ff: {  	[tilespmem:v47+s21+$0x0] =	vst.idx.msk $0xffff, v6;
	v56 =	vshll.u32 v56, $0x7;
	s12 =	smov.u32 s14;
	v60 =	vld.idx.msk [tilespmem:v60+s17+$0x0], $0xffff;
	v52 =	vmul.f32 $8.000000000e+00, v52;
	v47 =	vshll.u32 v48, $0x7  }
0x500: {  	v27 =	vmovc v32;
	v32 =	vmovc v55;
	v55 =	vmul.f32 $8.000000000e+00, v58;
	v58 =	vor.u32 s12, v15;
	v47 =	vand.u32 $0x1C00, v47;
	[tilespmem:v59+s21+$0x0] =	vst.idx.msk $0xffff, v57  }
0x501: {  	v57 =	vor.u32 v30, v54;
	v54 =	vor.u32 v31, v54;
	[tilespmem:v4+s21+$0x0] =	vst.idx.msk $0xffff, v52;
	v59 =	vld.idx.msk [tilespmem:v61+s17+$0x0], $0xffff  }
0x502: {  	s14 =	smov.u32 s5;
	v6 =	vor.u32 v58, v33;
	v61 =	vor.u32 v58, v27;
	v50 =	vld.idx.msk [tilespmem:v50+s17+$0x0], $0xffff;
	[tilespmem:v53+s21+$0x0] =	vst.idx.msk $0xffff, v55  }
0x503: {  	v58 =	vshll.u32 v58, $0x7;
	v53 =	vand.u32 $0x1C00, v56;
	v56 =	vor.u32 s14, v12;
	v55 =	vld.idx.msk [tilespmem:v62+s17+$0x0], $0xffff  }
0x504: {  	v58 =	vand.u32 $0x1C00, v58;
	v4 =	vor.u32 v5, v53;
	v52 =	vmul.f32 $8.000000000e+00, v60;
	v53 =	vld.idx.msk [tilespmem:v63+s17+$0x0], $0xffff  }
0x505: {  	v63 =	vld [tilespmem:$0x1FF30];
	v62 =	vor.u32 v16, v47;
	v47 =	vor.u32 v56, v32;
	v60 =	vor.u32 v45, v4  }
0x506: {  	[tilespmem:v38+s21+$0x0] =	vst.idx.msk $0xffff, v39;
	v39 =	vor.u32 v25, v41;
	v38 =	vor.u32 v3, v58  }
0x507: {  	v4 =	vor.u32 v34, v4;
	v44 =	vld.idx.msk [tilespmem:v44+s17+$0x0], $0xffff;
	[tilespmem:v54+s21+$0x0] =	vst.idx.msk $0xffff, v52;
	v41 =	vmul.f32 $8.000000000e+00, v50  }
0x508: {  	v52 =	vor.u32 v26, v62;
	v54 =	vor.u32 v56, v42;
	v26 =	vmovc v31;
	v31 =	vmovc v45;
	v59 =	vmul.f32 $8.000000000e+00, v59  }
0x509: {  	v45 =	vor.u32 v40, v28;
	v56 =	vshll.u32 v56, $0x7;
	v61 =	vld.idx.msk [tilespmem:v61+s17+$0x0], $0xffff;
	v40 =	vmul.f32 $8.000000000e+00, v55;
	[tilespmem:v2+s21+$0x0] =	vst.idx.msk $0xffff, v41  }
0x50a: {  	v50 =	vor.u32 s12, v63;
	v55 =	vor.u32 v26, v38;
	v53 =	vmul.f32 $8.000000000e+00, v53;
	[tilespmem:v60+s21+$0x0] =	vst.idx.msk $0xffff, v59  }
0x50b: {  	v41 =	vor.u32 v30, v38;
	v38 =	vor.u32 v25, v43;
	v60 =	vand.u32 $0x1C00, v56;
	v47 =	vld.idx.msk [tilespmem:v47+s17+$0x0], $0xffff  }
0x50c: {  	v58 =	vor.u32 v50, v27;
	[tilespmem:v4+s21+$0x0] =	vst.idx.msk $0xffff, v53;
	v2 =	vor.u32 v7, v60  }
0x50d: {  	v44 =	vmul.f32 $8.000000000e+00, v44;
	v4 =	vld.idx.msk [tilespmem:v51+s17+$0x0], $0xffff;
	v53 =	vor.u32 v34, v2;
	v2 =	vor.u32 v31, v2  }
0x50e: {  	[tilespmem:v52+s21+$0x0] =	vst.idx.msk $0xffff, v40;
	v40 =	vor.u32 v50, v33;
	v50 =	vshll.u32 v50, $0x7;
	v61 =	vmul.f32 $8.000000000e+00, v61;
	v52 =	vld.idx.msk [tilespmem:v54+s17+$0x0], $0xffff  }
0x50f: {  	v51 =	vmul.f32 $8.000000000e+00, v37;
	v37 =	vor.u32 v46, v28;
	[tilespmem:v39+s21+$0x0] =	vst.idx.msk $0xffff, v44;
	v44 =	vor.u32 v25, v49  }
0x510: {  	v54 =	vor.u32 s14, v19;
	v46 =	vor.u32 v48, v28;
	v45 =	vld.idx.msk [tilespmem:v45+s17+$0x0], $0xffff;
	[tilespmem:v55+s21+$0x0] =	vst.idx.msk $0xffff, v61;
	v60 =	vmul.f32 $8.000000000e+00, v47  }
0x511: {  	v56 =	vor.u32 v54, v42;
	v61 =	vand.u32 $0x1C00, v50;
	[tilespmem:v36+s21+$0x0] =	vst.idx.msk $0xffff, v51;
	v55 =	vld.idx.msk [tilespmem:v58+s17+$0x0], $0xffff  }
0x512: {  	v59 =	vor.u32 v54, v32;
	v39 =	vor.u32 v5, v61;
	[tilespmem:v2+s21+$0x0] =	vst.idx.msk $0xffff, v60;
	v2 =	vmul.f32 $8.000000000e+00, v4  }
0x513: {  	s18 =	sadd.s32 $0x2, s18;
	v58 =	vld.idx.msk [tilespmem:v35+s17+$0x0], $0xffff;
	v48 =	vor.u32 v26, v39;
	v47 =	vmul.f32 $8.000000000e+00, v52;
	v4 =	vor.u32 s12, v23  }
0x514: {  	p1 =	slt.u32 s18, $0x1E;
	v28 =	vmov v33;
	v54 =	vshll.u32 v54, $0x7;
	v60 =	vor.u32 v4, v27;
	[tilespmem:v57+s21+$0x0] =	vst.idx.msk $0xffff, v2  }
.Ltmp2:
0x515: {  	v33 =	vmovc v42;
	v42 =	vor.u32 v25, v62;
	v25 =	vmov v30;
	v61 =	vand.u32 $0x1C00, v54;
	[tilespmem:v53+s21+$0x0] =	vst.idx.msk $0xffff, v47;
	(pc) =	sbr.rel @p1 .LBB2_7-.Ltmp2, $4  }
0x516: {  	v36 =	vmovc v44;
	v35 =	vmovc v46;
	v43 =	vor.u32 v30, v39;
	v52 =	vor.u32 s14, v21;
	v47 =	vld.idx.msk [tilespmem:v6+s17+$0x0], $0xffff;
	v6 =	vmul.f32 $8.000000000e+00, v55  }
0x517: {  	v50 =	vor.u32 v52, v33;
	v54 =	vor.u32 v52, v32;
	v51 =	vld.idx.msk [tilespmem:v59+s17+$0x0], $0xffff;
	v39 =	vor.u32 v4, v28  }
0x518: {  	v45 =	vmul.f32 $8.000000000e+00, v45;
	v2 =	vor.u32 v9, v61;
	v44 =	vmul.f32 $8.000000000e+00, v58;
	v53 =	vld.idx.msk [tilespmem:v56+s17+$0x0], $0xffff;
	[tilespmem:v48+s21+$0x0] =	vst.idx.msk $0xffff, v6  }
0x519: {  	s3 =	sadd.s32 $0x20, s3;
	v30 =	vmovc v34;
	v49 =	vor.u32 v34, v2;
	v55 =	vor.u32 v31, v2;
	v48 =	vshll.u32 v4, $0x7;
	v46 =	vld.idx.msk [tilespmem:v60+s17+$0x0], $0xffff  }
0x51a: {  	_ =	sdelay $0x1  }
0x51b: {  	v2 =	vmul.f32 $8.000000000e+00, v51;
	_ =	sdelay $0x1  }
0x51c: {  	v4 =	vshll.u32 v52, $0x7;
	[tilespmem:v55+s21+$0x0] =	vst.idx.msk $0xffff, v2;
	v2 =	vmul.f32 $8.000000000e+00, v53  }
0x51d: {  	v4 =	vand.u32 $0x1C00, v4;
	v6 =	vld.idx.msk [tilespmem:v54+s17+$0x0], $0xffff  }
0x51e: {  	[tilespmem:v49+s21+$0x0] =	vst.idx.msk $0xffff, v2;
	v2 =	vor.u32 v11, v4  }
0x51f: {  	v24 =	vor.u32 s14, v17;
	v34 =	vor.u32 v31, v2  }
0x520: {  	v60 =	vor.u32 v24, v32;
	v4 =	vld.idx.msk [tilespmem:v50+s17+$0x0], $0xffff;
	_ =	sdelay $0x1  }
0x521: {  	v2 =	vor.u32 v30, v2;
	v6 =	vmul.f32 $8.000000000e+00, v6  }
0x522: {  	v61 =	vor.u32 v24, v33  }
0x523: {  	[tilespmem:v34+s21+$0x0] =	vst.idx.msk $0xffff, v6;
	v6 =	vshll.u32 v24, $0x7  }
0x524: {  	v4 =	vmul.f32 $8.000000000e+00, v4;
	v24 =	vld.idx.msk [tilespmem:v60+s17+$0x0], $0xffff;
	v6 =	vand.u32 $0x1C00, v6  }
0x525: {  	v6 =	vor.u32 v13, v6  }
0x526: {  	[tilespmem:v2+s21+$0x0] =	vst.idx.msk $0xffff, v4;
	v2 =	vor.u32 s14, v14;
	v4 =	vor.u32 v31, v6  }
0x527: {  	v62 =	vld.idx.msk [tilespmem:v61+s17+$0x0], $0xffff;
	v52 =	vor.u32 v2, v32;
	_ =	sdelay $0x1  }
0x528: {  	v6 =	vor.u32 v30, v6;
	v24 =	vmul.f32 $8.000000000e+00, v24  }
0x529: {  	v53 =	vor.u32 v2, v33  }
0x52a: {  	v2 =	vshll.u32 v2, $0x7;
	[tilespmem:v4+s21+$0x0] =	vst.idx.msk $0xffff, v24  }
0x52b: {  	v2 =	vand.u32 $0x1C00, v2;
	v4 =	vmul.f32 $8.000000000e+00, v62;
	v24 =	vld.idx.msk [tilespmem:v52+s17+$0x0], $0xffff  }
0x52c: {  	v2 =	vor.u32 v16, v2  }
0x52d: {  	[tilespmem:v6+s21+$0x0] =	vst.idx.msk $0xffff, v4;
	v4 =	vor.u32 s14, v22;
	v6 =	vor.u32 v31, v2  }
0x52e: {  	v54 =	vld.idx.msk [tilespmem:v53+s17+$0x0], $0xffff;
	v55 =	vor.u32 v4, v32;
	_ =	sdelay $0x1  }
0x52f: {  	v2 =	vor.u32 v30, v2;
	v24 =	vmul.f32 $8.000000000e+00, v24  }
0x530: {  	v56 =	vor.u32 v4, v33  }
0x531: {  	v4 =	vshll.u32 v4, $0x7;
	[tilespmem:v6+s21+$0x0] =	vst.idx.msk $0xffff, v24  }
0x532: {  	v4 =	vand.u32 $0x1C00, v4;
	v6 =	vmul.f32 $8.000000000e+00, v54;
	v24 =	vld.idx.msk [tilespmem:v55+s17+$0x0], $0xffff  }
0x533: {  	v4 =	vor.u32 v1, v4  }
0x534: {  	[tilespmem:v2+s21+$0x0] =	vst.idx.msk $0xffff, v6;
	v2 =	vor.u32 s14, v15;
	v6 =	vor.u32 v31, v4  }
0x535: {  	v57 =	vld.idx.msk [tilespmem:v56+s17+$0x0], $0xffff;
	v58 =	vor.u32 v2, v32;
	_ =	sdelay $0x1  }
0x536: {  	v4 =	vor.u32 v30, v4;
	v24 =	vmul.f32 $8.000000000e+00, v24  }
0x537: {  	v59 =	vor.u32 v2, v33  }
0x538: {  	v2 =	vshll.u32 v2, $0x7;
	[tilespmem:v6+s21+$0x0] =	vst.idx.msk $0xffff, v24  }
0x539: {  	v2 =	vand.u32 $0x1C00, v2;
	v6 =	vmul.f32 $8.000000000e+00, v57;
	v24 =	vld.idx.msk [tilespmem:v58+s17+$0x0], $0xffff  }
0x53a: {  	v2 =	vor.u32 v3, v2  }
0x53b: {  	[tilespmem:v4+s21+$0x0] =	vst.idx.msk $0xffff, v6;
	v4 =	vor.u32 s14, v63;
	v6 =	vor.u32 v31, v2  }
0x53c: {  	v60 =	vld.idx.msk [tilespmem:v59+s17+$0x0], $0xffff;
	v61 =	vor.u32 v4, v32;
	_ =	sdelay $0x1  }
0x53d: {  	v2 =	vor.u32 v30, v2;
	v24 =	vmul.f32 $8.000000000e+00, v24;
	_ =	sdelay $0x1  }
0x53e: {  	v62 =	vor.u32 v4, v33;
	v4 =	vshll.u32 v4, $0x7;
	[tilespmem:v6+s21+$0x0] =	vst.idx.msk $0xffff, v24  }
0x53f: {  	v4 =	vand.u32 $0x1C00, v4;
	v6 =	vmul.f32 $8.000000000e+00, v60;
	v24 =	vld.idx.msk [tilespmem:v61+s17+$0x0], $0xffff  }
0x540: {  	v4 =	vor.u32 v5, v4  }
0x541: {  	[tilespmem:v2+s21+$0x0] =	vst.idx.msk $0xffff, v6;
	v6 =	vor.u32 v31, v4  }
0x542: {  	v2 =	vor.u32 s14, v23  }
0x543: {  	v47 =	vmul.f32 $8.000000000e+00, v47;
	v53 =	vld.idx.msk [tilespmem:v62+s17+$0x0], $0xffff;
	v54 =	vor.u32 v2, v32  }
0x544: {  	v24 =	vmul.f32 $8.000000000e+00, v24  }
0x545: {  	[tilespmem:v41+s21+$0x0] =	vst.idx.msk $0xffff, v47;
	v4 =	vor.u32 v30, v4  }
0x546: {  	v52 =	vld.idx.msk [tilespmem:v40+s17+$0x0], $0xffff;
	[tilespmem:v6+s21+$0x0] =	vst.idx.msk $0xffff, v24  }
0x547: {  	v48 =	vand.u32 $0x1C00, v48;
	v55 =	vor.u32 v2, v33;
	v2 =	vshll.u32 v2, $0x7;
	v57 =	vld [tilespmem:$0x1FF40]  }
0x548: {  	v48 =	vor.u32 v7, v48;
	v2 =	vand.u32 $0x1C00, v2;
	v6 =	vmul.f32 $8.000000000e+00, v53;
	v58 =	vld.idx.msk [tilespmem:v54+s17+$0x0], $0xffff  }
0x549: {  	v56 =	vor.u32 v26, v48;
	v2 =	vor.u32 v7, v2  }
0x54a: {  	[tilespmem:v4+s21+$0x0] =	vst.idx.msk $0xffff, v6;
	v6 =	vor.u32 v31, v2  }
0x54b: {  	v34 =	vmul.f32 $8.000000000e+00, v52  }
0x54c: {  	v46 =	vmul.f32 $8.000000000e+00, v46  }
0x54d: {  	[tilespmem:v43+s21+$0x0] =	vst.idx.msk $0xffff, v34;
	v24 =	vor.u32 s12, v57;
	v34 =	vmul.f32 $8.000000000e+00, v58  }
0x54e: {  	[tilespmem:v56+s21+$0x0] =	vst.idx.msk $0xffff, v46;
	v39 =	vld.idx.msk [tilespmem:v39+s17+$0x0], $0xffff;
	v59 =	vor.u32 v24, v27  }
0x54f: {  	v60 =	vld.idx.msk [tilespmem:v55+s17+$0x0], $0xffff;
	v4 =	vor.u32 s14, v57;
	[tilespmem:v6+s21+$0x0] =	vst.idx.msk $0xffff, v34  }
0x550: {  	v61 =	vor.u32 v25, v48;
	v62 =	vor.u32 v4, v32;
	v56 =	vld [tilespmem:$0x1FF50]  }
0x551: {  	v2 =	vor.u32 v30, v2;
	v52 =	vor.u32 v24, v28  }
0x552: {  	v24 =	vshll.u32 v24, $0x7;
	v53 =	vor.u32 v4, v33  }
0x553: {  	v39 =	vmul.f32 $8.000000000e+00, v39;
	v24 =	vand.u32 $0x1C00, v24;
	v41 =	vld.idx.msk [tilespmem:v59+s17+$0x0], $0xffff  }
0x554: {  	v4 =	vshll.u32 v4, $0x7;
	v6 =	vmul.f32 $8.000000000e+00, v60;
	v24 =	vor.u32 v9, v24  }
0x555: {  	v4 =	vand.u32 $0x1C00, v4;
	[tilespmem:v61+s21+$0x0] =	vst.idx.msk $0xffff, v39;
	v60 =	vor.u32 v26, v24;
	v61 =	vld.idx.msk [tilespmem:v62+s17+$0x0], $0xffff;
	v59 =	vor.u32 s12, v56  }
0x556: {  	v4 =	vor.u32 v9, v4;
	[tilespmem:v2+s21+$0x0] =	vst.idx.msk $0xffff, v6;
	v47 =	vld.idx.msk [tilespmem:v52+s17+$0x0], $0xffff;
	v62 =	vor.u32 v59, v27  }
0x557: {  	v6 =	vor.u32 v31, v4;
	v40 =	vld.idx.msk [tilespmem:v53+s17+$0x0], $0xffff;
	v2 =	vor.u32 s14, v56  }
0x558: {  	v24 =	vor.u32 v25, v24;
	v52 =	vor.u32 v2, v32;
	v41 =	vmul.f32 $8.000000000e+00, v41  }
0x559: {  	v4 =	vor.u32 v30, v4;
	v53 =	vor.u32 v59, v28  }
0x55a: {  	v34 =	vshll.u32 v59, $0x7;
	v54 =	vor.u32 v2, v33;
	v39 =	vmul.f32 $8.000000000e+00, v61;
	[tilespmem:v60+s21+$0x0] =	vst.idx.msk $0xffff, v41  }
0x55b: {  	v34 =	vand.u32 $0x1C00, v34;
	v55 =	vmul.f32 $8.000000000e+00, v47;
	v43 =	vld.idx.msk [tilespmem:v62+s17+$0x0], $0xffff  }
0x55c: {  	v2 =	vshll.u32 v2, $0x7;
	v34 =	vor.u32 v11, v34;
	[tilespmem:v6+s21+$0x0] =	vst.idx.msk $0xffff, v39;
	v6 =	vmul.f32 $8.000000000e+00, v40  }
0x55d: {  	v58 =	vor.u32 s12, v20;
	v2 =	vand.u32 $0x1C00, v2;
	v59 =	vor.u32 v26, v34;
	[tilespmem:v24+s21+$0x0] =	vst.idx.msk $0xffff, v55;
	v24 =	vld.idx.msk [tilespmem:v52+s17+$0x0], $0xffff  }
0x55e: {  	v2 =	vor.u32 v11, v2;
	v60 =	vor.u32 v58, v27;
	v61 =	vld.idx.msk [tilespmem:v53+s17+$0x0], $0xffff;
	[tilespmem:v4+s21+$0x0] =	vst.idx.msk $0xffff, v6  }
0x55f: {  	v4 =	vor.u32 s14, v20;
	v6 =	vor.u32 v31, v2;
	v41 =	vld.idx.msk [tilespmem:v54+s17+$0x0], $0xffff  }
0x560: {  	v34 =	vor.u32 v25, v34;
	v62 =	vor.u32 v4, v32;
	v43 =	vmul.f32 $8.000000000e+00, v43  }
0x561: {  	v52 =	vor.u32 v58, v28;
	v2 =	vor.u32 v30, v2  }
0x562: {  	v39 =	vshll.u32 v58, $0x7;
	v53 =	vor.u32 v4, v33;
	v24 =	vmul.f32 $8.000000000e+00, v24;
	[tilespmem:v59+s21+$0x0] =	vst.idx.msk $0xffff, v43  }
0x563: {  	[tilespmem:v38+s21+$0x0] =	vst.idx.msk $0xffff, v45;
	v39 =	vand.u32 $0x1C00, v39;
	v55 =	vmul.f32 $8.000000000e+00, v61;
	v54 =	vld.idx.msk [tilespmem:v60+s17+$0x0], $0xffff  }
0x564: {  	v37 =	vld.idx.msk [tilespmem:v37+s17+$0x0], $0xffff;
	v39 =	vor.u32 v13, v39;
	v4 =	vshll.u32 v4, $0x7;
	[tilespmem:v6+s21+$0x0] =	vst.idx.msk $0xffff, v24;
	v6 =	vmul.f32 $8.000000000e+00, v41  }
0x565: {  	v58 =	vor.u32 v26, v39;
	v4 =	vand.u32 $0x1C00, v4;
	v24 =	vor.u32 s12, v18;
	[tilespmem:v34+s21+$0x0] =	vst.idx.msk $0xffff, v55;
	v59 =	vld.idx.msk [tilespmem:v62+s17+$0x0], $0xffff  }
0x566: {  	v4 =	vor.u32 v13, v4;
	v27 =	vor.u32 v24, v27;
	v43 =	vld.idx.msk [tilespmem:v52+s17+$0x0], $0xffff;
	[tilespmem:v2+s21+$0x0] =	vst.idx.msk $0xffff, v6  }
0x567: {  	v2 =	vor.u32 s14, v18;
	v6 =	vor.u32 v31, v4;
	v40 =	vld.idx.msk [tilespmem:v53+s17+$0x0], $0xffff  }
0x568: {  	v39 =	vor.u32 v25, v39;
	v60 =	vor.u32 v2, v32;
	v38 =	vmul.f32 $8.000000000e+00, v54  }
0x569: {  	v37 =	vmul.f32 $8.000000000e+00, v37;
	v28 =	vor.u32 v24, v28;
	v4 =	vor.u32 v30, v4  }
0x56a: {  	v24 =	vshll.u32 v24, $0x7;
	v61 =	vor.u32 v2, v33;
	v34 =	vmul.f32 $8.000000000e+00, v59;
	[tilespmem:v58+s21+$0x0] =	vst.idx.msk $0xffff, v38  }
0x56b: {  	[tilespmem:v36+s21+$0x0] =	vst.idx.msk $0xffff, v37;
	v24 =	vand.u32 $0x1C00, v24;
	v62 =	vmul.f32 $8.000000000e+00, v43;
	v27 =	vld.idx.msk [tilespmem:v27+s17+$0x0], $0xffff  }
0x56c: {  	v35 =	vld.idx.msk [tilespmem:v35+s17+$0x0], $0xffff;
	v24 =	vor.u32 v16, v24;
	v2 =	vshll.u32 v2, $0x7;
	[tilespmem:v6+s21+$0x0] =	vst.idx.msk $0xffff, v34;
	v6 =	vmul.f32 $8.000000000e+00, v40  }
0x56d: {  	v26 =	vor.u32 v26, v24;
	v2 =	vand.u32 $0x1C00, v2;
	[tilespmem:v39+s21+$0x0] =	vst.idx.msk $0xffff, v62;
	v32 =	vld.idx.msk [tilespmem:v60+s17+$0x0], $0xffff  }
0x56e: {  	v2 =	vor.u32 v16, v2;
	v28 =	vld.idx.msk [tilespmem:v28+s17+$0x0], $0xffff;
	[tilespmem:v4+s21+$0x0] =	vst.idx.msk $0xffff, v6  }
0x56f: {  	v4 =	vor.u32 v31, v2;
	v6 =	vld.idx.msk [tilespmem:v61+s17+$0x0], $0xffff  }
0x570: {  	v24 =	vor.u32 v25, v24;
	v27 =	vmul.f32 $8.000000000e+00, v27  }
0x571: {  	[tilespmem:v29+s21+$0x0] =	vst.idx.msk $0xffff, v44;
	v25 =	vmul.f32 $8.000000000e+00, v35;
	v2 =	vor.u32 v30, v2  }
0x572: {  	[tilespmem:v26+s21+$0x0] =	vst.idx.msk $0xffff, v27;
	v26 =	vmul.f32 $8.000000000e+00, v32  }
0x573: {  	[tilespmem:v42+s21+$0x0] =	vst.idx.msk $0xffff, v25;
	v25 =	vmul.f32 $8.000000000e+00, v28  }
0x574: {  	[tilespmem:v4+s21+$0x0] =	vst.idx.msk $0xffff, v26;
	v4 =	vmul.f32 $8.000000000e+00, v6  }
0x575: {  	[tilespmem:v24+s21+$0x0] =	vst.idx.msk $0xffff, v25  }
0x576: {  	[tilespmem:v2+s21+$0x0] =	vst.idx.msk $0xffff, v4  }
0x577: {  	v2 =	vld @!p0 [tilespmem:s31+$0x300];
	_ =	sdelay $0x4  }
0x578: {  	v2 =	vshra.s32 @!p0 v2, $0x1  }
0x579: {  	[tilespmem:$0x6500] =	vst @!p0 v2  }
0x57a: {  	v2 =	vld @!p0 [tilespmem:s31+$0x310];
	_ =	sdelay $0x4  }
0x57b: {  	v2 =	vshra.s32 @!p0 v2, $0x1  }
0x57c: {  	[tilespmem:$0x6510] =	vst @!p0 v2  }
0x57d: {  	v2 =	vld @!p0 [tilespmem:s31+$0x320];
	_ =	sdelay $0x4  }
0x57e: {  	v2 =	vshra.s32 @!p0 v2, $0x1  }
0x57f: {  	[tilespmem:$0x6520] =	vst @!p0 v2  }
0x580: {  	v2 =	vld @!p0 [tilespmem:s31+$0x330];
	_ =	sdelay $0x4  }
0x581: {  	v2 =	vshra.s32 @!p0 v2, $0x1  }
0x582: {  	[tilespmem:$0x6530] =	vst @!p0 v2  }
0x583: {  	v2 =	vld @!p0 [tilespmem:s31+$0x340];
	_ =	sdelay $0x4  }
0x584: {  	v2 =	vshra.s32 @!p0 v2, $0x1  }
0x585: {  	[tilespmem:$0x6540] =	vst @!p0 v2  }
0x586: {  	v2 =	vld @!p0 [tilespmem:s31+$0x350];
	_ =	sdelay $0x4  }
0x587: {  	v2 =	vshra.s32 @!p0 v2, $0x1  }
0x588: {  	[tilespmem:$0x6550] =	vst @!p0 v2  }
0x589: {  	v2 =	vld @!p0 [tilespmem:s31+$0x360];
	_ =	sdelay $0x4  }
0x58a: {  	v2 =	vshra.s32 @!p0 v2, $0x1  }
0x58b: {  	[tilespmem:$0x6560] =	vst @!p0 v2  }
0x58c: {  	v2 =	vld @!p0 [tilespmem:s31+$0x370];
	_ =	sdelay $0x3  }
0x58d: {  	s2 =	sshll.u32 s2, $0x12  }
0x58e: {  	s3 =	simm.s32 @!p0 $0x80;
	s5 =	simm.s32 @!p0 $0x6500;
	s2 =	sor.u32 s6, s2;
	v2 =	vshra.s32 @!p0 v2, $0x1  }
0x58f: {  	s0 =	sor.u32 $0x3, s0;
	s2 =	sshrl.u32 s2, $0x3;
	s12 =	simm.s32 @!p0 $0xE600;
	[tilespmem:$0x6570] =	vst @!p0 v2  }
0x590: {  	[tilespmem:s12], [sflag:$0x3] =	stream.indirect.gather @!p0 [hbm4b:s4+s3], $0x80, s5, s3, $0xb8;
	[tilespmem:$0x1A600] =	vst v63  }
0x591: {  	s2 =	sadd.s32 s1, s2;
	s14 =	sshll.u32 s0, $0x7  }
0x592: {  	[hbm4b:s2+s8] =	stream.strided.scatter [tilespmem:s21], [sflag:$0x5], $0x2000, s9, s8, $0x38;
	[tilespmem:$0x1A600] =	vst v63  }
0x593: {  	s2 =	sand.u32 $0x3FFFFF80, s14;
	_ =	swait.ge [sflag:s26], $0x4000  }
0x594: {  	v24 =	vmov s2;
	[sflag:s26] =	ssyncset.done $0x0  }
0x595: {  	[sflag:s26] =	ssyncadd.s32 $0xFFFFC000  }
0x596: {  	s16 =	simm.s32 $0x0;
	_ =	swait.ge [sflag:s28], $0x2000  }
0x597: {  	s18 =	sand.u32 $0x60, s16;
	[sflag:s28] =	ssyncset.done $0x0  }
0x598: {  	s14 =	sor.u32 $0x10, s18;
	[sflag:s28] =	ssyncadd.s32 $0xFFFFE000  }
0x599: {  	v2 =	vld.idx.msk [tilespmem:v24+s14+$0x0 ss:$0x1], $0xffff;
	_ =	sdelay $0x4  }
0x59a: {  	v31 =	vor.u32 s14, v0;
	v2 =	vshll.u32 v2, $0x6  }
0x59b: {  	s12 =	sand.u32 $0x30, s16;
	v4 =	vshll.u32 v31, $0x7;
	v2 =	vand.u32 $0x40, v2  }
0x59c: {  	v6 =	vor.u32 s12, v0;
	v32 =	vor.u32 v4, v2  }
0x59d: {  	v2 =	vor.u32 v6, v32;
	_ =	sdelay $0x3  }
0x59e: {  	v25 =	vshll.u32 v6, $0x7;
	v4 =	vld.idx.msk [tilespmem:v24+s18+$0x0 ss:$0x1], $0xffff  }
0x59f: {  	v25 =	vand.u32 $0x1C00, v25;
	v2 =	vld.idx.msk [tilespmem:v2+s19+$0x0], $0xffff  }
0x5a0: {  	v25 =	vor.u32 v1, v25  }
0x5a1: {  	v26 =	vor.u32 s12, v8;
	v27 =	vor.u32 v31, v25  }
0x5a2: {  	v28 =	vor.u32 v26, v32  }
0x5a3: {  	v29 =	vor.u32 s18, v0;
	v4 =	vshll.u32 v4, $0x6  }
0x5a4: {  	v30 =	vshll.u32 v29, $0x7;
	v4 =	vand.u32 $0x40, v4;
	v2 =	vmul.f32 $8.000000000e+00, v2  }
0x5a5: {  	v30 =	vor.u32 v30, v4  }
0x5a6: {  	v4 =	vor.u32 v6, v30;
	[tilespmem:v27+s23+$0x0] =	vst.idx.msk $0xffff, v2;
	v2 =	vshll.u32 v26, $0x7  }
0x5a7: {  	v6 =	vld.idx.msk [tilespmem:v28+s19+$0x0], $0xffff;
	v2 =	vand.u32 $0x1C00, v2  }
0x5a8: {  	v2 =	vor.u32 v3, v2  }
0x5a9: {  	v27 =	vor.u32 s12, v10;
	v28 =	vor.u32 v31, v2  }
0x5aa: {  	v38 =	vor.u32 v27, v32  }
0x5ab: {  	v4 =	vld.idx.msk [tilespmem:v4+s19+$0x0], $0xffff  }
0x5ac: {  	v6 =	vmul.f32 $8.000000000e+00, v6  }
0x5ad: {  	v25 =	vor.u32 v29, v25  }
0x5ae: {  	v26 =	vor.u32 v26, v30;
	[tilespmem:v28+s23+$0x0] =	vst.idx.msk $0xffff, v6;
	v6 =	vshll.u32 v27, $0x7  }
0x5af: {  	v28 =	vld.idx.msk [tilespmem:v38+s19+$0x0], $0xffff;
	v6 =	vand.u32 $0x1C00, v6  }
0x5b0: {  	v4 =	vmul.f32 $8.000000000e+00, v4;
	v6 =	vor.u32 v5, v6  }
0x5b1: {  	v39 =	vor.u32 s12, v12;
	v40 =	vor.u32 v31, v6  }
0x5b2: {  	v41 =	vor.u32 v39, v32;
	[tilespmem:v25+s23+$0x0] =	vst.idx.msk $0xffff, v4  }
0x5b3: {  	v4 =	vld.idx.msk [tilespmem:v26+s19+$0x0], $0xffff  }
0x5b4: {  	v25 =	vmul.f32 $8.000000000e+00, v28  }
0x5b5: {  	v2 =	vor.u32 v29, v2  }
0x5b6: {  	v26 =	vor.u32 v27, v30;
	[tilespmem:v40+s23+$0x0] =	vst.idx.msk $0xffff, v25;
	v25 =	vshll.u32 v39, $0x7  }
0x5b7: {  	v27 =	vld.idx.msk [tilespmem:v41+s19+$0x0], $0xffff;
	v25 =	vand.u32 $0x1C00, v25  }
0x5b8: {  	v4 =	vmul.f32 $8.000000000e+00, v4;
	v25 =	vor.u32 v7, v25  }
0x5b9: {  	v28 =	vor.u32 s12, v19;
	v42 =	vor.u32 v31, v25  }
0x5ba: {  	v43 =	vor.u32 v28, v32;
	[tilespmem:v2+s23+$0x0] =	vst.idx.msk $0xffff, v4  }
0x5bb: {  	v2 =	vld.idx.msk [tilespmem:v26+s19+$0x0], $0xffff  }
0x5bc: {  	v4 =	vmul.f32 $8.000000000e+00, v27  }
0x5bd: {  	v6 =	vor.u32 v29, v6  }
0x5be: {  	v26 =	vor.u32 v39, v30;
	[tilespmem:v42+s23+$0x0] =	vst.idx.msk $0xffff, v4;
	v4 =	vshll.u32 v28, $0x7  }
0x5bf: {  	v27 =	vld.idx.msk [tilespmem:v43+s19+$0x0], $0xffff;
	v4 =	vand.u32 $0x1C00, v4  }
0x5c0: {  	v2 =	vmul.f32 $8.000000000e+00, v2;
	v4 =	vor.u32 v9, v4  }
0x5c1: {  	v44 =	vor.u32 s12, v21;
	v45 =	vor.u32 v31, v4  }
0x5c2: {  	s16 =	simm.s32 $0x20;
	v46 =	vor.u32 v44, v32;
	[tilespmem:v6+s23+$0x0] =	vst.idx.msk $0xffff, v2  }
0x5c3: {  	s2 =	sand.u32 $0x60, s16;
	v2 =	vld.idx.msk [tilespmem:v26+s19+$0x0], $0xffff  }
0x5c4: {  	s18 =	sor.u32 $0x10, s2;
	v6 =	vmul.f32 $8.000000000e+00, v27  }
0x5c5: {  	v25 =	vor.u32 v29, v25;
	v26 =	vld.idx.msk [tilespmem:v24+s18+$0x0 ss:$0x1], $0xffff  }
0x5c6: {  	v47 =	vld.idx.msk [tilespmem:v24+s2+$0x0 ss:$0x1], $0xffff;
	v27 =	vor.u32 v28, v30;
	[tilespmem:v45+s23+$0x0] =	vst.idx.msk $0xffff, v6;
	v6 =	vshll.u32 v44, $0x7  }
0x5c7: {  	s3 =	simm.s32 $0x4;
	v28 =	vld.idx.msk [tilespmem:v46+s19+$0x0], $0xffff;
	v6 =	vand.u32 $0x1C00, v6  }
0x5c8: {  	v48 =	vor.u32 s12, v17;
	s16 =	sand.u32 $0x30, s3;
	v2 =	vmul.f32 $8.000000000e+00, v2;
	v6 =	vor.u32 v11, v6  }
0x5c9: {  	v34 =	vor.u32 s2, v0;
	v51 =	vor.u32 s16, v0;
	v49 =	vor.u32 v31, v6  }
0x5ca: {  	v50 =	vor.u32 v48, v32;
	v36 =	vor.u32 s18, v0;
	[tilespmem:v25+s23+$0x0] =	vst.idx.msk $0xffff, v2;
	v25 =	vshll.u32 v26, $0x6  }
0x5cb: {  	v35 =	vshll.u32 v47, $0x6;
	v25 =	vand.u32 $0x40, v25;
	v26 =	vld.idx.msk [tilespmem:v27+s19+$0x0], $0xffff;
	v27 =	vshll.u32 v36, $0x7  }
0x5cc: {  	v4 =	vor.u32 v29, v4;
	v37 =	vor.u32 v27, v25;
	v28 =	vmul.f32 $8.000000000e+00, v28  }
0x5cd: {  	v2 =	vshll.u32 v34, $0x7;
	v27 =	vand.u32 $0x40, v35;
	v25 =	vor.u32 v51, v37  }
0x5ce: {  	v33 =	vor.u32 v44, v30;
	v35 =	vor.u32 v2, v27;
	[tilespmem:v49+s23+$0x0] =	vst.idx.msk $0xffff, v28;
	v28 =	vshll.u32 v48, $0x7  }
0x5cf: {  	v27 =	vor.u32 v51, v35;
	v39 =	vld.idx.msk [tilespmem:v50+s19+$0x0], $0xffff;
	v2 =	vand.u32 $0x1C00, v28  }
0x5d0: {  	v26 =	vmul.f32 $8.000000000e+00, v26;
	v2 =	vor.u32 v13, v2  }
0x5d1: {  	v41 =	vshll.u32 v51, $0x7;
	v28 =	vor.u32 s12, v14;
	v52 =	vor.u32 v31, v2  }
0x5d2: {  	v53 =	vor.u32 v28, v32;
	[tilespmem:v4+s23+$0x0] =	vst.idx.msk $0xffff, v26;
	v4 =	vld.idx.msk [tilespmem:v25+s19+$0x0], $0xffff;
	v25 =	vand.u32 $0x1C00, v41  }
0x5d3: {  	v26 =	vld.idx.msk [tilespmem:v33+s19+$0x0], $0xffff;
	v25 =	vor.u32 v1, v25  }
0x5d4: {  	v55 =	vor.u32 s16, v8;
	v27 =	vld.idx.msk [tilespmem:v27+s19+$0x0], $0xffff;
	v58 =	vor.u32 v36, v25;
	v54 =	vmul.f32 $8.000000000e+00, v39  }
0x5d5: {  	v6 =	vor.u32 v29, v6;
	v59 =	vor.u32 v55, v37  }
0x5d6: {  	v38 =	vor.u32 v48, v30;
	v60 =	vshll.u32 v28, $0x7;
	v25 =	vor.u32 v34, v25;
	[tilespmem:v52+s23+$0x0] =	vst.idx.msk $0xffff, v54  }
0x5d7: {  	v61 =	vor.u32 v55, v35;
	v33 =	vand.u32 $0x1C00, v60;
	v4 =	vmul.f32 $8.000000000e+00, v4;
	v40 =	vld.idx.msk [tilespmem:v53+s19+$0x0], $0xffff  }
0x5d8: {  	v62 =	vor.u32 s12, v22;
	v33 =	vor.u32 v16, v33;
	v26 =	vmul.f32 $8.000000000e+00, v26  }
0x5d9: {  	v48 =	vor.u32 v31, v33;
	[tilespmem:v58+s23+$0x0] =	vst.idx.msk $0xffff, v4;
	v4 =	vmul.f32 $8.000000000e+00, v27;
	v27 =	vshll.u32 v55, $0x7  }
0x5da: {  	v49 =	vor.u32 v62, v32;
	[tilespmem:v6+s23+$0x0] =	vst.idx.msk $0xffff, v26;
	v6 =	vld.idx.msk [tilespmem:v59+s19+$0x0], $0xffff;
	v26 =	vand.u32 $0x1C00, v27  }
0x5db: {  	v27 =	vld.idx.msk [tilespmem:v38+s19+$0x0], $0xffff;
	[tilespmem:v25+s23+$0x0] =	vst.idx.msk $0xffff, v4;
	v4 =	vor.u32 v3, v26  }
0x5dc: {  	v50 =	vor.u32 s16, v10;
	v26 =	vld.idx.msk [tilespmem:v61+s19+$0x0], $0xffff;
	v51 =	vor.u32 v36, v4;
	v25 =	vmul.f32 $8.000000000e+00, v40  }
0x5dd: {  	v57 =	vor.u32 s12, v57;
	v2 =	vor.u32 v29, v2;
	v52 =	vor.u32 v50, v37  }
0x5de: {  	v28 =	vor.u32 v28, v30;
	v4 =	vor.u32 v34, v4;
	[tilespmem:v48+s23+$0x0] =	vst.idx.msk $0xffff, v25;
	v25 =	vshll.u32 v62, $0x7  }
0x5df: {  	v53 =	vor.u32 v50, v35;
	v6 =	vmul.f32 $8.000000000e+00, v6;
	v39 =	vld.idx.msk [tilespmem:v49+s19+$0x0], $0xffff;
	v25 =	vand.u32 $0x1C00, v25  }
0x5e0: {  	v54 =	vor.u32 s12, v15;
	v27 =	vmul.f32 $8.000000000e+00, v27;
	v25 =	vor.u32 v1, v25  }
0x5e1: {  	[tilespmem:v51+s23+$0x0] =	vst.idx.msk $0xffff, v6;
	v6 =	vmul.f32 $8.000000000e+00, v26;
	v26 =	vshll.u32 v50, $0x7;
	v55 =	vor.u32 v31, v25  }
0x5e2: {  	v47 =	vshll.u32 v57, $0x7;
	v58 =	vor.u32 v54, v32;
	v40 =	vld.idx.msk [tilespmem:v52+s19+$0x0], $0xffff;
	v26 =	vand.u32 $0x1C00, v26;
	[tilespmem:v2+s23+$0x0] =	vst.idx.msk $0xffff, v27  }
0x5e3: {  	v47 =	vand.u32 $0x1C00, v47;
	[tilespmem:v4+s23+$0x0] =	vst.idx.msk $0xffff, v6;
	v2 =	vor.u32 v5, v26;
	v4 =	vld.idx.msk [tilespmem:v28+s19+$0x0], $0xffff  }
0x5e4: {  	v27 =	vor.u32 s16, v12;
	v26 =	vld.idx.msk [tilespmem:v53+s19+$0x0], $0xffff;
	v28 =	vor.u32 v36, v2;
	v6 =	vmul.f32 $8.000000000e+00, v39  }
0x5e5: {  	v47 =	vor.u32 v9, v47;
	v59 =	vor.u32 v27, v37  }
0x5e6: {  	v33 =	vor.u32 v29, v33;
	v2 =	vor.u32 v34, v2;
	[tilespmem:v55+s23+$0x0] =	vst.idx.msk $0xffff, v6;
	v6 =	vshll.u32 v54, $0x7  }
0x5e7: {  	v61 =	vor.u32 v27, v35;
	v40 =	vmul.f32 $8.000000000e+00, v40;
	v38 =	vld.idx.msk [tilespmem:v58+s19+$0x0], $0xffff;
	v6 =	vand.u32 $0x1C00, v6  }
0x5e8: {  	v60 =	vor.u32 v62, v30;
	v62 =	vor.u32 s12, v63;
	v6 =	vor.u32 v3, v6  }
0x5e9: {  	v27 =	vshll.u32 v27, $0x7;
	[tilespmem:v28+s23+$0x0] =	vst.idx.msk $0xffff, v40;
	v26 =	vmul.f32 $8.000000000e+00, v26;
	v48 =	vor.u32 v31, v6  }
0x5ea: {  	v27 =	vand.u32 $0x1C00, v27;
	v4 =	vmul.f32 $8.000000000e+00, v4;
	v28 =	vor.u32 v62, v32;
	v39 =	vld.idx.msk [tilespmem:v59+s19+$0x0], $0xffff  }
0x5eb: {  	v51 =	vor.u32 v54, v30;
	[tilespmem:v2+s23+$0x0] =	vst.idx.msk $0xffff, v26;
	v2 =	vor.u32 v7, v27  }
0x5ec: {  	v49 =	vor.u32 s16, v19;
	[tilespmem:v33+s23+$0x0] =	vst.idx.msk $0xffff, v4;
	v27 =	vld.idx.msk [tilespmem:v61+s19+$0x0], $0xffff;
	v50 =	vor.u32 v36, v2;
	v26 =	vmul.f32 $8.000000000e+00, v38  }
0x5ed: {  	v44 =	vor.u32 v62, v30;
	v52 =	vor.u32 v49, v37;
	v25 =	vor.u32 v29, v25;
	v4 =	vld.idx.msk [tilespmem:v60+s19+$0x0], $0xffff  }
0x5ee: {  	v53 =	vor.u32 v49, v35;
	v2 =	vor.u32 v34, v2;
	[tilespmem:v48+s23+$0x0] =	vst.idx.msk $0xffff, v26;
	v26 =	vshll.u32 v62, $0x7  }
0x5ef: {  	v54 =	vor.u32 s12, v23;
	v39 =	vmul.f32 $8.000000000e+00, v39;
	v28 =	vld.idx.msk [tilespmem:v28+s19+$0x0], $0xffff;
	v26 =	vand.u32 $0x1C00, v26  }
0x5f0: {  	v58 =	vor.u32 v54, v32;
	v40 =	vor.u32 v54, v30;
	v26 =	vor.u32 v5, v26  }
0x5f1: {  	v33 =	vshll.u32 v49, $0x7;
	[tilespmem:v50+s23+$0x0] =	vst.idx.msk $0xffff, v39;
	v27 =	vmul.f32 $8.000000000e+00, v27;
	v55 =	vor.u32 v31, v26  }
0x5f2: {  	v6 =	vor.u32 v29, v6;
	v33 =	vand.u32 $0x1C00, v33;
	v4 =	vmul.f32 $8.000000000e+00, v4;
	v59 =	vld.idx.msk [tilespmem:v52+s19+$0x0], $0xffff  }
0x5f3: {  	s5 =	simm.s32 $0x40;
	v38 =	vor.u32 v29, v26;
	[tilespmem:v2+s23+$0x0] =	vst.idx.msk $0xffff, v27;
	v2 =	vor.u32 v9, v33  }
0x5f4: {  	s2 =	sand.u32 $0x60, s5;
	[tilespmem:v25+s23+$0x0] =	vst.idx.msk $0xffff, v4;
	v27 =	vor.u32 s16, v21;
	v26 =	vld.idx.msk [tilespmem:v53+s19+$0x0], $0xffff;
	v4 =	vmul.f32 $8.000000000e+00, v28;
	v28 =	vor.u32 v36, v2  }
0x5f5: {  	v50 =	vor.u32 s12, v56;
	v25 =	vor.u32 s2, v0;
	v60 =	vld.idx.msk [tilespmem:v51+s19+$0x0], $0xffff;
	v61 =	vor.u32 v27, v37  }
0x5f6: {  	v46 =	vshll.u32 v25, $0x7;
	v2 =	vor.u32 v34, v2;
	[tilespmem:v55+s23+$0x0] =	vst.idx.msk $0xffff, v4;
	v4 =	vshll.u32 v54, $0x7  }
0x5f7: {  	v33 =	vor.u32 v57, v30;
	v54 =	vmul.f32 $8.000000000e+00, v59;
	v53 =	vld.idx.msk [tilespmem:v58+s19+$0x0], $0xffff;
	v4 =	vand.u32 $0x1C00, v4  }
0x5f8: {  	v51 =	vor.u32 s16, v17;
	v62 =	vor.u32 v27, v35;
	v55 =	vld.idx.msk [tilespmem:v24+s2+$0x0 ss:$0x1], $0xffff;
	s2 =	sor.u32 $0x10, s2;
	v4 =	vor.u32 v7, v4  }
0x5f9: {  	v27 =	vshll.u32 v27, $0x7;
	v59 =	vld.idx.msk [tilespmem:v24+s2+$0x0 ss:$0x1], $0xffff;
	v26 =	vmul.f32 $8.000000000e+00, v26;
	v58 =	vor.u32 v31, v4;
	[tilespmem:v28+s23+$0x0] =	vst.idx.msk $0xffff, v54  }
0x5fa: {  	v27 =	vand.u32 $0x1C00, v27;
	v60 =	vmul.f32 $8.000000000e+00, v60;
	v28 =	vor.u32 v57, v32;
	v41 =	vld.idx.msk [tilespmem:v61+s19+$0x0], $0xffff  }
0x5fb: {  	s14 =	simm.s32 $0x8;
	v39 =	vor.u32 v29, v4;
	v4 =	vor.u32 v11, v27;
	[tilespmem:v2+s23+$0x0] =	vst.idx.msk $0xffff, v26;
	v26 =	vor.u32 s2, v0  }
0x5fc: {  	s2 =	sand.u32 $0x30, s14;
	v43 =	vor.u32 v34, v4;
	v4 =	vor.u32 v36, v4;
	v27 =	vmul.f32 $8.000000000e+00, v53  }
0x5fd: {  	[tilespmem:v6+s23+$0x0] =	vst.idx.msk $0xffff, v60;
	v57 =	vor.u32 v31, v47;
	v61 =	vor.u32 v51, v37;
	v6 =	vor.u32 s2, v0  }
0x5fe: {  	v52 =	vor.u32 s2, v8;
	v2 =	vshll.u32 v55, $0x6;
	[tilespmem:v58+s23+$0x0] =	vst.idx.msk $0xffff, v27;
	v27 =	vshll.u32 v59, $0x6  }
0x5ff: {  	v48 =	vld.idx.msk [tilespmem:v28+s19+$0x0], $0xffff;
	v27 =	vand.u32 $0x40, v27;
	v28 =	vshll.u32 v26, $0x7;
	v41 =	vmul.f32 $8.000000000e+00, v41  }
0x600: {  	v42 =	vld.idx.msk [tilespmem:v62+s19+$0x0], $0xffff;
	v2 =	vand.u32 $0x40, v2;
	v58 =	vor.u32 v50, v32;
	v27 =	vor.u32 v28, v27  }
0x601: {  	v28 =	vor.u32 v46, v2;
	v62 =	vor.u32 v6, v27;
	[tilespmem:v4+s23+$0x0] =	vst.idx.msk $0xffff, v41;
	v4 =	vshll.u32 v51, $0x7  }
0x602: {  	v59 =	vor.u32 v6, v28;
	v6 =	vshll.u32 v6, $0x7;
	v4 =	vand.u32 $0x1C00, v4  }
0x603: {  	v45 =	vld.idx.msk [tilespmem:v61+s19+$0x0], $0xffff;
	v6 =	vand.u32 $0x1C00, v6;
	v61 =	vshll.u32 v50, $0x7;
	v4 =	vor.u32 v13, v4  }
0x604: {  	v6 =	vor.u32 v1, v6;
	v46 =	vand.u32 $0x1C00, v61;
	v60 =	vmul.f32 $8.000000000e+00, v48  }
0x605: {  	v48 =	vor.u32 v51, v35;
	v51 =	vor.u32 s16, v14;
	v53 =	vor.u32 v36, v4  }
0x606: {  	v4 =	vor.u32 v34, v4;
	v46 =	vor.u32 v11, v46;
	v54 =	vor.u32 v51, v37;
	v49 =	vld.idx.msk [tilespmem:v62+s19+$0x0], $0xffff  }
0x607: {  	v2 =	vmul.f32 $8.000000000e+00, v42;
	v61 =	vshll.u32 v51, $0x7;
	v51 =	vor.u32 v51, v35;
	[tilespmem:v57+s23+$0x0] =	vst.idx.msk $0xffff, v60;
	v42 =	vld.idx.msk [tilespmem:v59+s19+$0x0], $0xffff  }
0x608: {  	v62 =	vor.u32 v26, v6;
	v60 =	vor.u32 v52, v27;
	v41 =	vld.idx.msk [tilespmem:v58+s19+$0x0], $0xffff;
	v45 =	vmul.f32 $8.000000000e+00, v45  }
0x609: {  	v44 =	vld.idx.msk [tilespmem:v44+s19+$0x0], $0xffff;
	v57 =	vor.u32 s12, v20;
	v6 =	vor.u32 v25, v6;
	v59 =	vor.u32 v52, v28  }
0x60a: {  	v58 =	vor.u32 v31, v46;
	[tilespmem:v53+s23+$0x0] =	vst.idx.msk $0xffff, v45;
	v53 =	vor.u32 v57, v32;
	v45 =	vand.u32 $0x1C00, v61  }
0x60b: {  	v61 =	vshll.u32 v57, $0x7;
	v45 =	vor.u32 v16, v45;
	v49 =	vmul.f32 $8.000000000e+00, v49  }
0x60c: {  	[tilespmem:v43+s23+$0x0] =	vst.idx.msk $0xffff, v2;
	v54 =	vld.idx.msk [tilespmem:v54+s19+$0x0], $0xffff;
	v56 =	vand.u32 $0x1C00, v61;
	v2 =	vor.u32 v34, v45;
	v42 =	vmul.f32 $8.000000000e+00, v42  }
0x60d: {  	v48 =	vld.idx.msk [tilespmem:v48+s19+$0x0], $0xffff;
	v45 =	vor.u32 v36, v45;
	v41 =	vmul.f32 $8.000000000e+00, v41;
	[tilespmem:v62+s23+$0x0] =	vst.idx.msk $0xffff, v49;
	v62 =	vshll.u32 v52, $0x7  }
0x60e: {  	v43 =	vor.u32 s16, v22;
	v56 =	vor.u32 v13, v56;
	[tilespmem:v6+s23+$0x0] =	vst.idx.msk $0xffff, v42;
	v55 =	vld.idx.msk [tilespmem:v60+s19+$0x0], $0xffff;
	v60 =	vand.u32 $0x1C00, v62  }
0x60f: {  	v44 =	vmul.f32 $8.000000000e+00, v44;
	v52 =	vor.u32 v43, v37;
	[tilespmem:v58+s23+$0x0] =	vst.idx.msk $0xffff, v41;
	v41 =	vor.u32 v3, v60  }
0x610: {  	v49 =	vor.u32 v43, v35;
	v6 =	vor.u32 s2, v10;
	v58 =	vld.idx.msk [tilespmem:v59+s19+$0x0], $0xffff;
	v42 =	vor.u32 v26, v41  }
0x611: {  	v43 =	vshll.u32 v43, $0x7;
	v59 =	vor.u32 v6, v27;
	v53 =	vld.idx.msk [tilespmem:v53+s19+$0x0], $0xffff;
	v54 =	vmul.f32 $8.000000000e+00, v54  }
0x612: {  	[tilespmem:v38+s23+$0x0] =	vst.idx.msk $0xffff, v44;
	v61 =	vor.u32 v31, v56;
	v43 =	vand.u32 $0x1C00, v43;
	v38 =	vmul.f32 $8.000000000e+00, v48  }
0x613: {  	v60 =	vor.u32 s12, v18;
	v43 =	vor.u32 v1, v43;
	[tilespmem:v45+s23+$0x0] =	vst.idx.msk $0xffff, v54;
	v62 =	vmul.f32 $8.000000000e+00, v55  }
0x614: {  	v41 =	vor.u32 v25, v41;
	v48 =	vor.u32 v34, v43;
	v43 =	vor.u32 v36, v43;
	v45 =	vld.idx.msk [tilespmem:v52+s19+$0x0], $0xffff  }
0x615: {  	v40 =	vld.idx.msk [tilespmem:v40+s19+$0x0], $0xffff;
	v52 =	vor.u32 v6, v28;
	v6 =	vshll.u32 v6, $0x7;
	v58 =	vmul.f32 $8.000000000e+00, v58;
	[tilespmem:v42+s23+$0x0] =	vst.idx.msk $0xffff, v62  }
0x616: {  	v44 =	vmul.f32 $8.000000000e+00, v53;
	v53 =	vor.u32 s16, v15;
	v62 =	vld.idx.msk [tilespmem:v59+s19+$0x0], $0xffff;
	v59 =	vshll.u32 v60, $0x7  }
0x617: {  	[tilespmem:v4+s23+$0x0] =	vst.idx.msk $0xffff, v38;
	v6 =	vand.u32 $0x1C00, v6;
	v54 =	vor.u32 v53, v37;
	v38 =	vand.u32 $0x1C00, v59  }
0x618: {  	v6 =	vor.u32 v5, v6;
	[tilespmem:v61+s23+$0x0] =	vst.idx.msk $0xffff, v44;
	v44 =	vld.idx.msk [tilespmem:v51+s19+$0x0], $0xffff;
	v51 =	vor.u32 v16, v38  }
0x619: {  	[tilespmem:v41+s23+$0x0] =	vst.idx.msk $0xffff, v58;
	v42 =	vor.u32 v26, v6;
	v45 =	vmul.f32 $8.000000000e+00, v45;
	v31 =	vor.u32 v31, v51  }
0x61a: {  	v40 =	vmul.f32 $8.000000000e+00, v40;
	v32 =	vor.u32 v60, v32;
	v41 =	vor.u32 s2, v12;
	v52 =	vld.idx.msk [tilespmem:v52+s19+$0x0], $0xffff;
	[tilespmem:$0x1FDD0] =	vst v31  }
0x61b: {  	v6 =	vor.u32 v25, v6;
	v58 =	vor.u32 v41, v27;
	v61 =	vshll.u32 v53, $0x7;
	[tilespmem:v43+s23+$0x0] =	vst.idx.msk $0xffff, v45  }
0x61c: {  	v31 =	vor.u32 v41, v28;
	v62 =	vmul.f32 $8.000000000e+00, v62;
	v43 =	vand.u32 $0x1C00, v61;
	v45 =	vld.idx.msk [tilespmem:v54+s19+$0x0], $0xffff  }
0x61d: {  	[tilespmem:v39+s23+$0x0] =	vst.idx.msk $0xffff, v40;
	v39 =	vor.u32 v29, v47;
	v38 =	vor.u32 v3, v43  }
0x61e: {  	v44 =	vmul.f32 $8.000000000e+00, v44;
	v33 =	vld.idx.msk [tilespmem:v33+s19+$0x0], $0xffff;
	[tilespmem:v42+s23+$0x0] =	vst.idx.msk $0xffff, v62;
	v42 =	vor.u32 s16, v63;
	v47 =	vor.u32 v36, v38  }
0x61f: {  	v41 =	vshll.u32 v41, $0x7;
	v61 =	vor.u32 v42, v37  }
0x620: {  	v41 =	vand.u32 $0x1C00, v41;
	v59 =	vmul.f32 $8.000000000e+00, v52;
	[tilespmem:v2+s23+$0x0] =	vst.idx.msk $0xffff, v44;
	v2 =	vld.idx.msk [tilespmem:v32+s19+$0x0], $0xffff  }
0x621: {  	v62 =	vor.u32 v7, v41;
	v52 =	vld.idx.msk [tilespmem:v58+s19+$0x0], $0xffff;
	v63 =	vmul.f32 $8.000000000e+00, v45  }
0x622: {  	[tilespmem:v6+s23+$0x0] =	vst.idx.msk $0xffff, v59;
	v6 =	vld.idx.msk [tilespmem:v49+s19+$0x0], $0xffff;
	v58 =	vor.u32 v26, v62  }
0x623: {  	v59 =	vor.u32 v57, v30;
	v31 =	vld.idx.msk [tilespmem:v31+s19+$0x0], $0xffff;
	v33 =	vmul.f32 $8.000000000e+00, v33;
	[tilespmem:v47+s23+$0x0] =	vst.idx.msk $0xffff, v63  }
0x624: {  	v41 =	vor.u32 v29, v46;
	v46 =	vld.idx.msk [tilespmem:v61+s19+$0x0], $0xffff;
	[tilespmem:$0x1FDB0] =	vst v59  }
0x625: {  	v63 =	vor.u32 v29, v56;
	[tilespmem:v39+s23+$0x0] =	vst.idx.msk $0xffff, v33  }
0x626: {  	v43 =	vor.u32 v50, v30;
	v30 =	vor.u32 v60, v30;
	v61 =	vmul.f32 $8.000000000e+00, v52;
	[tilespmem:$0x1FDF0] =	vst v63  }
0x627: {  	[tilespmem:$0x1FE00] =	vst v30  }
0x628: {  	v44 =	vor.u32 s2, v19;
	v54 =	vor.u32 v42, v35;
	v42 =	vshll.u32 v42, $0x7;
	[tilespmem:v58+s23+$0x0] =	vst.idx.msk $0xffff, v61  }
0x629: {  	v49 =	vor.u32 v25, v62;
	v50 =	vor.u32 v44, v27;
	v62 =	vand.u32 $0x1C00, v42;
	v56 =	vld [tilespmem:$0x1FF60]  }
0x62a: {  	v39 =	vor.u32 v5, v62  }
0x62b: {  	v55 =	vor.u32 v44, v28;
	v6 =	vmul.f32 $8.000000000e+00, v6;
	v52 =	vor.u32 v36, v39  }
0x62c: {  	v2 =	vmul.f32 $8.000000000e+00, v2  }
0x62d: {  	v4 =	vor.u32 v53, v35;
	v31 =	vmul.f32 $8.000000000e+00, v31;
	v30 =	vld.idx.msk [tilespmem:v43+s19+$0x0], $0xffff;
	v58 =	vshll.u32 v44, $0x7;
	[tilespmem:v48+s23+$0x0] =	vst.idx.msk $0xffff, v6  }
0x62e: {  	v50 =	vld.idx.msk [tilespmem:v50+s19+$0x0], $0xffff;
	v44 =	vand.u32 $0x1C00, v58;
	[tilespmem:$0x1FDE0] =	vst v2;
	v6 =	vmul.f32 $8.000000000e+00, v46;
	v57 =	vor.u32 s16, v56  }
0x62f: {  	v2 =	vor.u32 v9, v44;
	[tilespmem:v49+s23+$0x0] =	vst.idx.msk $0xffff, v31;
	v59 =	vor.u32 v57, v37  }
0x630: {  	v33 =	vor.u32 v25, v2;
	v2 =	vor.u32 v26, v2;
	v31 =	vld.idx.msk [tilespmem:v55+s19+$0x0], $0xffff;
	[tilespmem:v52+s23+$0x0] =	vst.idx.msk $0xffff, v6  }
0x631: {  	v63 =	vld [tilespmem:$0x1FF40]  }
0x632: {  	v32 =	vor.u32 v34, v38;
	v60 =	vor.u32 s2, v21  }
0x633: {  	s18 =	simm.s32 $0x60;
	v4 =	vld.idx.msk [tilespmem:v4+s19+$0x0], $0xffff;
	v55 =	vor.u32 v60, v27;
	v61 =	vmul.f32 $8.000000000e+00, v50;
	v6 =	vshll.u32 v57, $0x7  }
0x634: {  	s3 =	sand.u32 $0x60, s18;
	v48 =	vor.u32 v34, v39;
	v44 =	vmul.f32 $8.000000000e+00, v30;
	v6 =	vand.u32 $0x1C00, v6;
	v52 =	vld.idx.msk [tilespmem:v59+s19+$0x0], $0xffff  }
0x635: {  	v62 =	vld.idx.msk [tilespmem:v24+s3+$0x0 ss:$0x1], $0xffff;
	v30 =	vor.u32 s3, v0;
	s3 =	sor.u32 $0x10, s3;
	[tilespmem:v2+s23+$0x0] =	vst.idx.msk $0xffff, v61;
	v6 =	vor.u32 v7, v6;
	v2 =	vmul.f32 $8.000000000e+00, v31  }
0x636: {  	v42 =	vld.idx.msk [tilespmem:v24+s3+$0x0 ss:$0x1], $0xffff;
	v31 =	vshll.u32 v60, $0x7;
	v39 =	vor.u32 s16, v63;
	v40 =	vor.u32 v36, v6  }
0x637: {  	v38 =	vmovc v35;
	v35 =	vmovc v34;
	v49 =	vor.u32 v60, v28;
	v61 =	vld [tilespmem:$0x1FFF0];
	v31 =	vand.u32 $0x1C00, v31;
	v60 =	vor.u32 v39, v37  }
0x638: {  	v55 =	vld.idx.msk [tilespmem:v55+s19+$0x0], $0xffff;
	v46 =	vor.u32 v35, v6;
	v6 =	vor.u32 v11, v31;
	v31 =	vor.u32 v39, v38  }
0x639: {  	v29 =	vor.u32 v29, v51;
	[tilespmem:$0x1FDC0] =	vst v31;
	v31 =	vmul.f32 $8.000000000e+00, v52  }
0x63a: {  	v4 =	vmul.f32 $8.000000000e+00, v4;
	[tilespmem:v33+s23+$0x0] =	vst.idx.msk $0xffff, v2;
	v52 =	vor.u32 v25, v6;
	v6 =	vor.u32 v26, v6  }
0x63b: {  	v51 =	vshll.u32 v30, $0x7;
	v47 =	vor.u32 v57, v38;
	v63 =	vshll.u32 v39, $0x7;
	[tilespmem:v40+s23+$0x0] =	vst.idx.msk $0xffff, v31  }
0x63c: {  	v34 =	vshll.u32 v42, $0x6;
	v50 =	vand.u32 $0x1C00, v63;
	[tilespmem:v32+s23+$0x0] =	vst.idx.msk $0xffff, v4;
	v59 =	vor.u32 s2, v61;
	v56 =	vld.idx.msk [tilespmem:v60+s19+$0x0], $0xffff  }
0x63d: {  	v43 =	vmovc v38;
	v2 =	vshll.u32 v62, $0x6;
	v55 =	vmul.f32 $8.000000000e+00, v55;
	v62 =	vor.u32 v59, v27;
	v38 =	vld [tilespmem:$0x1FF50]  }
0x63e: {  	s14 =	simm.s32 $0xC;
	v45 =	vmovc v35;
	v53 =	vand.u32 $0x40, v34;
	v50 =	vor.u32 v9, v50;
	v31 =	vor.u32 s3, v0  }
0x63f: {  	s12 =	sand.u32 $0x30, s14;
	v49 =	vld.idx.msk [tilespmem:v49+s19+$0x0], $0xffff;
	v39 =	vor.u32 v36, v50;
	v2 =	vand.u32 $0x40, v2;
	v35 =	vshll.u32 v31, $0x7;
	[tilespmem:v6+s23+$0x0] =	vst.idx.msk $0xffff, v55  }
0x640: {  	v4 =	vor.u32 s12, v0;
	v33 =	vor.u32 v51, v2;
	v32 =	vor.u32 v35, v53;
	v2 =	vld [tilespmem:$0x1FFC0]  }
0x641: {  	v40 =	vor.u32 v4, v33;
	v53 =	vld.idx.msk [tilespmem:v54+s19+$0x0], $0xffff;
	v54 =	vor.u32 v4, v32;
	v6 =	vshll.u32 v59, $0x7  }
0x642: {  	v60 =	vld.idx.msk [tilespmem:v62+s19+$0x0], $0xffff;
	v6 =	vand.u32 $0x1C00, v6;
	v57 =	vor.u32 s16, v38;
	v42 =	vmul.f32 $8.000000000e+00, v56  }
0x643: {  	v6 =	vor.u32 v13, v6;
	v55 =	vor.u32 v57, v37  }
0x644: {  	v4 =	vshll.u32 v4, $0x7;
	v61 =	vor.u32 v26, v6;
	[tilespmem:v39+s23+$0x0] =	vst.idx.msk $0xffff, v42  }
0x645: {  	v4 =	vand.u32 $0x1C00, v4;
	v56 =	vor.u32 v59, v28;
	v59 =	vor.u32 s2, v2;
	v2 =	vld [tilespmem:$0x1FFE0]  }
0x646: {  	v35 =	vmul.f32 $8.000000000e+00, v49;
	v4 =	vor.u32 v1, v4;
	v49 =	vld.idx.msk [tilespmem:v40+s19+$0x0], $0xffff;
	v38 =	vor.u32 v25, v6  }
0x647: {  	v63 =	vor.u32 v31, v4;
	v34 =	vshll.u32 v57, $0x7;
	v54 =	vld.idx.msk [tilespmem:v54+s19+$0x0], $0xffff;
	v39 =	vmul.f32 $8.000000000e+00, v60  }
0x648: {  	v4 =	vor.u32 v30, v4;
	v51 =	vand.u32 $0x1C00, v34;
	[tilespmem:v52+s23+$0x0] =	vst.idx.msk $0xffff, v35;
	v55 =	vld.idx.msk [tilespmem:v55+s19+$0x0], $0xffff  }
0x649: {  	v60 =	vor.u32 s12, v8;
	v51 =	vor.u32 v11, v51;
	v62 =	vor.u32 v59, v27;
	[tilespmem:v61+s23+$0x0] =	vst.idx.msk $0xffff, v39  }
0x64a: {  	v6 =	vor.u32 v60, v32;
	v35 =	vld [tilespmem:$0x1FFB0];
	v42 =	vor.u32 s16, v2;
	v2 =	vor.u32 v36, v51  }
0x64b: {  	v49 =	vmul.f32 $8.000000000e+00, v49  }
0x64c: {  	v40 =	vshll.u32 v59, $0x7;
	v54 =	vmul.f32 $8.000000000e+00, v54  }
0x64d: {  	v58 =	vand.u32 $0x1C00, v40;
	[tilespmem:v4+s23+$0x0] =	vst.idx.msk $0xffff, v49;
	v55 =	vmul.f32 $8.000000000e+00, v55  }
0x64e: {  	v39 =	vshll.u32 v60, $0x7;
	v58 =	vor.u32 v16, v58;
	v62 =	vld.idx.msk [tilespmem:v62+s19+$0x0], $0xffff;
	[tilespmem:v63+s23+$0x0] =	vst.idx.msk $0xffff, v54  }
0x64f: {  	v61 =	vor.u32 v42, v37;
	v52 =	vor.u32 s2, v35;
	v35 =	vld.idx.msk [tilespmem:v6+s19+$0x0], $0xffff;
	[tilespmem:v2+s23+$0x0] =	vst.idx.msk $0xffff, v55;
	v2 =	vand.u32 $0x1C00, v39  }
0x650: {  	v40 =	vor.u32 v25, v58;
	v58 =	vor.u32 v26, v58;
	v2 =	vor.u32 v3, v2  }
0x651: {  	v34 =	vor.u32 v60, v33;
	v6 =	vld [tilespmem:$0x1FFD0];
	v49 =	vor.u32 v31, v2  }
0x652: {  	v53 =	vmul.f32 $8.000000000e+00, v53  }
0x653: {  	v56 =	vld.idx.msk [tilespmem:v56+s19+$0x0], $0xffff;
	v39 =	vshll.u32 v42, $0x7;
	v62 =	vmul.f32 $8.000000000e+00, v62  }
0x654: {  	v60 =	vor.u32 v52, v27;
	v61 =	vld.idx.msk [tilespmem:v61+s19+$0x0], $0xffff;
	v55 =	vand.u32 $0x1C00, v39;
	[tilespmem:v48+s23+$0x0] =	vst.idx.msk $0xffff, v53;
	v35 =	vmul.f32 $8.000000000e+00, v35  }
0x655: {  	v55 =	vor.u32 v13, v55;
	[tilespmem:v58+s23+$0x0] =	vst.idx.msk $0xffff, v62  }
0x656: {  	v4 =	vor.u32 s12, v10;
	v34 =	vld.idx.msk [tilespmem:v34+s19+$0x0], $0xffff;
	v39 =	vor.u32 s16, v6;
	v6 =	vor.u32 v36, v55;
	[tilespmem:v49+s23+$0x0] =	vst.idx.msk $0xffff, v35  }
0x657: {  	v59 =	vor.u32 v59, v28;
	v63 =	vor.u32 v4, v32;
	v35 =	vld [tilespmem:$0x1FF90]  }
0x658: {  	v54 =	vor.u32 v52, v28;
	v52 =	vshll.u32 v52, $0x7;
	v2 =	vor.u32 v30, v2  }
0x659: {  	v56 =	vmul.f32 $8.000000000e+00, v56;
	v52 =	vand.u32 $0x1C00, v52;
	v48 =	vld.idx.msk [tilespmem:v60+s19+$0x0], $0xffff;
	v61 =	vmul.f32 $8.000000000e+00, v61  }
0x65a: {  	v52 =	vor.u32 v1, v52;
	v47 =	vld.idx.msk [tilespmem:v47+s19+$0x0], $0xffff;
	v60 =	vor.u32 v4, v33;
	v4 =	vshll.u32 v4, $0x7  }
0x65b: {  	v49 =	vor.u32 v25, v52;
	v52 =	vor.u32 v26, v52;
	[tilespmem:v6+s23+$0x0] =	vst.idx.msk $0xffff, v61;
	v6 =	vmul.f32 $8.000000000e+00, v34  }
0x65c: {  	v4 =	vand.u32 $0x1C00, v4;
	v58 =	vld.idx.msk [tilespmem:v63+s19+$0x0], $0xffff;
	[tilespmem:v38+s23+$0x0] =	vst.idx.msk $0xffff, v56;
	v35 =	vor.u32 s2, v35  }
0x65d: {  	[tilespmem:v2+s23+$0x0] =	vst.idx.msk $0xffff, v6;
	v2 =	vor.u32 v5, v4;
	v34 =	vor.u32 v35, v27  }
0x65e: {  	v38 =	vld.idx.msk [tilespmem:v59+s19+$0x0], $0xffff;
	v4 =	vmul.f32 $8.000000000e+00, v48;
	v59 =	vor.u32 v31, v2  }
0x65f: {  	[tilespmem:v41+s23+$0x0] =	vst.idx.msk $0xffff, v44  }
0x660: {  	v47 =	vmul.f32 $8.000000000e+00, v47;
	[tilespmem:v52+s23+$0x0] =	vst.idx.msk $0xffff, v4;
	v4 =	vld.idx.msk [tilespmem:v60+s19+$0x0], $0xffff  }
0x661: {  	v41 =	vmul.f32 $8.000000000e+00, v58;
	v56 =	vor.u32 v35, v28;
	v35 =	vshll.u32 v35, $0x7;
	v44 =	vld [tilespmem:$0x1FDB0]  }
0x662: {  	v35 =	vand.u32 $0x1C00, v35;
	[tilespmem:v46+s23+$0x0] =	vst.idx.msk $0xffff, v47;
	v34 =	vld.idx.msk [tilespmem:v34+s19+$0x0], $0xffff  }
0x663: {  	v2 =	vor.u32 v30, v2;
	v35 =	vor.u32 v3, v35;
	v47 =	vld [tilespmem:$0x1FF30];
	[tilespmem:v59+s23+$0x0] =	vst.idx.msk $0xffff, v41  }
0x664: {  	v53 =	vor.u32 v57, v43;
	v57 =	vor.u32 v26, v35;
	v41 =	vld [tilespmem:$0x1FDC0]  }
0x665: {  	v63 =	vmul.f32 $8.000000000e+00, v38  }
0x666: {  	v4 =	vmul.f32 $8.000000000e+00, v4  }
0x667: {  	[tilespmem:v40+s23+$0x0] =	vst.idx.msk $0xffff, v63;
	v34 =	vmul.f32 $8.000000000e+00, v34  }
0x668: {  	v48 =	vor.u32 s12, v12;
	[tilespmem:v2+s23+$0x0] =	vst.idx.msk $0xffff, v4  }
0x669: {  	v62 =	vshll.u32 v39, $0x7;
	v59 =	vshll.u32 v48, $0x7;
	[tilespmem:v57+s23+$0x0] =	vst.idx.msk $0xffff, v34  }
0x66a: {  	v6 =	vand.u32 $0x1C00, v62;
	v62 =	vand.u32 $0x1C00, v59;
	v59 =	vld [tilespmem:$0x1FDD0];
	_ =	sdelay $0x1  }
0x66b: {  	v50 =	vor.u32 v45, v50;
	v61 =	vmov v45;
	v45 =	vld.idx.msk [tilespmem:v41+s19+$0x0], $0xffff  }
0x66c: {  	v2 =	vor.u32 v7, v62;
	v62 =	vld [tilespmem:$0x1FDE0];
	_ =	sdelay $0x3  }
0x66d: {  	v52 =	vor.u32 v48, v32;
	v45 =	vmul.f32 $8.000000000e+00, v45  }
0x66e: {  	v38 =	vor.u32 s2, v47;
	[tilespmem:v59+s23+$0x0] =	vst.idx.msk $0xffff, v62  }
0x66f: {  	v47 =	vor.u32 v38, v27;
	[tilespmem:v50+s23+$0x0] =	vst.idx.msk $0xffff, v45  }
0x670: {  	v40 =	vor.u32 v38, v28;
	v57 =	vshll.u32 v38, $0x7;
	v38 =	vor.u32 v61, v51;
	v51 =	vld [tilespmem:$0x1FDF0]  }
0x671: {  	v44 =	vld.idx.msk [tilespmem:v44+s19+$0x0], $0xffff  }
0x672: {  	v37 =	vor.u32 v39, v37;
	v6 =	vor.u32 v16, v6;
	v63 =	vld.idx.msk [tilespmem:v52+s19+$0x0], $0xffff  }
0x673: {  	v60 =	vor.u32 v36, v6  }
0x674: {  	v36 =	vor.u32 v48, v33;
	v48 =	vor.u32 v30, v2;
	v2 =	vor.u32 v31, v2;
	_ =	sdelay $0x1  }
0x675: {  	v44 =	vmul.f32 $8.000000000e+00, v44  }
0x676: {  	v37 =	vld.idx.msk [tilespmem:v37+s19+$0x0], $0xffff;
	v63 =	vmul.f32 $8.000000000e+00, v63  }
0x677: {  	[tilespmem:v51+s23+$0x0] =	vst.idx.msk $0xffff, v44;
	v44 =	vld.idx.msk [tilespmem:v53+s19+$0x0], $0xffff  }
0x678: {  	v53 =	vld [tilespmem:$0x1FF60];
	[tilespmem:v2+s23+$0x0] =	vst.idx.msk $0xffff, v63  }
0x679: {  	v2 =	vld [tilespmem:$0x1FE00]  }
0x67a: {  	v4 =	vld.idx.msk [tilespmem:v54+s19+$0x0], $0xffff;
	_ =	sdelay $0x1  }
0x67b: {  	v52 =	vld.idx.msk [tilespmem:v36+s19+$0x0], $0xffff;
	v34 =	vor.u32 s12, v19  }
0x67c: {  	v58 =	vmovc v43;
	v46 =	vmul.f32 $8.000000000e+00, v37;
	v43 =	vor.u32 v34, v32;
	v36 =	vand.u32 $0x1C00, v57;
	v47 =	vld.idx.msk [tilespmem:v47+s19+$0x0], $0xffff  }
0x67d: {  	v37 =	vor.u32 v42, v58;
	v54 =	vor.u32 v34, v33;
	v42 =	vor.u32 v5, v36  }
0x67e: {  	v4 =	vmul.f32 $8.000000000e+00, v4;
	v34 =	vshll.u32 v34, $0x7;
	v50 =	vor.u32 v26, v42  }
0x67f: {  	v41 =	vor.u32 v25, v35;
	v36 =	vor.u32 v61, v55;
	v57 =	vor.u32 s2, v53  }
0x680: {  	v35 =	vor.u32 v39, v58;
	v55 =	vmul.f32 $8.000000000e+00, v52;
	v62 =	vor.u32 v57, v27;
	v2 =	vld.idx.msk [tilespmem:v2+s19+$0x0], $0xffff  }
0x681: {  	v63 =	vmul.f32 $8.000000000e+00, v47;
	[tilespmem:v49+s23+$0x0] =	vst.idx.msk $0xffff, v4;
	v51 =	vld.idx.msk [tilespmem:v43+s19+$0x0], $0xffff;
	v4 =	vand.u32 $0x1C00, v34;
	v43 =	vor.u32 v25, v42  }
0x682: {  	v52 =	vor.u32 s12, v21;
	[tilespmem:v48+s23+$0x0] =	vst.idx.msk $0xffff, v55;
	v42 =	vor.u32 v61, v6;
	v4 =	vor.u32 v9, v4  }
0x683: {  	v47 =	vld.idx.msk [tilespmem:v56+s19+$0x0], $0xffff;
	[tilespmem:v50+s23+$0x0] =	vst.idx.msk $0xffff, v63;
	v50 =	vor.u32 v52, v33;
	v49 =	vor.u32 v30, v4  }
0x684: {  	v55 =	vor.u32 v31, v4;
	v45 =	vmul.f32 $8.000000000e+00, v44;
	v53 =	vld.idx.msk [tilespmem:v54+s19+$0x0], $0xffff;
	v54 =	vor.u32 v52, v32  }
0x685: {  	s3 =	simm.s32 $0x80;
	s16 =	simm.s32 $0x6;
	[tilespmem:v60+s23+$0x0] =	vst.idx.msk $0xffff, v46;
	v39 =	vor.u32 v57, v28;
	v48 =	vshll.u32 v57, $0x7;
	v46 =	vld.idx.msk [tilespmem:v62+s19+$0x0], $0xffff;
	v44 =	vmul.f32 $8.000000000e+00, v2  }
.LBB2_9:
0x686: {  	_ = 	snop  }
0x687: {  	s5 =	sand.u32 $0x60, s3;
	[tilespmem:v38+s23+$0x0] =	vst.idx.msk $0xffff, v45  }
0x688: {  	v34 =	vor.u32 s5, v0;
	v6 =	vld.idx.msk [tilespmem:v24+s5+$0x0 ss:$0x1], $0xffff;
	s5 =	sor.u32 $0x10, s5;
	v2 =	vmul.f32 $8.000000000e+00, v51  }
0x689: {  	v4 =	vand.u32 $0x1C00, v48;
	v48 =	vld.idx.msk [tilespmem:v24+s5+$0x0 ss:$0x1], $0xffff  }
0x68a: {  	[tilespmem:v55+s23+$0x0] =	vst.idx.msk $0xffff, v2;
	v2 =	vld [tilespmem:$0x1FF40]  }
0x68b: {  	v59 =	vshll.u32 v52, $0x7  }
0x68c: {  	v4 =	vor.u32 v7, v4;
	v62 =	vand.u32 $0x1C00, v59;
	v47 =	vmul.f32 $8.000000000e+00, v47  }
0x68d: {  	[tilespmem:v29+s23+$0x0] =	vst.idx.msk $0xffff, v44;
	v29 =	vmovc v42;
	v42 =	vshll.u32 v34, $0x7;
	v57 =	vor.u32 v26, v4;
	v58 =	vmul.f32 $8.000000000e+00, v53  }
0x68e: {  	v38 =	vor.u32 v25, v4;
	v4 =	vor.u32 v11, v62;
	v37 =	vld.idx.msk [tilespmem:v37+s19+$0x0], $0xffff;
	v45 =	vor.u32 s5, v0  }
0x68f: {  	v46 =	vmul.f32 $8.000000000e+00, v46;
	v53 =	vor.u32 s12, v17;
	v60 =	vld.idx.msk [tilespmem:v54+s19+$0x0], $0xffff;
	[tilespmem:v49+s23+$0x0] =	vst.idx.msk $0xffff, v58;
	v2 =	vor.u32 s2, v2  }
0x690: {  	v49 =	vld.idx.msk [tilespmem:v50+s19+$0x0], $0xffff;
	v50 =	vor.u32 v30, v4;
	[tilespmem:v41+s23+$0x0] =	vst.idx.msk $0xffff, v47;
	v61 =	vor.u32 v2, v27  }
0x691: {  	v4 =	vor.u32 v31, v4;
	v6 =	vshll.u32 v6, $0x6;
	v56 =	vshll.u32 v48, $0x6;
	v51 =	vld.idx.msk [tilespmem:v40+s19+$0x0], $0xffff  }
0x692: {  	v58 =	vshll.u32 v45, $0x7;
	[tilespmem:v57+s23+$0x0] =	vst.idx.msk $0xffff, v46;
	v6 =	vand.u32 $0x40, v6;
	v57 =	vand.u32 $0x40, v56  }
0x693: {  	s14 =	sadd.s32 $0x4, s14;
	v63 =	vor.u32 v53, v32;
	v42 =	vor.u32 v42, v6;
	v55 =	vor.u32 v58, v57  }
0x694: {  	s18 =	sand.u32 $0x30, s14;
	v44 =	vor.u32 v2, v28;
	v2 =	vshll.u32 v2, $0x7;
	v59 =	vmul.f32 $8.000000000e+00, v60  }
0x695: {  	v60 =	vor.u32 s18, v0;
	v2 =	vand.u32 $0x1C00, v2;
	v6 =	vmul.f32 $8.000000000e+00, v49;
	v47 =	vld.idx.msk [tilespmem:v61+s19+$0x0], $0xffff  }
0x696: {  	v41 =	vor.u32 v9, v2;
	v2 =	vor.u32 v60, v55;
	v51 =	vmul.f32 $8.000000000e+00, v51;
	[tilespmem:v4+s23+$0x0] =	vst.idx.msk $0xffff, v59;
	v4 =	vld [tilespmem:$0x1FF50]  }
0x697: {  	[tilespmem:v50+s23+$0x0] =	vst.idx.msk $0xffff, v6;
	v6 =	vor.u32 v53, v33  }
0x698: {  	[tilespmem:v43+s23+$0x0] =	vst.idx.msk $0xffff, v51  }
0x699: {  	v61 =	vshll.u32 v53, $0x7;
	v39 =	vld.idx.msk [tilespmem:v39+s19+$0x0], $0xffff  }
0x69a: {  	v54 =	vor.u32 s12, v22;
	v48 =	vld.idx.msk [tilespmem:v63+s19+$0x0], $0xffff;
	v46 =	vand.u32 $0x1C00, v61  }
0x69b: {  	v63 =	vor.u32 v60, v42;
	v2 =	vld.idx.msk [tilespmem:v2+s19+$0x0], $0xffff;
	v40 =	vor.u32 s2, v4;
	v4 =	vor.u32 v26, v41  }
0x69c: {  	v52 =	vshll.u32 v60, $0x7;
	v50 =	vor.u32 s12, v14;
	v46 =	vor.u32 v13, v46;
	v6 =	vld.idx.msk [tilespmem:v6+s19+$0x0], $0xffff  }
0x69d: {  	v56 =	vor.u32 v50, v32;
	v53 =	vor.u32 v31, v46;
	v62 =	vor.u32 v40, v27  }
0x69e: {  	v47 =	vmul.f32 $8.000000000e+00, v47;
	v39 =	vmul.f32 $8.000000000e+00, v39;
	v60 =	vshll.u32 v40, $0x7  }
0x69f: {  	v48 =	vmul.f32 $8.000000000e+00, v48;
	v61 =	vand.u32 $0x1C00, v60;
	v60 =	vshll.u32 v50, $0x7  }
0x6a0: {  	v49 =	vld.idx.msk [tilespmem:v63+s19+$0x0], $0xffff;
	v2 =	vmul.f32 $8.000000000e+00, v2;
	v50 =	vor.u32 v50, v33;
	[tilespmem:v4+s23+$0x0] =	vst.idx.msk $0xffff, v47;
	v4 =	vand.u32 $0x1C00, v52  }
0x6a1: {  	v43 =	vor.u32 v11, v61;
	v6 =	vmul.f32 $8.000000000e+00, v6;
	v4 =	vor.u32 v1, v4  }
0x6a2: {  	v47 =	vor.u32 v30, v46;
	v52 =	vld.idx.msk [tilespmem:v62+s19+$0x0], $0xffff;
	v62 =	vor.u32 s18, v8;
	v63 =	vor.u32 v45, v4  }
0x6a3: {  	v46 =	vor.u32 s2, v20;
	[tilespmem:v53+s23+$0x0] =	vst.idx.msk $0xffff, v48;
	v57 =	vor.u32 v62, v55;
	v4 =	vor.u32 v34, v4  }
0x6a4: {  	v48 =	vor.u32 v26, v43;
	v58 =	vor.u32 v46, v27;
	v59 =	vor.u32 v62, v42  }
0x6a5: {  	v53 =	vand.u32 $0x1C00, v60;
	v49 =	vmul.f32 $8.000000000e+00, v49;
	v60 =	vor.u32 v54, v32;
	v56 =	vld.idx.msk [tilespmem:v56+s19+$0x0], $0xffff  }
0x6a6: {  	v53 =	vor.u32 v16, v53;
	v51 =	vshll.u32 v62, $0x7;
	v62 =	vshll.u32 v46, $0x7  }
0x6a7: {  	v52 =	vmul.f32 $8.000000000e+00, v52;
	[tilespmem:v63+s23+$0x0] =	vst.idx.msk $0xffff, v2;
	v2 =	vor.u32 v30, v53;
	v53 =	vor.u32 v31, v53  }
0x6a8: {  	v61 =	vand.u32 $0x1C00, v51;
	v51 =	vor.u32 v54, v33;
	v54 =	vshll.u32 v54, $0x7;
	[tilespmem:v4+s23+$0x0] =	vst.idx.msk $0xffff, v49;
	v57 =	vld.idx.msk [tilespmem:v57+s19+$0x0], $0xffff  }
0x6a9: {  	v54 =	vand.u32 $0x1C00, v54;
	v4 =	vor.u32 v3, v61;
	v63 =	vand.u32 $0x1C00, v62;
	[tilespmem:v48+s23+$0x0] =	vst.idx.msk $0xffff, v52;
	v52 =	vld.idx.msk [tilespmem:v59+s19+$0x0], $0xffff  }
0x6aa: {  	v48 =	vmul.f32 $8.000000000e+00, v56;
	v56 =	vor.u32 s18, v10;
	v59 =	vor.u32 v45, v4;
	v58 =	vld.idx.msk [tilespmem:v58+s19+$0x0], $0xffff  }
0x6ab: {  	v49 =	vor.u32 v13, v63;
	v4 =	vor.u32 v34, v4;
	v61 =	vor.u32 v56, v55  }
0x6ac: {  	v54 =	vor.u32 v1, v54;
	[tilespmem:v53+s23+$0x0] =	vst.idx.msk $0xffff, v48;
	v48 =	vor.u32 s2, v18;
	v53 =	vor.u32 v26, v49  }
0x6ad: {  	v63 =	vor.u32 v56, v42;
	v62 =	vor.u32 v48, v27;
	v57 =	vmul.f32 $8.000000000e+00, v57  }
0x6ae: {  	[tilespmem:v47+s23+$0x0] =	vst.idx.msk $0xffff, v6;
	v56 =	vshll.u32 v56, $0x7;
	s2 =	smov.u32 s12;
	v60 =	vld.idx.msk [tilespmem:v60+s19+$0x0], $0xffff;
	v52 =	vmul.f32 $8.000000000e+00, v52;
	v47 =	vshll.u32 v48, $0x7  }
0x6af: {  	v27 =	vmovc v32;
	v32 =	vmovc v55;
	v55 =	vmul.f32 $8.000000000e+00, v58;
	v58 =	vor.u32 s2, v15;
	v47 =	vand.u32 $0x1C00, v47;
	[tilespmem:v59+s23+$0x0] =	vst.idx.msk $0xffff, v57  }
0x6b0: {  	v57 =	vor.u32 v30, v54;
	v54 =	vor.u32 v31, v54;
	[tilespmem:v4+s23+$0x0] =	vst.idx.msk $0xffff, v52;
	v59 =	vld.idx.msk [tilespmem:v61+s19+$0x0], $0xffff  }
0x6b1: {  	s12 =	smov.u32 s18;
	v6 =	vor.u32 v58, v33;
	v61 =	vor.u32 v58, v27;
	v50 =	vld.idx.msk [tilespmem:v50+s19+$0x0], $0xffff;
	[tilespmem:v53+s23+$0x0] =	vst.idx.msk $0xffff, v55  }
0x6b2: {  	v58 =	vshll.u32 v58, $0x7;
	v53 =	vand.u32 $0x1C00, v56;
	v56 =	vor.u32 s12, v12;
	v55 =	vld.idx.msk [tilespmem:v62+s19+$0x0], $0xffff  }
0x6b3: {  	v58 =	vand.u32 $0x1C00, v58;
	v4 =	vor.u32 v5, v53;
	v52 =	vmul.f32 $8.000000000e+00, v60;
	v53 =	vld.idx.msk [tilespmem:v63+s19+$0x0], $0xffff  }
0x6b4: {  	v63 =	vld [tilespmem:$0x1FF30];
	v62 =	vor.u32 v16, v47;
	v47 =	vor.u32 v56, v32;
	v60 =	vor.u32 v45, v4  }
0x6b5: {  	[tilespmem:v38+s23+$0x0] =	vst.idx.msk $0xffff, v39;
	v39 =	vor.u32 v25, v41;
	v38 =	vor.u32 v3, v58  }
0x6b6: {  	v4 =	vor.u32 v34, v4;
	v44 =	vld.idx.msk [tilespmem:v44+s19+$0x0], $0xffff;
	[tilespmem:v54+s23+$0x0] =	vst.idx.msk $0xffff, v52;
	v41 =	vmul.f32 $8.000000000e+00, v50  }
0x6b7: {  	v52 =	vor.u32 v26, v62;
	v54 =	vor.u32 v56, v42;
	v26 =	vmovc v31;
	v31 =	vmovc v45;
	v59 =	vmul.f32 $8.000000000e+00, v59  }
0x6b8: {  	v45 =	vor.u32 v40, v28;
	v56 =	vshll.u32 v56, $0x7;
	v61 =	vld.idx.msk [tilespmem:v61+s19+$0x0], $0xffff;
	v40 =	vmul.f32 $8.000000000e+00, v55;
	[tilespmem:v2+s23+$0x0] =	vst.idx.msk $0xffff, v41  }
0x6b9: {  	v50 =	vor.u32 s2, v63;
	v55 =	vor.u32 v26, v38;
	v53 =	vmul.f32 $8.000000000e+00, v53;
	[tilespmem:v60+s23+$0x0] =	vst.idx.msk $0xffff, v59  }
0x6ba: {  	v41 =	vor.u32 v30, v38;
	v38 =	vor.u32 v25, v43;
	v60 =	vand.u32 $0x1C00, v56;
	v47 =	vld.idx.msk [tilespmem:v47+s19+$0x0], $0xffff  }
0x6bb: {  	v58 =	vor.u32 v50, v27;
	[tilespmem:v4+s23+$0x0] =	vst.idx.msk $0xffff, v53;
	v2 =	vor.u32 v7, v60  }
0x6bc: {  	v44 =	vmul.f32 $8.000000000e+00, v44;
	v4 =	vld.idx.msk [tilespmem:v51+s19+$0x0], $0xffff;
	v53 =	vor.u32 v34, v2;
	v2 =	vor.u32 v31, v2  }
0x6bd: {  	[tilespmem:v52+s23+$0x0] =	vst.idx.msk $0xffff, v40;
	v40 =	vor.u32 v50, v33;
	v50 =	vshll.u32 v50, $0x7;
	v61 =	vmul.f32 $8.000000000e+00, v61;
	v52 =	vld.idx.msk [tilespmem:v54+s19+$0x0], $0xffff  }
0x6be: {  	v51 =	vmul.f32 $8.000000000e+00, v37;
	v37 =	vor.u32 v46, v28;
	[tilespmem:v39+s23+$0x0] =	vst.idx.msk $0xffff, v44;
	v44 =	vor.u32 v25, v49  }
0x6bf: {  	v54 =	vor.u32 s12, v19;
	v46 =	vor.u32 v48, v28;
	v45 =	vld.idx.msk [tilespmem:v45+s19+$0x0], $0xffff;
	[tilespmem:v55+s23+$0x0] =	vst.idx.msk $0xffff, v61;
	v60 =	vmul.f32 $8.000000000e+00, v47  }
0x6c0: {  	v56 =	vor.u32 v54, v42;
	v61 =	vand.u32 $0x1C00, v50;
	[tilespmem:v36+s23+$0x0] =	vst.idx.msk $0xffff, v51;
	v55 =	vld.idx.msk [tilespmem:v58+s19+$0x0], $0xffff  }
0x6c1: {  	v59 =	vor.u32 v54, v32;
	v39 =	vor.u32 v5, v61;
	[tilespmem:v2+s23+$0x0] =	vst.idx.msk $0xffff, v60;
	v2 =	vmul.f32 $8.000000000e+00, v4  }
0x6c2: {  	s16 =	sadd.s32 $0x2, s16;
	v58 =	vld.idx.msk [tilespmem:v35+s19+$0x0], $0xffff;
	v48 =	vor.u32 v26, v39;
	v47 =	vmul.f32 $8.000000000e+00, v52;
	v4 =	vor.u32 s2, v23  }
0x6c3: {  	p1 =	slt.u32 s16, $0x1E;
	v28 =	vmov v33;
	v54 =	vshll.u32 v54, $0x7;
	v60 =	vor.u32 v4, v27;
	[tilespmem:v57+s23+$0x0] =	vst.idx.msk $0xffff, v2  }
.Ltmp3:
0x6c4: {  	v33 =	vmovc v42;
	v42 =	vor.u32 v25, v62;
	v25 =	vmov v30;
	v61 =	vand.u32 $0x1C00, v54;
	[tilespmem:v53+s23+$0x0] =	vst.idx.msk $0xffff, v47;
	(pc) =	sbr.rel @p1 .LBB2_9-.Ltmp3, $4  }
0x6c5: {  	v36 =	vmovc v44;
	v35 =	vmovc v46;
	v43 =	vor.u32 v30, v39;
	v52 =	vor.u32 s12, v21;
	v47 =	vld.idx.msk [tilespmem:v6+s19+$0x0], $0xffff;
	v6 =	vmul.f32 $8.000000000e+00, v55  }
0x6c6: {  	v50 =	vor.u32 v52, v33;
	v54 =	vor.u32 v52, v32;
	v51 =	vld.idx.msk [tilespmem:v59+s19+$0x0], $0xffff;
	v39 =	vor.u32 v4, v28  }
0x6c7: {  	v45 =	vmul.f32 $8.000000000e+00, v45;
	v2 =	vor.u32 v9, v61;
	v44 =	vmul.f32 $8.000000000e+00, v58;
	v53 =	vld.idx.msk [tilespmem:v56+s19+$0x0], $0xffff;
	[tilespmem:v48+s23+$0x0] =	vst.idx.msk $0xffff, v6  }
0x6c8: {  	s3 =	sadd.s32 $0x20, s3;
	v30 =	vmovc v34;
	v49 =	vor.u32 v34, v2;
	v55 =	vor.u32 v31, v2;
	v48 =	vshll.u32 v4, $0x7;
	v46 =	vld.idx.msk [tilespmem:v60+s19+$0x0], $0xffff  }
0x6c9: {  	_ =	sdelay $0x1  }
0x6ca: {  	v2 =	vmul.f32 $8.000000000e+00, v51;
	_ =	sdelay $0x1  }
0x6cb: {  	v4 =	vshll.u32 v52, $0x7;
	[tilespmem:v55+s23+$0x0] =	vst.idx.msk $0xffff, v2;
	v2 =	vmul.f32 $8.000000000e+00, v53  }
0x6cc: {  	v4 =	vand.u32 $0x1C00, v4;
	v6 =	vld.idx.msk [tilespmem:v54+s19+$0x0], $0xffff  }
0x6cd: {  	[tilespmem:v49+s23+$0x0] =	vst.idx.msk $0xffff, v2;
	v2 =	vor.u32 v11, v4  }
0x6ce: {  	v24 =	vor.u32 s12, v17;
	v34 =	vor.u32 v31, v2  }
0x6cf: {  	v56 =	vor.u32 v24, v32;
	v4 =	vld.idx.msk [tilespmem:v50+s19+$0x0], $0xffff;
	_ =	sdelay $0x1  }
0x6d0: {  	v2 =	vor.u32 v30, v2;
	v6 =	vmul.f32 $8.000000000e+00, v6  }
0x6d1: {  	v57 =	vor.u32 v24, v33  }
0x6d2: {  	[tilespmem:v34+s23+$0x0] =	vst.idx.msk $0xffff, v6;
	v6 =	vshll.u32 v24, $0x7  }
0x6d3: {  	v4 =	vmul.f32 $8.000000000e+00, v4;
	v58 =	vld.idx.msk [tilespmem:v56+s19+$0x0], $0xffff;
	v6 =	vand.u32 $0x1C00, v6  }
0x6d4: {  	v6 =	vor.u32 v13, v6  }
0x6d5: {  	[tilespmem:v2+s23+$0x0] =	vst.idx.msk $0xffff, v4;
	v2 =	vor.u32 s12, v14;
	v4 =	vor.u32 v31, v6  }
0x6d6: {  	v59 =	vld.idx.msk [tilespmem:v57+s19+$0x0], $0xffff;
	v60 =	vor.u32 v2, v32;
	_ =	sdelay $0x1  }
0x6d7: {  	v6 =	vor.u32 v30, v6;
	v24 =	vmul.f32 $8.000000000e+00, v58  }
0x6d8: {  	v61 =	vor.u32 v2, v33  }
0x6d9: {  	v2 =	vshll.u32 v2, $0x7;
	[tilespmem:v4+s23+$0x0] =	vst.idx.msk $0xffff, v24  }
0x6da: {  	v2 =	vand.u32 $0x1C00, v2;
	v4 =	vmul.f32 $8.000000000e+00, v59;
	v24 =	vld.idx.msk [tilespmem:v60+s19+$0x0], $0xffff  }
0x6db: {  	v2 =	vor.u32 v16, v2  }
0x6dc: {  	[tilespmem:v6+s23+$0x0] =	vst.idx.msk $0xffff, v4;
	v4 =	vor.u32 s12, v22;
	v6 =	vor.u32 v31, v2  }
0x6dd: {  	v62 =	vld.idx.msk [tilespmem:v61+s19+$0x0], $0xffff;
	v53 =	vor.u32 v4, v32;
	_ =	sdelay $0x1  }
0x6de: {  	v2 =	vor.u32 v30, v2;
	v24 =	vmul.f32 $8.000000000e+00, v24  }
0x6df: {  	v54 =	vor.u32 v4, v33  }
0x6e0: {  	v4 =	vshll.u32 v4, $0x7;
	[tilespmem:v6+s23+$0x0] =	vst.idx.msk $0xffff, v24  }
0x6e1: {  	v4 =	vand.u32 $0x1C00, v4;
	v6 =	vmul.f32 $8.000000000e+00, v62;
	v24 =	vld.idx.msk [tilespmem:v53+s19+$0x0], $0xffff  }
0x6e2: {  	v4 =	vor.u32 v1, v4  }
0x6e3: {  	[tilespmem:v2+s23+$0x0] =	vst.idx.msk $0xffff, v6;
	v2 =	vor.u32 s12, v15;
	v6 =	vor.u32 v31, v4  }
0x6e4: {  	v55 =	vld.idx.msk [tilespmem:v54+s19+$0x0], $0xffff;
	v56 =	vor.u32 v2, v32;
	_ =	sdelay $0x1  }
0x6e5: {  	v4 =	vor.u32 v30, v4;
	v24 =	vmul.f32 $8.000000000e+00, v24  }
0x6e6: {  	v57 =	vor.u32 v2, v33  }
0x6e7: {  	v2 =	vshll.u32 v2, $0x7;
	[tilespmem:v6+s23+$0x0] =	vst.idx.msk $0xffff, v24  }
0x6e8: {  	v2 =	vand.u32 $0x1C00, v2;
	v6 =	vmul.f32 $8.000000000e+00, v55;
	v24 =	vld.idx.msk [tilespmem:v56+s19+$0x0], $0xffff  }
0x6e9: {  	v2 =	vor.u32 v3, v2  }
0x6ea: {  	[tilespmem:v4+s23+$0x0] =	vst.idx.msk $0xffff, v6;
	v4 =	vor.u32 s12, v63;
	v6 =	vor.u32 v31, v2  }
0x6eb: {  	v58 =	vld.idx.msk [tilespmem:v57+s19+$0x0], $0xffff;
	v59 =	vor.u32 v4, v32;
	_ =	sdelay $0x1  }
0x6ec: {  	v2 =	vor.u32 v30, v2;
	v24 =	vmul.f32 $8.000000000e+00, v24;
	_ =	sdelay $0x1  }
0x6ed: {  	v60 =	vor.u32 v4, v33;
	v4 =	vshll.u32 v4, $0x7;
	[tilespmem:v6+s23+$0x0] =	vst.idx.msk $0xffff, v24  }
0x6ee: {  	v4 =	vand.u32 $0x1C00, v4;
	v6 =	vmul.f32 $8.000000000e+00, v58;
	v24 =	vld.idx.msk [tilespmem:v59+s19+$0x0], $0xffff  }
0x6ef: {  	v4 =	vor.u32 v5, v4  }
0x6f0: {  	[tilespmem:v2+s23+$0x0] =	vst.idx.msk $0xffff, v6;
	v6 =	vor.u32 v31, v4  }
0x6f1: {  	v47 =	vmul.f32 $8.000000000e+00, v47;
	v2 =	vor.u32 s12, v23  }
0x6f2: {  	v62 =	vld.idx.msk [tilespmem:v60+s19+$0x0], $0xffff;
	v53 =	vor.u32 v2, v32  }
0x6f3: {  	[tilespmem:v41+s23+$0x0] =	vst.idx.msk $0xffff, v47;
	v24 =	vmul.f32 $8.000000000e+00, v24  }
0x6f4: {  	v61 =	vld.idx.msk [tilespmem:v40+s19+$0x0], $0xffff;
	v4 =	vor.u32 v30, v4  }
0x6f5: {  	[tilespmem:v6+s23+$0x0] =	vst.idx.msk $0xffff, v24  }
0x6f6: {  	v52 =	vmovc v17;
	v48 =	vand.u32 $0x1C00, v48;
	v54 =	vor.u32 v2, v33;
	v2 =	vshll.u32 v2, $0x7;
	v17 =	vld [tilespmem:$0x1FF40]  }
0x6f7: {  	v48 =	vor.u32 v7, v48;
	v2 =	vand.u32 $0x1C00, v2;
	v6 =	vmul.f32 $8.000000000e+00, v62;
	v57 =	vld.idx.msk [tilespmem:v53+s19+$0x0], $0xffff  }
0x6f8: {  	v56 =	vor.u32 v26, v48;
	v2 =	vor.u32 v7, v2  }
0x6f9: {  	v34 =	vmul.f32 $8.000000000e+00, v61;
	[tilespmem:v4+s23+$0x0] =	vst.idx.msk $0xffff, v6;
	v6 =	vor.u32 v31, v2;
	_ =	sdelay $0x1  }
0x6fa: {  	v46 =	vmul.f32 $8.000000000e+00, v46;
	[tilespmem:v43+s23+$0x0] =	vst.idx.msk $0xffff, v34  }
0x6fb: {  	v39 =	vld.idx.msk [tilespmem:v39+s19+$0x0], $0xffff;
	v55 =	vor.u32 s2, v17;
	v34 =	vmul.f32 $8.000000000e+00, v57  }
0x6fc: {  	[tilespmem:v56+s23+$0x0] =	vst.idx.msk $0xffff, v46;
	v59 =	vld.idx.msk [tilespmem:v54+s19+$0x0], $0xffff;
	v4 =	vor.u32 s12, v17;
	v58 =	vor.u32 v55, v27  }
0x6fd: {  	v60 =	vor.u32 v25, v48;
	v61 =	vor.u32 v4, v32;
	[tilespmem:v6+s23+$0x0] =	vst.idx.msk $0xffff, v34  }
0x6fe: {  	v2 =	vor.u32 v30, v2;
	v62 =	vor.u32 v55, v28;
	v53 =	vld [tilespmem:$0x1FF50]  }
0x6ff: {  	v50 =	vor.u32 v4, v33  }
0x700: {  	v24 =	vshll.u32 v55, $0x7;
	v39 =	vmul.f32 $8.000000000e+00, v39;
	v4 =	vshll.u32 v4, $0x7  }
0x701: {  	v24 =	vand.u32 $0x1C00, v24;
	v6 =	vmul.f32 $8.000000000e+00, v59;
	v4 =	vand.u32 $0x1C00, v4;
	v41 =	vld.idx.msk [tilespmem:v58+s19+$0x0], $0xffff  }
0x702: {  	v24 =	vor.u32 v9, v24;
	[tilespmem:v60+s23+$0x0] =	vst.idx.msk $0xffff, v39;
	v4 =	vor.u32 v9, v4;
	v56 =	vld.idx.msk [tilespmem:v61+s19+$0x0], $0xffff  }
0x703: {  	v55 =	vor.u32 v26, v24;
	[tilespmem:v2+s23+$0x0] =	vst.idx.msk $0xffff, v6;
	v47 =	vld.idx.msk [tilespmem:v62+s19+$0x0], $0xffff;
	v54 =	vor.u32 s2, v53  }
0x704: {  	v6 =	vor.u32 v31, v4;
	v40 =	vld.idx.msk [tilespmem:v50+s19+$0x0], $0xffff;
	v2 =	vor.u32 s12, v53;
	v57 =	vor.u32 v54, v27  }
0x705: {  	v24 =	vor.u32 v25, v24;
	v58 =	vor.u32 v2, v32  }
0x706: {  	v4 =	vor.u32 v30, v4;
	v59 =	vor.u32 v54, v28;
	v41 =	vmul.f32 $8.000000000e+00, v41  }
0x707: {  	v60 =	vor.u32 v2, v33;
	v39 =	vmul.f32 $8.000000000e+00, v56  }
0x708: {  	v34 =	vshll.u32 v54, $0x7;
	v61 =	vmul.f32 $8.000000000e+00, v47;
	[tilespmem:v55+s23+$0x0] =	vst.idx.msk $0xffff, v41  }
0x709: {  	v2 =	vshll.u32 v2, $0x7;
	v34 =	vand.u32 $0x1C00, v34;
	[tilespmem:v6+s23+$0x0] =	vst.idx.msk $0xffff, v39;
	v6 =	vmul.f32 $8.000000000e+00, v40;
	v43 =	vld.idx.msk [tilespmem:v57+s19+$0x0], $0xffff  }
0x70a: {  	v62 =	vor.u32 s2, v20;
	v2 =	vand.u32 $0x1C00, v2;
	v34 =	vor.u32 v11, v34;
	[tilespmem:v24+s23+$0x0] =	vst.idx.msk $0xffff, v61;
	v55 =	vld.idx.msk [tilespmem:v58+s19+$0x0], $0xffff  }
0x70b: {  	v2 =	vor.u32 v11, v2;
	v54 =	vor.u32 v26, v34;
	v57 =	vld.idx.msk [tilespmem:v59+s19+$0x0], $0xffff;
	[tilespmem:v4+s23+$0x0] =	vst.idx.msk $0xffff, v6  }
0x70c: {  	v56 =	vor.u32 v62, v27;
	v4 =	vor.u32 s12, v20;
	v6 =	vor.u32 v31, v2;
	v41 =	vld.idx.msk [tilespmem:v60+s19+$0x0], $0xffff  }
0x70d: {  	v34 =	vor.u32 v25, v34;
	v58 =	vor.u32 v4, v32  }
0x70e: {  	v59 =	vor.u32 v62, v28;
	v2 =	vor.u32 v30, v2;
	v43 =	vmul.f32 $8.000000000e+00, v43  }
0x70f: {  	[tilespmem:v38+s23+$0x0] =	vst.idx.msk $0xffff, v45;
	v60 =	vor.u32 v4, v33;
	v24 =	vmul.f32 $8.000000000e+00, v55  }
0x710: {  	v37 =	vld.idx.msk [tilespmem:v37+s19+$0x0], $0xffff;
	v39 =	vshll.u32 v62, $0x7;
	v62 =	vmul.f32 $8.000000000e+00, v57;
	[tilespmem:v54+s23+$0x0] =	vst.idx.msk $0xffff, v43  }
0x711: {  	v39 =	vand.u32 $0x1C00, v39;
	v4 =	vshll.u32 v4, $0x7;
	[tilespmem:v6+s23+$0x0] =	vst.idx.msk $0xffff, v24;
	v6 =	vmul.f32 $8.000000000e+00, v41;
	v61 =	vld.idx.msk [tilespmem:v56+s19+$0x0], $0xffff  }
0x712: {  	v46 =	vor.u32 s2, v18;
	v39 =	vor.u32 v13, v39;
	v4 =	vand.u32 $0x1C00, v4;
	[tilespmem:v34+s23+$0x0] =	vst.idx.msk $0xffff, v62;
	v50 =	vld.idx.msk [tilespmem:v58+s19+$0x0], $0xffff  }
0x713: {  	v47 =	vor.u32 v26, v39;
	v4 =	vor.u32 v13, v4;
	v43 =	vld.idx.msk [tilespmem:v59+s19+$0x0], $0xffff;
	[tilespmem:v2+s23+$0x0] =	vst.idx.msk $0xffff, v6  }
0x714: {  	v54 =	vor.u32 v46, v27;
	v2 =	vor.u32 s12, v18;
	v6 =	vor.u32 v31, v4;
	v40 =	vld.idx.msk [tilespmem:v60+s19+$0x0], $0xffff  }
0x715: {  	v37 =	vmul.f32 $8.000000000e+00, v37;
	v39 =	vor.u32 v25, v39;
	v55 =	vor.u32 v2, v32  }
0x716: {  	v56 =	vor.u32 v46, v28;
	v4 =	vor.u32 v30, v4;
	v38 =	vmul.f32 $8.000000000e+00, v61  }
0x717: {  	[tilespmem:v36+s23+$0x0] =	vst.idx.msk $0xffff, v37;
	v57 =	vor.u32 v2, v33;
	v34 =	vmul.f32 $8.000000000e+00, v50  }
0x718: {  	v35 =	vld.idx.msk [tilespmem:v35+s19+$0x0], $0xffff;
	v24 =	vshll.u32 v46, $0x7;
	v58 =	vmul.f32 $8.000000000e+00, v43;
	[tilespmem:v47+s23+$0x0] =	vst.idx.msk $0xffff, v38  }
0x719: {  	v24 =	vand.u32 $0x1C00, v24;
	v2 =	vshll.u32 v2, $0x7;
	[tilespmem:v6+s23+$0x0] =	vst.idx.msk $0xffff, v34;
	v6 =	vmul.f32 $8.000000000e+00, v40;
	v27 =	vld.idx.msk [tilespmem:v54+s19+$0x0], $0xffff  }
0x71a: {  	v24 =	vor.u32 v16, v24;
	v2 =	vand.u32 $0x1C00, v2;
	[tilespmem:v39+s23+$0x0] =	vst.idx.msk $0xffff, v58;
	v32 =	vld.idx.msk [tilespmem:v55+s19+$0x0], $0xffff  }
0x71b: {  	v59 =	vor.u32 v26, v24;
	v2 =	vor.u32 v16, v2;
	v28 =	vld.idx.msk [tilespmem:v56+s19+$0x0], $0xffff;
	[tilespmem:v4+s23+$0x0] =	vst.idx.msk $0xffff, v6  }
0x71c: {  	v4 =	vor.u32 v31, v2;
	v6 =	vld.idx.msk [tilespmem:v57+s19+$0x0], $0xffff  }
0x71d: {  	v24 =	vor.u32 v25, v24;
	v60 =	vmul.f32 $8.000000000e+00, v35  }
0x71e: {  	[tilespmem:v29+s23+$0x0] =	vst.idx.msk $0xffff, v44;
	v2 =	vor.u32 v30, v2;
	v27 =	vmul.f32 $8.000000000e+00, v27  }
0x71f: {  	[tilespmem:v42+s23+$0x0] =	vst.idx.msk $0xffff, v60;
	v61 =	vmul.f32 $8.000000000e+00, v32  }
0x720: {  	v62 =	vmul.f32 $8.000000000e+00, v28;
	[tilespmem:v59+s23+$0x0] =	vst.idx.msk $0xffff, v27  }
0x721: {  	[tilespmem:v4+s23+$0x0] =	vst.idx.msk $0xffff, v61;
	v4 =	vmul.f32 $8.000000000e+00, v6  }
0x722: {  	[tilespmem:v24+s23+$0x0] =	vst.idx.msk $0xffff, v62  }
0x723: {  	[tilespmem:v2+s23+$0x0] =	vst.idx.msk $0xffff, v4  }
0x724: {  	v2 =	vld @!p0 [tilespmem:s31+$0x380];
	_ =	sdelay $0x4  }
0x725: {  	v2 =	vshra.s32 @!p0 v2, $0x1  }
0x726: {  	[tilespmem:$0x6580] =	vst @!p0 v2  }
0x727: {  	v2 =	vld @!p0 [tilespmem:s31+$0x390];
	_ =	sdelay $0x4  }
0x728: {  	v2 =	vshra.s32 @!p0 v2, $0x1  }
0x729: {  	[tilespmem:$0x6590] =	vst @!p0 v2  }
0x72a: {  	v2 =	vld @!p0 [tilespmem:s31+$0x3A0];
	_ =	sdelay $0x4  }
0x72b: {  	v2 =	vshra.s32 @!p0 v2, $0x1  }
0x72c: {  	[tilespmem:$0x65A0] =	vst @!p0 v2  }
0x72d: {  	v2 =	vld @!p0 [tilespmem:s31+$0x3B0];
	_ =	sdelay $0x4  }
0x72e: {  	v2 =	vshra.s32 @!p0 v2, $0x1  }
0x72f: {  	[tilespmem:$0x65B0] =	vst @!p0 v2  }
0x730: {  	v2 =	vld @!p0 [tilespmem:s31+$0x3C0];
	_ =	sdelay $0x4  }
0x731: {  	v2 =	vshra.s32 @!p0 v2, $0x1  }
0x732: {  	[tilespmem:$0x65C0] =	vst @!p0 v2  }
0x733: {  	v2 =	vld @!p0 [tilespmem:s31+$0x3D0];
	_ =	sdelay $0x4  }
0x734: {  	v2 =	vshra.s32 @!p0 v2, $0x1  }
0x735: {  	[tilespmem:$0x65D0] =	vst @!p0 v2  }
0x736: {  	v2 =	vld @!p0 [tilespmem:s31+$0x3E0];
	_ =	sdelay $0x4  }
0x737: {  	v2 =	vshra.s32 @!p0 v2, $0x1  }
0x738: {  	[tilespmem:$0x65E0] =	vst @!p0 v2  }
0x739: {  	v2 =	vld @!p0 [tilespmem:s31+$0x3F0];
	_ =	sdelay $0x4  }
0x73a: {  	s3 =	simm.s32 @!p0 $0x6580;
	v2 =	vshra.s32 @!p0 v2, $0x1  }
0x73b: {  	s5 =	simm.s32 @!p0 $0x12600;
	s30 =	sadd.s32 $0x1, s30;
	s2 =	simm.s32 @!p0 $0x80;
	[tilespmem:$0x65F0] =	vst @!p0 v2  }
0x73c: {  	[tilespmem:s5], [sflag:$0x4] =	stream.indirect.gather @!p0 [hbm4b:s4+s2], $0x80, s3, s2, $0xb8;
	[tilespmem:$0x1A600] =	vst v63  }
0x73d: {  	p0 =	sne.s32 s30, $0x32  }
.Ltmp4:
0x73e: {  	s0 =	sshll.u32 s0, $0x12;
	(pc) =	sbr.rel @p0 .LBB2_2-.Ltmp4, $4  }
0x73f: {  	s0 =	sor.u32 s6, s0  }
0x740: {  	v51 =	vmov v15;
	s0 =	sshrl.u32 s0, $0x3;
	v15 =	vmov v22;
	v45 =	vmov v18  }
0x741: {  	s0 =	sadd.s32 s1, s0;
	v37 =	vmovc v12;
	v46 =	vmovc v8;
	v8 =	vmov v19;
	v18 =	vmov v20;
	v54 =	vmov v10  }
0x742: {  	v55 =	vmovc v52;
	v52 =	vmovc v23;
	v23 =	vmov v45;
	v6 =	vmov v21;
	v21 =	vmov v53;
	[hbm4b:s0+s8] =	stream.strided.scatter [tilespmem:s23], [sflag:$0x6], $0x2000, s9, s8, $0x38;
	[tilespmem:$0x1A600] =	vst v63  }
0x743: {  	s29 =	sadd.s32 $0x1, s29  }
0x744: {  	_ =	swait.ge [sflag:s25], $0x2000;
	p0 =	sne.s32 s29, s7  }
.Ltmp5:
0x745: {  	[sflag:s25] =	ssyncset.done $0x0;
	(pc) =	sbr.rel @p0 .LBB2_1-.Ltmp5, $4  }
0x746: {  	[sflag:s25] =	ssyncadd.s32 $0xFFFFE000  }
0x747: {  	_ =	swait.ge [sflag:s28], $0x2000  }
0x748: {  	[sflag:s28] =	ssyncset.done $0x0  }
0x749: {  	[sflag:s28] =	ssyncadd.s32 $0xFFFFE000  }
0x74a: {  	_ =	sfence.sel $0x180000  }
0x74b: {  	[bflag:$0x0] =	sbarrier.arrive $0xFFFF  }
0x74c: {  	_ =	strace $0x90000047  }
0x74d: {  	s0 =	stileid.u32;
	[bflag:$0x2] =	sbarrier.arrive $0xFFFF  }
0x74e: {  	p0 =	sne.s32 s0, $0x0;
	s0 =	rddreg [dreg:$0x3]  }
0x74f: {  	s0 =	sadd.s32 @!p0 $0x100000, s0  }
0x750: {  	[sflag:s0] =	ssyncadd.tile.s32 @!p0 $0x1;
	_ =	shalt  }
.Lfunc_end2:
_tile_overlayer_lowered:
.L_overlay_start_2:
0x751: {  	(tag) =	ssettag $0x2  }
0x752: {  	s0 =	rddreg [dreg:$0x0];
	s2 =	stileid.u32  }
0x753: {  	s1 =	rddreg [dreg:$0x1];
	p0 =	sne.s32 s2, $0x0  }
0x754: {  	s3 =	rddreg [dreg:$0x2];
	[bflag:$0x3] =	sbarrier.arrive $0xFFFF;
	s2 =	simm.s32 @!p0 $0x1C07  }
0x755: {  	[timem:s3], [sflag:s2] =	dma.local @!p0 [hbm:s0], s1  }
0x756: {  	s0 =	simm.s32 @!p0 $0x7  }
0x757: {  	_ =	swait.ge @!p0 [sflag:s0], s1  }
0x758: {  	s1 =	ssub.s32 @!p0 $0x0, s1;
	[sflag:s0] =	ssyncset.done @!p0 $0x0  }
0x759: {  	[sflag:s0] =	ssyncadd.s32 @!p0 s1  }
0x75a: {  	[bflag:$0x3] =	sbarrier.arrive $0xFFFF  }
0x75b: {  	_ =	shalt  }

</sc_bundles>
